<compile_context>
chip_gen: v7x
topology: tpu7x:2x2x1
jax: 0.10.2.dev20260603
libtpu: 0.0.44.dev20260713+nightly
codegen_flags: <defaults>
</compile_context>

<pallas_src>
import jax
import jax.numpy as jnp
from jax import lax
from jax.experimental import pallas as pl
from jax.experimental.pallas import tpu as pltpu
from jax.experimental.pallas import tpu_sc as plsc

EMBED_RATIO = 11.313708498984761
D_MODEL = 128
SEQ_LEN = 200
BATCH = 4096

NUM_CORES = 2
NUM_SUBCORES = 16
NUM_WORKERS = NUM_CORES * NUM_SUBCORES
SEQ_PER_WORKER = BATCH // NUM_WORKERS
CHUNK = 40
CHUNKS_PER_SEQ = SEQ_LEN // CHUNK
NQ = SEQ_PER_WORKER * CHUNKS_PER_SEQ
NBUF = 2 * CHUNKS_PER_SEQ
LOOKAHEAD = 5
LANES = 16


def _embed_body(inputs_hbm, pe_hbm, table_hbm, out_hbm,
                pe_v, idx_v, rows_v, gsems, wsems):
    wid = lax.axis_index("s") * NUM_CORES + lax.axis_index("c")
    b0 = wid * SEQ_PER_WORKER

    pltpu.sync_copy(pe_hbm, pe_v)
    pltpu.sync_copy(
        inputs_hbm.at[pl.ds(b0 * SEQ_LEN, SEQ_PER_WORKER * SEQ_LEN)], idx_v)

    def issue_gather(q, ph):
        return pltpu.async_copy(
            table_hbm.at[idx_v.at[pl.ds(q * CHUNK, CHUNK)]],
            rows_v.at[ph], gsems[ph])

    for q in range(LOOKAHEAD):
        issue_gather(q, q % NBUF)

    def outer(g):
        for ph in range(NBUF):
            q = g + ph
            h = ph % CHUNKS_PER_SEQ
            t = g // CHUNKS_PER_SEQ + ph // CHUNKS_PER_SEQ

            php = (ph - 1) % NBUF
            hp = (ph - 1) % CHUNKS_PER_SEQ
            tp = g // CHUNKS_PER_SEQ + (ph - 1) // CHUNKS_PER_SEQ

            @pl.when(q >= 1)
            def _():
                pltpu.async_copy(
                    rows_v.at[php],
                    out_hbm.at[b0 + tp, pl.ds(hp * CHUNK, CHUNK)],
                    wsems[php])

            phn = (ph + LOOKAHEAD) % NBUF
            hn = phn % CHUNKS_PER_SEQ

            @pl.when(q + LOOKAHEAD < NQ)
            def _():
                @pl.when(q >= NBUF - LOOKAHEAD)
                def _():
                    pltpu.make_async_copy(
                        rows_v.at[phn],
                        out_hbm.at[b0, pl.ds(0, CHUNK)],
                        wsems[phn]).wait()
                issue_gather(q + LOOKAHEAD, phn)

            pltpu.make_async_copy(
                table_hbm.at[idx_v.at[pl.ds(q * CHUNK, CHUNK)]],
                rows_v.at[ph], gsems[ph]).wait()

            buf = rows_v.at[ph]

            def row_body(r, _):
                for k in range(D_MODEL // LANES):
                    sl = pl.ds(k * LANES, LANES)
                    buf[r, sl] = buf[r, sl] * EMBED_RATIO \
                        + pe_v[h * CHUNK + r, sl]
                return ()

            lax.fori_loop(0, CHUNK, row_body, ())

    def outer_body(i, carry):
        outer(i * NBUF)
        return carry

    lax.fori_loop(0, NQ // NBUF, outer_body, ())

    pltpu.async_copy(
        rows_v.at[(NQ - 1) % NBUF],
        out_hbm.at[b0 + (NQ - 1) // CHUNKS_PER_SEQ,
                   pl.ds(((NQ - 1) % CHUNKS_PER_SEQ) * CHUNK, CHUNK)],
        wsems[(NQ - 1) % NBUF])
    for ph in range(NBUF):
        pltpu.make_async_copy(
            rows_v.at[ph], out_hbm.at[b0, pl.ds(0, CHUNK)],
            wsems[ph]).wait()


@jax.jit
def kernel(inputs, table, pe):
    inputs_flat = inputs.reshape(BATCH * SEQ_LEN)
    pe2 = pe.reshape(SEQ_LEN, D_MODEL)

    mesh = plsc.VectorSubcoreMesh(
        core_axis_name="c", subcore_axis_name="s",
        num_cores=NUM_CORES, num_subcores=NUM_SUBCORES)

    out = pl.kernel(
        _embed_body,
        out_type=jax.ShapeDtypeStruct((BATCH, SEQ_LEN, D_MODEL),
                                      jnp.float32),
        mesh=mesh,
        scratch_types=[
            pltpu.VMEM((SEQ_LEN, D_MODEL), jnp.float32),
            pltpu.VMEM((SEQ_PER_WORKER * SEQ_LEN,), jnp.int32),
            pltpu.VMEM((NBUF, CHUNK, D_MODEL), jnp.float32),
            [pltpu.SemaphoreType.DMA] * NBUF,
            [pltpu.SemaphoreType.DMA] * NBUF,
        ],
    )(inputs_flat, pe2, table)
    return out

# --- scband reference (transcript-rebuilt; emitter-appended) ---
"""Pipeline reference for scband-embedder-3710851744293 (READ-ONLY COPY).

The authoritative reference and input builder live on the scoring server;
editing this copy changes nothing except your own understanding.
"""

import jax, jax.numpy as jnp
import numpy as np

EMBED_RATIO = 11.313708498984761  # sqrt(128)
VOCAB = 100000
D_MODEL = 128
SEQ_LEN = 200
BATCH = 4096


def make_pe(seq_len=SEQ_LEN, d_model=D_MODEL):
    # standard sinusoidal positional encoding, shape (1, seq_len, d_model)
    pos = np.arange(seq_len, dtype=np.float32)[:, None]
    i = np.arange(d_model, dtype=np.float32)[None, :]
    angle = pos / np.power(10000.0, (2.0 * np.floor(i / 2.0)) / d_model)
    pe = np.zeros((seq_len, d_model), dtype=np.float32)
    pe[:, 0::2] = np.sin(angle[:, 0::2])
    pe[:, 1::2] = np.cos(angle[:, 1::2])
    return jnp.asarray(pe[None, :, :])


def setup_inputs(seed: int = 0) -> dict:
    key = jax.random.key(seed)
    k1, k2 = jax.random.split(key)
    inputs = jax.random.randint(k1, (BATCH, SEQ_LEN), 0, VOCAB, dtype=jnp.int32)
    table = jax.random.normal(k2, (VOCAB, D_MODEL), dtype=jnp.float32) * 0.02
    pe = make_pe()
    return {"inputs": inputs, "table": table, "pe": pe}


def reference(inputs, table, pe):
    # Faithful translation of Embedder.forward:
    # inputs_seq_len = inputs.size(-2); embedded = word_embedder(inputs) * embed_ratio;
    # embedded += pe[:, :, :inputs_seq_len]
    inputs_seq_len = inputs.shape[-2]
    embedded = jnp.take(table, inputs, axis=0) * EMBED_RATIO
    embedded = embedded + pe[:, :, :inputs_seq_len]
    return embedded

if __name__ == "__main__":
    import jax
    _d = setup_inputs()
    print(jax.jit(kernel)(*tuple(_d.values())))

</pallas_src>

<mosaic_0001>
#map = affine_map<(d0, d1) -> (0)>
#map1 = affine_map<(d0, d1) -> (0, 0)>
#map2 = affine_map<(d0, d1) -> (0, 0, 0)>
module attributes {stable_mosaic.version = 14 : i64} {
  func.func @_embed_body(%arg0: i32, %arg1: i32, %arg2: memref<819200xi32, #tpu.memory_space<hbm>>, %arg3: memref<200x128xf32, #tpu.memory_space<hbm>>, %arg4: memref<100000x128xf32, #tpu.memory_space<hbm>>, %arg5: memref<4096x200x128xf32, #tpu.memory_space<hbm>>, %arg6: memref<200x128xf32, #tpu.memory_space<vmem>>, %arg7: memref<25600xi32, #tpu.memory_space<vmem>>, %arg8: memref<10x40x128xf32, #tpu.memory_space<vmem>>, %arg9: memref<!tpu.dma_semaphore, #tpu.memory_space<semaphore_mem>>, %arg10: memref<!tpu.dma_semaphore, #tpu.memory_space<semaphore_mem>>, %arg11: memref<!tpu.dma_semaphore, #tpu.memory_space<semaphore_mem>>, %arg12: memref<!tpu.dma_semaphore, #tpu.memory_space<semaphore_mem>>, %arg13: memref<!tpu.dma_semaphore, #tpu.memory_space<semaphore_mem>>, %arg14: memref<!tpu.dma_semaphore, #tpu.memory_space<semaphore_mem>>, %arg15: memref<!tpu.dma_semaphore, #tpu.memory_space<semaphore_mem>>, %arg16: memref<!tpu.dma_semaphore, #tpu.memory_space<semaphore_mem>>, %arg17: memref<!tpu.dma_semaphore, #tpu.memory_space<semaphore_mem>>, %arg18: memref<!tpu.dma_semaphore, #tpu.memory_space<semaphore_mem>>, %arg19: memref<!tpu.dma_semaphore, #tpu.memory_space<semaphore_mem>>, %arg20: memref<!tpu.dma_semaphore, #tpu.memory_space<semaphore_mem>>, %arg21: memref<!tpu.dma_semaphore, #tpu.memory_space<semaphore_mem>>, %arg22: memref<!tpu.dma_semaphore, #tpu.memory_space<semaphore_mem>>, %arg23: memref<!tpu.dma_semaphore, #tpu.memory_space<semaphore_mem>>, %arg24: memref<!tpu.dma_semaphore, #tpu.memory_space<semaphore_mem>>, %arg25: memref<!tpu.dma_semaphore, #tpu.memory_space<semaphore_mem>>, %arg26: memref<!tpu.dma_semaphore, #tpu.memory_space<semaphore_mem>>, %arg27: memref<!tpu.dma_semaphore, #tpu.memory_space<semaphore_mem>>, %arg28: memref<!tpu.dma_semaphore, #tpu.memory_space<semaphore_mem>>) attributes {dimension_semantics = [#tpu.dimension_semantics<core_parallel>, #tpu.dimension_semantics<subcore_parallel>], iteration_bounds = array<i64: 2, 16>, scalar_prefetch = 0 : i64, scratch_operands = 23 : i64, tpu.core_type = #tpu.core_type<sc_vector_subcore>, window_params = [{transform_indices = #map}, {transform_indices = #map1}, {transform_indices = #map1}, {transform_indices = #map2}]} {
    %mul3A = arith.constant 2 : i32
    %mul3A_0 = arith.muli %arg1, %mul3A : i32
    %add3A = arith.addi %mul3A_0, %arg0 : i32
    %mul3A_1 = arith.constant 128 : i32
    %mul3A_2 = arith.muli %add3A, %mul3A_1 : i32
    "tpu.region"() ({
      %run_scoped3A = tpu.sem_alloc : memref<!tpu.dma_semaphore, #tpu.memory_space<semaphore_mem>>
      tpu.enqueue_dma source(%arg3 : memref<200x128xf32, #tpu.memory_space<hbm>>) target(%arg6 : memref<200x128xf32, #tpu.memory_space<vmem>>) target_semaphore(%run_scoped3A : memref<!tpu.dma_semaphore, #tpu.memory_space<semaphore_mem>>)
      tpu.wait_dma2 semaphore(%run_scoped3A : memref<!tpu.dma_semaphore, #tpu.memory_space<semaphore_mem>>) src(%arg3 : memref<200x128xf32, #tpu.memory_space<hbm>>) dst(%arg6 : memref<200x128xf32, #tpu.memory_space<vmem>>)
      tpu.yield
    }) : () -> ()
    %mul3A_3 = arith.constant 200 : i32
    %mul3A_4 = arith.muli %mul3A_2, %mul3A_3 : i32
    "tpu.region"() ({
      %run_scoped3A = tpu.sem_alloc : memref<!tpu.dma_semaphore, #tpu.memory_space<semaphore_mem>>
      %dma_start3A_246 = tpu.memref_slice %arg2[%mul3A_4] : memref<819200xi32, #tpu.memory_space<hbm>> -> memref<25600xi32, #tpu.memory_space<hbm>>
      %dma_start3A_247 = tpu.memref_slice %arg2[%mul3A_4] : memref<819200xi32, #tpu.memory_space<hbm>> -> memref<25600xi32, #tpu.memory_space<hbm>>
      tpu.enqueue_dma source(%dma_start3A_247 : memref<25600xi32, #tpu.memory_space<hbm>>) target(%arg7 : memref<25600xi32, #tpu.memory_space<vmem>>) target_semaphore(%run_scoped3A : memref<!tpu.dma_semaphore, #tpu.memory_space<semaphore_mem>>)
      %dma_wait3A_248 = tpu.memref_slice %arg2[%mul3A_4] : memref<819200xi32, #tpu.memory_space<hbm>> -> memref<25600xi32, #tpu.memory_space<hbm>>
      %dma_wait3A_249 = tpu.memref_slice %arg2[%mul3A_4] : memref<819200xi32, #tpu.memory_space<hbm>> -> memref<25600xi32, #tpu.memory_space<hbm>>
      tpu.wait_dma2 semaphore(%run_scoped3A : memref<!tpu.dma_semaphore, #tpu.memory_space<semaphore_mem>>) src(%dma_wait3A_249 : memref<25600xi32, #tpu.memory_space<hbm>>) dst(%arg7 : memref<25600xi32, #tpu.memory_space<vmem>>)
      tpu.yield
    }) : () -> ()
    %dma_start3A = arith.constant 0 : i32
    %dma_start3A_5 = arith.constant 0 : i32
    %dma_start3A_6 = arith.constant 0 : i32
    %dma_start3A_7 = tpu.memref_slice %arg8[%dma_start3A, %dma_start3A_5, %dma_start3A_6] : memref<10x40x128xf32, #tpu.memory_space<vmem>> -> memref<1x40x128xf32, #tpu.memory_space<vmem>>
    %dma_start3A_8 = tpu.memref_squeeze %dma_start3A_7 : memref<1x40x128xf32, #tpu.memory_space<vmem>> -> memref<40x128xf32, #tpu.memory_space<vmem>>
    %dma_start3A_9 = arith.constant 0 : i32
    %dma_start3A_10 = tpu.memref_slice %arg7[%dma_start3A_9] : memref<25600xi32, #tpu.memory_space<vmem>> -> memref<40xi32, #tpu.memory_space<vmem>>
    %dma_start3A_11 = arith.constant 0 : i32
    %dma_start3A_12 = arith.constant 0 : i32
    %dma_start3A_13 = tpu.memref_slice %arg4[%dma_start3A_11, %dma_start3A_12] : memref<100000x128xf32, #tpu.memory_space<hbm>> -> memref<100000x128xf32, #tpu.memory_space<hbm>>
    tpu.enqueue_indirect_dma source(%dma_start3A_13 : memref<100000x128xf32, #tpu.memory_space<hbm>>) target(%dma_start3A_8 : memref<40x128xf32, #tpu.memory_space<vmem>>) offsets(%dma_start3A_10 : memref<40xi32, #tpu.memory_space<vmem>>) semaphore(%arg9 : memref<!tpu.dma_semaphore, #tpu.memory_space<semaphore_mem>>)
    %dma_start3A_14 = arith.constant 1 : i32
    %dma_start3A_15 = arith.constant 0 : i32
    %dma_start3A_16 = arith.constant 0 : i32
    %dma_start3A_17 = tpu.memref_slice %arg8[%dma_start3A_14, %dma_start3A_15, %dma_start3A_16] : memref<10x40x128xf32, #tpu.memory_space<vmem>> -> memref<1x40x128xf32, #tpu.memory_space<vmem>>
    %dma_start3A_18 = tpu.memref_squeeze %dma_start3A_17 : memref<1x40x128xf32, #tpu.memory_space<vmem>> -> memref<40x128xf32, #tpu.memory_space<vmem>>
    %dma_start3A_19 = arith.constant 40 : i32
    %dma_start3A_20 = tpu.memref_slice %arg7[%dma_start3A_19] : memref<25600xi32, #tpu.memory_space<vmem>> -> memref<40xi32, #tpu.memory_space<vmem>>
    %dma_start3A_21 = arith.constant 0 : i32
    %dma_start3A_22 = arith.constant 0 : i32
    %dma_start3A_23 = tpu.memref_slice %arg4[%dma_start3A_21, %dma_start3A_22] : memref<100000x128xf32, #tpu.memory_space<hbm>> -> memref<100000x128xf32, #tpu.memory_space<hbm>>
    tpu.enqueue_indirect_dma source(%dma_start3A_23 : memref<100000x128xf32, #tpu.memory_space<hbm>>) target(%dma_start3A_18 : memref<40x128xf32, #tpu.memory_space<vmem>>) offsets(%dma_start3A_20 : memref<40xi32, #tpu.memory_space<vmem>>) semaphore(%arg10 : memref<!tpu.dma_semaphore, #tpu.memory_space<semaphore_mem>>)
    %dma_start3A_24 = arith.constant 2 : i32
    %dma_start3A_25 = arith.constant 0 : i32
    %dma_start3A_26 = arith.constant 0 : i32
    %dma_start3A_27 = tpu.memref_slice %arg8[%dma_start3A_24, %dma_start3A_25, %dma_start3A_26] : memref<10x40x128xf32, #tpu.memory_space<vmem>> -> memref<1x40x128xf32, #tpu.memory_space<vmem>>
    %dma_start3A_28 = tpu.memref_squeeze %dma_start3A_27 : memref<1x40x128xf32, #tpu.memory_space<vmem>> -> memref<40x128xf32, #tpu.memory_space<vmem>>
    %dma_start3A_29 = arith.constant 80 : i32
    %dma_start3A_30 = tpu.memref_slice %arg7[%dma_start3A_29] : memref<25600xi32, #tpu.memory_space<vmem>> -> memref<40xi32, #tpu.memory_space<vmem>>
    %dma_start3A_31 = arith.constant 0 : i32
    %dma_start3A_32 = arith.constant 0 : i32
    %dma_start3A_33 = tpu.memref_slice %arg4[%dma_start3A_31, %dma_start3A_32] : memref<100000x128xf32, #tpu.memory_space<hbm>> -> memref<100000x128xf32, #tpu.memory_space<hbm>>
    tpu.enqueue_indirect_dma source(%dma_start3A_33 : memref<100000x128xf32, #tpu.memory_space<hbm>>) target(%dma_start3A_28 : memref<40x128xf32, #tpu.memory_space<vmem>>) offsets(%dma_start3A_30 : memref<40xi32, #tpu.memory_space<vmem>>) semaphore(%arg11 : memref<!tpu.dma_semaphore, #tpu.memory_space<semaphore_mem>>)
    %dma_start3A_34 = arith.constant 3 : i32
    %dma_start3A_35 = arith.constant 0 : i32
    %dma_start3A_36 = arith.constant 0 : i32
    %dma_start3A_37 = tpu.memref_slice %arg8[%dma_start3A_34, %dma_start3A_35, %dma_start3A_36] : memref<10x40x128xf32, #tpu.memory_space<vmem>> -> memref<1x40x128xf32, #tpu.memory_space<vmem>>
    %dma_start3A_38 = tpu.memref_squeeze %dma_start3A_37 : memref<1x40x128xf32, #tpu.memory_space<vmem>> -> memref<40x128xf32, #tpu.memory_space<vmem>>
    %dma_start3A_39 = arith.constant 120 : i32
    %dma_start3A_40 = tpu.memref_slice %arg7[%dma_start3A_39] : memref<25600xi32, #tpu.memory_space<vmem>> -> memref<40xi32, #tpu.memory_space<vmem>>
    %dma_start3A_41 = arith.constant 0 : i32
    %dma_start3A_42 = arith.constant 0 : i32
    %dma_start3A_43 = tpu.memref_slice %arg4[%dma_start3A_41, %dma_start3A_42] : memref<100000x128xf32, #tpu.memory_space<hbm>> -> memref<100000x128xf32, #tpu.memory_space<hbm>>
    tpu.enqueue_indirect_dma source(%dma_start3A_43 : memref<100000x128xf32, #tpu.memory_space<hbm>>) target(%dma_start3A_38 : memref<40x128xf32, #tpu.memory_space<vmem>>) offsets(%dma_start3A_40 : memref<40xi32, #tpu.memory_space<vmem>>) semaphore(%arg12 : memref<!tpu.dma_semaphore, #tpu.memory_space<semaphore_mem>>)
    %dma_start3A_44 = arith.constant 4 : i32
    %dma_start3A_45 = arith.constant 0 : i32
    %dma_start3A_46 = arith.constant 0 : i32
    %dma_start3A_47 = tpu.memref_slice %arg8[%dma_start3A_44, %dma_start3A_45, %dma_start3A_46] : memref<10x40x128xf32, #tpu.memory_space<vmem>> -> memref<1x40x128xf32, #tpu.memory_space<vmem>>
    %dma_start3A_48 = tpu.memref_squeeze %dma_start3A_47 : memref<1x40x128xf32, #tpu.memory_space<vmem>> -> memref<40x128xf32, #tpu.memory_space<vmem>>
    %dma_start3A_49 = arith.constant 160 : i32
    %dma_start3A_50 = tpu.memref_slice %arg7[%dma_start3A_49] : memref<25600xi32, #tpu.memory_space<vmem>> -> memref<40xi32, #tpu.memory_space<vmem>>
    %dma_start3A_51 = arith.constant 0 : i32
    %dma_start3A_52 = arith.constant 0 : i32
    %dma_start3A_53 = tpu.memref_slice %arg4[%dma_start3A_51, %dma_start3A_52] : memref<100000x128xf32, #tpu.memory_space<hbm>> -> memref<100000x128xf32, #tpu.memory_space<hbm>>
    tpu.enqueue_indirect_dma source(%dma_start3A_53 : memref<100000x128xf32, #tpu.memory_space<hbm>>) target(%dma_start3A_48 : memref<40x128xf32, #tpu.memory_space<vmem>>) offsets(%dma_start3A_50 : memref<40xi32, #tpu.memory_space<vmem>>) semaphore(%arg13 : memref<!tpu.dma_semaphore, #tpu.memory_space<semaphore_mem>>)
    %scan3A = arith.constant 0 : i32
    %scan3A_54 = arith.constant 64 : i32
    %scan3A_55 = arith.addi %scan3A, %scan3A_54 : i32
    %scan3A_56 = arith.constant 1 : i32
    scf.for %scan3A_246 = %scan3A to %scan3A_55 step %scan3A_56  : i32 {
      %mul3A_247 = arith.constant 10 : i32
      %mul3A_248 = arith.muli %scan3A_246, %mul3A_247 : i32
      %add3A_249 = arith.constant 0 : i32
      %add3A_250 = arith.addi %mul3A_248, %add3A_249 : i32
      %jit3A = arith.constant 5 : i32
      %div3A = arith.divsi %mul3A_248, %jit3A : i32
      %sign3A = arith.constant 0 : i32
      %sign3A_251 = arith.cmpi sgt, %mul3A_248, %sign3A : i32
      %sign3A_252 = arith.extui %sign3A_251 : i1 to i32
      %sign3A_253 = arith.constant 0 : i32
      %sign3A_254 = arith.cmpi slt, %mul3A_248, %sign3A_253 : i32
      %sign3A_255 = arith.extui %sign3A_254 : i1 to i32
      %sign3A_256 = arith.subi %sign3A_252, %sign3A_255 : i32
      %sign3A_257 = arith.constant 0 : i32
      %sign3A_258 = arith.cmpi sgt, %jit3A, %sign3A_257 : i32
      %sign3A_259 = arith.extui %sign3A_258 : i1 to i32
      %sign3A_260 = arith.constant 0 : i32
      %sign3A_261 = arith.cmpi slt, %jit3A, %sign3A_260 : i32
      %sign3A_262 = arith.extui %sign3A_261 : i1 to i32
      %sign3A_263 = arith.subi %sign3A_259, %sign3A_262 : i32
      %ne3A = arith.cmpi ne, %sign3A_256, %sign3A_263 : i32
      %rem3A = arith.remsi %mul3A_248, %jit3A : i32
      %ne3A_264 = arith.constant 0 : i32
      %ne3A_265 = arith.cmpi ne, %rem3A, %ne3A_264 : i32
      %and3A = arith.andi %ne3A, %ne3A_265 : i1
      %sub3A = arith.constant 1 : i32
      %sub3A_266 = arith.subi %div3A, %sub3A : i32
      %select_n3A = arith.select %and3A, %sub3A_266, %div3A : i32
      %add3A_267 = arith.constant 0 : i32
      %add3A_268 = arith.addi %select_n3A, %add3A_267 : i32
      %jit3A_269 = arith.constant 5 : i32
      %div3A_270 = arith.divsi %mul3A_248, %jit3A_269 : i32
      %sign3A_271 = arith.constant 0 : i32
      %sign3A_272 = arith.cmpi sgt, %mul3A_248, %sign3A_271 : i32
      %sign3A_273 = arith.extui %sign3A_272 : i1 to i32
      %sign3A_274 = arith.constant 0 : i32
      %sign3A_275 = arith.cmpi slt, %mul3A_248, %sign3A_274 : i32
      %sign3A_276 = arith.extui %sign3A_275 : i1 to i32
      %sign3A_277 = arith.subi %sign3A_273, %sign3A_276 : i32
      %sign3A_278 = arith.constant 0 : i32
      %sign3A_279 = arith.cmpi sgt, %jit3A_269, %sign3A_278 : i32
      %sign3A_280 = arith.extui %sign3A_279 : i1 to i32
      %sign3A_281 = arith.constant 0 : i32
      %sign3A_282 = arith.cmpi slt, %jit3A_269, %sign3A_281 : i32
      %sign3A_283 = arith.extui %sign3A_282 : i1 to i32
      %sign3A_284 = arith.subi %sign3A_280, %sign3A_283 : i32
      %ne3A_285 = arith.cmpi ne, %sign3A_277, %sign3A_284 : i32
      %rem3A_286 = arith.remsi %mul3A_248, %jit3A_269 : i32
      %ne3A_287 = arith.constant 0 : i32
      %ne3A_288 = arith.cmpi ne, %rem3A_286, %ne3A_287 : i32
      %and3A_289 = arith.andi %ne3A_285, %ne3A_288 : i1
      %sub3A_290 = arith.constant 1 : i32
      %sub3A_291 = arith.subi %div3A_270, %sub3A_290 : i32
      %select_n3A_292 = arith.select %and3A_289, %sub3A_291, %div3A_270 : i32
      %add3A_293 = arith.constant -1 : i32
      %add3A_294 = arith.addi %select_n3A_292, %add3A_293 : i32
      %ge3A = arith.constant 1 : i32
      %ge3A_295 = arith.cmpi sge, %add3A_250, %ge3A : i32
      %convert_element_type3A = arith.extui %ge3A_295 : i1 to i32
      %cond3A = arith.constant 0 : i32
      %cond3A_296 = arith.cmpi ne, %convert_element_type3A, %cond3A : i32
      scf.if %cond3A_296 {
        %add3A_1067 = arith.addi %mul3A_2, %add3A_294 : i32
        %dma_start3A_1068 = arith.constant 9 : i32
        %dma_start3A_1069 = arith.constant 0 : i32
        %dma_start3A_1070 = arith.constant 0 : i32
        %dma_start3A_1071 = tpu.memref_slice %arg8[%dma_start3A_1068, %dma_start3A_1069, %dma_start3A_1070] : memref<10x40x128xf32, #tpu.memory_space<vmem>> -> memref<1x40x128xf32, #tpu.memory_space<vmem>>
        %dma_start3A_1072 = tpu.memref_squeeze %dma_start3A_1071 : memref<1x40x128xf32, #tpu.memory_space<vmem>> -> memref<40x128xf32, #tpu.memory_space<vmem>>
        %dma_start3A_1073 = arith.constant 160 : i32
        %dma_start3A_1074 = arith.constant 0 : i32
        %dma_start3A_1075 = tpu.memref_slice %arg5[%add3A_1067, %dma_start3A_1073, %dma_start3A_1074] : memref<4096x200x128xf32, #tpu.memory_space<hbm>> -> memref<1x40x128xf32, #tpu.memory_space<hbm>>
        %dma_start3A_1076 = tpu.memref_squeeze %dma_start3A_1075 : memref<1x40x128xf32, #tpu.memory_space<hbm>> -> memref<40x128xf32, #tpu.memory_space<hbm>>
        %dma_start3A_1077 = arith.constant 160 : i32
        %dma_start3A_1078 = arith.constant 0 : i32
        %dma_start3A_1079 = tpu.memref_slice %arg5[%add3A_1067, %dma_start3A_1077, %dma_start3A_1078] : memref<4096x200x128xf32, #tpu.memory_space<hbm>> -> memref<1x40x128xf32, #tpu.memory_space<hbm>>
        %dma_start3A_1080 = tpu.memref_squeeze %dma_start3A_1079 : memref<1x40x128xf32, #tpu.memory_space<hbm>> -> memref<40x128xf32, #tpu.memory_space<hbm>>
        %dma_start3A_1081 = arith.constant 0 : i32
        %dma_start3A_1082 = arith.constant 0 : i32
        %dma_start3A_1083 = tpu.memref_slice %arg8[%dma_start3A_1068, %dma_start3A_1081, %dma_start3A_1082] : memref<10x40x128xf32, #tpu.memory_space<vmem>> -> memref<1x40x128xf32, #tpu.memory_space<vmem>>
        %dma_start3A_1084 = tpu.memref_squeeze %dma_start3A_1083 : memref<1x40x128xf32, #tpu.memory_space<vmem>> -> memref<40x128xf32, #tpu.memory_space<vmem>>
        tpu.enqueue_dma source(%dma_start3A_1084 : memref<40x128xf32, #tpu.memory_space<vmem>>) target(%dma_start3A_1080 : memref<40x128xf32, #tpu.memory_space<hbm>>) target_semaphore(%arg28 : memref<!tpu.dma_semaphore, #tpu.memory_space<semaphore_mem>>)
      } else {
      }
      %add3A_297 = arith.constant 5 : i32
      %add3A_298 = arith.addi %add3A_250, %add3A_297 : i32
      %lt3A = arith.constant 640 : i32
      %lt3A_299 = arith.cmpi slt, %add3A_298, %lt3A : i32
      %convert_element_type3A_300 = arith.extui %lt3A_299 : i1 to i32
      %cond3A_301 = arith.constant 0 : i32
      %cond3A_302 = arith.cmpi ne, %convert_element_type3A_300, %cond3A_301 : i32
      scf.if %cond3A_302 {
        %ge3A_1067 = arith.constant 5 : i32
        %ge3A_1068 = arith.cmpi sge, %add3A_250, %ge3A_1067 : i32
        %convert_element_type3A_1069 = arith.extui %ge3A_1068 : i1 to i32
        %cond3A_1070 = arith.constant 0 : i32
        %cond3A_1071 = arith.cmpi ne, %convert_element_type3A_1069, %cond3A_1070 : i32
        scf.if %cond3A_1071 {
          %dma_wait3A_1085 = arith.constant 5 : i32
          %dma_wait3A_1086 = arith.constant 0 : i32
          %dma_wait3A_1087 = arith.constant 0 : i32
          %dma_wait3A_1088 = tpu.memref_slice %arg8[%dma_wait3A_1085, %dma_wait3A_1086, %dma_wait3A_1087] : memref<10x40x128xf32, #tpu.memory_space<vmem>> -> memref<1x40x128xf32, #tpu.memory_space<vmem>>
          %dma_wait3A_1089 = tpu.memref_squeeze %dma_wait3A_1088 : memref<1x40x128xf32, #tpu.memory_space<vmem>> -> memref<40x128xf32, #tpu.memory_space<vmem>>
          %dma_wait3A_1090 = arith.constant 0 : i32
          %dma_wait3A_1091 = arith.constant 0 : i32
          %dma_wait3A_1092 = tpu.memref_slice %arg5[%mul3A_2, %dma_wait3A_1090, %dma_wait3A_1091] : memref<4096x200x128xf32, #tpu.memory_space<hbm>> -> memref<1x40x128xf32, #tpu.memory_space<hbm>>
          %dma_wait3A_1093 = tpu.memref_squeeze %dma_wait3A_1092 : memref<1x40x128xf32, #tpu.memory_space<hbm>> -> memref<40x128xf32, #tpu.memory_space<hbm>>
          %dma_wait3A_1094 = arith.constant 0 : i32
          %dma_wait3A_1095 = arith.constant 0 : i32
          %dma_wait3A_1096 = tpu.memref_slice %arg5[%mul3A_2, %dma_wait3A_1094, %dma_wait3A_1095] : memref<4096x200x128xf32, #tpu.memory_space<hbm>> -> memref<1x40x128xf32, #tpu.memory_space<hbm>>
          %dma_wait3A_1097 = tpu.memref_squeeze %dma_wait3A_1096 : memref<1x40x128xf32, #tpu.memory_space<hbm>> -> memref<40x128xf32, #tpu.memory_space<hbm>>
          %dma_wait3A_1098 = arith.constant 0 : i32
          %dma_wait3A_1099 = arith.constant 0 : i32
          %dma_wait3A_1100 = tpu.memref_slice %arg8[%dma_wait3A_1085, %dma_wait3A_1098, %dma_wait3A_1099] : memref<10x40x128xf32, #tpu.memory_space<vmem>> -> memref<1x40x128xf32, #tpu.memory_space<vmem>>
          %dma_wait3A_1101 = tpu.memref_squeeze %dma_wait3A_1100 : memref<1x40x128xf32, #tpu.memory_space<vmem>> -> memref<40x128xf32, #tpu.memory_space<vmem>>
          tpu.wait_dma2 semaphore(%arg24 : memref<!tpu.dma_semaphore, #tpu.memory_space<semaphore_mem>>) src(%dma_wait3A_1101 : memref<40x128xf32, #tpu.memory_space<vmem>>) dst(%dma_wait3A_1097 : memref<40x128xf32, #tpu.memory_space<hbm>>)
        } else {
        }
        %add3A_1072 = arith.constant 5 : i32
        %add3A_1073 = arith.addi %add3A_250, %add3A_1072 : i32
        %mul3A_1074 = arith.constant 40 : i32
        %mul3A_1075 = arith.muli %add3A_1073, %mul3A_1074 : i32
        %dma_start3A_1076 = arith.constant 5 : i32
        %dma_start3A_1077 = arith.constant 0 : i32
        %dma_start3A_1078 = arith.constant 0 : i32
        %dma_start3A_1079 = tpu.memref_slice %arg8[%dma_start3A_1076, %dma_start3A_1077, %dma_start3A_1078] : memref<10x40x128xf32, #tpu.memory_space<vmem>> -> memref<1x40x128xf32, #tpu.memory_space<vmem>>
        %dma_start3A_1080 = tpu.memref_squeeze %dma_start3A_1079 : memref<1x40x128xf32, #tpu.memory_space<vmem>> -> memref<40x128xf32, #tpu.memory_space<vmem>>
        %dma_start3A_1081 = tpu.memref_slice %arg7[%mul3A_1075] : memref<25600xi32, #tpu.memory_space<vmem>> -> memref<40xi32, #tpu.memory_space<vmem>>
        %dma_start3A_1082 = arith.constant 0 : i32
        %dma_start3A_1083 = arith.constant 0 : i32
        %dma_start3A_1084 = tpu.memref_slice %arg4[%dma_start3A_1082, %dma_start3A_1083] : memref<100000x128xf32, #tpu.memory_space<hbm>> -> memref<100000x128xf32, #tpu.memory_space<hbm>>
        tpu.enqueue_indirect_dma source(%dma_start3A_1084 : memref<100000x128xf32, #tpu.memory_space<hbm>>) target(%dma_start3A_1080 : memref<40x128xf32, #tpu.memory_space<vmem>>) offsets(%dma_start3A_1081 : memref<40xi32, #tpu.memory_space<vmem>>) semaphore(%arg14 : memref<!tpu.dma_semaphore, #tpu.memory_space<semaphore_mem>>)
      } else {
      }
      %mul3A_303 = arith.constant 40 : i32
      %mul3A_304 = arith.muli %add3A_250, %mul3A_303 : i32
      %dma_wait3A_305 = arith.constant 0 : i32
      %dma_wait3A_306 = arith.constant 0 : i32
      %dma_wait3A_307 = arith.constant 0 : i32
      %dma_wait3A_308 = tpu.memref_slice %arg8[%dma_wait3A_305, %dma_wait3A_306, %dma_wait3A_307] : memref<10x40x128xf32, #tpu.memory_space<vmem>> -> memref<1x40x128xf32, #tpu.memory_space<vmem>>
      %dma_wait3A_309 = tpu.memref_squeeze %dma_wait3A_308 : memref<1x40x128xf32, #tpu.memory_space<vmem>> -> memref<40x128xf32, #tpu.memory_space<vmem>>
      %dma_wait3A_310 = tpu.memref_slice %arg7[%mul3A_304] : memref<25600xi32, #tpu.memory_space<vmem>> -> memref<40xi32, #tpu.memory_space<vmem>>
      %dma_wait3A_311 = arith.constant 0 : i32
      %dma_wait3A_312 = arith.constant 0 : i32
      %dma_wait3A_313 = tpu.memref_slice %arg4[%dma_wait3A_311, %dma_wait3A_312] : memref<100000x128xf32, #tpu.memory_space<hbm>> -> memref<100000x128xf32, #tpu.memory_space<hbm>>
      tpu.wait_indirect_dma semaphore(%arg9 : memref<!tpu.dma_semaphore, #tpu.memory_space<semaphore_mem>>) src(%dma_wait3A_313 : memref<100000x128xf32, #tpu.memory_space<hbm>>) dst(%dma_wait3A_309 : memref<40x128xf32, #tpu.memory_space<vmem>>)
      %scan3A_314 = arith.constant 0 : i32
      %scan3A_315 = arith.constant 0 : i32
      %scan3A_316 = arith.constant 40 : i32
      %scan3A_317 = arith.addi %scan3A_315, %scan3A_316 : i32
      %scan3A_318 = arith.constant 1 : i32
      scf.for %scan3A_1067 = %scan3A_315 to %scan3A_317 step %scan3A_318  : i32 {
        %get3A = arith.constant 0 : i32
        %get3A_1068 = arith.constant 0 : i32
        %get3A_1069 = tpu.memref_slice %arg8[%scan3A_314, %get3A, %get3A_1068] : memref<10x40x128xf32, #tpu.memory_space<vmem>> -> memref<1x40x128xf32, #tpu.memory_space<vmem>>
        %get3A_1070 = tpu.memref_squeeze %get3A_1069 : memref<1x40x128xf32, #tpu.memory_space<vmem>> -> memref<40x128xf32, #tpu.memory_space<vmem>>
        %get3A_1071 = arith.index_cast %scan3A_1067 : i32 to index
        %get3A_1072 = arith.constant 0 : index
        %get3A_1073 = tpu.vector_load %get3A_1070[%get3A_1071, %get3A_1072] {strides = array<i32>} : memref<40x128xf32, #tpu.memory_space<vmem>>, vector<1x16xf32>,
        %get3A_1074 = vector.shape_cast %get3A_1073 : vector<1x16xf32> to vector<16xf32>
        %mul3A_1075 = arith.constant 11.3137083 : f32
        %mul3A_1076 = vector.broadcast %mul3A_1075 : f32 to vector<16xf32>
        %mul3A_1077 = arith.mulf %get3A_1074, %mul3A_1076 : vector<16xf32>
        %add3A_1078 = arith.constant 0 : i32
        %add3A_1079 = arith.addi %add3A_1078, %scan3A_1067 : i32
        %get3A_1080 = arith.index_cast %add3A_1079 : i32 to index
        %get3A_1081 = arith.constant 0 : index
        %get3A_1082 = tpu.vector_load %arg6[%get3A_1080, %get3A_1081] {strides = array<i32>} : memref<200x128xf32, #tpu.memory_space<vmem>>, vector<1x16xf32>,
        %get3A_1083 = vector.shape_cast %get3A_1082 : vector<1x16xf32> to vector<16xf32>
        %add3A_1084 = arith.addf %mul3A_1077, %get3A_1083 : vector<16xf32>
        %swap3A = arith.constant 0 : i32
        %swap3A_1085 = arith.constant 0 : i32
        %swap3A_1086 = tpu.memref_slice %arg8[%scan3A_314, %swap3A, %swap3A_1085] : memref<10x40x128xf32, #tpu.memory_space<vmem>> -> memref<1x40x128xf32, #tpu.memory_space<vmem>>
        %swap3A_1087 = tpu.memref_squeeze %swap3A_1086 : memref<1x40x128xf32, #tpu.memory_space<vmem>> -> memref<40x128xf32, #tpu.memory_space<vmem>>
        %swap3A_1088 = arith.index_cast %scan3A_1067 : i32 to index
        %swap3A_1089 = arith.constant 0 : index
        %swap3A_1090 = tpu.vector_load %swap3A_1087[%swap3A_1088, %swap3A_1089] {strides = array<i32>} : memref<40x128xf32, #tpu.memory_space<vmem>>, vector<1x16xf32>,
        %swap3A_1091 = vector.shape_cast %swap3A_1090 : vector<1x16xf32> to vector<16xf32>
        %swap3A_1092 = vector.shape_cast %add3A_1084 : vector<16xf32> to vector<1x16xf32>
        tpu.vector_store %swap3A_1087[%swap3A_1088, %swap3A_1089], %swap3A_1092 {strides = array<i32>} : memref<40x128xf32, #tpu.memory_space<vmem>>, vector<1x16xf32>,
        %get3A_1093 = arith.constant 0 : i32
        %get3A_1094 = arith.constant 0 : i32
        %get3A_1095 = tpu.memref_slice %arg8[%scan3A_314, %get3A_1093, %get3A_1094] : memref<10x40x128xf32, #tpu.memory_space<vmem>> -> memref<1x40x128xf32, #tpu.memory_space<vmem>>
        %get3A_1096 = tpu.memref_squeeze %get3A_1095 : memref<1x40x128xf32, #tpu.memory_space<vmem>> -> memref<40x128xf32, #tpu.memory_space<vmem>>
        %get3A_1097 = arith.index_cast %scan3A_1067 : i32 to index
        %get3A_1098 = arith.constant 16 : index
        %get3A_1099 = tpu.vector_load %get3A_1096[%get3A_1097, %get3A_1098] {strides = array<i32>} : memref<40x128xf32, #tpu.memory_space<vmem>>, vector<1x16xf32>,
        %get3A_1100 = vector.shape_cast %get3A_1099 : vector<1x16xf32> to vector<16xf32>
        %mul3A_1101 = arith.constant 11.3137083 : f32
        %mul3A_1102 = vector.broadcast %mul3A_1101 : f32 to vector<16xf32>
        %mul3A_1103 = arith.mulf %get3A_1100, %mul3A_1102 : vector<16xf32>
        %add3A_1104 = arith.constant 0 : i32
        %add3A_1105 = arith.addi %add3A_1104, %scan3A_1067 : i32
        %get3A_1106 = arith.index_cast %add3A_1105 : i32 to index
        %get3A_1107 = arith.constant 16 : index
        %get3A_1108 = tpu.vector_load %arg6[%get3A_1106, %get3A_1107] {strides = array<i32>} : memref<200x128xf32, #tpu.memory_space<vmem>>, vector<1x16xf32>,
        %get3A_1109 = vector.shape_cast %get3A_1108 : vector<1x16xf32> to vector<16xf32>
        %add3A_1110 = arith.addf %mul3A_1103, %get3A_1109 : vector<16xf32>
        %swap3A_1111 = arith.constant 0 : i32
        %swap3A_1112 = arith.constant 0 : i32
        %swap3A_1113 = tpu.memref_slice %arg8[%scan3A_314, %swap3A_1111, %swap3A_1112] : memref<10x40x128xf32, #tpu.memory_space<vmem>> -> memref<1x40x128xf32, #tpu.memory_space<vmem>>
        %swap3A_1114 = tpu.memref_squeeze %swap3A_1113 : memref<1x40x128xf32, #tpu.memory_space<vmem>> -> memref<40x128xf32, #tpu.memory_space<vmem>>
        %swap3A_1115 = arith.index_cast %scan3A_1067 : i32 to index
        %swap3A_1116 = arith.constant 16 : index
        %swap3A_1117 = tpu.vector_load %swap3A_1114[%swap3A_1115, %swap3A_1116] {strides = array<i32>} : memref<40x128xf32, #tpu.memory_space<vmem>>, vector<1x16xf32>,
        %swap3A_1118 = vector.shape_cast %swap3A_1117 : vector<1x16xf32> to vector<16xf32>
        %swap3A_1119 = vector.shape_cast %add3A_1110 : vector<16xf32> to vector<1x16xf32>
        tpu.vector_store %swap3A_1114[%swap3A_1115, %swap3A_1116], %swap3A_1119 {strides = array<i32>} : memref<40x128xf32, #tpu.memory_space<vmem>>, vector<1x16xf32>,
        %get3A_1120 = arith.constant 0 : i32
        %get3A_1121 = arith.constant 0 : i32
        %get3A_1122 = tpu.memref_slice %arg8[%scan3A_314, %get3A_1120, %get3A_1121] : memref<10x40x128xf32, #tpu.memory_space<vmem>> -> memref<1x40x128xf32, #tpu.memory_space<vmem>>
        %get3A_1123 = tpu.memref_squeeze %get3A_1122 : memref<1x40x128xf32, #tpu.memory_space<vmem>> -> memref<40x128xf32, #tpu.memory_space<vmem>>
        %get3A_1124 = arith.index_cast %scan3A_1067 : i32 to index
        %get3A_1125 = arith.constant 32 : index
        %get3A_1126 = tpu.vector_load %get3A_1123[%get3A_1124, %get3A_1125] {strides = array<i32>} : memref<40x128xf32, #tpu.memory_space<vmem>>, vector<1x16xf32>,
        %get3A_1127 = vector.shape_cast %get3A_1126 : vector<1x16xf32> to vector<16xf32>
        %mul3A_1128 = arith.constant 11.3137083 : f32
        %mul3A_1129 = vector.broadcast %mul3A_1128 : f32 to vector<16xf32>
        %mul3A_1130 = arith.mulf %get3A_1127, %mul3A_1129 : vector<16xf32>
        %add3A_1131 = arith.constant 0 : i32
        %add3A_1132 = arith.addi %add3A_1131, %scan3A_1067 : i32
        %get3A_1133 = arith.index_cast %add3A_1132 : i32 to index
        %get3A_1134 = arith.constant 32 : index
        %get3A_1135 = tpu.vector_load %arg6[%get3A_1133, %get3A_1134] {strides = array<i32>} : memref<200x128xf32, #tpu.memory_space<vmem>>, vector<1x16xf32>,
        %get3A_1136 = vector.shape_cast %get3A_1135 : vector<1x16xf32> to vector<16xf32>
        %add3A_1137 = arith.addf %mul3A_1130, %get3A_1136 : vector<16xf32>
        %swap3A_1138 = arith.constant 0 : i32
        %swap3A_1139 = arith.constant 0 : i32
        %swap3A_1140 = tpu.memref_slice %arg8[%scan3A_314, %swap3A_1138, %swap3A_1139] : memref<10x40x128xf32, #tpu.memory_space<vmem>> -> memref<1x40x128xf32, #tpu.memory_space<vmem>>
        %swap3A_1141 = tpu.memref_squeeze %swap3A_1140 : memref<1x40x128xf32, #tpu.memory_space<vmem>> -> memref<40x128xf32, #tpu.memory_space<vmem>>
        %swap3A_1142 = arith.index_cast %scan3A_1067 : i32 to index
        %swap3A_1143 = arith.constant 32 : index
        %swap3A_1144 = tpu.vector_load %swap3A_1141[%swap3A_1142, %swap3A_1143] {strides = array<i32>} : memref<40x128xf32, #tpu.memory_space<vmem>>, vector<1x16xf32>,
        %swap3A_1145 = vector.shape_cast %swap3A_1144 : vector<1x16xf32> to vector<16xf32>
        %swap3A_1146 = vector.shape_cast %add3A_1137 : vector<16xf32> to vector<1x16xf32>
        tpu.vector_store %swap3A_1141[%swap3A_1142, %swap3A_1143], %swap3A_1146 {strides = array<i32>} : memref<40x128xf32, #tpu.memory_space<vmem>>, vector<1x16xf32>,
        %get3A_1147 = arith.constant 0 : i32
        %get3A_1148 = arith.constant 0 : i32
        %get3A_1149 = tpu.memref_slice %arg8[%scan3A_314, %get3A_1147, %get3A_1148] : memref<10x40x128xf32, #tpu.memory_space<vmem>> -> memref<1x40x128xf32, #tpu.memory_space<vmem>>
        %get3A_1150 = tpu.memref_squeeze %get3A_1149 : memref<1x40x128xf32, #tpu.memory_space<vmem>> -> memref<40x128xf32, #tpu.memory_space<vmem>>
        %get3A_1151 = arith.index_cast %scan3A_1067 : i32 to index
        %get3A_1152 = arith.constant 48 : index
        %get3A_1153 = tpu.vector_load %get3A_1150[%get3A_1151, %get3A_1152] {strides = array<i32>} : memref<40x128xf32, #tpu.memory_space<vmem>>, vector<1x16xf32>,
        %get3A_1154 = vector.shape_cast %get3A_1153 : vector<1x16xf32> to vector<16xf32>
        %mul3A_1155 = arith.constant 11.3137083 : f32
        %mul3A_1156 = vector.broadcast %mul3A_1155 : f32 to vector<16xf32>
        %mul3A_1157 = arith.mulf %get3A_1154, %mul3A_1156 : vector<16xf32>
        %add3A_1158 = arith.constant 0 : i32
        %add3A_1159 = arith.addi %add3A_1158, %scan3A_1067 : i32
        %get3A_1160 = arith.index_cast %add3A_1159 : i32 to index
        %get3A_1161 = arith.constant 48 : index
        %get3A_1162 = tpu.vector_load %arg6[%get3A_1160, %get3A_1161] {strides = array<i32>} : memref<200x128xf32, #tpu.memory_space<vmem>>, vector<1x16xf32>,
        %get3A_1163 = vector.shape_cast %get3A_1162 : vector<1x16xf32> to vector<16xf32>
        %add3A_1164 = arith.addf %mul3A_1157, %get3A_1163 : vector<16xf32>
        %swap3A_1165 = arith.constant 0 : i32
        %swap3A_1166 = arith.constant 0 : i32
        %swap3A_1167 = tpu.memref_slice %arg8[%scan3A_314, %swap3A_1165, %swap3A_1166] : memref<10x40x128xf32, #tpu.memory_space<vmem>> -> memref<1x40x128xf32, #tpu.memory_space<vmem>>
        %swap3A_1168 = tpu.memref_squeeze %swap3A_1167 : memref<1x40x128xf32, #tpu.memory_space<vmem>> -> memref<40x128xf32, #tpu.memory_space<vmem>>
        %swap3A_1169 = arith.index_cast %scan3A_1067 : i32 to index
        %swap3A_1170 = arith.constant 48 : index
        %swap3A_1171 = tpu.vector_load %swap3A_1168[%swap3A_1169, %swap3A_1170] {strides = array<i32>} : memref<40x128xf32, #tpu.memory_space<vmem>>, vector<1x16xf32>,
        %swap3A_1172 = vector.shape_cast %swap3A_1171 : vector<1x16xf32> to vector<16xf32>
        %swap3A_1173 = vector.shape_cast %add3A_1164 : vector<16xf32> to vector<1x16xf32>
        tpu.vector_store %swap3A_1168[%swap3A_1169, %swap3A_1170], %swap3A_1173 {strides = array<i32>} : memref<40x128xf32, #tpu.memory_space<vmem>>, vector<1x16xf32>,
        %get3A_1174 = arith.constant 0 : i32
        %get3A_1175 = arith.constant 0 : i32
        %get3A_1176 = tpu.memref_slice %arg8[%scan3A_314, %get3A_1174, %get3A_1175] : memref<10x40x128xf32, #tpu.memory_space<vmem>> -> memref<1x40x128xf32, #tpu.memory_space<vmem>>
        %get3A_1177 = tpu.memref_squeeze %get3A_1176 : memref<1x40x128xf32, #tpu.memory_space<vmem>> -> memref<40x128xf32, #tpu.memory_space<vmem>>
        %get3A_1178 = arith.index_cast %scan3A_1067 : i32 to index
        %get3A_1179 = arith.constant 64 : index
        %get3A_1180 = tpu.vector_load %get3A_1177[%get3A_1178, %get3A_1179] {strides = array<i32>} : memref<40x128xf32, #tpu.memory_space<vmem>>, vector<1x16xf32>,
        %get3A_1181 = vector.shape_cast %get3A_1180 : vector<1x16xf32> to vector<16xf32>
        %mul3A_1182 = arith.constant 11.3137083 : f32
        %mul3A_1183 = vector.broadcast %mul3A_1182 : f32 to vector<16xf32>
        %mul3A_1184 = arith.mulf %get3A_1181, %mul3A_1183 : vector<16xf32>
        %add3A_1185 = arith.constant 0 : i32
        %add3A_1186 = arith.addi %add3A_1185, %scan3A_1067 : i32
        %get3A_1187 = arith.index_cast %add3A_1186 : i32 to index
        %get3A_1188 = arith.constant 64 : index
        %get3A_1189 = tpu.vector_load %arg6[%get3A_1187, %get3A_1188] {strides = array<i32>} : memref<200x128xf32, #tpu.memory_space<vmem>>, vector<1x16xf32>,
        %get3A_1190 = vector.shape_cast %get3A_1189 : vector<1x16xf32> to vector<16xf32>
        %add3A_1191 = arith.addf %mul3A_1184, %get3A_1190 : vector<16xf32>
        %swap3A_1192 = arith.constant 0 : i32
        %swap3A_1193 = arith.constant 0 : i32
        %swap3A_1194 = tpu.memref_slice %arg8[%scan3A_314, %swap3A_1192, %swap3A_1193] : memref<10x40x128xf32, #tpu.memory_space<vmem>> -> memref<1x40x128xf32, #tpu.memory_space<vmem>>
        %swap3A_1195 = tpu.memref_squeeze %swap3A_1194 : memref<1x40x128xf32, #tpu.memory_space<vmem>> -> memref<40x128xf32, #tpu.memory_space<vmem>>
        %swap3A_1196 = arith.index_cast %scan3A_1067 : i32 to index
        %swap3A_1197 = arith.constant 64 : index
        %swap3A_1198 = tpu.vector_load %swap3A_1195[%swap3A_1196, %swap3A_1197] {strides = array<i32>} : memref<40x128xf32, #tpu.memory_space<vmem>>, vector<1x16xf32>,
        %swap3A_1199 = vector.shape_cast %swap3A_1198 : vector<1x16xf32> to vector<16xf32>
        %swap3A_1200 = vector.shape_cast %add3A_1191 : vector<16xf32> to vector<1x16xf32>
        tpu.vector_store %swap3A_1195[%swap3A_1196, %swap3A_1197], %swap3A_1200 {strides = array<i32>} : memref<40x128xf32, #tpu.memory_space<vmem>>, vector<1x16xf32>,
        %get3A_1201 = arith.constant 0 : i32
        %get3A_1202 = arith.constant 0 : i32
        %get3A_1203 = tpu.memref_slice %arg8[%scan3A_314, %get3A_1201, %get3A_1202] : memref<10x40x128xf32, #tpu.memory_space<vmem>> -> memref<1x40x128xf32, #tpu.memory_space<vmem>>
        %get3A_1204 = tpu.memref_squeeze %get3A_1203 : memref<1x40x128xf32, #tpu.memory_space<vmem>> -> memref<40x128xf32, #tpu.memory_space<vmem>>
        %get3A_1205 = arith.index_cast %scan3A_1067 : i32 to index
        %get3A_1206 = arith.constant 80 : index
        %get3A_1207 = tpu.vector_load %get3A_1204[%get3A_1205, %get3A_1206] {strides = array<i32>} : memref<40x128xf32, #tpu.memory_space<vmem>>, vector<1x16xf32>,
        %get3A_1208 = vector.shape_cast %get3A_1207 : vector<1x16xf32> to vector<16xf32>
        %mul3A_1209 = arith.constant 11.3137083 : f32
        %mul3A_1210 = vector.broadcast %mul3A_1209 : f32 to vector<16xf32>
        %mul3A_1211 = arith.mulf %get3A_1208, %mul3A_1210 : vector<16xf32>
        %add3A_1212 = arith.constant 0 : i32
        %add3A_1213 = arith.addi %add3A_1212, %scan3A_1067 : i32
        %get3A_1214 = arith.index_cast %add3A_1213 : i32 to index
        %get3A_1215 = arith.constant 80 : index
        %get3A_1216 = tpu.vector_load %arg6[%get3A_1214, %get3A_1215] {strides = array<i32>} : memref<200x128xf32, #tpu.memory_space<vmem>>, vector<1x16xf32>,
        %get3A_1217 = vector.shape_cast %get3A_1216 : vector<1x16xf32> to vector<16xf32>
        %add3A_1218 = arith.addf %mul3A_1211, %get3A_1217 : vector<16xf32>
        %swap3A_1219 = arith.constant 0 : i32
        %swap3A_1220 = arith.constant 0 : i32
        %swap3A_1221 = tpu.memref_slice %arg8[%scan3A_314, %swap3A_1219, %swap3A_1220] : memref<10x40x128xf32, #tpu.memory_space<vmem>> -> memref<1x40x128xf32, #tpu.memory_space<vmem>>
        %swap3A_1222 = tpu.memref_squeeze %swap3A_1221 : memref<1x40x128xf32, #tpu.memory_space<vmem>> -> memref<40x128xf32, #tpu.memory_space<vmem>>
        %swap3A_1223 = arith.index_cast %scan3A_1067 : i32 to index
        %swap3A_1224 = arith.constant 80 : index
        %swap3A_1225 = tpu.vector_load %swap3A_1222[%swap3A_1223, %swap3A_1224] {strides = array<i32>} : memref<40x128xf32, #tpu.memory_space<vmem>>, vector<1x16xf32>,
        %swap3A_1226 = vector.shape_cast %swap3A_1225 : vector<1x16xf32> to vector<16xf32>
        %swap3A_1227 = vector.shape_cast %add3A_1218 : vector<16xf32> to vector<1x16xf32>
        tpu.vector_store %swap3A_1222[%swap3A_1223, %swap3A_1224], %swap3A_1227 {strides = array<i32>} : memref<40x128xf32, #tpu.memory_space<vmem>>, vector<1x16xf32>,
        %get3A_1228 = arith.constant 0 : i32
        %get3A_1229 = arith.constant 0 : i32
        %get3A_1230 = tpu.memref_slice %arg8[%scan3A_314, %get3A_1228, %get3A_1229] : memref<10x40x128xf32, #tpu.memory_space<vmem>> -> memref<1x40x128xf32, #tpu.memory_space<vmem>>
        %get3A_1231 = tpu.memref_squeeze %get3A_1230 : memref<1x40x128xf32, #tpu.memory_space<vmem>> -> memref<40x128xf32, #tpu.memory_space<vmem>>
        %get3A_1232 = arith.index_cast %scan3A_1067 : i32 to index
        %get3A_1233 = arith.constant 96 : index
        %get3A_1234 = tpu.vector_load %get3A_1231[%get3A_1232, %get3A_1233] {strides = array<i32>} : memref<40x128xf32, #tpu.memory_space<vmem>>, vector<1x16xf32>,
        %get3A_1235 = vector.shape_cast %get3A_1234 : vector<1x16xf32> to vector<16xf32>
        %mul3A_1236 = arith.constant 11.3137083 : f32
        %mul3A_1237 = vector.broadcast %mul3A_1236 : f32 to vector<16xf32>
        %mul3A_1238 = arith.mulf %get3A_1235, %mul3A_1237 : vector<16xf32>
        %add3A_1239 = arith.constant 0 : i32
        %add3A_1240 = arith.addi %add3A_1239, %scan3A_1067 : i32
        %get3A_1241 = arith.index_cast %add3A_1240 : i32 to index
        %get3A_1242 = arith.constant 96 : index
        %get3A_1243 = tpu.vector_load %arg6[%get3A_1241, %get3A_1242] {strides = array<i32>} : memref<200x128xf32, #tpu.memory_space<vmem>>, vector<1x16xf32>,
        %get3A_1244 = vector.shape_cast %get3A_1243 : vector<1x16xf32> to vector<16xf32>
        %add3A_1245 = arith.addf %mul3A_1238, %get3A_1244 : vector<16xf32>
        %swap3A_1246 = arith.constant 0 : i32
        %swap3A_1247 = arith.constant 0 : i32
        %swap3A_1248 = tpu.memref_slice %arg8[%scan3A_314, %swap3A_1246, %swap3A_1247] : memref<10x40x128xf32, #tpu.memory_space<vmem>> -> memref<1x40x128xf32, #tpu.memory_space<vmem>>
        %swap3A_1249 = tpu.memref_squeeze %swap3A_1248 : memref<1x40x128xf32, #tpu.memory_space<vmem>> -> memref<40x128xf32, #tpu.memory_space<vmem>>
        %swap3A_1250 = arith.index_cast %scan3A_1067 : i32 to index
        %swap3A_1251 = arith.constant 96 : index
        %swap3A_1252 = tpu.vector_load %swap3A_1249[%swap3A_1250, %swap3A_1251] {strides = array<i32>} : memref<40x128xf32, #tpu.memory_space<vmem>>, vector<1x16xf32>,
        %swap3A_1253 = vector.shape_cast %swap3A_1252 : vector<1x16xf32> to vector<16xf32>
        %swap3A_1254 = vector.shape_cast %add3A_1245 : vector<16xf32> to vector<1x16xf32>
        tpu.vector_store %swap3A_1249[%swap3A_1250, %swap3A_1251], %swap3A_1254 {strides = array<i32>} : memref<40x128xf32, #tpu.memory_space<vmem>>, vector<1x16xf32>,
        %get3A_1255 = arith.constant 0 : i32
        %get3A_1256 = arith.constant 0 : i32
        %get3A_1257 = tpu.memref_slice %arg8[%scan3A_314, %get3A_1255, %get3A_1256] : memref<10x40x128xf32, #tpu.memory_space<vmem>> -> memref<1x40x128xf32, #tpu.memory_space<vmem>>
        %get3A_1258 = tpu.memref_squeeze %get3A_1257 : memref<1x40x128xf32, #tpu.memory_space<vmem>> -> memref<40x128xf32, #tpu.memory_space<vmem>>
        %get3A_1259 = arith.index_cast %scan3A_1067 : i32 to index
        %get3A_1260 = arith.constant 112 : index
        %get3A_1261 = tpu.vector_load %get3A_1258[%get3A_1259, %get3A_1260] {strides = array<i32>} : memref<40x128xf32, #tpu.memory_space<vmem>>, vector<1x16xf32>,
        %get3A_1262 = vector.shape_cast %get3A_1261 : vector<1x16xf32> to vector<16xf32>
        %mul3A_1263 = arith.constant 11.3137083 : f32
        %mul3A_1264 = vector.broadcast %mul3A_1263 : f32 to vector<16xf32>
        %mul3A_1265 = arith.mulf %get3A_1262, %mul3A_1264 : vector<16xf32>
        %add3A_1266 = arith.constant 0 : i32
        %add3A_1267 = arith.addi %add3A_1266, %scan3A_1067 : i32
        %get3A_1268 = arith.index_cast %add3A_1267 : i32 to index
        %get3A_1269 = arith.constant 112 : index
        %get3A_1270 = tpu.vector_load %arg6[%get3A_1268, %get3A_1269] {strides = array<i32>} : memref<200x128xf32, #tpu.memory_space<vmem>>, vector<1x16xf32>,
        %get3A_1271 = vector.shape_cast %get3A_1270 : vector<1x16xf32> to vector<16xf32>
        %add3A_1272 = arith.addf %mul3A_1265, %get3A_1271 : vector<16xf32>
        %swap3A_1273 = arith.constant 0 : i32
        %swap3A_1274 = arith.constant 0 : i32
        %swap3A_1275 = tpu.memref_slice %arg8[%scan3A_314, %swap3A_1273, %swap3A_1274] : memref<10x40x128xf32, #tpu.memory_space<vmem>> -> memref<1x40x128xf32, #tpu.memory_space<vmem>>
        %swap3A_1276 = tpu.memref_squeeze %swap3A_1275 : memref<1x40x128xf32, #tpu.memory_space<vmem>> -> memref<40x128xf32, #tpu.memory_space<vmem>>
        %swap3A_1277 = arith.index_cast %scan3A_1067 : i32 to index
        %swap3A_1278 = arith.constant 112 : index
        %swap3A_1279 = tpu.vector_load %swap3A_1276[%swap3A_1277, %swap3A_1278] {strides = array<i32>} : memref<40x128xf32, #tpu.memory_space<vmem>>, vector<1x16xf32>,
        %swap3A_1280 = vector.shape_cast %swap3A_1279 : vector<1x16xf32> to vector<16xf32>
        %swap3A_1281 = vector.shape_cast %add3A_1272 : vector<16xf32> to vector<1x16xf32>
        tpu.vector_store %swap3A_1276[%swap3A_1277, %swap3A_1278], %swap3A_1281 {strides = array<i32>} : memref<40x128xf32, #tpu.memory_space<vmem>>, vector<1x16xf32>,
      }
      %scan3A_319 = arith.constant 40 : i32
      %add3A_320 = arith.constant 1 : i32
      %add3A_321 = arith.addi %mul3A_248, %add3A_320 : i32
      %jit3A_322 = arith.constant 5 : i32
      %div3A_323 = arith.divsi %mul3A_248, %jit3A_322 : i32
      %sign3A_324 = arith.constant 0 : i32
      %sign3A_325 = arith.cmpi sgt, %mul3A_248, %sign3A_324 : i32
      %sign3A_326 = arith.extui %sign3A_325 : i1 to i32
      %sign3A_327 = arith.constant 0 : i32
      %sign3A_328 = arith.cmpi slt, %mul3A_248, %sign3A_327 : i32
      %sign3A_329 = arith.extui %sign3A_328 : i1 to i32
      %sign3A_330 = arith.subi %sign3A_326, %sign3A_329 : i32
      %sign3A_331 = arith.constant 0 : i32
      %sign3A_332 = arith.cmpi sgt, %jit3A_322, %sign3A_331 : i32
      %sign3A_333 = arith.extui %sign3A_332 : i1 to i32
      %sign3A_334 = arith.constant 0 : i32
      %sign3A_335 = arith.cmpi slt, %jit3A_322, %sign3A_334 : i32
      %sign3A_336 = arith.extui %sign3A_335 : i1 to i32
      %sign3A_337 = arith.subi %sign3A_333, %sign3A_336 : i32
      %ne3A_338 = arith.cmpi ne, %sign3A_330, %sign3A_337 : i32
      %rem3A_339 = arith.remsi %mul3A_248, %jit3A_322 : i32
      %ne3A_340 = arith.constant 0 : i32
      %ne3A_341 = arith.cmpi ne, %rem3A_339, %ne3A_340 : i32
      %and3A_342 = arith.andi %ne3A_338, %ne3A_341 : i1
      %sub3A_343 = arith.constant 1 : i32
      %sub3A_344 = arith.subi %div3A_323, %sub3A_343 : i32
      %select_n3A_345 = arith.select %and3A_342, %sub3A_344, %div3A_323 : i32
      %add3A_346 = arith.constant 0 : i32
      %add3A_347 = arith.addi %select_n3A_345, %add3A_346 : i32
      %jit3A_348 = arith.constant 5 : i32
      %div3A_349 = arith.divsi %mul3A_248, %jit3A_348 : i32
      %sign3A_350 = arith.constant 0 : i32
      %sign3A_351 = arith.cmpi sgt, %mul3A_248, %sign3A_350 : i32
      %sign3A_352 = arith.extui %sign3A_351 : i1 to i32
      %sign3A_353 = arith.constant 0 : i32
      %sign3A_354 = arith.cmpi slt, %mul3A_248, %sign3A_353 : i32
      %sign3A_355 = arith.extui %sign3A_354 : i1 to i32
      %sign3A_356 = arith.subi %sign3A_352, %sign3A_355 : i32
      %sign3A_357 = arith.constant 0 : i32
      %sign3A_358 = arith.cmpi sgt, %jit3A_348, %sign3A_357 : i32
      %sign3A_359 = arith.extui %sign3A_358 : i1 to i32
      %sign3A_360 = arith.constant 0 : i32
      %sign3A_361 = arith.cmpi slt, %jit3A_348, %sign3A_360 : i32
      %sign3A_362 = arith.extui %sign3A_361 : i1 to i32
      %sign3A_363 = arith.subi %sign3A_359, %sign3A_362 : i32
      %ne3A_364 = arith.cmpi ne, %sign3A_356, %sign3A_363 : i32
      %rem3A_365 = arith.remsi %mul3A_248, %jit3A_348 : i32
      %ne3A_366 = arith.constant 0 : i32
      %ne3A_367 = arith.cmpi ne, %rem3A_365, %ne3A_366 : i32
      %and3A_368 = arith.andi %ne3A_364, %ne3A_367 : i1
      %sub3A_369 = arith.constant 1 : i32
      %sub3A_370 = arith.subi %div3A_349, %sub3A_369 : i32
      %select_n3A_371 = arith.select %and3A_368, %sub3A_370, %div3A_349 : i32
      %add3A_372 = arith.constant 0 : i32
      %add3A_373 = arith.addi %select_n3A_371, %add3A_372 : i32
      %ge3A_374 = arith.constant 1 : i32
      %ge3A_375 = arith.cmpi sge, %add3A_321, %ge3A_374 : i32
      %convert_element_type3A_376 = arith.extui %ge3A_375 : i1 to i32
      %cond3A_377 = arith.constant 0 : i32
      %cond3A_378 = arith.cmpi ne, %convert_element_type3A_376, %cond3A_377 : i32
      scf.if %cond3A_378 {
        %add3A_1067 = arith.addi %mul3A_2, %add3A_373 : i32
        %dma_start3A_1068 = arith.constant 0 : i32
        %dma_start3A_1069 = arith.constant 0 : i32
        %dma_start3A_1070 = arith.constant 0 : i32
        %dma_start3A_1071 = tpu.memref_slice %arg8[%dma_start3A_1068, %dma_start3A_1069, %dma_start3A_1070] : memref<10x40x128xf32, #tpu.memory_space<vmem>> -> memref<1x40x128xf32, #tpu.memory_space<vmem>>
        %dma_start3A_1072 = tpu.memref_squeeze %dma_start3A_1071 : memref<1x40x128xf32, #tpu.memory_space<vmem>> -> memref<40x128xf32, #tpu.memory_space<vmem>>
        %dma_start3A_1073 = arith.constant 0 : i32
        %dma_start3A_1074 = arith.constant 0 : i32
        %dma_start3A_1075 = tpu.memref_slice %arg5[%add3A_1067, %dma_start3A_1073, %dma_start3A_1074] : memref<4096x200x128xf32, #tpu.memory_space<hbm>> -> memref<1x40x128xf32, #tpu.memory_space<hbm>>
        %dma_start3A_1076 = tpu.memref_squeeze %dma_start3A_1075 : memref<1x40x128xf32, #tpu.memory_space<hbm>> -> memref<40x128xf32, #tpu.memory_space<hbm>>
        %dma_start3A_1077 = arith.constant 0 : i32
        %dma_start3A_1078 = arith.constant 0 : i32
        %dma_start3A_1079 = tpu.memref_slice %arg5[%add3A_1067, %dma_start3A_1077, %dma_start3A_1078] : memref<4096x200x128xf32, #tpu.memory_space<hbm>> -> memref<1x40x128xf32, #tpu.memory_space<hbm>>
        %dma_start3A_1080 = tpu.memref_squeeze %dma_start3A_1079 : memref<1x40x128xf32, #tpu.memory_space<hbm>> -> memref<40x128xf32, #tpu.memory_space<hbm>>
        %dma_start3A_1081 = arith.constant 0 : i32
        %dma_start3A_1082 = arith.constant 0 : i32
        %dma_start3A_1083 = tpu.memref_slice %arg8[%dma_start3A_1068, %dma_start3A_1081, %dma_start3A_1082] : memref<10x40x128xf32, #tpu.memory_space<vmem>> -> memref<1x40x128xf32, #tpu.memory_space<vmem>>
        %dma_start3A_1084 = tpu.memref_squeeze %dma_start3A_1083 : memref<1x40x128xf32, #tpu.memory_space<vmem>> -> memref<40x128xf32, #tpu.memory_space<vmem>>
        tpu.enqueue_dma source(%dma_start3A_1084 : memref<40x128xf32, #tpu.memory_space<vmem>>) target(%dma_start3A_1080 : memref<40x128xf32, #tpu.memory_space<hbm>>) target_semaphore(%arg19 : memref<!tpu.dma_semaphore, #tpu.memory_space<semaphore_mem>>)
      } else {
      }
      %add3A_379 = arith.constant 5 : i32
      %add3A_380 = arith.addi %add3A_321, %add3A_379 : i32
      %lt3A_381 = arith.constant 640 : i32
      %lt3A_382 = arith.cmpi slt, %add3A_380, %lt3A_381 : i32
      %convert_element_type3A_383 = arith.extui %lt3A_382 : i1 to i32
      %cond3A_384 = arith.constant 0 : i32
      %cond3A_385 = arith.cmpi ne, %convert_element_type3A_383, %cond3A_384 : i32
      scf.if %cond3A_385 {
        %ge3A_1067 = arith.constant 5 : i32
        %ge3A_1068 = arith.cmpi sge, %add3A_321, %ge3A_1067 : i32
        %convert_element_type3A_1069 = arith.extui %ge3A_1068 : i1 to i32
        %cond3A_1070 = arith.constant 0 : i32
        %cond3A_1071 = arith.cmpi ne, %convert_element_type3A_1069, %cond3A_1070 : i32
        scf.if %cond3A_1071 {
          %dma_wait3A_1085 = arith.constant 6 : i32
          %dma_wait3A_1086 = arith.constant 0 : i32
          %dma_wait3A_1087 = arith.constant 0 : i32
          %dma_wait3A_1088 = tpu.memref_slice %arg8[%dma_wait3A_1085, %dma_wait3A_1086, %dma_wait3A_1087] : memref<10x40x128xf32, #tpu.memory_space<vmem>> -> memref<1x40x128xf32, #tpu.memory_space<vmem>>
          %dma_wait3A_1089 = tpu.memref_squeeze %dma_wait3A_1088 : memref<1x40x128xf32, #tpu.memory_space<vmem>> -> memref<40x128xf32, #tpu.memory_space<vmem>>
          %dma_wait3A_1090 = arith.constant 0 : i32
          %dma_wait3A_1091 = arith.constant 0 : i32
          %dma_wait3A_1092 = tpu.memref_slice %arg5[%mul3A_2, %dma_wait3A_1090, %dma_wait3A_1091] : memref<4096x200x128xf32, #tpu.memory_space<hbm>> -> memref<1x40x128xf32, #tpu.memory_space<hbm>>
          %dma_wait3A_1093 = tpu.memref_squeeze %dma_wait3A_1092 : memref<1x40x128xf32, #tpu.memory_space<hbm>> -> memref<40x128xf32, #tpu.memory_space<hbm>>
          %dma_wait3A_1094 = arith.constant 0 : i32
          %dma_wait3A_1095 = arith.constant 0 : i32
          %dma_wait3A_1096 = tpu.memref_slice %arg5[%mul3A_2, %dma_wait3A_1094, %dma_wait3A_1095] : memref<4096x200x128xf32, #tpu.memory_space<hbm>> -> memref<1x40x128xf32, #tpu.memory_space<hbm>>
          %dma_wait3A_1097 = tpu.memref_squeeze %dma_wait3A_1096 : memref<1x40x128xf32, #tpu.memory_space<hbm>> -> memref<40x128xf32, #tpu.memory_space<hbm>>
          %dma_wait3A_1098 = arith.constant 0 : i32
          %dma_wait3A_1099 = arith.constant 0 : i32
          %dma_wait3A_1100 = tpu.memref_slice %arg8[%dma_wait3A_1085, %dma_wait3A_1098, %dma_wait3A_1099] : memref<10x40x128xf32, #tpu.memory_space<vmem>> -> memref<1x40x128xf32, #tpu.memory_space<vmem>>
          %dma_wait3A_1101 = tpu.memref_squeeze %dma_wait3A_1100 : memref<1x40x128xf32, #tpu.memory_space<vmem>> -> memref<40x128xf32, #tpu.memory_space<vmem>>
          tpu.wait_dma2 semaphore(%arg25 : memref<!tpu.dma_semaphore, #tpu.memory_space<semaphore_mem>>) src(%dma_wait3A_1101 : memref<40x128xf32, #tpu.memory_space<vmem>>) dst(%dma_wait3A_1097 : memref<40x128xf32, #tpu.memory_space<hbm>>)
        } else {
        }
        %add3A_1072 = arith.constant 5 : i32
        %add3A_1073 = arith.addi %add3A_321, %add3A_1072 : i32
        %mul3A_1074 = arith.constant 40 : i32
        %mul3A_1075 = arith.muli %add3A_1073, %mul3A_1074 : i32
        %dma_start3A_1076 = arith.constant 6 : i32
        %dma_start3A_1077 = arith.constant 0 : i32
        %dma_start3A_1078 = arith.constant 0 : i32
        %dma_start3A_1079 = tpu.memref_slice %arg8[%dma_start3A_1076, %dma_start3A_1077, %dma_start3A_1078] : memref<10x40x128xf32, #tpu.memory_space<vmem>> -> memref<1x40x128xf32, #tpu.memory_space<vmem>>
        %dma_start3A_1080 = tpu.memref_squeeze %dma_start3A_1079 : memref<1x40x128xf32, #tpu.memory_space<vmem>> -> memref<40x128xf32, #tpu.memory_space<vmem>>
        %dma_start3A_1081 = tpu.memref_slice %arg7[%mul3A_1075] : memref<25600xi32, #tpu.memory_space<vmem>> -> memref<40xi32, #tpu.memory_space<vmem>>
        %dma_start3A_1082 = arith.constant 0 : i32
        %dma_start3A_1083 = arith.constant 0 : i32
        %dma_start3A_1084 = tpu.memref_slice %arg4[%dma_start3A_1082, %dma_start3A_1083] : memref<100000x128xf32, #tpu.memory_space<hbm>> -> memref<100000x128xf32, #tpu.memory_space<hbm>>
        tpu.enqueue_indirect_dma source(%dma_start3A_1084 : memref<100000x128xf32, #tpu.memory_space<hbm>>) target(%dma_start3A_1080 : memref<40x128xf32, #tpu.memory_space<vmem>>) offsets(%dma_start3A_1081 : memref<40xi32, #tpu.memory_space<vmem>>) semaphore(%arg15 : memref<!tpu.dma_semaphore, #tpu.memory_space<semaphore_mem>>)
      } else {
      }
      %mul3A_386 = arith.constant 40 : i32
      %mul3A_387 = arith.muli %add3A_321, %mul3A_386 : i32
      %dma_wait3A_388 = arith.constant 1 : i32
      %dma_wait3A_389 = arith.constant 0 : i32
      %dma_wait3A_390 = arith.constant 0 : i32
      %dma_wait3A_391 = tpu.memref_slice %arg8[%dma_wait3A_388, %dma_wait3A_389, %dma_wait3A_390] : memref<10x40x128xf32, #tpu.memory_space<vmem>> -> memref<1x40x128xf32, #tpu.memory_space<vmem>>
      %dma_wait3A_392 = tpu.memref_squeeze %dma_wait3A_391 : memref<1x40x128xf32, #tpu.memory_space<vmem>> -> memref<40x128xf32, #tpu.memory_space<vmem>>
      %dma_wait3A_393 = tpu.memref_slice %arg7[%mul3A_387] : memref<25600xi32, #tpu.memory_space<vmem>> -> memref<40xi32, #tpu.memory_space<vmem>>
      %dma_wait3A_394 = arith.constant 0 : i32
      %dma_wait3A_395 = arith.constant 0 : i32
      %dma_wait3A_396 = tpu.memref_slice %arg4[%dma_wait3A_394, %dma_wait3A_395] : memref<100000x128xf32, #tpu.memory_space<hbm>> -> memref<100000x128xf32, #tpu.memory_space<hbm>>
      tpu.wait_indirect_dma semaphore(%arg10 : memref<!tpu.dma_semaphore, #tpu.memory_space<semaphore_mem>>) src(%dma_wait3A_396 : memref<100000x128xf32, #tpu.memory_space<hbm>>) dst(%dma_wait3A_392 : memref<40x128xf32, #tpu.memory_space<vmem>>)
      %scan3A_397 = arith.constant 1 : i32
      %scan3A_398 = arith.constant 0 : i32
      %scan3A_399 = arith.constant 40 : i32
      %scan3A_400 = arith.addi %scan3A_398, %scan3A_399 : i32
      %scan3A_401 = arith.constant 1 : i32
      scf.for %scan3A_1067 = %scan3A_398 to %scan3A_400 step %scan3A_401  : i32 {
        %get3A = arith.constant 0 : i32
        %get3A_1068 = arith.constant 0 : i32
        %get3A_1069 = tpu.memref_slice %arg8[%scan3A_397, %get3A, %get3A_1068] : memref<10x40x128xf32, #tpu.memory_space<vmem>> -> memref<1x40x128xf32, #tpu.memory_space<vmem>>
        %get3A_1070 = tpu.memref_squeeze %get3A_1069 : memref<1x40x128xf32, #tpu.memory_space<vmem>> -> memref<40x128xf32, #tpu.memory_space<vmem>>
        %get3A_1071 = arith.index_cast %scan3A_1067 : i32 to index
        %get3A_1072 = arith.constant 0 : index
        %get3A_1073 = tpu.vector_load %get3A_1070[%get3A_1071, %get3A_1072] {strides = array<i32>} : memref<40x128xf32, #tpu.memory_space<vmem>>, vector<1x16xf32>,
        %get3A_1074 = vector.shape_cast %get3A_1073 : vector<1x16xf32> to vector<16xf32>
        %mul3A_1075 = arith.constant 11.3137083 : f32
        %mul3A_1076 = vector.broadcast %mul3A_1075 : f32 to vector<16xf32>
        %mul3A_1077 = arith.mulf %get3A_1074, %mul3A_1076 : vector<16xf32>
        %add3A_1078 = arith.constant 40 : i32
        %add3A_1079 = arith.addi %add3A_1078, %scan3A_1067 : i32
        %get3A_1080 = arith.index_cast %add3A_1079 : i32 to index
        %get3A_1081 = arith.constant 0 : index
        %get3A_1082 = tpu.vector_load %arg6[%get3A_1080, %get3A_1081] {strides = array<i32>} : memref<200x128xf32, #tpu.memory_space<vmem>>, vector<1x16xf32>,
        %get3A_1083 = vector.shape_cast %get3A_1082 : vector<1x16xf32> to vector<16xf32>
        %add3A_1084 = arith.addf %mul3A_1077, %get3A_1083 : vector<16xf32>
        %swap3A = arith.constant 0 : i32
        %swap3A_1085 = arith.constant 0 : i32
        %swap3A_1086 = tpu.memref_slice %arg8[%scan3A_397, %swap3A, %swap3A_1085] : memref<10x40x128xf32, #tpu.memory_space<vmem>> -> memref<1x40x128xf32, #tpu.memory_space<vmem>>
        %swap3A_1087 = tpu.memref_squeeze %swap3A_1086 : memref<1x40x128xf32, #tpu.memory_space<vmem>> -> memref<40x128xf32, #tpu.memory_space<vmem>>
        %swap3A_1088 = arith.index_cast %scan3A_1067 : i32 to index
        %swap3A_1089 = arith.constant 0 : index
        %swap3A_1090 = tpu.vector_load %swap3A_1087[%swap3A_1088, %swap3A_1089] {strides = array<i32>} : memref<40x128xf32, #tpu.memory_space<vmem>>, vector<1x16xf32>,
        %swap3A_1091 = vector.shape_cast %swap3A_1090 : vector<1x16xf32> to vector<16xf32>
        %swap3A_1092 = vector.shape_cast %add3A_1084 : vector<16xf32> to vector<1x16xf32>
        tpu.vector_store %swap3A_1087[%swap3A_1088, %swap3A_1089], %swap3A_1092 {strides = array<i32>} : memref<40x128xf32, #tpu.memory_space<vmem>>, vector<1x16xf32>,
        %get3A_1093 = arith.constant 0 : i32
        %get3A_1094 = arith.constant 0 : i32
        %get3A_1095 = tpu.memref_slice %arg8[%scan3A_397, %get3A_1093, %get3A_1094] : memref<10x40x128xf32, #tpu.memory_space<vmem>> -> memref<1x40x128xf32, #tpu.memory_space<vmem>>
        %get3A_1096 = tpu.memref_squeeze %get3A_1095 : memref<1x40x128xf32, #tpu.memory_space<vmem>> -> memref<40x128xf32, #tpu.memory_space<vmem>>
        %get3A_1097 = arith.index_cast %scan3A_1067 : i32 to index
        %get3A_1098 = arith.constant 16 : index
        %get3A_1099 = tpu.vector_load %get3A_1096[%get3A_1097, %get3A_1098] {strides = array<i32>} : memref<40x128xf32, #tpu.memory_space<vmem>>, vector<1x16xf32>,
        %get3A_1100 = vector.shape_cast %get3A_1099 : vector<1x16xf32> to vector<16xf32>
        %mul3A_1101 = arith.constant 11.3137083 : f32
        %mul3A_1102 = vector.broadcast %mul3A_1101 : f32 to vector<16xf32>
        %mul3A_1103 = arith.mulf %get3A_1100, %mul3A_1102 : vector<16xf32>
        %add3A_1104 = arith.constant 40 : i32
        %add3A_1105 = arith.addi %add3A_1104, %scan3A_1067 : i32
        %get3A_1106 = arith.index_cast %add3A_1105 : i32 to index
        %get3A_1107 = arith.constant 16 : index
        %get3A_1108 = tpu.vector_load %arg6[%get3A_1106, %get3A_1107] {strides = array<i32>} : memref<200x128xf32, #tpu.memory_space<vmem>>, vector<1x16xf32>,
        %get3A_1109 = vector.shape_cast %get3A_1108 : vector<1x16xf32> to vector<16xf32>
        %add3A_1110 = arith.addf %mul3A_1103, %get3A_1109 : vector<16xf32>
        %swap3A_1111 = arith.constant 0 : i32
        %swap3A_1112 = arith.constant 0 : i32
        %swap3A_1113 = tpu.memref_slice %arg8[%scan3A_397, %swap3A_1111, %swap3A_1112] : memref<10x40x128xf32, #tpu.memory_space<vmem>> -> memref<1x40x128xf32, #tpu.memory_space<vmem>>
        %swap3A_1114 = tpu.memref_squeeze %swap3A_1113 : memref<1x40x128xf32, #tpu.memory_space<vmem>> -> memref<40x128xf32, #tpu.memory_space<vmem>>
        %swap3A_1115 = arith.index_cast %scan3A_1067 : i32 to index
        %swap3A_1116 = arith.constant 16 : index
        %swap3A_1117 = tpu.vector_load %swap3A_1114[%swap3A_1115, %swap3A_1116] {strides = array<i32>} : memref<40x128xf32, #tpu.memory_space<vmem>>, vector<1x16xf32>,
        %swap3A_1118 = vector.shape_cast %swap3A_1117 : vector<1x16xf32> to vector<16xf32>
        %swap3A_1119 = vector.shape_cast %add3A_1110 : vector<16xf32> to vector<1x16xf32>
        tpu.vector_store %swap3A_1114[%swap3A_1115, %swap3A_1116], %swap3A_1119 {strides = array<i32>} : memref<40x128xf32, #tpu.memory_space<vmem>>, vector<1x16xf32>,
        %get3A_1120 = arith.constant 0 : i32
        %get3A_1121 = arith.constant 0 : i32
        %get3A_1122 = tpu.memref_slice %arg8[%scan3A_397, %get3A_1120, %get3A_1121] : memref<10x40x128xf32, #tpu.memory_space<vmem>> -> memref<1x40x128xf32, #tpu.memory_space<vmem>>
        %get3A_1123 = tpu.memref_squeeze %get3A_1122 : memref<1x40x128xf32, #tpu.memory_space<vmem>> -> memref<40x128xf32, #tpu.memory_space<vmem>>
        %get3A_1124 = arith.index_cast %scan3A_1067 : i32 to index
        %get3A_1125 = arith.constant 32 : index
        %get3A_1126 = tpu.vector_load %get3A_1123[%get3A_1124, %get3A_1125] {strides = array<i32>} : memref<40x128xf32, #tpu.memory_space<vmem>>, vector<1x16xf32>,
        %get3A_1127 = vector.shape_cast %get3A_1126 : vector<1x16xf32> to vector<16xf32>
        %mul3A_1128 = arith.constant 11.3137083 : f32
        %mul3A_1129 = vector.broadcast %mul3A_1128 : f32 to vector<16xf32>
        %mul3A_1130 = arith.mulf %get3A_1127, %mul3A_1129 : vector<16xf32>
        %add3A_1131 = arith.constant 40 : i32
        %add3A_1132 = arith.addi %add3A_1131, %scan3A_1067 : i32
        %get3A_1133 = arith.index_cast %add3A_1132 : i32 to index
        %get3A_1134 = arith.constant 32 : index
        %get3A_1135 = tpu.vector_load %arg6[%get3A_1133, %get3A_1134] {strides = array<i32>} : memref<200x128xf32, #tpu.memory_space<vmem>>, vector<1x16xf32>,
        %get3A_1136 = vector.shape_cast %get3A_1135 : vector<1x16xf32> to vector<16xf32>
        %add3A_1137 = arith.addf %mul3A_1130, %get3A_1136 : vector<16xf32>
        %swap3A_1138 = arith.constant 0 : i32
        %swap3A_1139 = arith.constant 0 : i32
        %swap3A_1140 = tpu.memref_slice %arg8[%scan3A_397, %swap3A_1138, %swap3A_1139] : memref<10x40x128xf32, #tpu.memory_space<vmem>> -> memref<1x40x128xf32, #tpu.memory_space<vmem>>
        %swap3A_1141 = tpu.memref_squeeze %swap3A_1140 : memref<1x40x128xf32, #tpu.memory_space<vmem>> -> memref<40x128xf32, #tpu.memory_space<vmem>>
        %swap3A_1142 = arith.index_cast %scan3A_1067 : i32 to index
        %swap3A_1143 = arith.constant 32 : index
        %swap3A_1144 = tpu.vector_load %swap3A_1141[%swap3A_1142, %swap3A_1143] {strides = array<i32>} : memref<40x128xf32, #tpu.memory_space<vmem>>, vector<1x16xf32>,
        %swap3A_1145 = vector.shape_cast %swap3A_1144 : vector<1x16xf32> to vector<16xf32>
        %swap3A_1146 = vector.shape_cast %add3A_1137 : vector<16xf32> to vector<1x16xf32>
        tpu.vector_store %swap3A_1141[%swap3A_1142, %swap3A_1143], %swap3A_1146 {strides = array<i32>} : memref<40x128xf32, #tpu.memory_space<vmem>>, vector<1x16xf32>,
        %get3A_1147 = arith.constant 0 : i32
        %get3A_1148 = arith.constant 0 : i32
        %get3A_1149 = tpu.memref_slice %arg8[%scan3A_397, %get3A_1147, %get3A_1148] : memref<10x40x128xf32, #tpu.memory_space<vmem>> -> memref<1x40x128xf32, #tpu.memory_space<vmem>>
        %get3A_1150 = tpu.memref_squeeze %get3A_1149 : memref<1x40x128xf32, #tpu.memory_space<vmem>> -> memref<40x128xf32, #tpu.memory_space<vmem>>
        %get3A_1151 = arith.index_cast %scan3A_1067 : i32 to index
        %get3A_1152 = arith.constant 48 : index
        %get3A_1153 = tpu.vector_load %get3A_1150[%get3A_1151, %get3A_1152] {strides = array<i32>} : memref<40x128xf32, #tpu.memory_space<vmem>>, vector<1x16xf32>,
        %get3A_1154 = vector.shape_cast %get3A_1153 : vector<1x16xf32> to vector<16xf32>
        %mul3A_1155 = arith.constant 11.3137083 : f32
        %mul3A_1156 = vector.broadcast %mul3A_1155 : f32 to vector<16xf32>
        %mul3A_1157 = arith.mulf %get3A_1154, %mul3A_1156 : vector<16xf32>
        %add3A_1158 = arith.constant 40 : i32
        %add3A_1159 = arith.addi %add3A_1158, %scan3A_1067 : i32
        %get3A_1160 = arith.index_cast %add3A_1159 : i32 to index
        %get3A_1161 = arith.constant 48 : index
        %get3A_1162 = tpu.vector_load %arg6[%get3A_1160, %get3A_1161] {strides = array<i32>} : memref<200x128xf32, #tpu.memory_space<vmem>>, vector<1x16xf32>,
        %get3A_1163 = vector.shape_cast %get3A_1162 : vector<1x16xf32> to vector<16xf32>
        %add3A_1164 = arith.addf %mul3A_1157, %get3A_1163 : vector<16xf32>
        %swap3A_1165 = arith.constant 0 : i32
        %swap3A_1166 = arith.constant 0 : i32
        %swap3A_1167 = tpu.memref_slice %arg8[%scan3A_397, %swap3A_1165, %swap3A_1166] : memref<10x40x128xf32, #tpu.memory_space<vmem>> -> memref<1x40x128xf32, #tpu.memory_space<vmem>>
        %swap3A_1168 = tpu.memref_squeeze %swap3A_1167 : memref<1x40x128xf32, #tpu.memory_space<vmem>> -> memref<40x128xf32, #tpu.memory_space<vmem>>
        %swap3A_1169 = arith.index_cast %scan3A_1067 : i32 to index
        %swap3A_1170 = arith.constant 48 : index
        %swap3A_1171 = tpu.vector_load %swap3A_1168[%swap3A_1169, %swap3A_1170] {strides = array<i32>} : memref<40x128xf32, #tpu.memory_space<vmem>>, vector<1x16xf32>,
        %swap3A_1172 = vector.shape_cast %swap3A_1171 : vector<1x16xf32> to vector<16xf32>
        %swap3A_1173 = vector.shape_cast %add3A_1164 : vector<16xf32> to vector<1x16xf32>
        tpu.vector_store %swap3A_1168[%swap3A_1169, %swap3A_1170], %swap3A_1173 {strides = array<i32>} : memref<40x128xf32, #tpu.memory_space<vmem>>, vector<1x16xf32>,
        %get3A_1174 = arith.constant 0 : i32
        %get3A_1175 = arith.constant 0 : i32
        %get3A_1176 = tpu.memref_slice %arg8[%scan3A_397, %get3A_1174, %get3A_1175] : memref<10x40x128xf32, #tpu.memory_space<vmem>> -> memref<1x40x128xf32, #tpu.memory_space<vmem>>
        %get3A_1177 = tpu.memref_squeeze %get3A_1176 : memref<1x40x128xf32, #tpu.memory_space<vmem>> -> memref<40x128xf32, #tpu.memory_space<vmem>>
        %get3A_1178 = arith.index_cast %scan3A_1067 : i32 to index
        %get3A_1179 = arith.constant 64 : index
        %get3A_1180 = tpu.vector_load %get3A_1177[%get3A_1178, %get3A_1179] {strides = array<i32>} : memref<40x128xf32, #tpu.memory_space<vmem>>, vector<1x16xf32>,
        %get3A_1181 = vector.shape_cast %get3A_1180 : vector<1x16xf32> to vector<16xf32>
        %mul3A_1182 = arith.constant 11.3137083 : f32
        %mul3A_1183 = vector.broadcast %mul3A_1182 : f32 to vector<16xf32>
        %mul3A_1184 = arith.mulf %get3A_1181, %mul3A_1183 : vector<16xf32>
        %add3A_1185 = arith.constant 40 : i32
        %add3A_1186 = arith.addi %add3A_1185, %scan3A_1067 : i32
        %get3A_1187 = arith.index_cast %add3A_1186 : i32 to index
        %get3A_1188 = arith.constant 64 : index
        %get3A_1189 = tpu.vector_load %arg6[%get3A_1187, %get3A_1188] {strides = array<i32>} : memref<200x128xf32, #tpu.memory_space<vmem>>, vector<1x16xf32>,
        %get3A_1190 = vector.shape_cast %get3A_1189 : vector<1x16xf32> to vector<16xf32>
        %add3A_1191 = arith.addf %mul3A_1184, %get3A_1190 : vector<16xf32>
        %swap3A_1192 = arith.constant 0 : i32
        %swap3A_1193 = arith.constant 0 : i32
        %swap3A_1194 = tpu.memref_slice %arg8[%scan3A_397, %swap3A_1192, %swap3A_1193] : memref<10x40x128xf32, #tpu.memory_space<vmem>> -> memref<1x40x128xf32, #tpu.memory_space<vmem>>
        %swap3A_1195 = tpu.memref_squeeze %swap3A_1194 : memref<1x40x128xf32, #tpu.memory_space<vmem>> -> memref<40x128xf32, #tpu.memory_space<vmem>>
        %swap3A_1196 = arith.index_cast %scan3A_1067 : i32 to index
        %swap3A_1197 = arith.constant 64 : index
        %swap3A_1198 = tpu.vector_load %swap3A_1195[%swap3A_1196, %swap3A_1197] {strides = array<i32>} : memref<40x128xf32, #tpu.memory_space<vmem>>, vector<1x16xf32>,
        %swap3A_1199 = vector.shape_cast %swap3A_1198 : vector<1x16xf32> to vector<16xf32>
        %swap3A_1200 = vector.shape_cast %add3A_1191 : vector<16xf32> to vector<1x16xf32>
        tpu.vector_store %swap3A_1195[%swap3A_1196, %swap3A_1197], %swap3A_1200 {strides = array<i32>} : memref<40x128xf32, #tpu.memory_space<vmem>>, vector<1x16xf32>,
        %get3A_1201 = arith.constant 0 : i32
        %get3A_1202 = arith.constant 0 : i32
        %get3A_1203 = tpu.memref_slice %arg8[%scan3A_397, %get3A_1201, %get3A_1202] : memref<10x40x128xf32, #tpu.memory_space<vmem>> -> memref<1x40x128xf32, #tpu.memory_space<vmem>>
        %get3A_1204 = tpu.memref_squeeze %get3A_1203 : memref<1x40x128xf32, #tpu.memory_space<vmem>> -> memref<40x128xf32, #tpu.memory_space<vmem>>
        %get3A_1205 = arith.index_cast %scan3A_1067 : i32 to index
        %get3A_1206 = arith.constant 80 : index
        %get3A_1207 = tpu.vector_load %get3A_1204[%get3A_1205, %get3A_1206] {strides = array<i32>} : memref<40x128xf32, #tpu.memory_space<vmem>>, vector<1x16xf32>,
        %get3A_1208 = vector.shape_cast %get3A_1207 : vector<1x16xf32> to vector<16xf32>
        %mul3A_1209 = arith.constant 11.3137083 : f32
        %mul3A_1210 = vector.broadcast %mul3A_1209 : f32 to vector<16xf32>
        %mul3A_1211 = arith.mulf %get3A_1208, %mul3A_1210 : vector<16xf32>
        %add3A_1212 = arith.constant 40 : i32
        %add3A_1213 = arith.addi %add3A_1212, %scan3A_1067 : i32
        %get3A_1214 = arith.index_cast %add3A_1213 : i32 to index
        %get3A_1215 = arith.constant 80 : index
        %get3A_1216 = tpu.vector_load %arg6[%get3A_1214, %get3A_1215] {strides = array<i32>} : memref<200x128xf32, #tpu.memory_space<vmem>>, vector<1x16xf32>,
        %get3A_1217 = vector.shape_cast %get3A_1216 : vector<1x16xf32> to vector<16xf32>
        %add3A_1218 = arith.addf %mul3A_1211, %get3A_1217 : vector<16xf32>
        %swap3A_1219 = arith.constant 0 : i32
        %swap3A_1220 = arith.constant 0 : i32
        %swap3A_1221 = tpu.memref_slice %arg8[%scan3A_397, %swap3A_1219, %swap3A_1220] : memref<10x40x128xf32, #tpu.memory_space<vmem>> -> memref<1x40x128xf32, #tpu.memory_space<vmem>>
        %swap3A_1222 = tpu.memref_squeeze %swap3A_1221 : memref<1x40x128xf32, #tpu.memory_space<vmem>> -> memref<40x128xf32, #tpu.memory_space<vmem>>
        %swap3A_1223 = arith.index_cast %scan3A_1067 : i32 to index
        %swap3A_1224 = arith.constant 80 : index
        %swap3A_1225 = tpu.vector_load %swap3A_1222[%swap3A_1223, %swap3A_1224] {strides = array<i32>} : memref<40x128xf32, #tpu.memory_space<vmem>>, vector<1x16xf32>,
        %swap3A_1226 = vector.shape_cast %swap3A_1225 : vector<1x16xf32> to vector<16xf32>
        %swap3A_1227 = vector.shape_cast %add3A_1218 : vector<16xf32> to vector<1x16xf32>
        tpu.vector_store %swap3A_1222[%swap3A_1223, %swap3A_1224], %swap3A_1227 {strides = array<i32>} : memref<40x128xf32, #tpu.memory_space<vmem>>, vector<1x16xf32>,
        %get3A_1228 = arith.constant 0 : i32
        %get3A_1229 = arith.constant 0 : i32
        %get3A_1230 = tpu.memref_slice %arg8[%scan3A_397, %get3A_1228, %get3A_1229] : memref<10x40x128xf32, #tpu.memory_space<vmem>> -> memref<1x40x128xf32, #tpu.memory_space<vmem>>
        %get3A_1231 = tpu.memref_squeeze %get3A_1230 : memref<1x40x128xf32, #tpu.memory_space<vmem>> -> memref<40x128xf32, #tpu.memory_space<vmem>>
        %get3A_1232 = arith.index_cast %scan3A_1067 : i32 to index
        %get3A_1233 = arith.constant 96 : index
        %get3A_1234 = tpu.vector_load %get3A_1231[%get3A_1232, %get3A_1233] {strides = array<i32>} : memref<40x128xf32, #tpu.memory_space<vmem>>, vector<1x16xf32>,
        %get3A_1235 = vector.shape_cast %get3A_1234 : vector<1x16xf32> to vector<16xf32>
        %mul3A_1236 = arith.constant 11.3137083 : f32
        %mul3A_1237 = vector.broadcast %mul3A_1236 : f32 to vector<16xf32>
        %mul3A_1238 = arith.mulf %get3A_1235, %mul3A_1237 : vector<16xf32>
        %add3A_1239 = arith.constant 40 : i32
        %add3A_1240 = arith.addi %add3A_1239, %scan3A_1067 : i32
        %get3A_1241 = arith.index_cast %add3A_1240 : i32 to index
        %get3A_1242 = arith.constant 96 : index
        %get3A_1243 = tpu.vector_load %arg6[%get3A_1241, %get3A_1242] {strides = array<i32>} : memref<200x128xf32, #tpu.memory_space<vmem>>, vector<1x16xf32>,
        %get3A_1244 = vector.shape_cast %get3A_1243 : vector<1x16xf32> to vector<16xf32>
        %add3A_1245 = arith.addf %mul3A_1238, %get3A_1244 : vector<16xf32>
        %swap3A_1246 = arith.constant 0 : i32
        %swap3A_1247 = arith.constant 0 : i32
        %swap3A_1248 = tpu.memref_slice %arg8[%scan3A_397, %swap3A_1246, %swap3A_1247] : memref<10x40x128xf32, #tpu.memory_space<vmem>> -> memref<1x40x128xf32, #tpu.memory_space<vmem>>
        %swap3A_1249 = tpu.memref_squeeze %swap3A_1248 : memref<1x40x128xf32, #tpu.memory_space<vmem>> -> memref<40x128xf32, #tpu.memory_space<vmem>>
        %swap3A_1250 = arith.index_cast %scan3A_1067 : i32 to index
        %swap3A_1251 = arith.constant 96 : index
        %swap3A_1252 = tpu.vector_load %swap3A_1249[%swap3A_1250, %swap3A_1251] {strides = array<i32>} : memref<40x128xf32, #tpu.memory_space<vmem>>, vector<1x16xf32>,
        %swap3A_1253 = vector.shape_cast %swap3A_1252 : vector<1x16xf32> to vector<16xf32>
        %swap3A_1254 = vector.shape_cast %add3A_1245 : vector<16xf32> to vector<1x16xf32>
        tpu.vector_store %swap3A_1249[%swap3A_1250, %swap3A_1251], %swap3A_1254 {strides = array<i32>} : memref<40x128xf32, #tpu.memory_space<vmem>>, vector<1x16xf32>,
        %get3A_1255 = arith.constant 0 : i32
        %get3A_1256 = arith.constant 0 : i32
        %get3A_1257 = tpu.memref_slice %arg8[%scan3A_397, %get3A_1255, %get3A_1256] : memref<10x40x128xf32, #tpu.memory_space<vmem>> -> memref<1x40x128xf32, #tpu.memory_space<vmem>>
        %get3A_1258 = tpu.memref_squeeze %get3A_1257 : memref<1x40x128xf32, #tpu.memory_space<vmem>> -> memref<40x128xf32, #tpu.memory_space<vmem>>
        %get3A_1259 = arith.index_cast %scan3A_1067 : i32 to index
        %get3A_1260 = arith.constant 112 : index
        %get3A_1261 = tpu.vector_load %get3A_1258[%get3A_1259, %get3A_1260] {strides = array<i32>} : memref<40x128xf32, #tpu.memory_space<vmem>>, vector<1x16xf32>,
        %get3A_1262 = vector.shape_cast %get3A_1261 : vector<1x16xf32> to vector<16xf32>
        %mul3A_1263 = arith.constant 11.3137083 : f32
        %mul3A_1264 = vector.broadcast %mul3A_1263 : f32 to vector<16xf32>
        %mul3A_1265 = arith.mulf %get3A_1262, %mul3A_1264 : vector<16xf32>
        %add3A_1266 = arith.constant 40 : i32
        %add3A_1267 = arith.addi %add3A_1266, %scan3A_1067 : i32
        %get3A_1268 = arith.index_cast %add3A_1267 : i32 to index
        %get3A_1269 = arith.constant 112 : index
        %get3A_1270 = tpu.vector_load %arg6[%get3A_1268, %get3A_1269] {strides = array<i32>} : memref<200x128xf32, #tpu.memory_space<vmem>>, vector<1x16xf32>,
        %get3A_1271 = vector.shape_cast %get3A_1270 : vector<1x16xf32> to vector<16xf32>
        %add3A_1272 = arith.addf %mul3A_1265, %get3A_1271 : vector<16xf32>
        %swap3A_1273 = arith.constant 0 : i32
        %swap3A_1274 = arith.constant 0 : i32
        %swap3A_1275 = tpu.memref_slice %arg8[%scan3A_397, %swap3A_1273, %swap3A_1274] : memref<10x40x128xf32, #tpu.memory_space<vmem>> -> memref<1x40x128xf32, #tpu.memory_space<vmem>>
        %swap3A_1276 = tpu.memref_squeeze %swap3A_1275 : memref<1x40x128xf32, #tpu.memory_space<vmem>> -> memref<40x128xf32, #tpu.memory_space<vmem>>
        %swap3A_1277 = arith.index_cast %scan3A_1067 : i32 to index
        %swap3A_1278 = arith.constant 112 : index
        %swap3A_1279 = tpu.vector_load %swap3A_1276[%swap3A_1277, %swap3A_1278] {strides = array<i32>} : memref<40x128xf32, #tpu.memory_space<vmem>>, vector<1x16xf32>,
        %swap3A_1280 = vector.shape_cast %swap3A_1279 : vector<1x16xf32> to vector<16xf32>
        %swap3A_1281 = vector.shape_cast %add3A_1272 : vector<16xf32> to vector<1x16xf32>
        tpu.vector_store %swap3A_1276[%swap3A_1277, %swap3A_1278], %swap3A_1281 {strides = array<i32>} : memref<40x128xf32, #tpu.memory_space<vmem>>, vector<1x16xf32>,
      }
      %scan3A_402 = arith.constant 40 : i32
      %add3A_403 = arith.constant 2 : i32
      %add3A_404 = arith.addi %mul3A_248, %add3A_403 : i32
      %jit3A_405 = arith.constant 5 : i32
      %div3A_406 = arith.divsi %mul3A_248, %jit3A_405 : i32
      %sign3A_407 = arith.constant 0 : i32
      %sign3A_408 = arith.cmpi sgt, %mul3A_248, %sign3A_407 : i32
      %sign3A_409 = arith.extui %sign3A_408 : i1 to i32
      %sign3A_410 = arith.constant 0 : i32
      %sign3A_411 = arith.cmpi slt, %mul3A_248, %sign3A_410 : i32
      %sign3A_412 = arith.extui %sign3A_411 : i1 to i32
      %sign3A_413 = arith.subi %sign3A_409, %sign3A_412 : i32
      %sign3A_414 = arith.constant 0 : i32
      %sign3A_415 = arith.cmpi sgt, %jit3A_405, %sign3A_414 : i32
      %sign3A_416 = arith.extui %sign3A_415 : i1 to i32
      %sign3A_417 = arith.constant 0 : i32
      %sign3A_418 = arith.cmpi slt, %jit3A_405, %sign3A_417 : i32
      %sign3A_419 = arith.extui %sign3A_418 : i1 to i32
      %sign3A_420 = arith.subi %sign3A_416, %sign3A_419 : i32
      %ne3A_421 = arith.cmpi ne, %sign3A_413, %sign3A_420 : i32
      %rem3A_422 = arith.remsi %mul3A_248, %jit3A_405 : i32
      %ne3A_423 = arith.constant 0 : i32
      %ne3A_424 = arith.cmpi ne, %rem3A_422, %ne3A_423 : i32
      %and3A_425 = arith.andi %ne3A_421, %ne3A_424 : i1
      %sub3A_426 = arith.constant 1 : i32
      %sub3A_427 = arith.subi %div3A_406, %sub3A_426 : i32
      %select_n3A_428 = arith.select %and3A_425, %sub3A_427, %div3A_406 : i32
      %add3A_429 = arith.constant 0 : i32
      %add3A_430 = arith.addi %select_n3A_428, %add3A_429 : i32
      %jit3A_431 = arith.constant 5 : i32
      %div3A_432 = arith.divsi %mul3A_248, %jit3A_431 : i32
      %sign3A_433 = arith.constant 0 : i32
      %sign3A_434 = arith.cmpi sgt, %mul3A_248, %sign3A_433 : i32
      %sign3A_435 = arith.extui %sign3A_434 : i1 to i32
      %sign3A_436 = arith.constant 0 : i32
      %sign3A_437 = arith.cmpi slt, %mul3A_248, %sign3A_436 : i32
      %sign3A_438 = arith.extui %sign3A_437 : i1 to i32
      %sign3A_439 = arith.subi %sign3A_435, %sign3A_438 : i32
      %sign3A_440 = arith.constant 0 : i32
      %sign3A_441 = arith.cmpi sgt, %jit3A_431, %sign3A_440 : i32
      %sign3A_442 = arith.extui %sign3A_441 : i1 to i32
      %sign3A_443 = arith.constant 0 : i32
      %sign3A_444 = arith.cmpi slt, %jit3A_431, %sign3A_443 : i32
      %sign3A_445 = arith.extui %sign3A_444 : i1 to i32
      %sign3A_446 = arith.subi %sign3A_442, %sign3A_445 : i32
      %ne3A_447 = arith.cmpi ne, %sign3A_439, %sign3A_446 : i32
      %rem3A_448 = arith.remsi %mul3A_248, %jit3A_431 : i32
      %ne3A_449 = arith.constant 0 : i32
      %ne3A_450 = arith.cmpi ne, %rem3A_448, %ne3A_449 : i32
      %and3A_451 = arith.andi %ne3A_447, %ne3A_450 : i1
      %sub3A_452 = arith.constant 1 : i32
      %sub3A_453 = arith.subi %div3A_432, %sub3A_452 : i32
      %select_n3A_454 = arith.select %and3A_451, %sub3A_453, %div3A_432 : i32
      %add3A_455 = arith.constant 0 : i32
      %add3A_456 = arith.addi %select_n3A_454, %add3A_455 : i32
      %ge3A_457 = arith.constant 1 : i32
      %ge3A_458 = arith.cmpi sge, %add3A_404, %ge3A_457 : i32
      %convert_element_type3A_459 = arith.extui %ge3A_458 : i1 to i32
      %cond3A_460 = arith.constant 0 : i32
      %cond3A_461 = arith.cmpi ne, %convert_element_type3A_459, %cond3A_460 : i32
      scf.if %cond3A_461 {
        %add3A_1067 = arith.addi %mul3A_2, %add3A_456 : i32
        %dma_start3A_1068 = arith.constant 1 : i32
        %dma_start3A_1069 = arith.constant 0 : i32
        %dma_start3A_1070 = arith.constant 0 : i32
        %dma_start3A_1071 = tpu.memref_slice %arg8[%dma_start3A_1068, %dma_start3A_1069, %dma_start3A_1070] : memref<10x40x128xf32, #tpu.memory_space<vmem>> -> memref<1x40x128xf32, #tpu.memory_space<vmem>>
        %dma_start3A_1072 = tpu.memref_squeeze %dma_start3A_1071 : memref<1x40x128xf32, #tpu.memory_space<vmem>> -> memref<40x128xf32, #tpu.memory_space<vmem>>
        %dma_start3A_1073 = arith.constant 40 : i32
        %dma_start3A_1074 = arith.constant 0 : i32
        %dma_start3A_1075 = tpu.memref_slice %arg5[%add3A_1067, %dma_start3A_1073, %dma_start3A_1074] : memref<4096x200x128xf32, #tpu.memory_space<hbm>> -> memref<1x40x128xf32, #tpu.memory_space<hbm>>
        %dma_start3A_1076 = tpu.memref_squeeze %dma_start3A_1075 : memref<1x40x128xf32, #tpu.memory_space<hbm>> -> memref<40x128xf32, #tpu.memory_space<hbm>>
        %dma_start3A_1077 = arith.constant 40 : i32
        %dma_start3A_1078 = arith.constant 0 : i32
        %dma_start3A_1079 = tpu.memref_slice %arg5[%add3A_1067, %dma_start3A_1077, %dma_start3A_1078] : memref<4096x200x128xf32, #tpu.memory_space<hbm>> -> memref<1x40x128xf32, #tpu.memory_space<hbm>>
        %dma_start3A_1080 = tpu.memref_squeeze %dma_start3A_1079 : memref<1x40x128xf32, #tpu.memory_space<hbm>> -> memref<40x128xf32, #tpu.memory_space<hbm>>
        %dma_start3A_1081 = arith.constant 0 : i32
        %dma_start3A_1082 = arith.constant 0 : i32
        %dma_start3A_1083 = tpu.memref_slice %arg8[%dma_start3A_1068, %dma_start3A_1081, %dma_start3A_1082] : memref<10x40x128xf32, #tpu.memory_space<vmem>> -> memref<1x40x128xf32, #tpu.memory_space<vmem>>
        %dma_start3A_1084 = tpu.memref_squeeze %dma_start3A_1083 : memref<1x40x128xf32, #tpu.memory_space<vmem>> -> memref<40x128xf32, #tpu.memory_space<vmem>>
        tpu.enqueue_dma source(%dma_start3A_1084 : memref<40x128xf32, #tpu.memory_space<vmem>>) target(%dma_start3A_1080 : memref<40x128xf32, #tpu.memory_space<hbm>>) target_semaphore(%arg20 : memref<!tpu.dma_semaphore, #tpu.memory_space<semaphore_mem>>)
      } else {
      }
      %add3A_462 = arith.constant 5 : i32
      %add3A_463 = arith.addi %add3A_404, %add3A_462 : i32
      %lt3A_464 = arith.constant 640 : i32
      %lt3A_465 = arith.cmpi slt, %add3A_463, %lt3A_464 : i32
      %convert_element_type3A_466 = arith.extui %lt3A_465 : i1 to i32
      %cond3A_467 = arith.constant 0 : i32
      %cond3A_468 = arith.cmpi ne, %convert_element_type3A_466, %cond3A_467 : i32
      scf.if %cond3A_468 {
        %ge3A_1067 = arith.constant 5 : i32
        %ge3A_1068 = arith.cmpi sge, %add3A_404, %ge3A_1067 : i32
        %convert_element_type3A_1069 = arith.extui %ge3A_1068 : i1 to i32
        %cond3A_1070 = arith.constant 0 : i32
        %cond3A_1071 = arith.cmpi ne, %convert_element_type3A_1069, %cond3A_1070 : i32
        scf.if %cond3A_1071 {
          %dma_wait3A_1085 = arith.constant 7 : i32
          %dma_wait3A_1086 = arith.constant 0 : i32
          %dma_wait3A_1087 = arith.constant 0 : i32
          %dma_wait3A_1088 = tpu.memref_slice %arg8[%dma_wait3A_1085, %dma_wait3A_1086, %dma_wait3A_1087] : memref<10x40x128xf32, #tpu.memory_space<vmem>> -> memref<1x40x128xf32, #tpu.memory_space<vmem>>
          %dma_wait3A_1089 = tpu.memref_squeeze %dma_wait3A_1088 : memref<1x40x128xf32, #tpu.memory_space<vmem>> -> memref<40x128xf32, #tpu.memory_space<vmem>>
          %dma_wait3A_1090 = arith.constant 0 : i32
          %dma_wait3A_1091 = arith.constant 0 : i32
          %dma_wait3A_1092 = tpu.memref_slice %arg5[%mul3A_2, %dma_wait3A_1090, %dma_wait3A_1091] : memref<4096x200x128xf32, #tpu.memory_space<hbm>> -> memref<1x40x128xf32, #tpu.memory_space<hbm>>
          %dma_wait3A_1093 = tpu.memref_squeeze %dma_wait3A_1092 : memref<1x40x128xf32, #tpu.memory_space<hbm>> -> memref<40x128xf32, #tpu.memory_space<hbm>>
          %dma_wait3A_1094 = arith.constant 0 : i32
          %dma_wait3A_1095 = arith.constant 0 : i32
          %dma_wait3A_1096 = tpu.memref_slice %arg5[%mul3A_2, %dma_wait3A_1094, %dma_wait3A_1095] : memref<4096x200x128xf32, #tpu.memory_space<hbm>> -> memref<1x40x128xf32, #tpu.memory_space<hbm>>
          %dma_wait3A_1097 = tpu.memref_squeeze %dma_wait3A_1096 : memref<1x40x128xf32, #tpu.memory_space<hbm>> -> memref<40x128xf32, #tpu.memory_space<hbm>>
          %dma_wait3A_1098 = arith.constant 0 : i32
          %dma_wait3A_1099 = arith.constant 0 : i32
          %dma_wait3A_1100 = tpu.memref_slice %arg8[%dma_wait3A_1085, %dma_wait3A_1098, %dma_wait3A_1099] : memref<10x40x128xf32, #tpu.memory_space<vmem>> -> memref<1x40x128xf32, #tpu.memory_space<vmem>>
          %dma_wait3A_1101 = tpu.memref_squeeze %dma_wait3A_1100 : memref<1x40x128xf32, #tpu.memory_space<vmem>> -> memref<40x128xf32, #tpu.memory_space<vmem>>
          tpu.wait_dma2 semaphore(%arg26 : memref<!tpu.dma_semaphore, #tpu.memory_space<semaphore_mem>>) src(%dma_wait3A_1101 : memref<40x128xf32, #tpu.memory_space<vmem>>) dst(%dma_wait3A_1097 : memref<40x128xf32, #tpu.memory_space<hbm>>)
        } else {
        }
        %add3A_1072 = arith.constant 5 : i32
        %add3A_1073 = arith.addi %add3A_404, %add3A_1072 : i32
        %mul3A_1074 = arith.constant 40 : i32
        %mul3A_1075 = arith.muli %add3A_1073, %mul3A_1074 : i32
        %dma_start3A_1076 = arith.constant 7 : i32
        %dma_start3A_1077 = arith.constant 0 : i32
        %dma_start3A_1078 = arith.constant 0 : i32
        %dma_start3A_1079 = tpu.memref_slice %arg8[%dma_start3A_1076, %dma_start3A_1077, %dma_start3A_1078] : memref<10x40x128xf32, #tpu.memory_space<vmem>> -> memref<1x40x128xf32, #tpu.memory_space<vmem>>
        %dma_start3A_1080 = tpu.memref_squeeze %dma_start3A_1079 : memref<1x40x128xf32, #tpu.memory_space<vmem>> -> memref<40x128xf32, #tpu.memory_space<vmem>>
        %dma_start3A_1081 = tpu.memref_slice %arg7[%mul3A_1075] : memref<25600xi32, #tpu.memory_space<vmem>> -> memref<40xi32, #tpu.memory_space<vmem>>
        %dma_start3A_1082 = arith.constant 0 : i32
        %dma_start3A_1083 = arith.constant 0 : i32
        %dma_start3A_1084 = tpu.memref_slice %arg4[%dma_start3A_1082, %dma_start3A_1083] : memref<100000x128xf32, #tpu.memory_space<hbm>> -> memref<100000x128xf32, #tpu.memory_space<hbm>>
        tpu.enqueue_indirect_dma source(%dma_start3A_1084 : memref<100000x128xf32, #tpu.memory_space<hbm>>) target(%dma_start3A_1080 : memref<40x128xf32, #tpu.memory_space<vmem>>) offsets(%dma_start3A_1081 : memref<40xi32, #tpu.memory_space<vmem>>) semaphore(%arg16 : memref<!tpu.dma_semaphore, #tpu.memory_space<semaphore_mem>>)
      } else {
      }
      %mul3A_469 = arith.constant 40 : i32
      %mul3A_470 = arith.muli %add3A_404, %mul3A_469 : i32
      %dma_wait3A_471 = arith.constant 2 : i32
      %dma_wait3A_472 = arith.constant 0 : i32
      %dma_wait3A_473 = arith.constant 0 : i32
      %dma_wait3A_474 = tpu.memref_slice %arg8[%dma_wait3A_471, %dma_wait3A_472, %dma_wait3A_473] : memref<10x40x128xf32, #tpu.memory_space<vmem>> -> memref<1x40x128xf32, #tpu.memory_space<vmem>>
      %dma_wait3A_475 = tpu.memref_squeeze %dma_wait3A_474 : memref<1x40x128xf32, #tpu.memory_space<vmem>> -> memref<40x128xf32, #tpu.memory_space<vmem>>
      %dma_wait3A_476 = tpu.memref_slice %arg7[%mul3A_470] : memref<25600xi32, #tpu.memory_space<vmem>> -> memref<40xi32, #tpu.memory_space<vmem>>
      %dma_wait3A_477 = arith.constant 0 : i32
      %dma_wait3A_478 = arith.constant 0 : i32
      %dma_wait3A_479 = tpu.memref_slice %arg4[%dma_wait3A_477, %dma_wait3A_478] : memref<100000x128xf32, #tpu.memory_space<hbm>> -> memref<100000x128xf32, #tpu.memory_space<hbm>>
      tpu.wait_indirect_dma semaphore(%arg11 : memref<!tpu.dma_semaphore, #tpu.memory_space<semaphore_mem>>) src(%dma_wait3A_479 : memref<100000x128xf32, #tpu.memory_space<hbm>>) dst(%dma_wait3A_475 : memref<40x128xf32, #tpu.memory_space<vmem>>)
      %scan3A_480 = arith.constant 2 : i32
      %scan3A_481 = arith.constant 0 : i32
      %scan3A_482 = arith.constant 40 : i32
      %scan3A_483 = arith.addi %scan3A_481, %scan3A_482 : i32
      %scan3A_484 = arith.constant 1 : i32
      scf.for %scan3A_1067 = %scan3A_481 to %scan3A_483 step %scan3A_484  : i32 {
        %get3A = arith.constant 0 : i32
        %get3A_1068 = arith.constant 0 : i32
        %get3A_1069 = tpu.memref_slice %arg8[%scan3A_480, %get3A, %get3A_1068] : memref<10x40x128xf32, #tpu.memory_space<vmem>> -> memref<1x40x128xf32, #tpu.memory_space<vmem>>
        %get3A_1070 = tpu.memref_squeeze %get3A_1069 : memref<1x40x128xf32, #tpu.memory_space<vmem>> -> memref<40x128xf32, #tpu.memory_space<vmem>>
        %get3A_1071 = arith.index_cast %scan3A_1067 : i32 to index
        %get3A_1072 = arith.constant 0 : index
        %get3A_1073 = tpu.vector_load %get3A_1070[%get3A_1071, %get3A_1072] {strides = array<i32>} : memref<40x128xf32, #tpu.memory_space<vmem>>, vector<1x16xf32>,
        %get3A_1074 = vector.shape_cast %get3A_1073 : vector<1x16xf32> to vector<16xf32>
        %mul3A_1075 = arith.constant 11.3137083 : f32
        %mul3A_1076 = vector.broadcast %mul3A_1075 : f32 to vector<16xf32>
        %mul3A_1077 = arith.mulf %get3A_1074, %mul3A_1076 : vector<16xf32>
        %add3A_1078 = arith.constant 80 : i32
        %add3A_1079 = arith.addi %add3A_1078, %scan3A_1067 : i32
        %get3A_1080 = arith.index_cast %add3A_1079 : i32 to index
        %get3A_1081 = arith.constant 0 : index
        %get3A_1082 = tpu.vector_load %arg6[%get3A_1080, %get3A_1081] {strides = array<i32>} : memref<200x128xf32, #tpu.memory_space<vmem>>, vector<1x16xf32>,
        %get3A_1083 = vector.shape_cast %get3A_1082 : vector<1x16xf32> to vector<16xf32>
        %add3A_1084 = arith.addf %mul3A_1077, %get3A_1083 : vector<16xf32>
        %swap3A = arith.constant 0 : i32
        %swap3A_1085 = arith.constant 0 : i32
        %swap3A_1086 = tpu.memref_slice %arg8[%scan3A_480, %swap3A, %swap3A_1085] : memref<10x40x128xf32, #tpu.memory_space<vmem>> -> memref<1x40x128xf32, #tpu.memory_space<vmem>>
        %swap3A_1087 = tpu.memref_squeeze %swap3A_1086 : memref<1x40x128xf32, #tpu.memory_space<vmem>> -> memref<40x128xf32, #tpu.memory_space<vmem>>
        %swap3A_1088 = arith.index_cast %scan3A_1067 : i32 to index
        %swap3A_1089 = arith.constant 0 : index
        %swap3A_1090 = tpu.vector_load %swap3A_1087[%swap3A_1088, %swap3A_1089] {strides = array<i32>} : memref<40x128xf32, #tpu.memory_space<vmem>>, vector<1x16xf32>,
        %swap3A_1091 = vector.shape_cast %swap3A_1090 : vector<1x16xf32> to vector<16xf32>
        %swap3A_1092 = vector.shape_cast %add3A_1084 : vector<16xf32> to vector<1x16xf32>
        tpu.vector_store %swap3A_1087[%swap3A_1088, %swap3A_1089], %swap3A_1092 {strides = array<i32>} : memref<40x128xf32, #tpu.memory_space<vmem>>, vector<1x16xf32>,
        %get3A_1093 = arith.constant 0 : i32
        %get3A_1094 = arith.constant 0 : i32
        %get3A_1095 = tpu.memref_slice %arg8[%scan3A_480, %get3A_1093, %get3A_1094] : memref<10x40x128xf32, #tpu.memory_space<vmem>> -> memref<1x40x128xf32, #tpu.memory_space<vmem>>
        %get3A_1096 = tpu.memref_squeeze %get3A_1095 : memref<1x40x128xf32, #tpu.memory_space<vmem>> -> memref<40x128xf32, #tpu.memory_space<vmem>>
        %get3A_1097 = arith.index_cast %scan3A_1067 : i32 to index
        %get3A_1098 = arith.constant 16 : index
        %get3A_1099 = tpu.vector_load %get3A_1096[%get3A_1097, %get3A_1098] {strides = array<i32>} : memref<40x128xf32, #tpu.memory_space<vmem>>, vector<1x16xf32>,
        %get3A_1100 = vector.shape_cast %get3A_1099 : vector<1x16xf32> to vector<16xf32>
        %mul3A_1101 = arith.constant 11.3137083 : f32
        %mul3A_1102 = vector.broadcast %mul3A_1101 : f32 to vector<16xf32>
        %mul3A_1103 = arith.mulf %get3A_1100, %mul3A_1102 : vector<16xf32>
        %add3A_1104 = arith.constant 80 : i32
        %add3A_1105 = arith.addi %add3A_1104, %scan3A_1067 : i32
        %get3A_1106 = arith.index_cast %add3A_1105 : i32 to index
        %get3A_1107 = arith.constant 16 : index
        %get3A_1108 = tpu.vector_load %arg6[%get3A_1106, %get3A_1107] {strides = array<i32>} : memref<200x128xf32, #tpu.memory_space<vmem>>, vector<1x16xf32>,
        %get3A_1109 = vector.shape_cast %get3A_1108 : vector<1x16xf32> to vector<16xf32>
        %add3A_1110 = arith.addf %mul3A_1103, %get3A_1109 : vector<16xf32>
        %swap3A_1111 = arith.constant 0 : i32
        %swap3A_1112 = arith.constant 0 : i32
        %swap3A_1113 = tpu.memref_slice %arg8[%scan3A_480, %swap3A_1111, %swap3A_1112] : memref<10x40x128xf32, #tpu.memory_space<vmem>> -> memref<1x40x128xf32, #tpu.memory_space<vmem>>
        %swap3A_1114 = tpu.memref_squeeze %swap3A_1113 : memref<1x40x128xf32, #tpu.memory_space<vmem>> -> memref<40x128xf32, #tpu.memory_space<vmem>>
        %swap3A_1115 = arith.index_cast %scan3A_1067 : i32 to index
        %swap3A_1116 = arith.constant 16 : index
        %swap3A_1117 = tpu.vector_load %swap3A_1114[%swap3A_1115, %swap3A_1116] {strides = array<i32>} : memref<40x128xf32, #tpu.memory_space<vmem>>, vector<1x16xf32>,
        %swap3A_1118 = vector.shape_cast %swap3A_1117 : vector<1x16xf32> to vector<16xf32>
        %swap3A_1119 = vector.shape_cast %add3A_1110 : vector<16xf32> to vector<1x16xf32>
        tpu.vector_store %swap3A_1114[%swap3A_1115, %swap3A_1116], %swap3A_1119 {strides = array<i32>} : memref<40x128xf32, #tpu.memory_space<vmem>>, vector<1x16xf32>,
        %get3A_1120 = arith.constant 0 : i32
        %get3A_1121 = arith.constant 0 : i32
        %get3A_1122 = tpu.memref_slice %arg8[%scan3A_480, %get3A_1120, %get3A_1121] : memref<10x40x128xf32, #tpu.memory_space<vmem>> -> memref<1x40x128xf32, #tpu.memory_space<vmem>>
        %get3A_1123 = tpu.memref_squeeze %get3A_1122 : memref<1x40x128xf32, #tpu.memory_space<vmem>> -> memref<40x128xf32, #tpu.memory_space<vmem>>
        %get3A_1124 = arith.index_cast %scan3A_1067 : i32 to index
        %get3A_1125 = arith.constant 32 : index
        %get3A_1126 = tpu.vector_load %get3A_1123[%get3A_1124, %get3A_1125] {strides = array<i32>} : memref<40x128xf32, #tpu.memory_space<vmem>>, vector<1x16xf32>,
        %get3A_1127 = vector.shape_cast %get3A_1126 : vector<1x16xf32> to vector<16xf32>
        %mul3A_1128 = arith.constant 11.3137083 : f32
        %mul3A_1129 = vector.broadcast %mul3A_1128 : f32 to vector<16xf32>
        %mul3A_1130 = arith.mulf %get3A_1127, %mul3A_1129 : vector<16xf32>
        %add3A_1131 = arith.constant 80 : i32
        %add3A_1132 = arith.addi %add3A_1131, %scan3A_1067 : i32
        %get3A_1133 = arith.index_cast %add3A_1132 : i32 to index
        %get3A_1134 = arith.constant 32 : index
        %get3A_1135 = tpu.vector_load %arg6[%get3A_1133, %get3A_1134] {strides = array<i32>} : memref<200x128xf32, #tpu.memory_space<vmem>>, vector<1x16xf32>,
        %get3A_1136 = vector.shape_cast %get3A_1135 : vector<1x16xf32> to vector<16xf32>
        %add3A_1137 = arith.addf %mul3A_1130, %get3A_1136 : vector<16xf32>
        %swap3A_1138 = arith.constant 0 : i32
        %swap3A_1139 = arith.constant 0 : i32
        %swap3A_1140 = tpu.memref_slice %arg8[%scan3A_480, %swap3A_1138, %swap3A_1139] : memref<10x40x128xf32, #tpu.memory_space<vmem>> -> memref<1x40x128xf32, #tpu.memory_space<vmem>>
        %swap3A_1141 = tpu.memref_squeeze %swap3A_1140 : memref<1x40x128xf32, #tpu.memory_space<vmem>> -> memref<40x128xf32, #tpu.memory_space<vmem>>
        %swap3A_1142 = arith.index_cast %scan3A_1067 : i32 to index
        %swap3A_1143 = arith.constant 32 : index
        %swap3A_1144 = tpu.vector_load %swap3A_1141[%swap3A_1142, %swap3A_1143] {strides = array<i32>} : memref<40x128xf32, #tpu.memory_space<vmem>>, vector<1x16xf32>,
        %swap3A_1145 = vector.shape_cast %swap3A_1144 : vector<1x16xf32> to vector<16xf32>
        %swap3A_1146 = vector.shape_cast %add3A_1137 : vector<16xf32> to vector<1x16xf32>
        tpu.vector_store %swap3A_1141[%swap3A_1142, %swap3A_1143], %swap3A_1146 {strides = array<i32>} : memref<40x128xf32, #tpu.memory_space<vmem>>, vector<1x16xf32>,
        %get3A_1147 = arith.constant 0 : i32
        %get3A_1148 = arith.constant 0 : i32
        %get3A_1149 = tpu.memref_slice %arg8[%scan3A_480, %get3A_1147, %get3A_1148] : memref<10x40x128xf32, #tpu.memory_space<vmem>> -> memref<1x40x128xf32, #tpu.memory_space<vmem>>
        %get3A_1150 = tpu.memref_squeeze %get3A_1149 : memref<1x40x128xf32, #tpu.memory_space<vmem>> -> memref<40x128xf32, #tpu.memory_space<vmem>>
        %get3A_1151 = arith.index_cast %scan3A_1067 : i32 to index
        %get3A_1152 = arith.constant 48 : index
        %get3A_1153 = tpu.vector_load %get3A_1150[%get3A_1151, %get3A_1152] {strides = array<i32>} : memref<40x128xf32, #tpu.memory_space<vmem>>, vector<1x16xf32>,
        %get3A_1154 = vector.shape_cast %get3A_1153 : vector<1x16xf32> to vector<16xf32>
        %mul3A_1155 = arith.constant 11.3137083 : f32
        %mul3A_1156 = vector.broadcast %mul3A_1155 : f32 to vector<16xf32>
        %mul3A_1157 = arith.mulf %get3A_1154, %mul3A_1156 : vector<16xf32>
        %add3A_1158 = arith.constant 80 : i32
        %add3A_1159 = arith.addi %add3A_1158, %scan3A_1067 : i32
        %get3A_1160 = arith.index_cast %add3A_1159 : i32 to index
        %get3A_1161 = arith.constant 48 : index
        %get3A_1162 = tpu.vector_load %arg6[%get3A_1160, %get3A_1161] {strides = array<i32>} : memref<200x128xf32, #tpu.memory_space<vmem>>, vector<1x16xf32>,
        %get3A_1163 = vector.shape_cast %get3A_1162 : vector<1x16xf32> to vector<16xf32>
        %add3A_1164 = arith.addf %mul3A_1157, %get3A_1163 : vector<16xf32>
        %swap3A_1165 = arith.constant 0 : i32
        %swap3A_1166 = arith.constant 0 : i32
        %swap3A_1167 = tpu.memref_slice %arg8[%scan3A_480, %swap3A_1165, %swap3A_1166] : memref<10x40x128xf32, #tpu.memory_space<vmem>> -> memref<1x40x128xf32, #tpu.memory_space<vmem>>
        %swap3A_1168 = tpu.memref_squeeze %swap3A_1167 : memref<1x40x128xf32, #tpu.memory_space<vmem>> -> memref<40x128xf32, #tpu.memory_space<vmem>>
        %swap3A_1169 = arith.index_cast %scan3A_1067 : i32 to index
        %swap3A_1170 = arith.constant 48 : index
        %swap3A_1171 = tpu.vector_load %swap3A_1168[%swap3A_1169, %swap3A_1170] {strides = array<i32>} : memref<40x128xf32, #tpu.memory_space<vmem>>, vector<1x16xf32>,
        %swap3A_1172 = vector.shape_cast %swap3A_1171 : vector<1x16xf32> to vector<16xf32>
        %swap3A_1173 = vector.shape_cast %add3A_1164 : vector<16xf32> to vector<1x16xf32>
        tpu.vector_store %swap3A_1168[%swap3A_1169, %swap3A_1170], %swap3A_1173 {strides = array<i32>} : memref<40x128xf32, #tpu.memory_space<vmem>>, vector<1x16xf32>,
        %get3A_1174 = arith.constant 0 : i32
        %get3A_1175 = arith.constant 0 : i32
        %get3A_1176 = tpu.memref_slice %arg8[%scan3A_480, %get3A_1174, %get3A_1175] : memref<10x40x128xf32, #tpu.memory_space<vmem>> -> memref<1x40x128xf32, #tpu.memory_space<vmem>>
        %get3A_1177 = tpu.memref_squeeze %get3A_1176 : memref<1x40x128xf32, #tpu.memory_space<vmem>> -> memref<40x128xf32, #tpu.memory_space<vmem>>
        %get3A_1178 = arith.index_cast %scan3A_1067 : i32 to index
        %get3A_1179 = arith.constant 64 : index
        %get3A_1180 = tpu.vector_load %get3A_1177[%get3A_1178, %get3A_1179] {strides = array<i32>} : memref<40x128xf32, #tpu.memory_space<vmem>>, vector<1x16xf32>,
        %get3A_1181 = vector.shape_cast %get3A_1180 : vector<1x16xf32> to vector<16xf32>
        %mul3A_1182 = arith.constant 11.3137083 : f32
        %mul3A_1183 = vector.broadcast %mul3A_1182 : f32 to vector<16xf32>
        %mul3A_1184 = arith.mulf %get3A_1181, %mul3A_1183 : vector<16xf32>
        %add3A_1185 = arith.constant 80 : i32
        %add3A_1186 = arith.addi %add3A_1185, %scan3A_1067 : i32
        %get3A_1187 = arith.index_cast %add3A_1186 : i32 to index
        %get3A_1188 = arith.constant 64 : index
        %get3A_1189 = tpu.vector_load %arg6[%get3A_1187, %get3A_1188] {strides = array<i32>} : memref<200x128xf32, #tpu.memory_space<vmem>>, vector<1x16xf32>,
        %get3A_1190 = vector.shape_cast %get3A_1189 : vector<1x16xf32> to vector<16xf32>
        %add3A_1191 = arith.addf %mul3A_1184, %get3A_1190 : vector<16xf32>
        %swap3A_1192 = arith.constant 0 : i32
        %swap3A_1193 = arith.constant 0 : i32
        %swap3A_1194 = tpu.memref_slice %arg8[%scan3A_480, %swap3A_1192, %swap3A_1193] : memref<10x40x128xf32, #tpu.memory_space<vmem>> -> memref<1x40x128xf32, #tpu.memory_space<vmem>>
        %swap3A_1195 = tpu.memref_squeeze %swap3A_1194 : memref<1x40x128xf32, #tpu.memory_space<vmem>> -> memref<40x128xf32, #tpu.memory_space<vmem>>
        %swap3A_1196 = arith.index_cast %scan3A_1067 : i32 to index
        %swap3A_1197 = arith.constant 64 : index
        %swap3A_1198 = tpu.vector_load %swap3A_1195[%swap3A_1196, %swap3A_1197] {strides = array<i32>} : memref<40x128xf32, #tpu.memory_space<vmem>>, vector<1x16xf32>,
        %swap3A_1199 = vector.shape_cast %swap3A_1198 : vector<1x16xf32> to vector<16xf32>
        %swap3A_1200 = vector.shape_cast %add3A_1191 : vector<16xf32> to vector<1x16xf32>
        tpu.vector_store %swap3A_1195[%swap3A_1196, %swap3A_1197], %swap3A_1200 {strides = array<i32>} : memref<40x128xf32, #tpu.memory_space<vmem>>, vector<1x16xf32>,
        %get3A_1201 = arith.constant 0 : i32
        %get3A_1202 = arith.constant 0 : i32
        %get3A_1203 = tpu.memref_slice %arg8[%scan3A_480, %get3A_1201, %get3A_1202] : memref<10x40x128xf32, #tpu.memory_space<vmem>> -> memref<1x40x128xf32, #tpu.memory_space<vmem>>
        %get3A_1204 = tpu.memref_squeeze %get3A_1203 : memref<1x40x128xf32, #tpu.memory_space<vmem>> -> memref<40x128xf32, #tpu.memory_space<vmem>>
        %get3A_1205 = arith.index_cast %scan3A_1067 : i32 to index
        %get3A_1206 = arith.constant 80 : index
        %get3A_1207 = tpu.vector_load %get3A_1204[%get3A_1205, %get3A_1206] {strides = array<i32>} : memref<40x128xf32, #tpu.memory_space<vmem>>, vector<1x16xf32>,
        %get3A_1208 = vector.shape_cast %get3A_1207 : vector<1x16xf32> to vector<16xf32>
        %mul3A_1209 = arith.constant 11.3137083 : f32
        %mul3A_1210 = vector.broadcast %mul3A_1209 : f32 to vector<16xf32>
        %mul3A_1211 = arith.mulf %get3A_1208, %mul3A_1210 : vector<16xf32>
        %add3A_1212 = arith.constant 80 : i32
        %add3A_1213 = arith.addi %add3A_1212, %scan3A_1067 : i32
        %get3A_1214 = arith.index_cast %add3A_1213 : i32 to index
        %get3A_1215 = arith.constant 80 : index
        %get3A_1216 = tpu.vector_load %arg6[%get3A_1214, %get3A_1215] {strides = array<i32>} : memref<200x128xf32, #tpu.memory_space<vmem>>, vector<1x16xf32>,
        %get3A_1217 = vector.shape_cast %get3A_1216 : vector<1x16xf32> to vector<16xf32>
        %add3A_1218 = arith.addf %mul3A_1211, %get3A_1217 : vector<16xf32>
        %swap3A_1219 = arith.constant 0 : i32
        %swap3A_1220 = arith.constant 0 : i32
        %swap3A_1221 = tpu.memref_slice %arg8[%scan3A_480, %swap3A_1219, %swap3A_1220] : memref<10x40x128xf32, #tpu.memory_space<vmem>> -> memref<1x40x128xf32, #tpu.memory_space<vmem>>
        %swap3A_1222 = tpu.memref_squeeze %swap3A_1221 : memref<1x40x128xf32, #tpu.memory_space<vmem>> -> memref<40x128xf32, #tpu.memory_space<vmem>>
        %swap3A_1223 = arith.index_cast %scan3A_1067 : i32 to index
        %swap3A_1224 = arith.constant 80 : index
        %swap3A_1225 = tpu.vector_load %swap3A_1222[%swap3A_1223, %swap3A_1224] {strides = array<i32>} : memref<40x128xf32, #tpu.memory_space<vmem>>, vector<1x16xf32>,
        %swap3A_1226 = vector.shape_cast %swap3A_1225 : vector<1x16xf32> to vector<16xf32>
        %swap3A_1227 = vector.shape_cast %add3A_1218 : vector<16xf32> to vector<1x16xf32>
        tpu.vector_store %swap3A_1222[%swap3A_1223, %swap3A_1224], %swap3A_1227 {strides = array<i32>} : memref<40x128xf32, #tpu.memory_space<vmem>>, vector<1x16xf32>,
        %get3A_1228 = arith.constant 0 : i32
        %get3A_1229 = arith.constant 0 : i32
        %get3A_1230 = tpu.memref_slice %arg8[%scan3A_480, %get3A_1228, %get3A_1229] : memref<10x40x128xf32, #tpu.memory_space<vmem>> -> memref<1x40x128xf32, #tpu.memory_space<vmem>>
        %get3A_1231 = tpu.memref_squeeze %get3A_1230 : memref<1x40x128xf32, #tpu.memory_space<vmem>> -> memref<40x128xf32, #tpu.memory_space<vmem>>
        %get3A_1232 = arith.index_cast %scan3A_1067 : i32 to index
        %get3A_1233 = arith.constant 96 : index
        %get3A_1234 = tpu.vector_load %get3A_1231[%get3A_1232, %get3A_1233] {strides = array<i32>} : memref<40x128xf32, #tpu.memory_space<vmem>>, vector<1x16xf32>,
        %get3A_1235 = vector.shape_cast %get3A_1234 : vector<1x16xf32> to vector<16xf32>
        %mul3A_1236 = arith.constant 11.3137083 : f32
        %mul3A_1237 = vector.broadcast %mul3A_1236 : f32 to vector<16xf32>
        %mul3A_1238 = arith.mulf %get3A_1235, %mul3A_1237 : vector<16xf32>
        %add3A_1239 = arith.constant 80 : i32
        %add3A_1240 = arith.addi %add3A_1239, %scan3A_1067 : i32
        %get3A_1241 = arith.index_cast %add3A_1240 : i32 to index
        %get3A_1242 = arith.constant 96 : index
        %get3A_1243 = tpu.vector_load %arg6[%get3A_1241, %get3A_1242] {strides = array<i32>} : memref<200x128xf32, #tpu.memory_space<vmem>>, vector<1x16xf32>,
        %get3A_1244 = vector.shape_cast %get3A_1243 : vector<1x16xf32> to vector<16xf32>
        %add3A_1245 = arith.addf %mul3A_1238, %get3A_1244 : vector<16xf32>
        %swap3A_1246 = arith.constant 0 : i32
        %swap3A_1247 = arith.constant 0 : i32
        %swap3A_1248 = tpu.memref_slice %arg8[%scan3A_480, %swap3A_1246, %swap3A_1247] : memref<10x40x128xf32, #tpu.memory_space<vmem>> -> memref<1x40x128xf32, #tpu.memory_space<vmem>>
        %swap3A_1249 = tpu.memref_squeeze %swap3A_1248 : memref<1x40x128xf32, #tpu.memory_space<vmem>> -> memref<40x128xf32, #tpu.memory_space<vmem>>
        %swap3A_1250 = arith.index_cast %scan3A_1067 : i32 to index
        %swap3A_1251 = arith.constant 96 : index
        %swap3A_1252 = tpu.vector_load %swap3A_1249[%swap3A_1250, %swap3A_1251] {strides = array<i32>} : memref<40x128xf32, #tpu.memory_space<vmem>>, vector<1x16xf32>,
        %swap3A_1253 = vector.shape_cast %swap3A_1252 : vector<1x16xf32> to vector<16xf32>
        %swap3A_1254 = vector.shape_cast %add3A_1245 : vector<16xf32> to vector<1x16xf32>
        tpu.vector_store %swap3A_1249[%swap3A_1250, %swap3A_1251], %swap3A_1254 {strides = array<i32>} : memref<40x128xf32, #tpu.memory_space<vmem>>, vector<1x16xf32>,
        %get3A_1255 = arith.constant 0 : i32
        %get3A_1256 = arith.constant 0 : i32
        %get3A_1257 = tpu.memref_slice %arg8[%scan3A_480, %get3A_1255, %get3A_1256] : memref<10x40x128xf32, #tpu.memory_space<vmem>> -> memref<1x40x128xf32, #tpu.memory_space<vmem>>
        %get3A_1258 = tpu.memref_squeeze %get3A_1257 : memref<1x40x128xf32, #tpu.memory_space<vmem>> -> memref<40x128xf32, #tpu.memory_space<vmem>>
        %get3A_1259 = arith.index_cast %scan3A_1067 : i32 to index
        %get3A_1260 = arith.constant 112 : index
        %get3A_1261 = tpu.vector_load %get3A_1258[%get3A_1259, %get3A_1260] {strides = array<i32>} : memref<40x128xf32, #tpu.memory_space<vmem>>, vector<1x16xf32>,
        %get3A_1262 = vector.shape_cast %get3A_1261 : vector<1x16xf32> to vector<16xf32>
        %mul3A_1263 = arith.constant 11.3137083 : f32
        %mul3A_1264 = vector.broadcast %mul3A_1263 : f32 to vector<16xf32>
        %mul3A_1265 = arith.mulf %get3A_1262, %mul3A_1264 : vector<16xf32>
        %add3A_1266 = arith.constant 80 : i32
        %add3A_1267 = arith.addi %add3A_1266, %scan3A_1067 : i32
        %get3A_1268 = arith.index_cast %add3A_1267 : i32 to index
        %get3A_1269 = arith.constant 112 : index
        %get3A_1270 = tpu.vector_load %arg6[%get3A_1268, %get3A_1269] {strides = array<i32>} : memref<200x128xf32, #tpu.memory_space<vmem>>, vector<1x16xf32>,
        %get3A_1271 = vector.shape_cast %get3A_1270 : vector<1x16xf32> to vector<16xf32>
        %add3A_1272 = arith.addf %mul3A_1265, %get3A_1271 : vector<16xf32>
        %swap3A_1273 = arith.constant 0 : i32
        %swap3A_1274 = arith.constant 0 : i32
        %swap3A_1275 = tpu.memref_slice %arg8[%scan3A_480, %swap3A_1273, %swap3A_1274] : memref<10x40x128xf32, #tpu.memory_space<vmem>> -> memref<1x40x128xf32, #tpu.memory_space<vmem>>
        %swap3A_1276 = tpu.memref_squeeze %swap3A_1275 : memref<1x40x128xf32, #tpu.memory_space<vmem>> -> memref<40x128xf32, #tpu.memory_space<vmem>>
        %swap3A_1277 = arith.index_cast %scan3A_1067 : i32 to index
        %swap3A_1278 = arith.constant 112 : index
        %swap3A_1279 = tpu.vector_load %swap3A_1276[%swap3A_1277, %swap3A_1278] {strides = array<i32>} : memref<40x128xf32, #tpu.memory_space<vmem>>, vector<1x16xf32>,
        %swap3A_1280 = vector.shape_cast %swap3A_1279 : vector<1x16xf32> to vector<16xf32>
        %swap3A_1281 = vector.shape_cast %add3A_1272 : vector<16xf32> to vector<1x16xf32>
        tpu.vector_store %swap3A_1276[%swap3A_1277, %swap3A_1278], %swap3A_1281 {strides = array<i32>} : memref<40x128xf32, #tpu.memory_space<vmem>>, vector<1x16xf32>,
      }
      %scan3A_485 = arith.constant 40 : i32
      %add3A_486 = arith.constant 3 : i32
      %add3A_487 = arith.addi %mul3A_248, %add3A_486 : i32
      %jit3A_488 = arith.constant 5 : i32
      %div3A_489 = arith.divsi %mul3A_248, %jit3A_488 : i32
      %sign3A_490 = arith.constant 0 : i32
      %sign3A_491 = arith.cmpi sgt, %mul3A_248, %sign3A_490 : i32
      %sign3A_492 = arith.extui %sign3A_491 : i1 to i32
      %sign3A_493 = arith.constant 0 : i32
      %sign3A_494 = arith.cmpi slt, %mul3A_248, %sign3A_493 : i32
      %sign3A_495 = arith.extui %sign3A_494 : i1 to i32
      %sign3A_496 = arith.subi %sign3A_492, %sign3A_495 : i32
      %sign3A_497 = arith.constant 0 : i32
      %sign3A_498 = arith.cmpi sgt, %jit3A_488, %sign3A_497 : i32
      %sign3A_499 = arith.extui %sign3A_498 : i1 to i32
      %sign3A_500 = arith.constant 0 : i32
      %sign3A_501 = arith.cmpi slt, %jit3A_488, %sign3A_500 : i32
      %sign3A_502 = arith.extui %sign3A_501 : i1 to i32
      %sign3A_503 = arith.subi %sign3A_499, %sign3A_502 : i32
      %ne3A_504 = arith.cmpi ne, %sign3A_496, %sign3A_503 : i32
      %rem3A_505 = arith.remsi %mul3A_248, %jit3A_488 : i32
      %ne3A_506 = arith.constant 0 : i32
      %ne3A_507 = arith.cmpi ne, %rem3A_505, %ne3A_506 : i32
      %and3A_508 = arith.andi %ne3A_504, %ne3A_507 : i1
      %sub3A_509 = arith.constant 1 : i32
      %sub3A_510 = arith.subi %div3A_489, %sub3A_509 : i32
      %select_n3A_511 = arith.select %and3A_508, %sub3A_510, %div3A_489 : i32
      %add3A_512 = arith.constant 0 : i32
      %add3A_513 = arith.addi %select_n3A_511, %add3A_512 : i32
      %jit3A_514 = arith.constant 5 : i32
      %div3A_515 = arith.divsi %mul3A_248, %jit3A_514 : i32
      %sign3A_516 = arith.constant 0 : i32
      %sign3A_517 = arith.cmpi sgt, %mul3A_248, %sign3A_516 : i32
      %sign3A_518 = arith.extui %sign3A_517 : i1 to i32
      %sign3A_519 = arith.constant 0 : i32
      %sign3A_520 = arith.cmpi slt, %mul3A_248, %sign3A_519 : i32
      %sign3A_521 = arith.extui %sign3A_520 : i1 to i32
      %sign3A_522 = arith.subi %sign3A_518, %sign3A_521 : i32
      %sign3A_523 = arith.constant 0 : i32
      %sign3A_524 = arith.cmpi sgt, %jit3A_514, %sign3A_523 : i32
      %sign3A_525 = arith.extui %sign3A_524 : i1 to i32
      %sign3A_526 = arith.constant 0 : i32
      %sign3A_527 = arith.cmpi slt, %jit3A_514, %sign3A_526 : i32
      %sign3A_528 = arith.extui %sign3A_527 : i1 to i32
      %sign3A_529 = arith.subi %sign3A_525, %sign3A_528 : i32
      %ne3A_530 = arith.cmpi ne, %sign3A_522, %sign3A_529 : i32
      %rem3A_531 = arith.remsi %mul3A_248, %jit3A_514 : i32
      %ne3A_532 = arith.constant 0 : i32
      %ne3A_533 = arith.cmpi ne, %rem3A_531, %ne3A_532 : i32
      %and3A_534 = arith.andi %ne3A_530, %ne3A_533 : i1
      %sub3A_535 = arith.constant 1 : i32
      %sub3A_536 = arith.subi %div3A_515, %sub3A_535 : i32
      %select_n3A_537 = arith.select %and3A_534, %sub3A_536, %div3A_515 : i32
      %add3A_538 = arith.constant 0 : i32
      %add3A_539 = arith.addi %select_n3A_537, %add3A_538 : i32
      %ge3A_540 = arith.constant 1 : i32
      %ge3A_541 = arith.cmpi sge, %add3A_487, %ge3A_540 : i32
      %convert_element_type3A_542 = arith.extui %ge3A_541 : i1 to i32
      %cond3A_543 = arith.constant 0 : i32
      %cond3A_544 = arith.cmpi ne, %convert_element_type3A_542, %cond3A_543 : i32
      scf.if %cond3A_544 {
        %add3A_1067 = arith.addi %mul3A_2, %add3A_539 : i32
        %dma_start3A_1068 = arith.constant 2 : i32
        %dma_start3A_1069 = arith.constant 0 : i32
        %dma_start3A_1070 = arith.constant 0 : i32
        %dma_start3A_1071 = tpu.memref_slice %arg8[%dma_start3A_1068, %dma_start3A_1069, %dma_start3A_1070] : memref<10x40x128xf32, #tpu.memory_space<vmem>> -> memref<1x40x128xf32, #tpu.memory_space<vmem>>
        %dma_start3A_1072 = tpu.memref_squeeze %dma_start3A_1071 : memref<1x40x128xf32, #tpu.memory_space<vmem>> -> memref<40x128xf32, #tpu.memory_space<vmem>>
        %dma_start3A_1073 = arith.constant 80 : i32
        %dma_start3A_1074 = arith.constant 0 : i32
        %dma_start3A_1075 = tpu.memref_slice %arg5[%add3A_1067, %dma_start3A_1073, %dma_start3A_1074] : memref<4096x200x128xf32, #tpu.memory_space<hbm>> -> memref<1x40x128xf32, #tpu.memory_space<hbm>>
        %dma_start3A_1076 = tpu.memref_squeeze %dma_start3A_1075 : memref<1x40x128xf32, #tpu.memory_space<hbm>> -> memref<40x128xf32, #tpu.memory_space<hbm>>
        %dma_start3A_1077 = arith.constant 80 : i32
        %dma_start3A_1078 = arith.constant 0 : i32
        %dma_start3A_1079 = tpu.memref_slice %arg5[%add3A_1067, %dma_start3A_1077, %dma_start3A_1078] : memref<4096x200x128xf32, #tpu.memory_space<hbm>> -> memref<1x40x128xf32, #tpu.memory_space<hbm>>
        %dma_start3A_1080 = tpu.memref_squeeze %dma_start3A_1079 : memref<1x40x128xf32, #tpu.memory_space<hbm>> -> memref<40x128xf32, #tpu.memory_space<hbm>>
        %dma_start3A_1081 = arith.constant 0 : i32
        %dma_start3A_1082 = arith.constant 0 : i32
        %dma_start3A_1083 = tpu.memref_slice %arg8[%dma_start3A_1068, %dma_start3A_1081, %dma_start3A_1082] : memref<10x40x128xf32, #tpu.memory_space<vmem>> -> memref<1x40x128xf32, #tpu.memory_space<vmem>>
        %dma_start3A_1084 = tpu.memref_squeeze %dma_start3A_1083 : memref<1x40x128xf32, #tpu.memory_space<vmem>> -> memref<40x128xf32, #tpu.memory_space<vmem>>
        tpu.enqueue_dma source(%dma_start3A_1084 : memref<40x128xf32, #tpu.memory_space<vmem>>) target(%dma_start3A_1080 : memref<40x128xf32, #tpu.memory_space<hbm>>) target_semaphore(%arg21 : memref<!tpu.dma_semaphore, #tpu.memory_space<semaphore_mem>>)
      } else {
      }
      %add3A_545 = arith.constant 5 : i32
      %add3A_546 = arith.addi %add3A_487, %add3A_545 : i32
      %lt3A_547 = arith.constant 640 : i32
      %lt3A_548 = arith.cmpi slt, %add3A_546, %lt3A_547 : i32
      %convert_element_type3A_549 = arith.extui %lt3A_548 : i1 to i32
      %cond3A_550 = arith.constant 0 : i32
      %cond3A_551 = arith.cmpi ne, %convert_element_type3A_549, %cond3A_550 : i32
      scf.if %cond3A_551 {
        %ge3A_1067 = arith.constant 5 : i32
        %ge3A_1068 = arith.cmpi sge, %add3A_487, %ge3A_1067 : i32
        %convert_element_type3A_1069 = arith.extui %ge3A_1068 : i1 to i32
        %cond3A_1070 = arith.constant 0 : i32
        %cond3A_1071 = arith.cmpi ne, %convert_element_type3A_1069, %cond3A_1070 : i32
        scf.if %cond3A_1071 {
          %dma_wait3A_1085 = arith.constant 8 : i32
          %dma_wait3A_1086 = arith.constant 0 : i32
          %dma_wait3A_1087 = arith.constant 0 : i32
          %dma_wait3A_1088 = tpu.memref_slice %arg8[%dma_wait3A_1085, %dma_wait3A_1086, %dma_wait3A_1087] : memref<10x40x128xf32, #tpu.memory_space<vmem>> -> memref<1x40x128xf32, #tpu.memory_space<vmem>>
          %dma_wait3A_1089 = tpu.memref_squeeze %dma_wait3A_1088 : memref<1x40x128xf32, #tpu.memory_space<vmem>> -> memref<40x128xf32, #tpu.memory_space<vmem>>
          %dma_wait3A_1090 = arith.constant 0 : i32
          %dma_wait3A_1091 = arith.constant 0 : i32
          %dma_wait3A_1092 = tpu.memref_slice %arg5[%mul3A_2, %dma_wait3A_1090, %dma_wait3A_1091] : memref<4096x200x128xf32, #tpu.memory_space<hbm>> -> memref<1x40x128xf32, #tpu.memory_space<hbm>>
          %dma_wait3A_1093 = tpu.memref_squeeze %dma_wait3A_1092 : memref<1x40x128xf32, #tpu.memory_space<hbm>> -> memref<40x128xf32, #tpu.memory_space<hbm>>
          %dma_wait3A_1094 = arith.constant 0 : i32
          %dma_wait3A_1095 = arith.constant 0 : i32
          %dma_wait3A_1096 = tpu.memref_slice %arg5[%mul3A_2, %dma_wait3A_1094, %dma_wait3A_1095] : memref<4096x200x128xf32, #tpu.memory_space<hbm>> -> memref<1x40x128xf32, #tpu.memory_space<hbm>>
          %dma_wait3A_1097 = tpu.memref_squeeze %dma_wait3A_1096 : memref<1x40x128xf32, #tpu.memory_space<hbm>> -> memref<40x128xf32, #tpu.memory_space<hbm>>
          %dma_wait3A_1098 = arith.constant 0 : i32
          %dma_wait3A_1099 = arith.constant 0 : i32
          %dma_wait3A_1100 = tpu.memref_slice %arg8[%dma_wait3A_1085, %dma_wait3A_1098, %dma_wait3A_1099] : memref<10x40x128xf32, #tpu.memory_space<vmem>> -> memref<1x40x128xf32, #tpu.memory_space<vmem>>
          %dma_wait3A_1101 = tpu.memref_squeeze %dma_wait3A_1100 : memref<1x40x128xf32, #tpu.memory_space<vmem>> -> memref<40x128xf32, #tpu.memory_space<vmem>>
          tpu.wait_dma2 semaphore(%arg27 : memref<!tpu.dma_semaphore, #tpu.memory_space<semaphore_mem>>) src(%dma_wait3A_1101 : memref<40x128xf32, #tpu.memory_space<vmem>>) dst(%dma_wait3A_1097 : memref<40x128xf32, #tpu.memory_space<hbm>>)
        } else {
        }
        %add3A_1072 = arith.constant 5 : i32
        %add3A_1073 = arith.addi %add3A_487, %add3A_1072 : i32
        %mul3A_1074 = arith.constant 40 : i32
        %mul3A_1075 = arith.muli %add3A_1073, %mul3A_1074 : i32
        %dma_start3A_1076 = arith.constant 8 : i32
        %dma_start3A_1077 = arith.constant 0 : i32
        %dma_start3A_1078 = arith.constant 0 : i32
        %dma_start3A_1079 = tpu.memref_slice %arg8[%dma_start3A_1076, %dma_start3A_1077, %dma_start3A_1078] : memref<10x40x128xf32, #tpu.memory_space<vmem>> -> memref<1x40x128xf32, #tpu.memory_space<vmem>>
        %dma_start3A_1080 = tpu.memref_squeeze %dma_start3A_1079 : memref<1x40x128xf32, #tpu.memory_space<vmem>> -> memref<40x128xf32, #tpu.memory_space<vmem>>
        %dma_start3A_1081 = tpu.memref_slice %arg7[%mul3A_1075] : memref<25600xi32, #tpu.memory_space<vmem>> -> memref<40xi32, #tpu.memory_space<vmem>>
        %dma_start3A_1082 = arith.constant 0 : i32
        %dma_start3A_1083 = arith.constant 0 : i32
        %dma_start3A_1084 = tpu.memref_slice %arg4[%dma_start3A_1082, %dma_start3A_1083] : memref<100000x128xf32, #tpu.memory_space<hbm>> -> memref<100000x128xf32, #tpu.memory_space<hbm>>
        tpu.enqueue_indirect_dma source(%dma_start3A_1084 : memref<100000x128xf32, #tpu.memory_space<hbm>>) target(%dma_start3A_1080 : memref<40x128xf32, #tpu.memory_space<vmem>>) offsets(%dma_start3A_1081 : memref<40xi32, #tpu.memory_space<vmem>>) semaphore(%arg17 : memref<!tpu.dma_semaphore, #tpu.memory_space<semaphore_mem>>)
      } else {
      }
      %mul3A_552 = arith.constant 40 : i32
      %mul3A_553 = arith.muli %add3A_487, %mul3A_552 : i32
      %dma_wait3A_554 = arith.constant 3 : i32
      %dma_wait3A_555 = arith.constant 0 : i32
      %dma_wait3A_556 = arith.constant 0 : i32
      %dma_wait3A_557 = tpu.memref_slice %arg8[%dma_wait3A_554, %dma_wait3A_555, %dma_wait3A_556] : memref<10x40x128xf32, #tpu.memory_space<vmem>> -> memref<1x40x128xf32, #tpu.memory_space<vmem>>
      %dma_wait3A_558 = tpu.memref_squeeze %dma_wait3A_557 : memref<1x40x128xf32, #tpu.memory_space<vmem>> -> memref<40x128xf32, #tpu.memory_space<vmem>>
      %dma_wait3A_559 = tpu.memref_slice %arg7[%mul3A_553] : memref<25600xi32, #tpu.memory_space<vmem>> -> memref<40xi32, #tpu.memory_space<vmem>>
      %dma_wait3A_560 = arith.constant 0 : i32
      %dma_wait3A_561 = arith.constant 0 : i32
      %dma_wait3A_562 = tpu.memref_slice %arg4[%dma_wait3A_560, %dma_wait3A_561] : memref<100000x128xf32, #tpu.memory_space<hbm>> -> memref<100000x128xf32, #tpu.memory_space<hbm>>
      tpu.wait_indirect_dma semaphore(%arg12 : memref<!tpu.dma_semaphore, #tpu.memory_space<semaphore_mem>>) src(%dma_wait3A_562 : memref<100000x128xf32, #tpu.memory_space<hbm>>) dst(%dma_wait3A_558 : memref<40x128xf32, #tpu.memory_space<vmem>>)
      %scan3A_563 = arith.constant 3 : i32
      %scan3A_564 = arith.constant 0 : i32
      %scan3A_565 = arith.constant 40 : i32
      %scan3A_566 = arith.addi %scan3A_564, %scan3A_565 : i32
      %scan3A_567 = arith.constant 1 : i32
      scf.for %scan3A_1067 = %scan3A_564 to %scan3A_566 step %scan3A_567  : i32 {
        %get3A = arith.constant 0 : i32
        %get3A_1068 = arith.constant 0 : i32
        %get3A_1069 = tpu.memref_slice %arg8[%scan3A_563, %get3A, %get3A_1068] : memref<10x40x128xf32, #tpu.memory_space<vmem>> -> memref<1x40x128xf32, #tpu.memory_space<vmem>>
        %get3A_1070 = tpu.memref_squeeze %get3A_1069 : memref<1x40x128xf32, #tpu.memory_space<vmem>> -> memref<40x128xf32, #tpu.memory_space<vmem>>
        %get3A_1071 = arith.index_cast %scan3A_1067 : i32 to index
        %get3A_1072 = arith.constant 0 : index
        %get3A_1073 = tpu.vector_load %get3A_1070[%get3A_1071, %get3A_1072] {strides = array<i32>} : memref<40x128xf32, #tpu.memory_space<vmem>>, vector<1x16xf32>,
        %get3A_1074 = vector.shape_cast %get3A_1073 : vector<1x16xf32> to vector<16xf32>
        %mul3A_1075 = arith.constant 11.3137083 : f32
        %mul3A_1076 = vector.broadcast %mul3A_1075 : f32 to vector<16xf32>
        %mul3A_1077 = arith.mulf %get3A_1074, %mul3A_1076 : vector<16xf32>
        %add3A_1078 = arith.constant 120 : i32
        %add3A_1079 = arith.addi %add3A_1078, %scan3A_1067 : i32
        %get3A_1080 = arith.index_cast %add3A_1079 : i32 to index
        %get3A_1081 = arith.constant 0 : index
        %get3A_1082 = tpu.vector_load %arg6[%get3A_1080, %get3A_1081] {strides = array<i32>} : memref<200x128xf32, #tpu.memory_space<vmem>>, vector<1x16xf32>,
        %get3A_1083 = vector.shape_cast %get3A_1082 : vector<1x16xf32> to vector<16xf32>
        %add3A_1084 = arith.addf %mul3A_1077, %get3A_1083 : vector<16xf32>
        %swap3A = arith.constant 0 : i32
        %swap3A_1085 = arith.constant 0 : i32
        %swap3A_1086 = tpu.memref_slice %arg8[%scan3A_563, %swap3A, %swap3A_1085] : memref<10x40x128xf32, #tpu.memory_space<vmem>> -> memref<1x40x128xf32, #tpu.memory_space<vmem>>
        %swap3A_1087 = tpu.memref_squeeze %swap3A_1086 : memref<1x40x128xf32, #tpu.memory_space<vmem>> -> memref<40x128xf32, #tpu.memory_space<vmem>>
        %swap3A_1088 = arith.index_cast %scan3A_1067 : i32 to index
        %swap3A_1089 = arith.constant 0 : index
        %swap3A_1090 = tpu.vector_load %swap3A_1087[%swap3A_1088, %swap3A_1089] {strides = array<i32>} : memref<40x128xf32, #tpu.memory_space<vmem>>, vector<1x16xf32>,
        %swap3A_1091 = vector.shape_cast %swap3A_1090 : vector<1x16xf32> to vector<16xf32>
        %swap3A_1092 = vector.shape_cast %add3A_1084 : vector<16xf32> to vector<1x16xf32>
        tpu.vector_store %swap3A_1087[%swap3A_1088, %swap3A_1089], %swap3A_1092 {strides = array<i32>} : memref<40x128xf32, #tpu.memory_space<vmem>>, vector<1x16xf32>,
        %get3A_1093 = arith.constant 0 : i32
        %get3A_1094 = arith.constant 0 : i32
        %get3A_1095 = tpu.memref_slice %arg8[%scan3A_563, %get3A_1093, %get3A_1094] : memref<10x40x128xf32, #tpu.memory_space<vmem>> -> memref<1x40x128xf32, #tpu.memory_space<vmem>>
        %get3A_1096 = tpu.memref_squeeze %get3A_1095 : memref<1x40x128xf32, #tpu.memory_space<vmem>> -> memref<40x128xf32, #tpu.memory_space<vmem>>
        %get3A_1097 = arith.index_cast %scan3A_1067 : i32 to index
        %get3A_1098 = arith.constant 16 : index
        %get3A_1099 = tpu.vector_load %get3A_1096[%get3A_1097, %get3A_1098] {strides = array<i32>} : memref<40x128xf32, #tpu.memory_space<vmem>>, vector<1x16xf32>,
        %get3A_1100 = vector.shape_cast %get3A_1099 : vector<1x16xf32> to vector<16xf32>
        %mul3A_1101 = arith.constant 11.3137083 : f32
        %mul3A_1102 = vector.broadcast %mul3A_1101 : f32 to vector<16xf32>
        %mul3A_1103 = arith.mulf %get3A_1100, %mul3A_1102 : vector<16xf32>
        %add3A_1104 = arith.constant 120 : i32
        %add3A_1105 = arith.addi %add3A_1104, %scan3A_1067 : i32
        %get3A_1106 = arith.index_cast %add3A_1105 : i32 to index
        %get3A_1107 = arith.constant 16 : index
        %get3A_1108 = tpu.vector_load %arg6[%get3A_1106, %get3A_1107] {strides = array<i32>} : memref<200x128xf32, #tpu.memory_space<vmem>>, vector<1x16xf32>,
        %get3A_1109 = vector.shape_cast %get3A_1108 : vector<1x16xf32> to vector<16xf32>
        %add3A_1110 = arith.addf %mul3A_1103, %get3A_1109 : vector<16xf32>
        %swap3A_1111 = arith.constant 0 : i32
        %swap3A_1112 = arith.constant 0 : i32
        %swap3A_1113 = tpu.memref_slice %arg8[%scan3A_563, %swap3A_1111, %swap3A_1112] : memref<10x40x128xf32, #tpu.memory_space<vmem>> -> memref<1x40x128xf32, #tpu.memory_space<vmem>>
        %swap3A_1114 = tpu.memref_squeeze %swap3A_1113 : memref<1x40x128xf32, #tpu.memory_space<vmem>> -> memref<40x128xf32, #tpu.memory_space<vmem>>
        %swap3A_1115 = arith.index_cast %scan3A_1067 : i32 to index
        %swap3A_1116 = arith.constant 16 : index
        %swap3A_1117 = tpu.vector_load %swap3A_1114[%swap3A_1115, %swap3A_1116] {strides = array<i32>} : memref<40x128xf32, #tpu.memory_space<vmem>>, vector<1x16xf32>,
        %swap3A_1118 = vector.shape_cast %swap3A_1117 : vector<1x16xf32> to vector<16xf32>
        %swap3A_1119 = vector.shape_cast %add3A_1110 : vector<16xf32> to vector<1x16xf32>
        tpu.vector_store %swap3A_1114[%swap3A_1115, %swap3A_1116], %swap3A_1119 {strides = array<i32>} : memref<40x128xf32, #tpu.memory_space<vmem>>, vector<1x16xf32>,
        %get3A_1120 = arith.constant 0 : i32
        %get3A_1121 = arith.constant 0 : i32
        %get3A_1122 = tpu.memref_slice %arg8[%scan3A_563, %get3A_1120, %get3A_1121] : memref<10x40x128xf32, #tpu.memory_space<vmem>> -> memref<1x40x128xf32, #tpu.memory_space<vmem>>
        %get3A_1123 = tpu.memref_squeeze %get3A_1122 : memref<1x40x128xf32, #tpu.memory_space<vmem>> -> memref<40x128xf32, #tpu.memory_space<vmem>>
        %get3A_1124 = arith.index_cast %scan3A_1067 : i32 to index
        %get3A_1125 = arith.constant 32 : index
        %get3A_1126 = tpu.vector_load %get3A_1123[%get3A_1124, %get3A_1125] {strides = array<i32>} : memref<40x128xf32, #tpu.memory_space<vmem>>, vector<1x16xf32>,
        %get3A_1127 = vector.shape_cast %get3A_1126 : vector<1x16xf32> to vector<16xf32>
        %mul3A_1128 = arith.constant 11.3137083 : f32
        %mul3A_1129 = vector.broadcast %mul3A_1128 : f32 to vector<16xf32>
        %mul3A_1130 = arith.mulf %get3A_1127, %mul3A_1129 : vector<16xf32>
        %add3A_1131 = arith.constant 120 : i32
        %add3A_1132 = arith.addi %add3A_1131, %scan3A_1067 : i32
        %get3A_1133 = arith.index_cast %add3A_1132 : i32 to index
        %get3A_1134 = arith.constant 32 : index
        %get3A_1135 = tpu.vector_load %arg6[%get3A_1133, %get3A_1134] {strides = array<i32>} : memref<200x128xf32, #tpu.memory_space<vmem>>, vector<1x16xf32>,
        %get3A_1136 = vector.shape_cast %get3A_1135 : vector<1x16xf32> to vector<16xf32>
        %add3A_1137 = arith.addf %mul3A_1130, %get3A_1136 : vector<16xf32>
        %swap3A_1138 = arith.constant 0 : i32
        %swap3A_1139 = arith.constant 0 : i32
        %swap3A_1140 = tpu.memref_slice %arg8[%scan3A_563, %swap3A_1138, %swap3A_1139] : memref<10x40x128xf32, #tpu.memory_space<vmem>> -> memref<1x40x128xf32, #tpu.memory_space<vmem>>
        %swap3A_1141 = tpu.memref_squeeze %swap3A_1140 : memref<1x40x128xf32, #tpu.memory_space<vmem>> -> memref<40x128xf32, #tpu.memory_space<vmem>>
        %swap3A_1142 = arith.index_cast %scan3A_1067 : i32 to index
        %swap3A_1143 = arith.constant 32 : index
        %swap3A_1144 = tpu.vector_load %swap3A_1141[%swap3A_1142, %swap3A_1143] {strides = array<i32>} : memref<40x128xf32, #tpu.memory_space<vmem>>, vector<1x16xf32>,
        %swap3A_1145 = vector.shape_cast %swap3A_1144 : vector<1x16xf32> to vector<16xf32>
        %swap3A_1146 = vector.shape_cast %add3A_1137 : vector<16xf32> to vector<1x16xf32>
        tpu.vector_store %swap3A_1141[%swap3A_1142, %swap3A_1143], %swap3A_1146 {strides = array<i32>} : memref<40x128xf32, #tpu.memory_space<vmem>>, vector<1x16xf32>,
        %get3A_1147 = arith.constant 0 : i32
        %get3A_1148 = arith.constant 0 : i32
        %get3A_1149 = tpu.memref_slice %arg8[%scan3A_563, %get3A_1147, %get3A_1148] : memref<10x40x128xf32, #tpu.memory_space<vmem>> -> memref<1x40x128xf32, #tpu.memory_space<vmem>>
        %get3A_1150 = tpu.memref_squeeze %get3A_1149 : memref<1x40x128xf32, #tpu.memory_space<vmem>> -> memref<40x128xf32, #tpu.memory_space<vmem>>
        %get3A_1151 = arith.index_cast %scan3A_1067 : i32 to index
        %get3A_1152 = arith.constant 48 : index
        %get3A_1153 = tpu.vector_load %get3A_1150[%get3A_1151, %get3A_1152] {strides = array<i32>} : memref<40x128xf32, #tpu.memory_space<vmem>>, vector<1x16xf32>,
        %get3A_1154 = vector.shape_cast %get3A_1153 : vector<1x16xf32> to vector<16xf32>
        %mul3A_1155 = arith.constant 11.3137083 : f32
        %mul3A_1156 = vector.broadcast %mul3A_1155 : f32 to vector<16xf32>
        %mul3A_1157 = arith.mulf %get3A_1154, %mul3A_1156 : vector<16xf32>
        %add3A_1158 = arith.constant 120 : i32
        %add3A_1159 = arith.addi %add3A_1158, %scan3A_1067 : i32
        %get3A_1160 = arith.index_cast %add3A_1159 : i32 to index
        %get3A_1161 = arith.constant 48 : index
        %get3A_1162 = tpu.vector_load %arg6[%get3A_1160, %get3A_1161] {strides = array<i32>} : memref<200x128xf32, #tpu.memory_space<vmem>>, vector<1x16xf32>,
        %get3A_1163 = vector.shape_cast %get3A_1162 : vector<1x16xf32> to vector<16xf32>
        %add3A_1164 = arith.addf %mul3A_1157, %get3A_1163 : vector<16xf32>
        %swap3A_1165 = arith.constant 0 : i32
        %swap3A_1166 = arith.constant 0 : i32
        %swap3A_1167 = tpu.memref_slice %arg8[%scan3A_563, %swap3A_1165, %swap3A_1166] : memref<10x40x128xf32, #tpu.memory_space<vmem>> -> memref<1x40x128xf32, #tpu.memory_space<vmem>>
        %swap3A_1168 = tpu.memref_squeeze %swap3A_1167 : memref<1x40x128xf32, #tpu.memory_space<vmem>> -> memref<40x128xf32, #tpu.memory_space<vmem>>
        %swap3A_1169 = arith.index_cast %scan3A_1067 : i32 to index
        %swap3A_1170 = arith.constant 48 : index
        %swap3A_1171 = tpu.vector_load %swap3A_1168[%swap3A_1169, %swap3A_1170] {strides = array<i32>} : memref<40x128xf32, #tpu.memory_space<vmem>>, vector<1x16xf32>,
        %swap3A_1172 = vector.shape_cast %swap3A_1171 : vector<1x16xf32> to vector<16xf32>
        %swap3A_1173 = vector.shape_cast %add3A_1164 : vector<16xf32> to vector<1x16xf32>
        tpu.vector_store %swap3A_1168[%swap3A_1169, %swap3A_1170], %swap3A_1173 {strides = array<i32>} : memref<40x128xf32, #tpu.memory_space<vmem>>, vector<1x16xf32>,
        %get3A_1174 = arith.constant 0 : i32
        %get3A_1175 = arith.constant 0 : i32
        %get3A_1176 = tpu.memref_slice %arg8[%scan3A_563, %get3A_1174, %get3A_1175] : memref<10x40x128xf32, #tpu.memory_space<vmem>> -> memref<1x40x128xf32, #tpu.memory_space<vmem>>
        %get3A_1177 = tpu.memref_squeeze %get3A_1176 : memref<1x40x128xf32, #tpu.memory_space<vmem>> -> memref<40x128xf32, #tpu.memory_space<vmem>>
        %get3A_1178 = arith.index_cast %scan3A_1067 : i32 to index
        %get3A_1179 = arith.constant 64 : index
        %get3A_1180 = tpu.vector_load %get3A_1177[%get3A_1178, %get3A_1179] {strides = array<i32>} : memref<40x128xf32, #tpu.memory_space<vmem>>, vector<1x16xf32>,
        %get3A_1181 = vector.shape_cast %get3A_1180 : vector<1x16xf32> to vector<16xf32>
        %mul3A_1182 = arith.constant 11.3137083 : f32
        %mul3A_1183 = vector.broadcast %mul3A_1182 : f32 to vector<16xf32>
        %mul3A_1184 = arith.mulf %get3A_1181, %mul3A_1183 : vector<16xf32>
        %add3A_1185 = arith.constant 120 : i32
        %add3A_1186 = arith.addi %add3A_1185, %scan3A_1067 : i32
        %get3A_1187 = arith.index_cast %add3A_1186 : i32 to index
        %get3A_1188 = arith.constant 64 : index
        %get3A_1189 = tpu.vector_load %arg6[%get3A_1187, %get3A_1188] {strides = array<i32>} : memref<200x128xf32, #tpu.memory_space<vmem>>, vector<1x16xf32>,
        %get3A_1190 = vector.shape_cast %get3A_1189 : vector<1x16xf32> to vector<16xf32>
        %add3A_1191 = arith.addf %mul3A_1184, %get3A_1190 : vector<16xf32>
        %swap3A_1192 = arith.constant 0 : i32
        %swap3A_1193 = arith.constant 0 : i32
        %swap3A_1194 = tpu.memref_slice %arg8[%scan3A_563, %swap3A_1192, %swap3A_1193] : memref<10x40x128xf32, #tpu.memory_space<vmem>> -> memref<1x40x128xf32, #tpu.memory_space<vmem>>
        %swap3A_1195 = tpu.memref_squeeze %swap3A_1194 : memref<1x40x128xf32, #tpu.memory_space<vmem>> -> memref<40x128xf32, #tpu.memory_space<vmem>>
        %swap3A_1196 = arith.index_cast %scan3A_1067 : i32 to index
        %swap3A_1197 = arith.constant 64 : index
        %swap3A_1198 = tpu.vector_load %swap3A_1195[%swap3A_1196, %swap3A_1197] {strides = array<i32>} : memref<40x128xf32, #tpu.memory_space<vmem>>, vector<1x16xf32>,
        %swap3A_1199 = vector.shape_cast %swap3A_1198 : vector<1x16xf32> to vector<16xf32>
        %swap3A_1200 = vector.shape_cast %add3A_1191 : vector<16xf32> to vector<1x16xf32>
        tpu.vector_store %swap3A_1195[%swap3A_1196, %swap3A_1197], %swap3A_1200 {strides = array<i32>} : memref<40x128xf32, #tpu.memory_space<vmem>>, vector<1x16xf32>,
        %get3A_1201 = arith.constant 0 : i32
        %get3A_1202 = arith.constant 0 : i32
        %get3A_1203 = tpu.memref_slice %arg8[%scan3A_563, %get3A_1201, %get3A_1202] : memref<10x40x128xf32, #tpu.memory_space<vmem>> -> memref<1x40x128xf32, #tpu.memory_space<vmem>>
        %get3A_1204 = tpu.memref_squeeze %get3A_1203 : memref<1x40x128xf32, #tpu.memory_space<vmem>> -> memref<40x128xf32, #tpu.memory_space<vmem>>
        %get3A_1205 = arith.index_cast %scan3A_1067 : i32 to index
        %get3A_1206 = arith.constant 80 : index
        %get3A_1207 = tpu.vector_load %get3A_1204[%get3A_1205, %get3A_1206] {strides = array<i32>} : memref<40x128xf32, #tpu.memory_space<vmem>>, vector<1x16xf32>,
        %get3A_1208 = vector.shape_cast %get3A_1207 : vector<1x16xf32> to vector<16xf32>
        %mul3A_1209 = arith.constant 11.3137083 : f32
        %mul3A_1210 = vector.broadcast %mul3A_1209 : f32 to vector<16xf32>
        %mul3A_1211 = arith.mulf %get3A_1208, %mul3A_1210 : vector<16xf32>
        %add3A_1212 = arith.constant 120 : i32
        %add3A_1213 = arith.addi %add3A_1212, %scan3A_1067 : i32
        %get3A_1214 = arith.index_cast %add3A_1213 : i32 to index
        %get3A_1215 = arith.constant 80 : index
        %get3A_1216 = tpu.vector_load %arg6[%get3A_1214, %get3A_1215] {strides = array<i32>} : memref<200x128xf32, #tpu.memory_space<vmem>>, vector<1x16xf32>,
        %get3A_1217 = vector.shape_cast %get3A_1216 : vector<1x16xf32> to vector<16xf32>
        %add3A_1218 = arith.addf %mul3A_1211, %get3A_1217 : vector<16xf32>
        %swap3A_1219 = arith.constant 0 : i32
        %swap3A_1220 = arith.constant 0 : i32
        %swap3A_1221 = tpu.memref_slice %arg8[%scan3A_563, %swap3A_1219, %swap3A_1220] : memref<10x40x128xf32, #tpu.memory_space<vmem>> -> memref<1x40x128xf32, #tpu.memory_space<vmem>>
        %swap3A_1222 = tpu.memref_squeeze %swap3A_1221 : memref<1x40x128xf32, #tpu.memory_space<vmem>> -> memref<40x128xf32, #tpu.memory_space<vmem>>
        %swap3A_1223 = arith.index_cast %scan3A_1067 : i32 to index
        %swap3A_1224 = arith.constant 80 : index
        %swap3A_1225 = tpu.vector_load %swap3A_1222[%swap3A_1223, %swap3A_1224] {strides = array<i32>} : memref<40x128xf32, #tpu.memory_space<vmem>>, vector<1x16xf32>,
        %swap3A_1226 = vector.shape_cast %swap3A_1225 : vector<1x16xf32> to vector<16xf32>
        %swap3A_1227 = vector.shape_cast %add3A_1218 : vector<16xf32> to vector<1x16xf32>
        tpu.vector_store %swap3A_1222[%swap3A_1223, %swap3A_1224], %swap3A_1227 {strides = array<i32>} : memref<40x128xf32, #tpu.memory_space<vmem>>, vector<1x16xf32>,
        %get3A_1228 = arith.constant 0 : i32
        %get3A_1229 = arith.constant 0 : i32
        %get3A_1230 = tpu.memref_slice %arg8[%scan3A_563, %get3A_1228, %get3A_1229] : memref<10x40x128xf32, #tpu.memory_space<vmem>> -> memref<1x40x128xf32, #tpu.memory_space<vmem>>
        %get3A_1231 = tpu.memref_squeeze %get3A_1230 : memref<1x40x128xf32, #tpu.memory_space<vmem>> -> memref<40x128xf32, #tpu.memory_space<vmem>>
        %get3A_1232 = arith.index_cast %scan3A_1067 : i32 to index
        %get3A_1233 = arith.constant 96 : index
        %get3A_1234 = tpu.vector_load %get3A_1231[%get3A_1232, %get3A_1233] {strides = array<i32>} : memref<40x128xf32, #tpu.memory_space<vmem>>, vector<1x16xf32>,
        %get3A_1235 = vector.shape_cast %get3A_1234 : vector<1x16xf32> to vector<16xf32>
        %mul3A_1236 = arith.constant 11.3137083 : f32
        %mul3A_1237 = vector.broadcast %mul3A_1236 : f32 to vector<16xf32>
        %mul3A_1238 = arith.mulf %get3A_1235, %mul3A_1237 : vector<16xf32>
        %add3A_1239 = arith.constant 120 : i32
        %add3A_1240 = arith.addi %add3A_1239, %scan3A_1067 : i32
        %get3A_1241 = arith.index_cast %add3A_1240 : i32 to index
        %get3A_1242 = arith.constant 96 : index
        %get3A_1243 = tpu.vector_load %arg6[%get3A_1241, %get3A_1242] {strides = array<i32>} : memref<200x128xf32, #tpu.memory_space<vmem>>, vector<1x16xf32>,
        %get3A_1244 = vector.shape_cast %get3A_1243 : vector<1x16xf32> to vector<16xf32>
        %add3A_1245 = arith.addf %mul3A_1238, %get3A_1244 : vector<16xf32>
        %swap3A_1246 = arith.constant 0 : i32
        %swap3A_1247 = arith.constant 0 : i32
        %swap3A_1248 = tpu.memref_slice %arg8[%scan3A_563, %swap3A_1246, %swap3A_1247] : memref<10x40x128xf32, #tpu.memory_space<vmem>> -> memref<1x40x128xf32, #tpu.memory_space<vmem>>
        %swap3A_1249 = tpu.memref_squeeze %swap3A_1248 : memref<1x40x128xf32, #tpu.memory_space<vmem>> -> memref<40x128xf32, #tpu.memory_space<vmem>>
        %swap3A_1250 = arith.index_cast %scan3A_1067 : i32 to index
        %swap3A_1251 = arith.constant 96 : index
        %swap3A_1252 = tpu.vector_load %swap3A_1249[%swap3A_1250, %swap3A_1251] {strides = array<i32>} : memref<40x128xf32, #tpu.memory_space<vmem>>, vector<1x16xf32>,
        %swap3A_1253 = vector.shape_cast %swap3A_1252 : vector<1x16xf32> to vector<16xf32>
        %swap3A_1254 = vector.shape_cast %add3A_1245 : vector<16xf32> to vector<1x16xf32>
        tpu.vector_store %swap3A_1249[%swap3A_1250, %swap3A_1251], %swap3A_1254 {strides = array<i32>} : memref<40x128xf32, #tpu.memory_space<vmem>>, vector<1x16xf32>,
        %get3A_1255 = arith.constant 0 : i32
        %get3A_1256 = arith.constant 0 : i32
        %get3A_1257 = tpu.memref_slice %arg8[%scan3A_563, %get3A_1255, %get3A_1256] : memref<10x40x128xf32, #tpu.memory_space<vmem>> -> memref<1x40x128xf32, #tpu.memory_space<vmem>>
        %get3A_1258 = tpu.memref_squeeze %get3A_1257 : memref<1x40x128xf32, #tpu.memory_space<vmem>> -> memref<40x128xf32, #tpu.memory_space<vmem>>
        %get3A_1259 = arith.index_cast %scan3A_1067 : i32 to index
        %get3A_1260 = arith.constant 112 : index
        %get3A_1261 = tpu.vector_load %get3A_1258[%get3A_1259, %get3A_1260] {strides = array<i32>} : memref<40x128xf32, #tpu.memory_space<vmem>>, vector<1x16xf32>,
        %get3A_1262 = vector.shape_cast %get3A_1261 : vector<1x16xf32> to vector<16xf32>
        %mul3A_1263 = arith.constant 11.3137083 : f32
        %mul3A_1264 = vector.broadcast %mul3A_1263 : f32 to vector<16xf32>
        %mul3A_1265 = arith.mulf %get3A_1262, %mul3A_1264 : vector<16xf32>
        %add3A_1266 = arith.constant 120 : i32
        %add3A_1267 = arith.addi %add3A_1266, %scan3A_1067 : i32
        %get3A_1268 = arith.index_cast %add3A_1267 : i32 to index
        %get3A_1269 = arith.constant 112 : index
        %get3A_1270 = tpu.vector_load %arg6[%get3A_1268, %get3A_1269] {strides = array<i32>} : memref<200x128xf32, #tpu.memory_space<vmem>>, vector<1x16xf32>,
        %get3A_1271 = vector.shape_cast %get3A_1270 : vector<1x16xf32> to vector<16xf32>
        %add3A_1272 = arith.addf %mul3A_1265, %get3A_1271 : vector<16xf32>
        %swap3A_1273 = arith.constant 0 : i32
        %swap3A_1274 = arith.constant 0 : i32
        %swap3A_1275 = tpu.memref_slice %arg8[%scan3A_563, %swap3A_1273, %swap3A_1274] : memref<10x40x128xf32, #tpu.memory_space<vmem>> -> memref<1x40x128xf32, #tpu.memory_space<vmem>>
        %swap3A_1276 = tpu.memref_squeeze %swap3A_1275 : memref<1x40x128xf32, #tpu.memory_space<vmem>> -> memref<40x128xf32, #tpu.memory_space<vmem>>
        %swap3A_1277 = arith.index_cast %scan3A_1067 : i32 to index
        %swap3A_1278 = arith.constant 112 : index
        %swap3A_1279 = tpu.vector_load %swap3A_1276[%swap3A_1277, %swap3A_1278] {strides = array<i32>} : memref<40x128xf32, #tpu.memory_space<vmem>>, vector<1x16xf32>,
        %swap3A_1280 = vector.shape_cast %swap3A_1279 : vector<1x16xf32> to vector<16xf32>
        %swap3A_1281 = vector.shape_cast %add3A_1272 : vector<16xf32> to vector<1x16xf32>
        tpu.vector_store %swap3A_1276[%swap3A_1277, %swap3A_1278], %swap3A_1281 {strides = array<i32>} : memref<40x128xf32, #tpu.memory_space<vmem>>, vector<1x16xf32>,
      }
      %scan3A_568 = arith.constant 40 : i32
      %add3A_569 = arith.constant 4 : i32
      %add3A_570 = arith.addi %mul3A_248, %add3A_569 : i32
      %jit3A_571 = arith.constant 5 : i32
      %div3A_572 = arith.divsi %mul3A_248, %jit3A_571 : i32
      %sign3A_573 = arith.constant 0 : i32
      %sign3A_574 = arith.cmpi sgt, %mul3A_248, %sign3A_573 : i32
      %sign3A_575 = arith.extui %sign3A_574 : i1 to i32
      %sign3A_576 = arith.constant 0 : i32
      %sign3A_577 = arith.cmpi slt, %mul3A_248, %sign3A_576 : i32
      %sign3A_578 = arith.extui %sign3A_577 : i1 to i32
      %sign3A_579 = arith.subi %sign3A_575, %sign3A_578 : i32
      %sign3A_580 = arith.constant 0 : i32
      %sign3A_581 = arith.cmpi sgt, %jit3A_571, %sign3A_580 : i32
      %sign3A_582 = arith.extui %sign3A_581 : i1 to i32
      %sign3A_583 = arith.constant 0 : i32
      %sign3A_584 = arith.cmpi slt, %jit3A_571, %sign3A_583 : i32
      %sign3A_585 = arith.extui %sign3A_584 : i1 to i32
      %sign3A_586 = arith.subi %sign3A_582, %sign3A_585 : i32
      %ne3A_587 = arith.cmpi ne, %sign3A_579, %sign3A_586 : i32
      %rem3A_588 = arith.remsi %mul3A_248, %jit3A_571 : i32
      %ne3A_589 = arith.constant 0 : i32
      %ne3A_590 = arith.cmpi ne, %rem3A_588, %ne3A_589 : i32
      %and3A_591 = arith.andi %ne3A_587, %ne3A_590 : i1
      %sub3A_592 = arith.constant 1 : i32
      %sub3A_593 = arith.subi %div3A_572, %sub3A_592 : i32
      %select_n3A_594 = arith.select %and3A_591, %sub3A_593, %div3A_572 : i32
      %add3A_595 = arith.constant 0 : i32
      %add3A_596 = arith.addi %select_n3A_594, %add3A_595 : i32
      %jit3A_597 = arith.constant 5 : i32
      %div3A_598 = arith.divsi %mul3A_248, %jit3A_597 : i32
      %sign3A_599 = arith.constant 0 : i32
      %sign3A_600 = arith.cmpi sgt, %mul3A_248, %sign3A_599 : i32
      %sign3A_601 = arith.extui %sign3A_600 : i1 to i32
      %sign3A_602 = arith.constant 0 : i32
      %sign3A_603 = arith.cmpi slt, %mul3A_248, %sign3A_602 : i32
      %sign3A_604 = arith.extui %sign3A_603 : i1 to i32
      %sign3A_605 = arith.subi %sign3A_601, %sign3A_604 : i32
      %sign3A_606 = arith.constant 0 : i32
      %sign3A_607 = arith.cmpi sgt, %jit3A_597, %sign3A_606 : i32
      %sign3A_608 = arith.extui %sign3A_607 : i1 to i32
      %sign3A_609 = arith.constant 0 : i32
      %sign3A_610 = arith.cmpi slt, %jit3A_597, %sign3A_609 : i32
      %sign3A_611 = arith.extui %sign3A_610 : i1 to i32
      %sign3A_612 = arith.subi %sign3A_608, %sign3A_611 : i32
      %ne3A_613 = arith.cmpi ne, %sign3A_605, %sign3A_612 : i32
      %rem3A_614 = arith.remsi %mul3A_248, %jit3A_597 : i32
      %ne3A_615 = arith.constant 0 : i32
      %ne3A_616 = arith.cmpi ne, %rem3A_614, %ne3A_615 : i32
      %and3A_617 = arith.andi %ne3A_613, %ne3A_616 : i1
      %sub3A_618 = arith.constant 1 : i32
      %sub3A_619 = arith.subi %div3A_598, %sub3A_618 : i32
      %select_n3A_620 = arith.select %and3A_617, %sub3A_619, %div3A_598 : i32
      %add3A_621 = arith.constant 0 : i32
      %add3A_622 = arith.addi %select_n3A_620, %add3A_621 : i32
      %ge3A_623 = arith.constant 1 : i32
      %ge3A_624 = arith.cmpi sge, %add3A_570, %ge3A_623 : i32
      %convert_element_type3A_625 = arith.extui %ge3A_624 : i1 to i32
      %cond3A_626 = arith.constant 0 : i32
      %cond3A_627 = arith.cmpi ne, %convert_element_type3A_625, %cond3A_626 : i32
      scf.if %cond3A_627 {
        %add3A_1067 = arith.addi %mul3A_2, %add3A_622 : i32
        %dma_start3A_1068 = arith.constant 3 : i32
        %dma_start3A_1069 = arith.constant 0 : i32
        %dma_start3A_1070 = arith.constant 0 : i32
        %dma_start3A_1071 = tpu.memref_slice %arg8[%dma_start3A_1068, %dma_start3A_1069, %dma_start3A_1070] : memref<10x40x128xf32, #tpu.memory_space<vmem>> -> memref<1x40x128xf32, #tpu.memory_space<vmem>>
        %dma_start3A_1072 = tpu.memref_squeeze %dma_start3A_1071 : memref<1x40x128xf32, #tpu.memory_space<vmem>> -> memref<40x128xf32, #tpu.memory_space<vmem>>
        %dma_start3A_1073 = arith.constant 120 : i32
        %dma_start3A_1074 = arith.constant 0 : i32
        %dma_start3A_1075 = tpu.memref_slice %arg5[%add3A_1067, %dma_start3A_1073, %dma_start3A_1074] : memref<4096x200x128xf32, #tpu.memory_space<hbm>> -> memref<1x40x128xf32, #tpu.memory_space<hbm>>
        %dma_start3A_1076 = tpu.memref_squeeze %dma_start3A_1075 : memref<1x40x128xf32, #tpu.memory_space<hbm>> -> memref<40x128xf32, #tpu.memory_space<hbm>>
        %dma_start3A_1077 = arith.constant 120 : i32
        %dma_start3A_1078 = arith.constant 0 : i32
        %dma_start3A_1079 = tpu.memref_slice %arg5[%add3A_1067, %dma_start3A_1077, %dma_start3A_1078] : memref<4096x200x128xf32, #tpu.memory_space<hbm>> -> memref<1x40x128xf32, #tpu.memory_space<hbm>>
        %dma_start3A_1080 = tpu.memref_squeeze %dma_start3A_1079 : memref<1x40x128xf32, #tpu.memory_space<hbm>> -> memref<40x128xf32, #tpu.memory_space<hbm>>
        %dma_start3A_1081 = arith.constant 0 : i32
        %dma_start3A_1082 = arith.constant 0 : i32
        %dma_start3A_1083 = tpu.memref_slice %arg8[%dma_start3A_1068, %dma_start3A_1081, %dma_start3A_1082] : memref<10x40x128xf32, #tpu.memory_space<vmem>> -> memref<1x40x128xf32, #tpu.memory_space<vmem>>
        %dma_start3A_1084 = tpu.memref_squeeze %dma_start3A_1083 : memref<1x40x128xf32, #tpu.memory_space<vmem>> -> memref<40x128xf32, #tpu.memory_space<vmem>>
        tpu.enqueue_dma source(%dma_start3A_1084 : memref<40x128xf32, #tpu.memory_space<vmem>>) target(%dma_start3A_1080 : memref<40x128xf32, #tpu.memory_space<hbm>>) target_semaphore(%arg22 : memref<!tpu.dma_semaphore, #tpu.memory_space<semaphore_mem>>)
      } else {
      }
      %add3A_628 = arith.constant 5 : i32
      %add3A_629 = arith.addi %add3A_570, %add3A_628 : i32
      %lt3A_630 = arith.constant 640 : i32
      %lt3A_631 = arith.cmpi slt, %add3A_629, %lt3A_630 : i32
      %convert_element_type3A_632 = arith.extui %lt3A_631 : i1 to i32
      %cond3A_633 = arith.constant 0 : i32
      %cond3A_634 = arith.cmpi ne, %convert_element_type3A_632, %cond3A_633 : i32
      scf.if %cond3A_634 {
        %ge3A_1067 = arith.constant 5 : i32
        %ge3A_1068 = arith.cmpi sge, %add3A_570, %ge3A_1067 : i32
        %convert_element_type3A_1069 = arith.extui %ge3A_1068 : i1 to i32
        %cond3A_1070 = arith.constant 0 : i32
        %cond3A_1071 = arith.cmpi ne, %convert_element_type3A_1069, %cond3A_1070 : i32
        scf.if %cond3A_1071 {
          %dma_wait3A_1085 = arith.constant 9 : i32
          %dma_wait3A_1086 = arith.constant 0 : i32
          %dma_wait3A_1087 = arith.constant 0 : i32
          %dma_wait3A_1088 = tpu.memref_slice %arg8[%dma_wait3A_1085, %dma_wait3A_1086, %dma_wait3A_1087] : memref<10x40x128xf32, #tpu.memory_space<vmem>> -> memref<1x40x128xf32, #tpu.memory_space<vmem>>
          %dma_wait3A_1089 = tpu.memref_squeeze %dma_wait3A_1088 : memref<1x40x128xf32, #tpu.memory_space<vmem>> -> memref<40x128xf32, #tpu.memory_space<vmem>>
          %dma_wait3A_1090 = arith.constant 0 : i32
          %dma_wait3A_1091 = arith.constant 0 : i32
          %dma_wait3A_1092 = tpu.memref_slice %arg5[%mul3A_2, %dma_wait3A_1090, %dma_wait3A_1091] : memref<4096x200x128xf32, #tpu.memory_space<hbm>> -> memref<1x40x128xf32, #tpu.memory_space<hbm>>
          %dma_wait3A_1093 = tpu.memref_squeeze %dma_wait3A_1092 : memref<1x40x128xf32, #tpu.memory_space<hbm>> -> memref<40x128xf32, #tpu.memory_space<hbm>>
          %dma_wait3A_1094 = arith.constant 0 : i32
          %dma_wait3A_1095 = arith.constant 0 : i32
          %dma_wait3A_1096 = tpu.memref_slice %arg5[%mul3A_2, %dma_wait3A_1094, %dma_wait3A_1095] : memref<4096x200x128xf32, #tpu.memory_space<hbm>> -> memref<1x40x128xf32, #tpu.memory_space<hbm>>
          %dma_wait3A_1097 = tpu.memref_squeeze %dma_wait3A_1096 : memref<1x40x128xf32, #tpu.memory_space<hbm>> -> memref<40x128xf32, #tpu.memory_space<hbm>>
          %dma_wait3A_1098 = arith.constant 0 : i32
          %dma_wait3A_1099 = arith.constant 0 : i32
          %dma_wait3A_1100 = tpu.memref_slice %arg8[%dma_wait3A_1085, %dma_wait3A_1098, %dma_wait3A_1099] : memref<10x40x128xf32, #tpu.memory_space<vmem>> -> memref<1x40x128xf32, #tpu.memory_space<vmem>>
          %dma_wait3A_1101 = tpu.memref_squeeze %dma_wait3A_1100 : memref<1x40x128xf32, #tpu.memory_space<vmem>> -> memref<40x128xf32, #tpu.memory_space<vmem>>
          tpu.wait_dma2 semaphore(%arg28 : memref<!tpu.dma_semaphore, #tpu.memory_space<semaphore_mem>>) src(%dma_wait3A_1101 : memref<40x128xf32, #tpu.memory_space<vmem>>) dst(%dma_wait3A_1097 : memref<40x128xf32, #tpu.memory_space<hbm>>)
        } else {
        }
        %add3A_1072 = arith.constant 5 : i32
        %add3A_1073 = arith.addi %add3A_570, %add3A_1072 : i32
        %mul3A_1074 = arith.constant 40 : i32
        %mul3A_1075 = arith.muli %add3A_1073, %mul3A_1074 : i32
        %dma_start3A_1076 = arith.constant 9 : i32
        %dma_start3A_1077 = arith.constant 0 : i32
        %dma_start3A_1078 = arith.constant 0 : i32
        %dma_start3A_1079 = tpu.memref_slice %arg8[%dma_start3A_1076, %dma_start3A_1077, %dma_start3A_1078] : memref<10x40x128xf32, #tpu.memory_space<vmem>> -> memref<1x40x128xf32, #tpu.memory_space<vmem>>
        %dma_start3A_1080 = tpu.memref_squeeze %dma_start3A_1079 : memref<1x40x128xf32, #tpu.memory_space<vmem>> -> memref<40x128xf32, #tpu.memory_space<vmem>>
        %dma_start3A_1081 = tpu.memref_slice %arg7[%mul3A_1075] : memref<25600xi32, #tpu.memory_space<vmem>> -> memref<40xi32, #tpu.memory_space<vmem>>
        %dma_start3A_1082 = arith.constant 0 : i32
        %dma_start3A_1083 = arith.constant 0 : i32
        %dma_start3A_1084 = tpu.memref_slice %arg4[%dma_start3A_1082, %dma_start3A_1083] : memref<100000x128xf32, #tpu.memory_space<hbm>> -> memref<100000x128xf32, #tpu.memory_space<hbm>>
        tpu.enqueue_indirect_dma source(%dma_start3A_1084 : memref<100000x128xf32, #tpu.memory_space<hbm>>) target(%dma_start3A_1080 : memref<40x128xf32, #tpu.memory_space<vmem>>) offsets(%dma_start3A_1081 : memref<40xi32, #tpu.memory_space<vmem>>) semaphore(%arg18 : memref<!tpu.dma_semaphore, #tpu.memory_space<semaphore_mem>>)
      } else {
      }
      %mul3A_635 = arith.constant 40 : i32
      %mul3A_636 = arith.muli %add3A_570, %mul3A_635 : i32
      %dma_wait3A_637 = arith.constant 4 : i32
      %dma_wait3A_638 = arith.constant 0 : i32
      %dma_wait3A_639 = arith.constant 0 : i32
      %dma_wait3A_640 = tpu.memref_slice %arg8[%dma_wait3A_637, %dma_wait3A_638, %dma_wait3A_639] : memref<10x40x128xf32, #tpu.memory_space<vmem>> -> memref<1x40x128xf32, #tpu.memory_space<vmem>>
      %dma_wait3A_641 = tpu.memref_squeeze %dma_wait3A_640 : memref<1x40x128xf32, #tpu.memory_space<vmem>> -> memref<40x128xf32, #tpu.memory_space<vmem>>
      %dma_wait3A_642 = tpu.memref_slice %arg7[%mul3A_636] : memref<25600xi32, #tpu.memory_space<vmem>> -> memref<40xi32, #tpu.memory_space<vmem>>
      %dma_wait3A_643 = arith.constant 0 : i32
      %dma_wait3A_644 = arith.constant 0 : i32
      %dma_wait3A_645 = tpu.memref_slice %arg4[%dma_wait3A_643, %dma_wait3A_644] : memref<100000x128xf32, #tpu.memory_space<hbm>> -> memref<100000x128xf32, #tpu.memory_space<hbm>>
      tpu.wait_indirect_dma semaphore(%arg13 : memref<!tpu.dma_semaphore, #tpu.memory_space<semaphore_mem>>) src(%dma_wait3A_645 : memref<100000x128xf32, #tpu.memory_space<hbm>>) dst(%dma_wait3A_641 : memref<40x128xf32, #tpu.memory_space<vmem>>)
      %scan3A_646 = arith.constant 4 : i32
      %scan3A_647 = arith.constant 0 : i32
      %scan3A_648 = arith.constant 40 : i32
      %scan3A_649 = arith.addi %scan3A_647, %scan3A_648 : i32
      %scan3A_650 = arith.constant 1 : i32
      scf.for %scan3A_1067 = %scan3A_647 to %scan3A_649 step %scan3A_650  : i32 {
        %get3A = arith.constant 0 : i32
        %get3A_1068 = arith.constant 0 : i32
        %get3A_1069 = tpu.memref_slice %arg8[%scan3A_646, %get3A, %get3A_1068] : memref<10x40x128xf32, #tpu.memory_space<vmem>> -> memref<1x40x128xf32, #tpu.memory_space<vmem>>
        %get3A_1070 = tpu.memref_squeeze %get3A_1069 : memref<1x40x128xf32, #tpu.memory_space<vmem>> -> memref<40x128xf32, #tpu.memory_space<vmem>>
        %get3A_1071 = arith.index_cast %scan3A_1067 : i32 to index
        %get3A_1072 = arith.constant 0 : index
        %get3A_1073 = tpu.vector_load %get3A_1070[%get3A_1071, %get3A_1072] {strides = array<i32>} : memref<40x128xf32, #tpu.memory_space<vmem>>, vector<1x16xf32>,
        %get3A_1074 = vector.shape_cast %get3A_1073 : vector<1x16xf32> to vector<16xf32>
        %mul3A_1075 = arith.constant 11.3137083 : f32
        %mul3A_1076 = vector.broadcast %mul3A_1075 : f32 to vector<16xf32>
        %mul3A_1077 = arith.mulf %get3A_1074, %mul3A_1076 : vector<16xf32>
        %add3A_1078 = arith.constant 160 : i32
        %add3A_1079 = arith.addi %add3A_1078, %scan3A_1067 : i32
        %get3A_1080 = arith.index_cast %add3A_1079 : i32 to index
        %get3A_1081 = arith.constant 0 : index
        %get3A_1082 = tpu.vector_load %arg6[%get3A_1080, %get3A_1081] {strides = array<i32>} : memref<200x128xf32, #tpu.memory_space<vmem>>, vector<1x16xf32>,
        %get3A_1083 = vector.shape_cast %get3A_1082 : vector<1x16xf32> to vector<16xf32>
        %add3A_1084 = arith.addf %mul3A_1077, %get3A_1083 : vector<16xf32>
        %swap3A = arith.constant 0 : i32
        %swap3A_1085 = arith.constant 0 : i32
        %swap3A_1086 = tpu.memref_slice %arg8[%scan3A_646, %swap3A, %swap3A_1085] : memref<10x40x128xf32, #tpu.memory_space<vmem>> -> memref<1x40x128xf32, #tpu.memory_space<vmem>>
        %swap3A_1087 = tpu.memref_squeeze %swap3A_1086 : memref<1x40x128xf32, #tpu.memory_space<vmem>> -> memref<40x128xf32, #tpu.memory_space<vmem>>
        %swap3A_1088 = arith.index_cast %scan3A_1067 : i32 to index
        %swap3A_1089 = arith.constant 0 : index
        %swap3A_1090 = tpu.vector_load %swap3A_1087[%swap3A_1088, %swap3A_1089] {strides = array<i32>} : memref<40x128xf32, #tpu.memory_space<vmem>>, vector<1x16xf32>,
        %swap3A_1091 = vector.shape_cast %swap3A_1090 : vector<1x16xf32> to vector<16xf32>
        %swap3A_1092 = vector.shape_cast %add3A_1084 : vector<16xf32> to vector<1x16xf32>
        tpu.vector_store %swap3A_1087[%swap3A_1088, %swap3A_1089], %swap3A_1092 {strides = array<i32>} : memref<40x128xf32, #tpu.memory_space<vmem>>, vector<1x16xf32>,
        %get3A_1093 = arith.constant 0 : i32
        %get3A_1094 = arith.constant 0 : i32
        %get3A_1095 = tpu.memref_slice %arg8[%scan3A_646, %get3A_1093, %get3A_1094] : memref<10x40x128xf32, #tpu.memory_space<vmem>> -> memref<1x40x128xf32, #tpu.memory_space<vmem>>
        %get3A_1096 = tpu.memref_squeeze %get3A_1095 : memref<1x40x128xf32, #tpu.memory_space<vmem>> -> memref<40x128xf32, #tpu.memory_space<vmem>>
        %get3A_1097 = arith.index_cast %scan3A_1067 : i32 to index
        %get3A_1098 = arith.constant 16 : index
        %get3A_1099 = tpu.vector_load %get3A_1096[%get3A_1097, %get3A_1098] {strides = array<i32>} : memref<40x128xf32, #tpu.memory_space<vmem>>, vector<1x16xf32>,
        %get3A_1100 = vector.shape_cast %get3A_1099 : vector<1x16xf32> to vector<16xf32>
        %mul3A_1101 = arith.constant 11.3137083 : f32
        %mul3A_1102 = vector.broadcast %mul3A_1101 : f32 to vector<16xf32>
        %mul3A_1103 = arith.mulf %get3A_1100, %mul3A_1102 : vector<16xf32>
        %add3A_1104 = arith.constant 160 : i32
        %add3A_1105 = arith.addi %add3A_1104, %scan3A_1067 : i32
        %get3A_1106 = arith.index_cast %add3A_1105 : i32 to index
        %get3A_1107 = arith.constant 16 : index
        %get3A_1108 = tpu.vector_load %arg6[%get3A_1106, %get3A_1107] {strides = array<i32>} : memref<200x128xf32, #tpu.memory_space<vmem>>, vector<1x16xf32>,
        %get3A_1109 = vector.shape_cast %get3A_1108 : vector<1x16xf32> to vector<16xf32>
        %add3A_1110 = arith.addf %mul3A_1103, %get3A_1109 : vector<16xf32>
        %swap3A_1111 = arith.constant 0 : i32
        %swap3A_1112 = arith.constant 0 : i32
        %swap3A_1113 = tpu.memref_slice %arg8[%scan3A_646, %swap3A_1111, %swap3A_1112] : memref<10x40x128xf32, #tpu.memory_space<vmem>> -> memref<1x40x128xf32, #tpu.memory_space<vmem>>
        %swap3A_1114 = tpu.memref_squeeze %swap3A_1113 : memref<1x40x128xf32, #tpu.memory_space<vmem>> -> memref<40x128xf32, #tpu.memory_space<vmem>>
        %swap3A_1115 = arith.index_cast %scan3A_1067 : i32 to index
        %swap3A_1116 = arith.constant 16 : index
        %swap3A_1117 = tpu.vector_load %swap3A_1114[%swap3A_1115, %swap3A_1116] {strides = array<i32>} : memref<40x128xf32, #tpu.memory_space<vmem>>, vector<1x16xf32>,
        %swap3A_1118 = vector.shape_cast %swap3A_1117 : vector<1x16xf32> to vector<16xf32>
        %swap3A_1119 = vector.shape_cast %add3A_1110 : vector<16xf32> to vector<1x16xf32>
        tpu.vector_store %swap3A_1114[%swap3A_1115, %swap3A_1116], %swap3A_1119 {strides = array<i32>} : memref<40x128xf32, #tpu.memory_space<vmem>>, vector<1x16xf32>,
        %get3A_1120 = arith.constant 0 : i32
        %get3A_1121 = arith.constant 0 : i32
        %get3A_1122 = tpu.memref_slice %arg8[%scan3A_646, %get3A_1120, %get3A_1121] : memref<10x40x128xf32, #tpu.memory_space<vmem>> -> memref<1x40x128xf32, #tpu.memory_space<vmem>>
        %get3A_1123 = tpu.memref_squeeze %get3A_1122 : memref<1x40x128xf32, #tpu.memory_space<vmem>> -> memref<40x128xf32, #tpu.memory_space<vmem>>
        %get3A_1124 = arith.index_cast %scan3A_1067 : i32 to index
        %get3A_1125 = arith.constant 32 : index
        %get3A_1126 = tpu.vector_load %get3A_1123[%get3A_1124, %get3A_1125] {strides = array<i32>} : memref<40x128xf32, #tpu.memory_space<vmem>>, vector<1x16xf32>,
        %get3A_1127 = vector.shape_cast %get3A_1126 : vector<1x16xf32> to vector<16xf32>
        %mul3A_1128 = arith.constant 11.3137083 : f32
        %mul3A_1129 = vector.broadcast %mul3A_1128 : f32 to vector<16xf32>
        %mul3A_1130 = arith.mulf %get3A_1127, %mul3A_1129 : vector<16xf32>
        %add3A_1131 = arith.constant 160 : i32
        %add3A_1132 = arith.addi %add3A_1131, %scan3A_1067 : i32
        %get3A_1133 = arith.index_cast %add3A_1132 : i32 to index
        %get3A_1134 = arith.constant 32 : index
        %get3A_1135 = tpu.vector_load %arg6[%get3A_1133, %get3A_1134] {strides = array<i32>} : memref<200x128xf32, #tpu.memory_space<vmem>>, vector<1x16xf32>,
        %get3A_1136 = vector.shape_cast %get3A_1135 : vector<1x16xf32> to vector<16xf32>
        %add3A_1137 = arith.addf %mul3A_1130, %get3A_1136 : vector<16xf32>
        %swap3A_1138 = arith.constant 0 : i32
        %swap3A_1139 = arith.constant 0 : i32
        %swap3A_1140 = tpu.memref_slice %arg8[%scan3A_646, %swap3A_1138, %swap3A_1139] : memref<10x40x128xf32, #tpu.memory_space<vmem>> -> memref<1x40x128xf32, #tpu.memory_space<vmem>>
        %swap3A_1141 = tpu.memref_squeeze %swap3A_1140 : memref<1x40x128xf32, #tpu.memory_space<vmem>> -> memref<40x128xf32, #tpu.memory_space<vmem>>
        %swap3A_1142 = arith.index_cast %scan3A_1067 : i32 to index
        %swap3A_1143 = arith.constant 32 : index
        %swap3A_1144 = tpu.vector_load %swap3A_1141[%swap3A_1142, %swap3A_1143] {strides = array<i32>} : memref<40x128xf32, #tpu.memory_space<vmem>>, vector<1x16xf32>,
        %swap3A_1145 = vector.shape_cast %swap3A_1144 : vector<1x16xf32> to vector<16xf32>
        %swap3A_1146 = vector.shape_cast %add3A_1137 : vector<16xf32> to vector<1x16xf32>
        tpu.vector_store %swap3A_1141[%swap3A_1142, %swap3A_1143], %swap3A_1146 {strides = array<i32>} : memref<40x128xf32, #tpu.memory_space<vmem>>, vector<1x16xf32>,
        %get3A_1147 = arith.constant 0 : i32
        %get3A_1148 = arith.constant 0 : i32
        %get3A_1149 = tpu.memref_slice %arg8[%scan3A_646, %get3A_1147, %get3A_1148] : memref<10x40x128xf32, #tpu.memory_space<vmem>> -> memref<1x40x128xf32, #tpu.memory_space<vmem>>
        %get3A_1150 = tpu.memref_squeeze %get3A_1149 : memref<1x40x128xf32, #tpu.memory_space<vmem>> -> memref<40x128xf32, #tpu.memory_space<vmem>>
        %get3A_1151 = arith.index_cast %scan3A_1067 : i32 to index
        %get3A_1152 = arith.constant 48 : index
        %get3A_1153 = tpu.vector_load %get3A_1150[%get3A_1151, %get3A_1152] {strides = array<i32>} : memref<40x128xf32, #tpu.memory_space<vmem>>, vector<1x16xf32>,
        %get3A_1154 = vector.shape_cast %get3A_1153 : vector<1x16xf32> to vector<16xf32>
        %mul3A_1155 = arith.constant 11.3137083 : f32
        %mul3A_1156 = vector.broadcast %mul3A_1155 : f32 to vector<16xf32>
        %mul3A_1157 = arith.mulf %get3A_1154, %mul3A_1156 : vector<16xf32>
        %add3A_1158 = arith.constant 160 : i32
        %add3A_1159 = arith.addi %add3A_1158, %scan3A_1067 : i32
        %get3A_1160 = arith.index_cast %add3A_1159 : i32 to index
        %get3A_1161 = arith.constant 48 : index
        %get3A_1162 = tpu.vector_load %arg6[%get3A_1160, %get3A_1161] {strides = array<i32>} : memref<200x128xf32, #tpu.memory_space<vmem>>, vector<1x16xf32>,
        %get3A_1163 = vector.shape_cast %get3A_1162 : vector<1x16xf32> to vector<16xf32>
        %add3A_1164 = arith.addf %mul3A_1157, %get3A_1163 : vector<16xf32>
        %swap3A_1165 = arith.constant 0 : i32
        %swap3A_1166 = arith.constant 0 : i32
        %swap3A_1167 = tpu.memref_slice %arg8[%scan3A_646, %swap3A_1165, %swap3A_1166] : memref<10x40x128xf32, #tpu.memory_space<vmem>> -> memref<1x40x128xf32, #tpu.memory_space<vmem>>
        %swap3A_1168 = tpu.memref_squeeze %swap3A_1167 : memref<1x40x128xf32, #tpu.memory_space<vmem>> -> memref<40x128xf32, #tpu.memory_space<vmem>>
        %swap3A_1169 = arith.index_cast %scan3A_1067 : i32 to index
        %swap3A_1170 = arith.constant 48 : index
        %swap3A_1171 = tpu.vector_load %swap3A_1168[%swap3A_1169, %swap3A_1170] {strides = array<i32>} : memref<40x128xf32, #tpu.memory_space<vmem>>, vector<1x16xf32>,
        %swap3A_1172 = vector.shape_cast %swap3A_1171 : vector<1x16xf32> to vector<16xf32>
        %swap3A_1173 = vector.shape_cast %add3A_1164 : vector<16xf32> to vector<1x16xf32>
        tpu.vector_store %swap3A_1168[%swap3A_1169, %swap3A_1170], %swap3A_1173 {strides = array<i32>} : memref<40x128xf32, #tpu.memory_space<vmem>>, vector<1x16xf32>,
        %get3A_1174 = arith.constant 0 : i32
        %get3A_1175 = arith.constant 0 : i32
        %get3A_1176 = tpu.memref_slice %arg8[%scan3A_646, %get3A_1174, %get3A_1175] : memref<10x40x128xf32, #tpu.memory_space<vmem>> -> memref<1x40x128xf32, #tpu.memory_space<vmem>>
        %get3A_1177 = tpu.memref_squeeze %get3A_1176 : memref<1x40x128xf32, #tpu.memory_space<vmem>> -> memref<40x128xf32, #tpu.memory_space<vmem>>
        %get3A_1178 = arith.index_cast %scan3A_1067 : i32 to index
        %get3A_1179 = arith.constant 64 : index
        %get3A_1180 = tpu.vector_load %get3A_1177[%get3A_1178, %get3A_1179] {strides = array<i32>} : memref<40x128xf32, #tpu.memory_space<vmem>>, vector<1x16xf32>,
        %get3A_1181 = vector.shape_cast %get3A_1180 : vector<1x16xf32> to vector<16xf32>
        %mul3A_1182 = arith.constant 11.3137083 : f32
        %mul3A_1183 = vector.broadcast %mul3A_1182 : f32 to vector<16xf32>
        %mul3A_1184 = arith.mulf %get3A_1181, %mul3A_1183 : vector<16xf32>
        %add3A_1185 = arith.constant 160 : i32
        %add3A_1186 = arith.addi %add3A_1185, %scan3A_1067 : i32
        %get3A_1187 = arith.index_cast %add3A_1186 : i32 to index
        %get3A_1188 = arith.constant 64 : index
        %get3A_1189 = tpu.vector_load %arg6[%get3A_1187, %get3A_1188] {strides = array<i32>} : memref<200x128xf32, #tpu.memory_space<vmem>>, vector<1x16xf32>,
        %get3A_1190 = vector.shape_cast %get3A_1189 : vector<1x16xf32> to vector<16xf32>
        %add3A_1191 = arith.addf %mul3A_1184, %get3A_1190 : vector<16xf32>
        %swap3A_1192 = arith.constant 0 : i32
        %swap3A_1193 = arith.constant 0 : i32
        %swap3A_1194 = tpu.memref_slice %arg8[%scan3A_646, %swap3A_1192, %swap3A_1193] : memref<10x40x128xf32, #tpu.memory_space<vmem>> -> memref<1x40x128xf32, #tpu.memory_space<vmem>>
        %swap3A_1195 = tpu.memref_squeeze %swap3A_1194 : memref<1x40x128xf32, #tpu.memory_space<vmem>> -> memref<40x128xf32, #tpu.memory_space<vmem>>
        %swap3A_1196 = arith.index_cast %scan3A_1067 : i32 to index
        %swap3A_1197 = arith.constant 64 : index
        %swap3A_1198 = tpu.vector_load %swap3A_1195[%swap3A_1196, %swap3A_1197] {strides = array<i32>} : memref<40x128xf32, #tpu.memory_space<vmem>>, vector<1x16xf32>,
        %swap3A_1199 = vector.shape_cast %swap3A_1198 : vector<1x16xf32> to vector<16xf32>
        %swap3A_1200 = vector.shape_cast %add3A_1191 : vector<16xf32> to vector<1x16xf32>
        tpu.vector_store %swap3A_1195[%swap3A_1196, %swap3A_1197], %swap3A_1200 {strides = array<i32>} : memref<40x128xf32, #tpu.memory_space<vmem>>, vector<1x16xf32>,
        %get3A_1201 = arith.constant 0 : i32
        %get3A_1202 = arith.constant 0 : i32
        %get3A_1203 = tpu.memref_slice %arg8[%scan3A_646, %get3A_1201, %get3A_1202] : memref<10x40x128xf32, #tpu.memory_space<vmem>> -> memref<1x40x128xf32, #tpu.memory_space<vmem>>
        %get3A_1204 = tpu.memref_squeeze %get3A_1203 : memref<1x40x128xf32, #tpu.memory_space<vmem>> -> memref<40x128xf32, #tpu.memory_space<vmem>>
        %get3A_1205 = arith.index_cast %scan3A_1067 : i32 to index
        %get3A_1206 = arith.constant 80 : index
        %get3A_1207 = tpu.vector_load %get3A_1204[%get3A_1205, %get3A_1206] {strides = array<i32>} : memref<40x128xf32, #tpu.memory_space<vmem>>, vector<1x16xf32>,
        %get3A_1208 = vector.shape_cast %get3A_1207 : vector<1x16xf32> to vector<16xf32>
        %mul3A_1209 = arith.constant 11.3137083 : f32
        %mul3A_1210 = vector.broadcast %mul3A_1209 : f32 to vector<16xf32>
        %mul3A_1211 = arith.mulf %get3A_1208, %mul3A_1210 : vector<16xf32>
        %add3A_1212 = arith.constant 160 : i32
        %add3A_1213 = arith.addi %add3A_1212, %scan3A_1067 : i32
        %get3A_1214 = arith.index_cast %add3A_1213 : i32 to index
        %get3A_1215 = arith.constant 80 : index
        %get3A_1216 = tpu.vector_load %arg6[%get3A_1214, %get3A_1215] {strides = array<i32>} : memref<200x128xf32, #tpu.memory_space<vmem>>, vector<1x16xf32>,
        %get3A_1217 = vector.shape_cast %get3A_1216 : vector<1x16xf32> to vector<16xf32>
        %add3A_1218 = arith.addf %mul3A_1211, %get3A_1217 : vector<16xf32>
        %swap3A_1219 = arith.constant 0 : i32
        %swap3A_1220 = arith.constant 0 : i32
        %swap3A_1221 = tpu.memref_slice %arg8[%scan3A_646, %swap3A_1219, %swap3A_1220] : memref<10x40x128xf32, #tpu.memory_space<vmem>> -> memref<1x40x128xf32, #tpu.memory_space<vmem>>
        %swap3A_1222 = tpu.memref_squeeze %swap3A_1221 : memref<1x40x128xf32, #tpu.memory_space<vmem>> -> memref<40x128xf32, #tpu.memory_space<vmem>>
        %swap3A_1223 = arith.index_cast %scan3A_1067 : i32 to index
        %swap3A_1224 = arith.constant 80 : index
        %swap3A_1225 = tpu.vector_load %swap3A_1222[%swap3A_1223, %swap3A_1224] {strides = array<i32>} : memref<40x128xf32, #tpu.memory_space<vmem>>, vector<1x16xf32>,
        %swap3A_1226 = vector.shape_cast %swap3A_1225 : vector<1x16xf32> to vector<16xf32>
        %swap3A_1227 = vector.shape_cast %add3A_1218 : vector<16xf32> to vector<1x16xf32>
        tpu.vector_store %swap3A_1222[%swap3A_1223, %swap3A_1224], %swap3A_1227 {strides = array<i32>} : memref<40x128xf32, #tpu.memory_space<vmem>>, vector<1x16xf32>,
        %get3A_1228 = arith.constant 0 : i32
        %get3A_1229 = arith.constant 0 : i32
        %get3A_1230 = tpu.memref_slice %arg8[%scan3A_646, %get3A_1228, %get3A_1229] : memref<10x40x128xf32, #tpu.memory_space<vmem>> -> memref<1x40x128xf32, #tpu.memory_space<vmem>>
        %get3A_1231 = tpu.memref_squeeze %get3A_1230 : memref<1x40x128xf32, #tpu.memory_space<vmem>> -> memref<40x128xf32, #tpu.memory_space<vmem>>
        %get3A_1232 = arith.index_cast %scan3A_1067 : i32 to index
        %get3A_1233 = arith.constant 96 : index
        %get3A_1234 = tpu.vector_load %get3A_1231[%get3A_1232, %get3A_1233] {strides = array<i32>} : memref<40x128xf32, #tpu.memory_space<vmem>>, vector<1x16xf32>,
        %get3A_1235 = vector.shape_cast %get3A_1234 : vector<1x16xf32> to vector<16xf32>
        %mul3A_1236 = arith.constant 11.3137083 : f32
        %mul3A_1237 = vector.broadcast %mul3A_1236 : f32 to vector<16xf32>
        %mul3A_1238 = arith.mulf %get3A_1235, %mul3A_1237 : vector<16xf32>
        %add3A_1239 = arith.constant 160 : i32
        %add3A_1240 = arith.addi %add3A_1239, %scan3A_1067 : i32
        %get3A_1241 = arith.index_cast %add3A_1240 : i32 to index
        %get3A_1242 = arith.constant 96 : index
        %get3A_1243 = tpu.vector_load %arg6[%get3A_1241, %get3A_1242] {strides = array<i32>} : memref<200x128xf32, #tpu.memory_space<vmem>>, vector<1x16xf32>,
        %get3A_1244 = vector.shape_cast %get3A_1243 : vector<1x16xf32> to vector<16xf32>
        %add3A_1245 = arith.addf %mul3A_1238, %get3A_1244 : vector<16xf32>
        %swap3A_1246 = arith.constant 0 : i32
        %swap3A_1247 = arith.constant 0 : i32
        %swap3A_1248 = tpu.memref_slice %arg8[%scan3A_646, %swap3A_1246, %swap3A_1247] : memref<10x40x128xf32, #tpu.memory_space<vmem>> -> memref<1x40x128xf32, #tpu.memory_space<vmem>>
        %swap3A_1249 = tpu.memref_squeeze %swap3A_1248 : memref<1x40x128xf32, #tpu.memory_space<vmem>> -> memref<40x128xf32, #tpu.memory_space<vmem>>
        %swap3A_1250 = arith.index_cast %scan3A_1067 : i32 to index
        %swap3A_1251 = arith.constant 96 : index
        %swap3A_1252 = tpu.vector_load %swap3A_1249[%swap3A_1250, %swap3A_1251] {strides = array<i32>} : memref<40x128xf32, #tpu.memory_space<vmem>>, vector<1x16xf32>,
        %swap3A_1253 = vector.shape_cast %swap3A_1252 : vector<1x16xf32> to vector<16xf32>
        %swap3A_1254 = vector.shape_cast %add3A_1245 : vector<16xf32> to vector<1x16xf32>
        tpu.vector_store %swap3A_1249[%swap3A_1250, %swap3A_1251], %swap3A_1254 {strides = array<i32>} : memref<40x128xf32, #tpu.memory_space<vmem>>, vector<1x16xf32>,
        %get3A_1255 = arith.constant 0 : i32
        %get3A_1256 = arith.constant 0 : i32
        %get3A_1257 = tpu.memref_slice %arg8[%scan3A_646, %get3A_1255, %get3A_1256] : memref<10x40x128xf32, #tpu.memory_space<vmem>> -> memref<1x40x128xf32, #tpu.memory_space<vmem>>
        %get3A_1258 = tpu.memref_squeeze %get3A_1257 : memref<1x40x128xf32, #tpu.memory_space<vmem>> -> memref<40x128xf32, #tpu.memory_space<vmem>>
        %get3A_1259 = arith.index_cast %scan3A_1067 : i32 to index
        %get3A_1260 = arith.constant 112 : index
        %get3A_1261 = tpu.vector_load %get3A_1258[%get3A_1259, %get3A_1260] {strides = array<i32>} : memref<40x128xf32, #tpu.memory_space<vmem>>, vector<1x16xf32>,
        %get3A_1262 = vector.shape_cast %get3A_1261 : vector<1x16xf32> to vector<16xf32>
        %mul3A_1263 = arith.constant 11.3137083 : f32
        %mul3A_1264 = vector.broadcast %mul3A_1263 : f32 to vector<16xf32>
        %mul3A_1265 = arith.mulf %get3A_1262, %mul3A_1264 : vector<16xf32>
        %add3A_1266 = arith.constant 160 : i32
        %add3A_1267 = arith.addi %add3A_1266, %scan3A_1067 : i32
        %get3A_1268 = arith.index_cast %add3A_1267 : i32 to index
        %get3A_1269 = arith.constant 112 : index
        %get3A_1270 = tpu.vector_load %arg6[%get3A_1268, %get3A_1269] {strides = array<i32>} : memref<200x128xf32, #tpu.memory_space<vmem>>, vector<1x16xf32>,
        %get3A_1271 = vector.shape_cast %get3A_1270 : vector<1x16xf32> to vector<16xf32>
        %add3A_1272 = arith.addf %mul3A_1265, %get3A_1271 : vector<16xf32>
        %swap3A_1273 = arith.constant 0 : i32
        %swap3A_1274 = arith.constant 0 : i32
        %swap3A_1275 = tpu.memref_slice %arg8[%scan3A_646, %swap3A_1273, %swap3A_1274] : memref<10x40x128xf32, #tpu.memory_space<vmem>> -> memref<1x40x128xf32, #tpu.memory_space<vmem>>
        %swap3A_1276 = tpu.memref_squeeze %swap3A_1275 : memref<1x40x128xf32, #tpu.memory_space<vmem>> -> memref<40x128xf32, #tpu.memory_space<vmem>>
        %swap3A_1277 = arith.index_cast %scan3A_1067 : i32 to index
        %swap3A_1278 = arith.constant 112 : index
        %swap3A_1279 = tpu.vector_load %swap3A_1276[%swap3A_1277, %swap3A_1278] {strides = array<i32>} : memref<40x128xf32, #tpu.memory_space<vmem>>, vector<1x16xf32>,
        %swap3A_1280 = vector.shape_cast %swap3A_1279 : vector<1x16xf32> to vector<16xf32>
        %swap3A_1281 = vector.shape_cast %add3A_1272 : vector<16xf32> to vector<1x16xf32>
        tpu.vector_store %swap3A_1276[%swap3A_1277, %swap3A_1278], %swap3A_1281 {strides = array<i32>} : memref<40x128xf32, #tpu.memory_space<vmem>>, vector<1x16xf32>,
      }
      %scan3A_651 = arith.constant 40 : i32
      %add3A_652 = arith.constant 5 : i32
      %add3A_653 = arith.addi %mul3A_248, %add3A_652 : i32
      %jit3A_654 = arith.constant 5 : i32
      %div3A_655 = arith.divsi %mul3A_248, %jit3A_654 : i32
      %sign3A_656 = arith.constant 0 : i32
      %sign3A_657 = arith.cmpi sgt, %mul3A_248, %sign3A_656 : i32
      %sign3A_658 = arith.extui %sign3A_657 : i1 to i32
      %sign3A_659 = arith.constant 0 : i32
      %sign3A_660 = arith.cmpi slt, %mul3A_248, %sign3A_659 : i32
      %sign3A_661 = arith.extui %sign3A_660 : i1 to i32
      %sign3A_662 = arith.subi %sign3A_658, %sign3A_661 : i32
      %sign3A_663 = arith.constant 0 : i32
      %sign3A_664 = arith.cmpi sgt, %jit3A_654, %sign3A_663 : i32
      %sign3A_665 = arith.extui %sign3A_664 : i1 to i32
      %sign3A_666 = arith.constant 0 : i32
      %sign3A_667 = arith.cmpi slt, %jit3A_654, %sign3A_666 : i32
      %sign3A_668 = arith.extui %sign3A_667 : i1 to i32
      %sign3A_669 = arith.subi %sign3A_665, %sign3A_668 : i32
      %ne3A_670 = arith.cmpi ne, %sign3A_662, %sign3A_669 : i32
      %rem3A_671 = arith.remsi %mul3A_248, %jit3A_654 : i32
      %ne3A_672 = arith.constant 0 : i32
      %ne3A_673 = arith.cmpi ne, %rem3A_671, %ne3A_672 : i32
      %and3A_674 = arith.andi %ne3A_670, %ne3A_673 : i1
      %sub3A_675 = arith.constant 1 : i32
      %sub3A_676 = arith.subi %div3A_655, %sub3A_675 : i32
      %select_n3A_677 = arith.select %and3A_674, %sub3A_676, %div3A_655 : i32
      %add3A_678 = arith.constant 1 : i32
      %add3A_679 = arith.addi %select_n3A_677, %add3A_678 : i32
      %jit3A_680 = arith.constant 5 : i32
      %div3A_681 = arith.divsi %mul3A_248, %jit3A_680 : i32
      %sign3A_682 = arith.constant 0 : i32
      %sign3A_683 = arith.cmpi sgt, %mul3A_248, %sign3A_682 : i32
      %sign3A_684 = arith.extui %sign3A_683 : i1 to i32
      %sign3A_685 = arith.constant 0 : i32
      %sign3A_686 = arith.cmpi slt, %mul3A_248, %sign3A_685 : i32
      %sign3A_687 = arith.extui %sign3A_686 : i1 to i32
      %sign3A_688 = arith.subi %sign3A_684, %sign3A_687 : i32
      %sign3A_689 = arith.constant 0 : i32
      %sign3A_690 = arith.cmpi sgt, %jit3A_680, %sign3A_689 : i32
      %sign3A_691 = arith.extui %sign3A_690 : i1 to i32
      %sign3A_692 = arith.constant 0 : i32
      %sign3A_693 = arith.cmpi slt, %jit3A_680, %sign3A_692 : i32
      %sign3A_694 = arith.extui %sign3A_693 : i1 to i32
      %sign3A_695 = arith.subi %sign3A_691, %sign3A_694 : i32
      %ne3A_696 = arith.cmpi ne, %sign3A_688, %sign3A_695 : i32
      %rem3A_697 = arith.remsi %mul3A_248, %jit3A_680 : i32
      %ne3A_698 = arith.constant 0 : i32
      %ne3A_699 = arith.cmpi ne, %rem3A_697, %ne3A_698 : i32
      %and3A_700 = arith.andi %ne3A_696, %ne3A_699 : i1
      %sub3A_701 = arith.constant 1 : i32
      %sub3A_702 = arith.subi %div3A_681, %sub3A_701 : i32
      %select_n3A_703 = arith.select %and3A_700, %sub3A_702, %div3A_681 : i32
      %add3A_704 = arith.constant 0 : i32
      %add3A_705 = arith.addi %select_n3A_703, %add3A_704 : i32
      %ge3A_706 = arith.constant 1 : i32
      %ge3A_707 = arith.cmpi sge, %add3A_653, %ge3A_706 : i32
      %convert_element_type3A_708 = arith.extui %ge3A_707 : i1 to i32
      %cond3A_709 = arith.constant 0 : i32
      %cond3A_710 = arith.cmpi ne, %convert_element_type3A_708, %cond3A_709 : i32
      scf.if %cond3A_710 {
        %add3A_1067 = arith.addi %mul3A_2, %add3A_705 : i32
        %dma_start3A_1068 = arith.constant 4 : i32
        %dma_start3A_1069 = arith.constant 0 : i32
        %dma_start3A_1070 = arith.constant 0 : i32
        %dma_start3A_1071 = tpu.memref_slice %arg8[%dma_start3A_1068, %dma_start3A_1069, %dma_start3A_1070] : memref<10x40x128xf32, #tpu.memory_space<vmem>> -> memref<1x40x128xf32, #tpu.memory_space<vmem>>
        %dma_start3A_1072 = tpu.memref_squeeze %dma_start3A_1071 : memref<1x40x128xf32, #tpu.memory_space<vmem>> -> memref<40x128xf32, #tpu.memory_space<vmem>>
        %dma_start3A_1073 = arith.constant 160 : i32
        %dma_start3A_1074 = arith.constant 0 : i32
        %dma_start3A_1075 = tpu.memref_slice %arg5[%add3A_1067, %dma_start3A_1073, %dma_start3A_1074] : memref<4096x200x128xf32, #tpu.memory_space<hbm>> -> memref<1x40x128xf32, #tpu.memory_space<hbm>>
        %dma_start3A_1076 = tpu.memref_squeeze %dma_start3A_1075 : memref<1x40x128xf32, #tpu.memory_space<hbm>> -> memref<40x128xf32, #tpu.memory_space<hbm>>
        %dma_start3A_1077 = arith.constant 160 : i32
        %dma_start3A_1078 = arith.constant 0 : i32
        %dma_start3A_1079 = tpu.memref_slice %arg5[%add3A_1067, %dma_start3A_1077, %dma_start3A_1078] : memref<4096x200x128xf32, #tpu.memory_space<hbm>> -> memref<1x40x128xf32, #tpu.memory_space<hbm>>
        %dma_start3A_1080 = tpu.memref_squeeze %dma_start3A_1079 : memref<1x40x128xf32, #tpu.memory_space<hbm>> -> memref<40x128xf32, #tpu.memory_space<hbm>>
        %dma_start3A_1081 = arith.constant 0 : i32
        %dma_start3A_1082 = arith.constant 0 : i32
        %dma_start3A_1083 = tpu.memref_slice %arg8[%dma_start3A_1068, %dma_start3A_1081, %dma_start3A_1082] : memref<10x40x128xf32, #tpu.memory_space<vmem>> -> memref<1x40x128xf32, #tpu.memory_space<vmem>>
        %dma_start3A_1084 = tpu.memref_squeeze %dma_start3A_1083 : memref<1x40x128xf32, #tpu.memory_space<vmem>> -> memref<40x128xf32, #tpu.memory_space<vmem>>
        tpu.enqueue_dma source(%dma_start3A_1084 : memref<40x128xf32, #tpu.memory_space<vmem>>) target(%dma_start3A_1080 : memref<40x128xf32, #tpu.memory_space<hbm>>) target_semaphore(%arg23 : memref<!tpu.dma_semaphore, #tpu.memory_space<semaphore_mem>>)
      } else {
      }
      %add3A_711 = arith.constant 5 : i32
      %add3A_712 = arith.addi %add3A_653, %add3A_711 : i32
      %lt3A_713 = arith.constant 640 : i32
      %lt3A_714 = arith.cmpi slt, %add3A_712, %lt3A_713 : i32
      %convert_element_type3A_715 = arith.extui %lt3A_714 : i1 to i32
      %cond3A_716 = arith.constant 0 : i32
      %cond3A_717 = arith.cmpi ne, %convert_element_type3A_715, %cond3A_716 : i32
      scf.if %cond3A_717 {
        %ge3A_1067 = arith.constant 5 : i32
        %ge3A_1068 = arith.cmpi sge, %add3A_653, %ge3A_1067 : i32
        %convert_element_type3A_1069 = arith.extui %ge3A_1068 : i1 to i32
        %cond3A_1070 = arith.constant 0 : i32
        %cond3A_1071 = arith.cmpi ne, %convert_element_type3A_1069, %cond3A_1070 : i32
        scf.if %cond3A_1071 {
          %dma_wait3A_1085 = arith.constant 0 : i32
          %dma_wait3A_1086 = arith.constant 0 : i32
          %dma_wait3A_1087 = arith.constant 0 : i32
          %dma_wait3A_1088 = tpu.memref_slice %arg8[%dma_wait3A_1085, %dma_wait3A_1086, %dma_wait3A_1087] : memref<10x40x128xf32, #tpu.memory_space<vmem>> -> memref<1x40x128xf32, #tpu.memory_space<vmem>>
          %dma_wait3A_1089 = tpu.memref_squeeze %dma_wait3A_1088 : memref<1x40x128xf32, #tpu.memory_space<vmem>> -> memref<40x128xf32, #tpu.memory_space<vmem>>
          %dma_wait3A_1090 = arith.constant 0 : i32
          %dma_wait3A_1091 = arith.constant 0 : i32
          %dma_wait3A_1092 = tpu.memref_slice %arg5[%mul3A_2, %dma_wait3A_1090, %dma_wait3A_1091] : memref<4096x200x128xf32, #tpu.memory_space<hbm>> -> memref<1x40x128xf32, #tpu.memory_space<hbm>>
          %dma_wait3A_1093 = tpu.memref_squeeze %dma_wait3A_1092 : memref<1x40x128xf32, #tpu.memory_space<hbm>> -> memref<40x128xf32, #tpu.memory_space<hbm>>
          %dma_wait3A_1094 = arith.constant 0 : i32
          %dma_wait3A_1095 = arith.constant 0 : i32
          %dma_wait3A_1096 = tpu.memref_slice %arg5[%mul3A_2, %dma_wait3A_1094, %dma_wait3A_1095] : memref<4096x200x128xf32, #tpu.memory_space<hbm>> -> memref<1x40x128xf32, #tpu.memory_space<hbm>>
          %dma_wait3A_1097 = tpu.memref_squeeze %dma_wait3A_1096 : memref<1x40x128xf32, #tpu.memory_space<hbm>> -> memref<40x128xf32, #tpu.memory_space<hbm>>
          %dma_wait3A_1098 = arith.constant 0 : i32
          %dma_wait3A_1099 = arith.constant 0 : i32
          %dma_wait3A_1100 = tpu.memref_slice %arg8[%dma_wait3A_1085, %dma_wait3A_1098, %dma_wait3A_1099] : memref<10x40x128xf32, #tpu.memory_space<vmem>> -> memref<1x40x128xf32, #tpu.memory_space<vmem>>
          %dma_wait3A_1101 = tpu.memref_squeeze %dma_wait3A_1100 : memref<1x40x128xf32, #tpu.memory_space<vmem>> -> memref<40x128xf32, #tpu.memory_space<vmem>>
          tpu.wait_dma2 semaphore(%arg19 : memref<!tpu.dma_semaphore, #tpu.memory_space<semaphore_mem>>) src(%dma_wait3A_1101 : memref<40x128xf32, #tpu.memory_space<vmem>>) dst(%dma_wait3A_1097 : memref<40x128xf32, #tpu.memory_space<hbm>>)
        } else {
        }
        %add3A_1072 = arith.constant 5 : i32
        %add3A_1073 = arith.addi %add3A_653, %add3A_1072 : i32
        %mul3A_1074 = arith.constant 40 : i32
        %mul3A_1075 = arith.muli %add3A_1073, %mul3A_1074 : i32
        %dma_start3A_1076 = arith.constant 0 : i32
        %dma_start3A_1077 = arith.constant 0 : i32
        %dma_start3A_1078 = arith.constant 0 : i32
        %dma_start3A_1079 = tpu.memref_slice %arg8[%dma_start3A_1076, %dma_start3A_1077, %dma_start3A_1078] : memref<10x40x128xf32, #tpu.memory_space<vmem>> -> memref<1x40x128xf32, #tpu.memory_space<vmem>>
        %dma_start3A_1080 = tpu.memref_squeeze %dma_start3A_1079 : memref<1x40x128xf32, #tpu.memory_space<vmem>> -> memref<40x128xf32, #tpu.memory_space<vmem>>
        %dma_start3A_1081 = tpu.memref_slice %arg7[%mul3A_1075] : memref<25600xi32, #tpu.memory_space<vmem>> -> memref<40xi32, #tpu.memory_space<vmem>>
        %dma_start3A_1082 = arith.constant 0 : i32
        %dma_start3A_1083 = arith.constant 0 : i32
        %dma_start3A_1084 = tpu.memref_slice %arg4[%dma_start3A_1082, %dma_start3A_1083] : memref<100000x128xf32, #tpu.memory_space<hbm>> -> memref<100000x128xf32, #tpu.memory_space<hbm>>
        tpu.enqueue_indirect_dma source(%dma_start3A_1084 : memref<100000x128xf32, #tpu.memory_space<hbm>>) target(%dma_start3A_1080 : memref<40x128xf32, #tpu.memory_space<vmem>>) offsets(%dma_start3A_1081 : memref<40xi32, #tpu.memory_space<vmem>>) semaphore(%arg9 : memref<!tpu.dma_semaphore, #tpu.memory_space<semaphore_mem>>)
      } else {
      }
      %mul3A_718 = arith.constant 40 : i32
      %mul3A_719 = arith.muli %add3A_653, %mul3A_718 : i32
      %dma_wait3A_720 = arith.constant 5 : i32
      %dma_wait3A_721 = arith.constant 0 : i32
      %dma_wait3A_722 = arith.constant 0 : i32
      %dma_wait3A_723 = tpu.memref_slice %arg8[%dma_wait3A_720, %dma_wait3A_721, %dma_wait3A_722] : memref<10x40x128xf32, #tpu.memory_space<vmem>> -> memref<1x40x128xf32, #tpu.memory_space<vmem>>
      %dma_wait3A_724 = tpu.memref_squeeze %dma_wait3A_723 : memref<1x40x128xf32, #tpu.memory_space<vmem>> -> memref<40x128xf32, #tpu.memory_space<vmem>>
      %dma_wait3A_725 = tpu.memref_slice %arg7[%mul3A_719] : memref<25600xi32, #tpu.memory_space<vmem>> -> memref<40xi32, #tpu.memory_space<vmem>>
      %dma_wait3A_726 = arith.constant 0 : i32
      %dma_wait3A_727 = arith.constant 0 : i32
      %dma_wait3A_728 = tpu.memref_slice %arg4[%dma_wait3A_726, %dma_wait3A_727] : memref<100000x128xf32, #tpu.memory_space<hbm>> -> memref<100000x128xf32, #tpu.memory_space<hbm>>
      tpu.wait_indirect_dma semaphore(%arg14 : memref<!tpu.dma_semaphore, #tpu.memory_space<semaphore_mem>>) src(%dma_wait3A_728 : memref<100000x128xf32, #tpu.memory_space<hbm>>) dst(%dma_wait3A_724 : memref<40x128xf32, #tpu.memory_space<vmem>>)
      %scan3A_729 = arith.constant 5 : i32
      %scan3A_730 = arith.constant 0 : i32
      %scan3A_731 = arith.constant 40 : i32
      %scan3A_732 = arith.addi %scan3A_730, %scan3A_731 : i32
      %scan3A_733 = arith.constant 1 : i32
      scf.for %scan3A_1067 = %scan3A_730 to %scan3A_732 step %scan3A_733  : i32 {
        %get3A = arith.constant 0 : i32
        %get3A_1068 = arith.constant 0 : i32
        %get3A_1069 = tpu.memref_slice %arg8[%scan3A_729, %get3A, %get3A_1068] : memref<10x40x128xf32, #tpu.memory_space<vmem>> -> memref<1x40x128xf32, #tpu.memory_space<vmem>>
        %get3A_1070 = tpu.memref_squeeze %get3A_1069 : memref<1x40x128xf32, #tpu.memory_space<vmem>> -> memref<40x128xf32, #tpu.memory_space<vmem>>
        %get3A_1071 = arith.index_cast %scan3A_1067 : i32 to index
        %get3A_1072 = arith.constant 0 : index
        %get3A_1073 = tpu.vector_load %get3A_1070[%get3A_1071, %get3A_1072] {strides = array<i32>} : memref<40x128xf32, #tpu.memory_space<vmem>>, vector<1x16xf32>,
        %get3A_1074 = vector.shape_cast %get3A_1073 : vector<1x16xf32> to vector<16xf32>
        %mul3A_1075 = arith.constant 11.3137083 : f32
        %mul3A_1076 = vector.broadcast %mul3A_1075 : f32 to vector<16xf32>
        %mul3A_1077 = arith.mulf %get3A_1074, %mul3A_1076 : vector<16xf32>
        %add3A_1078 = arith.constant 0 : i32
        %add3A_1079 = arith.addi %add3A_1078, %scan3A_1067 : i32
        %get3A_1080 = arith.index_cast %add3A_1079 : i32 to index
        %get3A_1081 = arith.constant 0 : index
        %get3A_1082 = tpu.vector_load %arg6[%get3A_1080, %get3A_1081] {strides = array<i32>} : memref<200x128xf32, #tpu.memory_space<vmem>>, vector<1x16xf32>,
        %get3A_1083 = vector.shape_cast %get3A_1082 : vector<1x16xf32> to vector<16xf32>
        %add3A_1084 = arith.addf %mul3A_1077, %get3A_1083 : vector<16xf32>
        %swap3A = arith.constant 0 : i32
        %swap3A_1085 = arith.constant 0 : i32
        %swap3A_1086 = tpu.memref_slice %arg8[%scan3A_729, %swap3A, %swap3A_1085] : memref<10x40x128xf32, #tpu.memory_space<vmem>> -> memref<1x40x128xf32, #tpu.memory_space<vmem>>
        %swap3A_1087 = tpu.memref_squeeze %swap3A_1086 : memref<1x40x128xf32, #tpu.memory_space<vmem>> -> memref<40x128xf32, #tpu.memory_space<vmem>>
        %swap3A_1088 = arith.index_cast %scan3A_1067 : i32 to index
        %swap3A_1089 = arith.constant 0 : index
        %swap3A_1090 = tpu.vector_load %swap3A_1087[%swap3A_1088, %swap3A_1089] {strides = array<i32>} : memref<40x128xf32, #tpu.memory_space<vmem>>, vector<1x16xf32>,
        %swap3A_1091 = vector.shape_cast %swap3A_1090 : vector<1x16xf32> to vector<16xf32>
        %swap3A_1092 = vector.shape_cast %add3A_1084 : vector<16xf32> to vector<1x16xf32>
        tpu.vector_store %swap3A_1087[%swap3A_1088, %swap3A_1089], %swap3A_1092 {strides = array<i32>} : memref<40x128xf32, #tpu.memory_space<vmem>>, vector<1x16xf32>,
        %get3A_1093 = arith.constant 0 : i32
        %get3A_1094 = arith.constant 0 : i32
        %get3A_1095 = tpu.memref_slice %arg8[%scan3A_729, %get3A_1093, %get3A_1094] : memref<10x40x128xf32, #tpu.memory_space<vmem>> -> memref<1x40x128xf32, #tpu.memory_space<vmem>>
        %get3A_1096 = tpu.memref_squeeze %get3A_1095 : memref<1x40x128xf32, #tpu.memory_space<vmem>> -> memref<40x128xf32, #tpu.memory_space<vmem>>
        %get3A_1097 = arith.index_cast %scan3A_1067 : i32 to index
        %get3A_1098 = arith.constant 16 : index
        %get3A_1099 = tpu.vector_load %get3A_1096[%get3A_1097, %get3A_1098] {strides = array<i32>} : memref<40x128xf32, #tpu.memory_space<vmem>>, vector<1x16xf32>,
        %get3A_1100 = vector.shape_cast %get3A_1099 : vector<1x16xf32> to vector<16xf32>
        %mul3A_1101 = arith.constant 11.3137083 : f32
        %mul3A_1102 = vector.broadcast %mul3A_1101 : f32 to vector<16xf32>
        %mul3A_1103 = arith.mulf %get3A_1100, %mul3A_1102 : vector<16xf32>
        %add3A_1104 = arith.constant 0 : i32
        %add3A_1105 = arith.addi %add3A_1104, %scan3A_1067 : i32
        %get3A_1106 = arith.index_cast %add3A_1105 : i32 to index
        %get3A_1107 = arith.constant 16 : index
        %get3A_1108 = tpu.vector_load %arg6[%get3A_1106, %get3A_1107] {strides = array<i32>} : memref<200x128xf32, #tpu.memory_space<vmem>>, vector<1x16xf32>,
        %get3A_1109 = vector.shape_cast %get3A_1108 : vector<1x16xf32> to vector<16xf32>
        %add3A_1110 = arith.addf %mul3A_1103, %get3A_1109 : vector<16xf32>
        %swap3A_1111 = arith.constant 0 : i32
        %swap3A_1112 = arith.constant 0 : i32
        %swap3A_1113 = tpu.memref_slice %arg8[%scan3A_729, %swap3A_1111, %swap3A_1112] : memref<10x40x128xf32, #tpu.memory_space<vmem>> -> memref<1x40x128xf32, #tpu.memory_space<vmem>>
        %swap3A_1114 = tpu.memref_squeeze %swap3A_1113 : memref<1x40x128xf32, #tpu.memory_space<vmem>> -> memref<40x128xf32, #tpu.memory_space<vmem>>
        %swap3A_1115 = arith.index_cast %scan3A_1067 : i32 to index
        %swap3A_1116 = arith.constant 16 : index
        %swap3A_1117 = tpu.vector_load %swap3A_1114[%swap3A_1115, %swap3A_1116] {strides = array<i32>} : memref<40x128xf32, #tpu.memory_space<vmem>>, vector<1x16xf32>,
        %swap3A_1118 = vector.shape_cast %swap3A_1117 : vector<1x16xf32> to vector<16xf32>
        %swap3A_1119 = vector.shape_cast %add3A_1110 : vector<16xf32> to vector<1x16xf32>
        tpu.vector_store %swap3A_1114[%swap3A_1115, %swap3A_1116], %swap3A_1119 {strides = array<i32>} : memref<40x128xf32, #tpu.memory_space<vmem>>, vector<1x16xf32>,
        %get3A_1120 = arith.constant 0 : i32
        %get3A_1121 = arith.constant 0 : i32
        %get3A_1122 = tpu.memref_slice %arg8[%scan3A_729, %get3A_1120, %get3A_1121] : memref<10x40x128xf32, #tpu.memory_space<vmem>> -> memref<1x40x128xf32, #tpu.memory_space<vmem>>
        %get3A_1123 = tpu.memref_squeeze %get3A_1122 : memref<1x40x128xf32, #tpu.memory_space<vmem>> -> memref<40x128xf32, #tpu.memory_space<vmem>>
        %get3A_1124 = arith.index_cast %scan3A_1067 : i32 to index
        %get3A_1125 = arith.constant 32 : index
        %get3A_1126 = tpu.vector_load %get3A_1123[%get3A_1124, %get3A_1125] {strides = array<i32>} : memref<40x128xf32, #tpu.memory_space<vmem>>, vector<1x16xf32>,
        %get3A_1127 = vector.shape_cast %get3A_1126 : vector<1x16xf32> to vector<16xf32>
        %mul3A_1128 = arith.constant 11.3137083 : f32
        %mul3A_1129 = vector.broadcast %mul3A_1128 : f32 to vector<16xf32>
        %mul3A_1130 = arith.mulf %get3A_1127, %mul3A_1129 : vector<16xf32>
        %add3A_1131 = arith.constant 0 : i32
        %add3A_1132 = arith.addi %add3A_1131, %scan3A_1067 : i32
        %get3A_1133 = arith.index_cast %add3A_1132 : i32 to index
        %get3A_1134 = arith.constant 32 : index
        %get3A_1135 = tpu.vector_load %arg6[%get3A_1133, %get3A_1134] {strides = array<i32>} : memref<200x128xf32, #tpu.memory_space<vmem>>, vector<1x16xf32>,
        %get3A_1136 = vector.shape_cast %get3A_1135 : vector<1x16xf32> to vector<16xf32>
        %add3A_1137 = arith.addf %mul3A_1130, %get3A_1136 : vector<16xf32>
        %swap3A_1138 = arith.constant 0 : i32
        %swap3A_1139 = arith.constant 0 : i32
        %swap3A_1140 = tpu.memref_slice %arg8[%scan3A_729, %swap3A_1138, %swap3A_1139] : memref<10x40x128xf32, #tpu.memory_space<vmem>> -> memref<1x40x128xf32, #tpu.memory_space<vmem>>
        %swap3A_1141 = tpu.memref_squeeze %swap3A_1140 : memref<1x40x128xf32, #tpu.memory_space<vmem>> -> memref<40x128xf32, #tpu.memory_space<vmem>>
        %swap3A_1142 = arith.index_cast %scan3A_1067 : i32 to index
        %swap3A_1143 = arith.constant 32 : index
        %swap3A_1144 = tpu.vector_load %swap3A_1141[%swap3A_1142, %swap3A_1143] {strides = array<i32>} : memref<40x128xf32, #tpu.memory_space<vmem>>, vector<1x16xf32>,
        %swap3A_1145 = vector.shape_cast %swap3A_1144 : vector<1x16xf32> to vector<16xf32>
        %swap3A_1146 = vector.shape_cast %add3A_1137 : vector<16xf32> to vector<1x16xf32>
        tpu.vector_store %swap3A_1141[%swap3A_1142, %swap3A_1143], %swap3A_1146 {strides = array<i32>} : memref<40x128xf32, #tpu.memory_space<vmem>>, vector<1x16xf32>,
        %get3A_1147 = arith.constant 0 : i32
        %get3A_1148 = arith.constant 0 : i32
        %get3A_1149 = tpu.memref_slice %arg8[%scan3A_729, %get3A_1147, %get3A_1148] : memref<10x40x128xf32, #tpu.memory_space<vmem>> -> memref<1x40x128xf32, #tpu.memory_space<vmem>>
        %get3A_1150 = tpu.memref_squeeze %get3A_1149 : memref<1x40x128xf32, #tpu.memory_space<vmem>> -> memref<40x128xf32, #tpu.memory_space<vmem>>
        %get3A_1151 = arith.index_cast %scan3A_1067 : i32 to index
        %get3A_1152 = arith.constant 48 : index
        %get3A_1153 = tpu.vector_load %get3A_1150[%get3A_1151, %get3A_1152] {strides = array<i32>} : memref<40x128xf32, #tpu.memory_space<vmem>>, vector<1x16xf32>,
        %get3A_1154 = vector.shape_cast %get3A_1153 : vector<1x16xf32> to vector<16xf32>
        %mul3A_1155 = arith.constant 11.3137083 : f32
        %mul3A_1156 = vector.broadcast %mul3A_1155 : f32 to vector<16xf32>
        %mul3A_1157 = arith.mulf %get3A_1154, %mul3A_1156 : vector<16xf32>
        %add3A_1158 = arith.constant 0 : i32
        %add3A_1159 = arith.addi %add3A_1158, %scan3A_1067 : i32
        %get3A_1160 = arith.index_cast %add3A_1159 : i32 to index
        %get3A_1161 = arith.constant 48 : index
        %get3A_1162 = tpu.vector_load %arg6[%get3A_1160, %get3A_1161] {strides = array<i32>} : memref<200x128xf32, #tpu.memory_space<vmem>>, vector<1x16xf32>,
        %get3A_1163 = vector.shape_cast %get3A_1162 : vector<1x16xf32> to vector<16xf32>
        %add3A_1164 = arith.addf %mul3A_1157, %get3A_1163 : vector<16xf32>
        %swap3A_1165 = arith.constant 0 : i32
        %swap3A_1166 = arith.constant 0 : i32
        %swap3A_1167 = tpu.memref_slice %arg8[%scan3A_729, %swap3A_1165, %swap3A_1166] : memref<10x40x128xf32, #tpu.memory_space<vmem>> -> memref<1x40x128xf32, #tpu.memory_space<vmem>>
        %swap3A_1168 = tpu.memref_squeeze %swap3A_1167 : memref<1x40x128xf32, #tpu.memory_space<vmem>> -> memref<40x128xf32, #tpu.memory_space<vmem>>
        %swap3A_1169 = arith.index_cast %scan3A_1067 : i32 to index
        %swap3A_1170 = arith.constant 48 : index
        %swap3A_1171 = tpu.vector_load %swap3A_1168[%swap3A_1169, %swap3A_1170] {strides = array<i32>} : memref<40x128xf32, #tpu.memory_space<vmem>>, vector<1x16xf32>,
        %swap3A_1172 = vector.shape_cast %swap3A_1171 : vector<1x16xf32> to vector<16xf32>
        %swap3A_1173 = vector.shape_cast %add3A_1164 : vector<16xf32> to vector<1x16xf32>
        tpu.vector_store %swap3A_1168[%swap3A_1169, %swap3A_1170], %swap3A_1173 {strides = array<i32>} : memref<40x128xf32, #tpu.memory_space<vmem>>, vector<1x16xf32>,
        %get3A_1174 = arith.constant 0 : i32
        %get3A_1175 = arith.constant 0 : i32
        %get3A_1176 = tpu.memref_slice %arg8[%scan3A_729, %get3A_1174, %get3A_1175] : memref<10x40x128xf32, #tpu.memory_space<vmem>> -> memref<1x40x128xf32, #tpu.memory_space<vmem>>
        %get3A_1177 = tpu.memref_squeeze %get3A_1176 : memref<1x40x128xf32, #tpu.memory_space<vmem>> -> memref<40x128xf32, #tpu.memory_space<vmem>>
        %get3A_1178 = arith.index_cast %scan3A_1067 : i32 to index
        %get3A_1179 = arith.constant 64 : index
        %get3A_1180 = tpu.vector_load %get3A_1177[%get3A_1178, %get3A_1179] {strides = array<i32>} : memref<40x128xf32, #tpu.memory_space<vmem>>, vector<1x16xf32>,
        %get3A_1181 = vector.shape_cast %get3A_1180 : vector<1x16xf32> to vector<16xf32>
        %mul3A_1182 = arith.constant 11.3137083 : f32
        %mul3A_1183 = vector.broadcast %mul3A_1182 : f32 to vector<16xf32>
        %mul3A_1184 = arith.mulf %get3A_1181, %mul3A_1183 : vector<16xf32>
        %add3A_1185 = arith.constant 0 : i32
        %add3A_1186 = arith.addi %add3A_1185, %scan3A_1067 : i32
        %get3A_1187 = arith.index_cast %add3A_1186 : i32 to index
        %get3A_1188 = arith.constant 64 : index
        %get3A_1189 = tpu.vector_load %arg6[%get3A_1187, %get3A_1188] {strides = array<i32>} : memref<200x128xf32, #tpu.memory_space<vmem>>, vector<1x16xf32>,
        %get3A_1190 = vector.shape_cast %get3A_1189 : vector<1x16xf32> to vector<16xf32>
        %add3A_1191 = arith.addf %mul3A_1184, %get3A_1190 : vector<16xf32>
        %swap3A_1192 = arith.constant 0 : i32
        %swap3A_1193 = arith.constant 0 : i32
        %swap3A_1194 = tpu.memref_slice %arg8[%scan3A_729, %swap3A_1192, %swap3A_1193] : memref<10x40x128xf32, #tpu.memory_space<vmem>> -> memref<1x40x128xf32, #tpu.memory_space<vmem>>
        %swap3A_1195 = tpu.memref_squeeze %swap3A_1194 : memref<1x40x128xf32, #tpu.memory_space<vmem>> -> memref<40x128xf32, #tpu.memory_space<vmem>>
        %swap3A_1196 = arith.index_cast %scan3A_1067 : i32 to index
        %swap3A_1197 = arith.constant 64 : index
        %swap3A_1198 = tpu.vector_load %swap3A_1195[%swap3A_1196, %swap3A_1197] {strides = array<i32>} : memref<40x128xf32, #tpu.memory_space<vmem>>, vector<1x16xf32>,
        %swap3A_1199 = vector.shape_cast %swap3A_1198 : vector<1x16xf32> to vector<16xf32>
        %swap3A_1200 = vector.shape_cast %add3A_1191 : vector<16xf32> to vector<1x16xf32>
        tpu.vector_store %swap3A_1195[%swap3A_1196, %swap3A_1197], %swap3A_1200 {strides = array<i32>} : memref<40x128xf32, #tpu.memory_space<vmem>>, vector<1x16xf32>,
        %get3A_1201 = arith.constant 0 : i32
        %get3A_1202 = arith.constant 0 : i32
        %get3A_1203 = tpu.memref_slice %arg8[%scan3A_729, %get3A_1201, %get3A_1202] : memref<10x40x128xf32, #tpu.memory_space<vmem>> -> memref<1x40x128xf32, #tpu.memory_space<vmem>>
        %get3A_1204 = tpu.memref_squeeze %get3A_1203 : memref<1x40x128xf32, #tpu.memory_space<vmem>> -> memref<40x128xf32, #tpu.memory_space<vmem>>
        %get3A_1205 = arith.index_cast %scan3A_1067 : i32 to index
        %get3A_1206 = arith.constant 80 : index
        %get3A_1207 = tpu.vector_load %get3A_1204[%get3A_1205, %get3A_1206] {strides = array<i32>} : memref<40x128xf32, #tpu.memory_space<vmem>>, vector<1x16xf32>,
        %get3A_1208 = vector.shape_cast %get3A_1207 : vector<1x16xf32> to vector<16xf32>
        %mul3A_1209 = arith.constant 11.3137083 : f32
        %mul3A_1210 = vector.broadcast %mul3A_1209 : f32 to vector<16xf32>
        %mul3A_1211 = arith.mulf %get3A_1208, %mul3A_1210 : vector<16xf32>
        %add3A_1212 = arith.constant 0 : i32
        %add3A_1213 = arith.addi %add3A_1212, %scan3A_1067 : i32
        %get3A_1214 = arith.index_cast %add3A_1213 : i32 to index
        %get3A_1215 = arith.constant 80 : index
        %get3A_1216 = tpu.vector_load %arg6[%get3A_1214, %get3A_1215] {strides = array<i32>} : memref<200x128xf32, #tpu.memory_space<vmem>>, vector<1x16xf32>,
        %get3A_1217 = vector.shape_cast %get3A_1216 : vector<1x16xf32> to vector<16xf32>
        %add3A_1218 = arith.addf %mul3A_1211, %get3A_1217 : vector<16xf32>
        %swap3A_1219 = arith.constant 0 : i32
        %swap3A_1220 = arith.constant 0 : i32
        %swap3A_1221 = tpu.memref_slice %arg8[%scan3A_729, %swap3A_1219, %swap3A_1220] : memref<10x40x128xf32, #tpu.memory_space<vmem>> -> memref<1x40x128xf32, #tpu.memory_space<vmem>>
        %swap3A_1222 = tpu.memref_squeeze %swap3A_1221 : memref<1x40x128xf32, #tpu.memory_space<vmem>> -> memref<40x128xf32, #tpu.memory_space<vmem>>
        %swap3A_1223 = arith.index_cast %scan3A_1067 : i32 to index
        %swap3A_1224 = arith.constant 80 : index
        %swap3A_1225 = tpu.vector_load %swap3A_1222[%swap3A_1223, %swap3A_1224] {strides = array<i32>} : memref<40x128xf32, #tpu.memory_space<vmem>>, vector<1x16xf32>,
        %swap3A_1226 = vector.shape_cast %swap3A_1225 : vector<1x16xf32> to vector<16xf32>
        %swap3A_1227 = vector.shape_cast %add3A_1218 : vector<16xf32> to vector<1x16xf32>
        tpu.vector_store %swap3A_1222[%swap3A_1223, %swap3A_1224], %swap3A_1227 {strides = array<i32>} : memref<40x128xf32, #tpu.memory_space<vmem>>, vector<1x16xf32>,
        %get3A_1228 = arith.constant 0 : i32
        %get3A_1229 = arith.constant 0 : i32
        %get3A_1230 = tpu.memref_slice %arg8[%scan3A_729, %get3A_1228, %get3A_1229] : memref<10x40x128xf32, #tpu.memory_space<vmem>> -> memref<1x40x128xf32, #tpu.memory_space<vmem>>
        %get3A_1231 = tpu.memref_squeeze %get3A_1230 : memref<1x40x128xf32, #tpu.memory_space<vmem>> -> memref<40x128xf32, #tpu.memory_space<vmem>>
        %get3A_1232 = arith.index_cast %scan3A_1067 : i32 to index
        %get3A_1233 = arith.constant 96 : index
        %get3A_1234 = tpu.vector_load %get3A_1231[%get3A_1232, %get3A_1233] {strides = array<i32>} : memref<40x128xf32, #tpu.memory_space<vmem>>, vector<1x16xf32>,
        %get3A_1235 = vector.shape_cast %get3A_1234 : vector<1x16xf32> to vector<16xf32>
        %mul3A_1236 = arith.constant 11.3137083 : f32
        %mul3A_1237 = vector.broadcast %mul3A_1236 : f32 to vector<16xf32>
        %mul3A_1238 = arith.mulf %get3A_1235, %mul3A_1237 : vector<16xf32>
        %add3A_1239 = arith.constant 0 : i32
        %add3A_1240 = arith.addi %add3A_1239, %scan3A_1067 : i32
        %get3A_1241 = arith.index_cast %add3A_1240 : i32 to index
        %get3A_1242 = arith.constant 96 : index
        %get3A_1243 = tpu.vector_load %arg6[%get3A_1241, %get3A_1242] {strides = array<i32>} : memref<200x128xf32, #tpu.memory_space<vmem>>, vector<1x16xf32>,
        %get3A_1244 = vector.shape_cast %get3A_1243 : vector<1x16xf32> to vector<16xf32>
        %add3A_1245 = arith.addf %mul3A_1238, %get3A_1244 : vector<16xf32>
        %swap3A_1246 = arith.constant 0 : i32
        %swap3A_1247 = arith.constant 0 : i32
        %swap3A_1248 = tpu.memref_slice %arg8[%scan3A_729, %swap3A_1246, %swap3A_1247] : memref<10x40x128xf32, #tpu.memory_space<vmem>> -> memref<1x40x128xf32, #tpu.memory_space<vmem>>
        %swap3A_1249 = tpu.memref_squeeze %swap3A_1248 : memref<1x40x128xf32, #tpu.memory_space<vmem>> -> memref<40x128xf32, #tpu.memory_space<vmem>>
        %swap3A_1250 = arith.index_cast %scan3A_1067 : i32 to index
        %swap3A_1251 = arith.constant 96 : index
        %swap3A_1252 = tpu.vector_load %swap3A_1249[%swap3A_1250, %swap3A_1251] {strides = array<i32>} : memref<40x128xf32, #tpu.memory_space<vmem>>, vector<1x16xf32>,
        %swap3A_1253 = vector.shape_cast %swap3A_1252 : vector<1x16xf32> to vector<16xf32>
        %swap3A_1254 = vector.shape_cast %add3A_1245 : vector<16xf32> to vector<1x16xf32>
        tpu.vector_store %swap3A_1249[%swap3A_1250, %swap3A_1251], %swap3A_1254 {strides = array<i32>} : memref<40x128xf32, #tpu.memory_space<vmem>>, vector<1x16xf32>,
        %get3A_1255 = arith.constant 0 : i32
        %get3A_1256 = arith.constant 0 : i32
        %get3A_1257 = tpu.memref_slice %arg8[%scan3A_729, %get3A_1255, %get3A_1256] : memref<10x40x128xf32, #tpu.memory_space<vmem>> -> memref<1x40x128xf32, #tpu.memory_space<vmem>>
        %get3A_1258 = tpu.memref_squeeze %get3A_1257 : memref<1x40x128xf32, #tpu.memory_space<vmem>> -> memref<40x128xf32, #tpu.memory_space<vmem>>
        %get3A_1259 = arith.index_cast %scan3A_1067 : i32 to index
        %get3A_1260 = arith.constant 112 : index
        %get3A_1261 = tpu.vector_load %get3A_1258[%get3A_1259, %get3A_1260] {strides = array<i32>} : memref<40x128xf32, #tpu.memory_space<vmem>>, vector<1x16xf32>,
        %get3A_1262 = vector.shape_cast %get3A_1261 : vector<1x16xf32> to vector<16xf32>
        %mul3A_1263 = arith.constant 11.3137083 : f32
        %mul3A_1264 = vector.broadcast %mul3A_1263 : f32 to vector<16xf32>
        %mul3A_1265 = arith.mulf %get3A_1262, %mul3A_1264 : vector<16xf32>
        %add3A_1266 = arith.constant 0 : i32
        %add3A_1267 = arith.addi %add3A_1266, %scan3A_1067 : i32
        %get3A_1268 = arith.index_cast %add3A_1267 : i32 to index
        %get3A_1269 = arith.constant 112 : index
        %get3A_1270 = tpu.vector_load %arg6[%get3A_1268, %get3A_1269] {strides = array<i32>} : memref<200x128xf32, #tpu.memory_space<vmem>>, vector<1x16xf32>,
        %get3A_1271 = vector.shape_cast %get3A_1270 : vector<1x16xf32> to vector<16xf32>
        %add3A_1272 = arith.addf %mul3A_1265, %get3A_1271 : vector<16xf32>
        %swap3A_1273 = arith.constant 0 : i32
        %swap3A_1274 = arith.constant 0 : i32
        %swap3A_1275 = tpu.memref_slice %arg8[%scan3A_729, %swap3A_1273, %swap3A_1274] : memref<10x40x128xf32, #tpu.memory_space<vmem>> -> memref<1x40x128xf32, #tpu.memory_space<vmem>>
        %swap3A_1276 = tpu.memref_squeeze %swap3A_1275 : memref<1x40x128xf32, #tpu.memory_space<vmem>> -> memref<40x128xf32, #tpu.memory_space<vmem>>
        %swap3A_1277 = arith.index_cast %scan3A_1067 : i32 to index
        %swap3A_1278 = arith.constant 112 : index
        %swap3A_1279 = tpu.vector_load %swap3A_1276[%swap3A_1277, %swap3A_1278] {strides = array<i32>} : memref<40x128xf32, #tpu.memory_space<vmem>>, vector<1x16xf32>,
        %swap3A_1280 = vector.shape_cast %swap3A_1279 : vector<1x16xf32> to vector<16xf32>
        %swap3A_1281 = vector.shape_cast %add3A_1272 : vector<16xf32> to vector<1x16xf32>
        tpu.vector_store %swap3A_1276[%swap3A_1277, %swap3A_1278], %swap3A_1281 {strides = array<i32>} : memref<40x128xf32, #tpu.memory_space<vmem>>, vector<1x16xf32>,
      }
      %scan3A_734 = arith.constant 40 : i32
      %add3A_735 = arith.constant 6 : i32
      %add3A_736 = arith.addi %mul3A_248, %add3A_735 : i32
      %jit3A_737 = arith.constant 5 : i32
      %div3A_738 = arith.divsi %mul3A_248, %jit3A_737 : i32
      %sign3A_739 = arith.constant 0 : i32
      %sign3A_740 = arith.cmpi sgt, %mul3A_248, %sign3A_739 : i32
      %sign3A_741 = arith.extui %sign3A_740 : i1 to i32
      %sign3A_742 = arith.constant 0 : i32
      %sign3A_743 = arith.cmpi slt, %mul3A_248, %sign3A_742 : i32
      %sign3A_744 = arith.extui %sign3A_743 : i1 to i32
      %sign3A_745 = arith.subi %sign3A_741, %sign3A_744 : i32
      %sign3A_746 = arith.constant 0 : i32
      %sign3A_747 = arith.cmpi sgt, %jit3A_737, %sign3A_746 : i32
      %sign3A_748 = arith.extui %sign3A_747 : i1 to i32
      %sign3A_749 = arith.constant 0 : i32
      %sign3A_750 = arith.cmpi slt, %jit3A_737, %sign3A_749 : i32
      %sign3A_751 = arith.extui %sign3A_750 : i1 to i32
      %sign3A_752 = arith.subi %sign3A_748, %sign3A_751 : i32
      %ne3A_753 = arith.cmpi ne, %sign3A_745, %sign3A_752 : i32
      %rem3A_754 = arith.remsi %mul3A_248, %jit3A_737 : i32
      %ne3A_755 = arith.constant 0 : i32
      %ne3A_756 = arith.cmpi ne, %rem3A_754, %ne3A_755 : i32
      %and3A_757 = arith.andi %ne3A_753, %ne3A_756 : i1
      %sub3A_758 = arith.constant 1 : i32
      %sub3A_759 = arith.subi %div3A_738, %sub3A_758 : i32
      %select_n3A_760 = arith.select %and3A_757, %sub3A_759, %div3A_738 : i32
      %add3A_761 = arith.constant 1 : i32
      %add3A_762 = arith.addi %select_n3A_760, %add3A_761 : i32
      %jit3A_763 = arith.constant 5 : i32
      %div3A_764 = arith.divsi %mul3A_248, %jit3A_763 : i32
      %sign3A_765 = arith.constant 0 : i32
      %sign3A_766 = arith.cmpi sgt, %mul3A_248, %sign3A_765 : i32
      %sign3A_767 = arith.extui %sign3A_766 : i1 to i32
      %sign3A_768 = arith.constant 0 : i32
      %sign3A_769 = arith.cmpi slt, %mul3A_248, %sign3A_768 : i32
      %sign3A_770 = arith.extui %sign3A_769 : i1 to i32
      %sign3A_771 = arith.subi %sign3A_767, %sign3A_770 : i32
      %sign3A_772 = arith.constant 0 : i32
      %sign3A_773 = arith.cmpi sgt, %jit3A_763, %sign3A_772 : i32
      %sign3A_774 = arith.extui %sign3A_773 : i1 to i32
      %sign3A_775 = arith.constant 0 : i32
      %sign3A_776 = arith.cmpi slt, %jit3A_763, %sign3A_775 : i32
      %sign3A_777 = arith.extui %sign3A_776 : i1 to i32
      %sign3A_778 = arith.subi %sign3A_774, %sign3A_777 : i32
      %ne3A_779 = arith.cmpi ne, %sign3A_771, %sign3A_778 : i32
      %rem3A_780 = arith.remsi %mul3A_248, %jit3A_763 : i32
      %ne3A_781 = arith.constant 0 : i32
      %ne3A_782 = arith.cmpi ne, %rem3A_780, %ne3A_781 : i32
      %and3A_783 = arith.andi %ne3A_779, %ne3A_782 : i1
      %sub3A_784 = arith.constant 1 : i32
      %sub3A_785 = arith.subi %div3A_764, %sub3A_784 : i32
      %select_n3A_786 = arith.select %and3A_783, %sub3A_785, %div3A_764 : i32
      %add3A_787 = arith.constant 1 : i32
      %add3A_788 = arith.addi %select_n3A_786, %add3A_787 : i32
      %ge3A_789 = arith.constant 1 : i32
      %ge3A_790 = arith.cmpi sge, %add3A_736, %ge3A_789 : i32
      %convert_element_type3A_791 = arith.extui %ge3A_790 : i1 to i32
      %cond3A_792 = arith.constant 0 : i32
      %cond3A_793 = arith.cmpi ne, %convert_element_type3A_791, %cond3A_792 : i32
      scf.if %cond3A_793 {
        %add3A_1067 = arith.addi %mul3A_2, %add3A_788 : i32
        %dma_start3A_1068 = arith.constant 5 : i32
        %dma_start3A_1069 = arith.constant 0 : i32
        %dma_start3A_1070 = arith.constant 0 : i32
        %dma_start3A_1071 = tpu.memref_slice %arg8[%dma_start3A_1068, %dma_start3A_1069, %dma_start3A_1070] : memref<10x40x128xf32, #tpu.memory_space<vmem>> -> memref<1x40x128xf32, #tpu.memory_space<vmem>>
        %dma_start3A_1072 = tpu.memref_squeeze %dma_start3A_1071 : memref<1x40x128xf32, #tpu.memory_space<vmem>> -> memref<40x128xf32, #tpu.memory_space<vmem>>
        %dma_start3A_1073 = arith.constant 0 : i32
        %dma_start3A_1074 = arith.constant 0 : i32
        %dma_start3A_1075 = tpu.memref_slice %arg5[%add3A_1067, %dma_start3A_1073, %dma_start3A_1074] : memref<4096x200x128xf32, #tpu.memory_space<hbm>> -> memref<1x40x128xf32, #tpu.memory_space<hbm>>
        %dma_start3A_1076 = tpu.memref_squeeze %dma_start3A_1075 : memref<1x40x128xf32, #tpu.memory_space<hbm>> -> memref<40x128xf32, #tpu.memory_space<hbm>>
        %dma_start3A_1077 = arith.constant 0 : i32
        %dma_start3A_1078 = arith.constant 0 : i32
        %dma_start3A_1079 = tpu.memref_slice %arg5[%add3A_1067, %dma_start3A_1077, %dma_start3A_1078] : memref<4096x200x128xf32, #tpu.memory_space<hbm>> -> memref<1x40x128xf32, #tpu.memory_space<hbm>>
        %dma_start3A_1080 = tpu.memref_squeeze %dma_start3A_1079 : memref<1x40x128xf32, #tpu.memory_space<hbm>> -> memref<40x128xf32, #tpu.memory_space<hbm>>
        %dma_start3A_1081 = arith.constant 0 : i32
        %dma_start3A_1082 = arith.constant 0 : i32
        %dma_start3A_1083 = tpu.memref_slice %arg8[%dma_start3A_1068, %dma_start3A_1081, %dma_start3A_1082] : memref<10x40x128xf32, #tpu.memory_space<vmem>> -> memref<1x40x128xf32, #tpu.memory_space<vmem>>
        %dma_start3A_1084 = tpu.memref_squeeze %dma_start3A_1083 : memref<1x40x128xf32, #tpu.memory_space<vmem>> -> memref<40x128xf32, #tpu.memory_space<vmem>>
        tpu.enqueue_dma source(%dma_start3A_1084 : memref<40x128xf32, #tpu.memory_space<vmem>>) target(%dma_start3A_1080 : memref<40x128xf32, #tpu.memory_space<hbm>>) target_semaphore(%arg24 : memref<!tpu.dma_semaphore, #tpu.memory_space<semaphore_mem>>)
      } else {
      }
      %add3A_794 = arith.constant 5 : i32
      %add3A_795 = arith.addi %add3A_736, %add3A_794 : i32
      %lt3A_796 = arith.constant 640 : i32
      %lt3A_797 = arith.cmpi slt, %add3A_795, %lt3A_796 : i32
      %convert_element_type3A_798 = arith.extui %lt3A_797 : i1 to i32
      %cond3A_799 = arith.constant 0 : i32
      %cond3A_800 = arith.cmpi ne, %convert_element_type3A_798, %cond3A_799 : i32
      scf.if %cond3A_800 {
        %ge3A_1067 = arith.constant 5 : i32
        %ge3A_1068 = arith.cmpi sge, %add3A_736, %ge3A_1067 : i32
        %convert_element_type3A_1069 = arith.extui %ge3A_1068 : i1 to i32
        %cond3A_1070 = arith.constant 0 : i32
        %cond3A_1071 = arith.cmpi ne, %convert_element_type3A_1069, %cond3A_1070 : i32
        scf.if %cond3A_1071 {
          %dma_wait3A_1085 = arith.constant 1 : i32
          %dma_wait3A_1086 = arith.constant 0 : i32
          %dma_wait3A_1087 = arith.constant 0 : i32
          %dma_wait3A_1088 = tpu.memref_slice %arg8[%dma_wait3A_1085, %dma_wait3A_1086, %dma_wait3A_1087] : memref<10x40x128xf32, #tpu.memory_space<vmem>> -> memref<1x40x128xf32, #tpu.memory_space<vmem>>
          %dma_wait3A_1089 = tpu.memref_squeeze %dma_wait3A_1088 : memref<1x40x128xf32, #tpu.memory_space<vmem>> -> memref<40x128xf32, #tpu.memory_space<vmem>>
          %dma_wait3A_1090 = arith.constant 0 : i32
          %dma_wait3A_1091 = arith.constant 0 : i32
          %dma_wait3A_1092 = tpu.memref_slice %arg5[%mul3A_2, %dma_wait3A_1090, %dma_wait3A_1091] : memref<4096x200x128xf32, #tpu.memory_space<hbm>> -> memref<1x40x128xf32, #tpu.memory_space<hbm>>
          %dma_wait3A_1093 = tpu.memref_squeeze %dma_wait3A_1092 : memref<1x40x128xf32, #tpu.memory_space<hbm>> -> memref<40x128xf32, #tpu.memory_space<hbm>>
          %dma_wait3A_1094 = arith.constant 0 : i32
          %dma_wait3A_1095 = arith.constant 0 : i32
          %dma_wait3A_1096 = tpu.memref_slice %arg5[%mul3A_2, %dma_wait3A_1094, %dma_wait3A_1095] : memref<4096x200x128xf32, #tpu.memory_space<hbm>> -> memref<1x40x128xf32, #tpu.memory_space<hbm>>
          %dma_wait3A_1097 = tpu.memref_squeeze %dma_wait3A_1096 : memref<1x40x128xf32, #tpu.memory_space<hbm>> -> memref<40x128xf32, #tpu.memory_space<hbm>>
          %dma_wait3A_1098 = arith.constant 0 : i32
          %dma_wait3A_1099 = arith.constant 0 : i32
          %dma_wait3A_1100 = tpu.memref_slice %arg8[%dma_wait3A_1085, %dma_wait3A_1098, %dma_wait3A_1099] : memref<10x40x128xf32, #tpu.memory_space<vmem>> -> memref<1x40x128xf32, #tpu.memory_space<vmem>>
          %dma_wait3A_1101 = tpu.memref_squeeze %dma_wait3A_1100 : memref<1x40x128xf32, #tpu.memory_space<vmem>> -> memref<40x128xf32, #tpu.memory_space<vmem>>
          tpu.wait_dma2 semaphore(%arg20 : memref<!tpu.dma_semaphore, #tpu.memory_space<semaphore_mem>>) src(%dma_wait3A_1101 : memref<40x128xf32, #tpu.memory_space<vmem>>) dst(%dma_wait3A_1097 : memref<40x128xf32, #tpu.memory_space<hbm>>)
        } else {
        }
        %add3A_1072 = arith.constant 5 : i32
        %add3A_1073 = arith.addi %add3A_736, %add3A_1072 : i32
        %mul3A_1074 = arith.constant 40 : i32
        %mul3A_1075 = arith.muli %add3A_1073, %mul3A_1074 : i32
        %dma_start3A_1076 = arith.constant 1 : i32
        %dma_start3A_1077 = arith.constant 0 : i32
        %dma_start3A_1078 = arith.constant 0 : i32
        %dma_start3A_1079 = tpu.memref_slice %arg8[%dma_start3A_1076, %dma_start3A_1077, %dma_start3A_1078] : memref<10x40x128xf32, #tpu.memory_space<vmem>> -> memref<1x40x128xf32, #tpu.memory_space<vmem>>
        %dma_start3A_1080 = tpu.memref_squeeze %dma_start3A_1079 : memref<1x40x128xf32, #tpu.memory_space<vmem>> -> memref<40x128xf32, #tpu.memory_space<vmem>>
        %dma_start3A_1081 = tpu.memref_slice %arg7[%mul3A_1075] : memref<25600xi32, #tpu.memory_space<vmem>> -> memref<40xi32, #tpu.memory_space<vmem>>
        %dma_start3A_1082 = arith.constant 0 : i32
        %dma_start3A_1083 = arith.constant 0 : i32
        %dma_start3A_1084 = tpu.memref_slice %arg4[%dma_start3A_1082, %dma_start3A_1083] : memref<100000x128xf32, #tpu.memory_space<hbm>> -> memref<100000x128xf32, #tpu.memory_space<hbm>>
        tpu.enqueue_indirect_dma source(%dma_start3A_1084 : memref<100000x128xf32, #tpu.memory_space<hbm>>) target(%dma_start3A_1080 : memref<40x128xf32, #tpu.memory_space<vmem>>) offsets(%dma_start3A_1081 : memref<40xi32, #tpu.memory_space<vmem>>) semaphore(%arg10 : memref<!tpu.dma_semaphore, #tpu.memory_space<semaphore_mem>>)
      } else {
      }
      %mul3A_801 = arith.constant 40 : i32
      %mul3A_802 = arith.muli %add3A_736, %mul3A_801 : i32
      %dma_wait3A_803 = arith.constant 6 : i32
      %dma_wait3A_804 = arith.constant 0 : i32
      %dma_wait3A_805 = arith.constant 0 : i32
      %dma_wait3A_806 = tpu.memref_slice %arg8[%dma_wait3A_803, %dma_wait3A_804, %dma_wait3A_805] : memref<10x40x128xf32, #tpu.memory_space<vmem>> -> memref<1x40x128xf32, #tpu.memory_space<vmem>>
      %dma_wait3A_807 = tpu.memref_squeeze %dma_wait3A_806 : memref<1x40x128xf32, #tpu.memory_space<vmem>> -> memref<40x128xf32, #tpu.memory_space<vmem>>
      %dma_wait3A_808 = tpu.memref_slice %arg7[%mul3A_802] : memref<25600xi32, #tpu.memory_space<vmem>> -> memref<40xi32, #tpu.memory_space<vmem>>
      %dma_wait3A_809 = arith.constant 0 : i32
      %dma_wait3A_810 = arith.constant 0 : i32
      %dma_wait3A_811 = tpu.memref_slice %arg4[%dma_wait3A_809, %dma_wait3A_810] : memref<100000x128xf32, #tpu.memory_space<hbm>> -> memref<100000x128xf32, #tpu.memory_space<hbm>>
      tpu.wait_indirect_dma semaphore(%arg15 : memref<!tpu.dma_semaphore, #tpu.memory_space<semaphore_mem>>) src(%dma_wait3A_811 : memref<100000x128xf32, #tpu.memory_space<hbm>>) dst(%dma_wait3A_807 : memref<40x128xf32, #tpu.memory_space<vmem>>)
      %scan3A_812 = arith.constant 6 : i32
      %scan3A_813 = arith.constant 0 : i32
      %scan3A_814 = arith.constant 40 : i32
      %scan3A_815 = arith.addi %scan3A_813, %scan3A_814 : i32
      %scan3A_816 = arith.constant 1 : i32
      scf.for %scan3A_1067 = %scan3A_813 to %scan3A_815 step %scan3A_816  : i32 {
        %get3A = arith.constant 0 : i32
        %get3A_1068 = arith.constant 0 : i32
        %get3A_1069 = tpu.memref_slice %arg8[%scan3A_812, %get3A, %get3A_1068] : memref<10x40x128xf32, #tpu.memory_space<vmem>> -> memref<1x40x128xf32, #tpu.memory_space<vmem>>
        %get3A_1070 = tpu.memref_squeeze %get3A_1069 : memref<1x40x128xf32, #tpu.memory_space<vmem>> -> memref<40x128xf32, #tpu.memory_space<vmem>>
        %get3A_1071 = arith.index_cast %scan3A_1067 : i32 to index
        %get3A_1072 = arith.constant 0 : index
        %get3A_1073 = tpu.vector_load %get3A_1070[%get3A_1071, %get3A_1072] {strides = array<i32>} : memref<40x128xf32, #tpu.memory_space<vmem>>, vector<1x16xf32>,
        %get3A_1074 = vector.shape_cast %get3A_1073 : vector<1x16xf32> to vector<16xf32>
        %mul3A_1075 = arith.constant 11.3137083 : f32
        %mul3A_1076 = vector.broadcast %mul3A_1075 : f32 to vector<16xf32>
        %mul3A_1077 = arith.mulf %get3A_1074, %mul3A_1076 : vector<16xf32>
        %add3A_1078 = arith.constant 40 : i32
        %add3A_1079 = arith.addi %add3A_1078, %scan3A_1067 : i32
        %get3A_1080 = arith.index_cast %add3A_1079 : i32 to index
        %get3A_1081 = arith.constant 0 : index
        %get3A_1082 = tpu.vector_load %arg6[%get3A_1080, %get3A_1081] {strides = array<i32>} : memref<200x128xf32, #tpu.memory_space<vmem>>, vector<1x16xf32>,
        %get3A_1083 = vector.shape_cast %get3A_1082 : vector<1x16xf32> to vector<16xf32>
        %add3A_1084 = arith.addf %mul3A_1077, %get3A_1083 : vector<16xf32>
        %swap3A = arith.constant 0 : i32
        %swap3A_1085 = arith.constant 0 : i32
        %swap3A_1086 = tpu.memref_slice %arg8[%scan3A_812, %swap3A, %swap3A_1085] : memref<10x40x128xf32, #tpu.memory_space<vmem>> -> memref<1x40x128xf32, #tpu.memory_space<vmem>>
        %swap3A_1087 = tpu.memref_squeeze %swap3A_1086 : memref<1x40x128xf32, #tpu.memory_space<vmem>> -> memref<40x128xf32, #tpu.memory_space<vmem>>
        %swap3A_1088 = arith.index_cast %scan3A_1067 : i32 to index
        %swap3A_1089 = arith.constant 0 : index
        %swap3A_1090 = tpu.vector_load %swap3A_1087[%swap3A_1088, %swap3A_1089] {strides = array<i32>} : memref<40x128xf32, #tpu.memory_space<vmem>>, vector<1x16xf32>,
        %swap3A_1091 = vector.shape_cast %swap3A_1090 : vector<1x16xf32> to vector<16xf32>
        %swap3A_1092 = vector.shape_cast %add3A_1084 : vector<16xf32> to vector<1x16xf32>
        tpu.vector_store %swap3A_1087[%swap3A_1088, %swap3A_1089], %swap3A_1092 {strides = array<i32>} : memref<40x128xf32, #tpu.memory_space<vmem>>, vector<1x16xf32>,
        %get3A_1093 = arith.constant 0 : i32
        %get3A_1094 = arith.constant 0 : i32
        %get3A_1095 = tpu.memref_slice %arg8[%scan3A_812, %get3A_1093, %get3A_1094] : memref<10x40x128xf32, #tpu.memory_space<vmem>> -> memref<1x40x128xf32, #tpu.memory_space<vmem>>
        %get3A_1096 = tpu.memref_squeeze %get3A_1095 : memref<1x40x128xf32, #tpu.memory_space<vmem>> -> memref<40x128xf32, #tpu.memory_space<vmem>>
        %get3A_1097 = arith.index_cast %scan3A_1067 : i32 to index
        %get3A_1098 = arith.constant 16 : index
        %get3A_1099 = tpu.vector_load %get3A_1096[%get3A_1097, %get3A_1098] {strides = array<i32>} : memref<40x128xf32, #tpu.memory_space<vmem>>, vector<1x16xf32>,
        %get3A_1100 = vector.shape_cast %get3A_1099 : vector<1x16xf32> to vector<16xf32>
        %mul3A_1101 = arith.constant 11.3137083 : f32
        %mul3A_1102 = vector.broadcast %mul3A_1101 : f32 to vector<16xf32>
        %mul3A_1103 = arith.mulf %get3A_1100, %mul3A_1102 : vector<16xf32>
        %add3A_1104 = arith.constant 40 : i32
        %add3A_1105 = arith.addi %add3A_1104, %scan3A_1067 : i32
        %get3A_1106 = arith.index_cast %add3A_1105 : i32 to index
        %get3A_1107 = arith.constant 16 : index
        %get3A_1108 = tpu.vector_load %arg6[%get3A_1106, %get3A_1107] {strides = array<i32>} : memref<200x128xf32, #tpu.memory_space<vmem>>, vector<1x16xf32>,
        %get3A_1109 = vector.shape_cast %get3A_1108 : vector<1x16xf32> to vector<16xf32>
        %add3A_1110 = arith.addf %mul3A_1103, %get3A_1109 : vector<16xf32>
        %swap3A_1111 = arith.constant 0 : i32
        %swap3A_1112 = arith.constant 0 : i32
        %swap3A_1113 = tpu.memref_slice %arg8[%scan3A_812, %swap3A_1111, %swap3A_1112] : memref<10x40x128xf32, #tpu.memory_space<vmem>> -> memref<1x40x128xf32, #tpu.memory_space<vmem>>
        %swap3A_1114 = tpu.memref_squeeze %swap3A_1113 : memref<1x40x128xf32, #tpu.memory_space<vmem>> -> memref<40x128xf32, #tpu.memory_space<vmem>>
        %swap3A_1115 = arith.index_cast %scan3A_1067 : i32 to index
        %swap3A_1116 = arith.constant 16 : index
        %swap3A_1117 = tpu.vector_load %swap3A_1114[%swap3A_1115, %swap3A_1116] {strides = array<i32>} : memref<40x128xf32, #tpu.memory_space<vmem>>, vector<1x16xf32>,
        %swap3A_1118 = vector.shape_cast %swap3A_1117 : vector<1x16xf32> to vector<16xf32>
        %swap3A_1119 = vector.shape_cast %add3A_1110 : vector<16xf32> to vector<1x16xf32>
        tpu.vector_store %swap3A_1114[%swap3A_1115, %swap3A_1116], %swap3A_1119 {strides = array<i32>} : memref<40x128xf32, #tpu.memory_space<vmem>>, vector<1x16xf32>,
        %get3A_1120 = arith.constant 0 : i32
        %get3A_1121 = arith.constant 0 : i32
        %get3A_1122 = tpu.memref_slice %arg8[%scan3A_812, %get3A_1120, %get3A_1121] : memref<10x40x128xf32, #tpu.memory_space<vmem>> -> memref<1x40x128xf32, #tpu.memory_space<vmem>>
        %get3A_1123 = tpu.memref_squeeze %get3A_1122 : memref<1x40x128xf32, #tpu.memory_space<vmem>> -> memref<40x128xf32, #tpu.memory_space<vmem>>
        %get3A_1124 = arith.index_cast %scan3A_1067 : i32 to index
        %get3A_1125 = arith.constant 32 : index
        %get3A_1126 = tpu.vector_load %get3A_1123[%get3A_1124, %get3A_1125] {strides = array<i32>} : memref<40x128xf32, #tpu.memory_space<vmem>>, vector<1x16xf32>,
        %get3A_1127 = vector.shape_cast %get3A_1126 : vector<1x16xf32> to vector<16xf32>
        %mul3A_1128 = arith.constant 11.3137083 : f32
        %mul3A_1129 = vector.broadcast %mul3A_1128 : f32 to vector<16xf32>
        %mul3A_1130 = arith.mulf %get3A_1127, %mul3A_1129 : vector<16xf32>
        %add3A_1131 = arith.constant 40 : i32
        %add3A_1132 = arith.addi %add3A_1131, %scan3A_1067 : i32
        %get3A_1133 = arith.index_cast %add3A_1132 : i32 to index
        %get3A_1134 = arith.constant 32 : index
        %get3A_1135 = tpu.vector_load %arg6[%get3A_1133, %get3A_1134] {strides = array<i32>} : memref<200x128xf32, #tpu.memory_space<vmem>>, vector<1x16xf32>,
        %get3A_1136 = vector.shape_cast %get3A_1135 : vector<1x16xf32> to vector<16xf32>
        %add3A_1137 = arith.addf %mul3A_1130, %get3A_1136 : vector<16xf32>
        %swap3A_1138 = arith.constant 0 : i32
        %swap3A_1139 = arith.constant 0 : i32
        %swap3A_1140 = tpu.memref_slice %arg8[%scan3A_812, %swap3A_1138, %swap3A_1139] : memref<10x40x128xf32, #tpu.memory_space<vmem>> -> memref<1x40x128xf32, #tpu.memory_space<vmem>>
        %swap3A_1141 = tpu.memref_squeeze %swap3A_1140 : memref<1x40x128xf32, #tpu.memory_space<vmem>> -> memref<40x128xf32, #tpu.memory_space<vmem>>
        %swap3A_1142 = arith.index_cast %scan3A_1067 : i32 to index
        %swap3A_1143 = arith.constant 32 : index
        %swap3A_1144 = tpu.vector_load %swap3A_1141[%swap3A_1142, %swap3A_1143] {strides = array<i32>} : memref<40x128xf32, #tpu.memory_space<vmem>>, vector<1x16xf32>,
        %swap3A_1145 = vector.shape_cast %swap3A_1144 : vector<1x16xf32> to vector<16xf32>
        %swap3A_1146 = vector.shape_cast %add3A_1137 : vector<16xf32> to vector<1x16xf32>
        tpu.vector_store %swap3A_1141[%swap3A_1142, %swap3A_1143], %swap3A_1146 {strides = array<i32>} : memref<40x128xf32, #tpu.memory_space<vmem>>, vector<1x16xf32>,
        %get3A_1147 = arith.constant 0 : i32
        %get3A_1148 = arith.constant 0 : i32
        %get3A_1149 = tpu.memref_slice %arg8[%scan3A_812, %get3A_1147, %get3A_1148] : memref<10x40x128xf32, #tpu.memory_space<vmem>> -> memref<1x40x128xf32, #tpu.memory_space<vmem>>
        %get3A_1150 = tpu.memref_squeeze %get3A_1149 : memref<1x40x128xf32, #tpu.memory_space<vmem>> -> memref<40x128xf32, #tpu.memory_space<vmem>>
        %get3A_1151 = arith.index_cast %scan3A_1067 : i32 to index
        %get3A_1152 = arith.constant 48 : index
        %get3A_1153 = tpu.vector_load %get3A_1150[%get3A_1151, %get3A_1152] {strides = array<i32>} : memref<40x128xf32, #tpu.memory_space<vmem>>, vector<1x16xf32>,
        %get3A_1154 = vector.shape_cast %get3A_1153 : vector<1x16xf32> to vector<16xf32>
        %mul3A_1155 = arith.constant 11.3137083 : f32
        %mul3A_1156 = vector.broadcast %mul3A_1155 : f32 to vector<16xf32>
        %mul3A_1157 = arith.mulf %get3A_1154, %mul3A_1156 : vector<16xf32>
        %add3A_1158 = arith.constant 40 : i32
        %add3A_1159 = arith.addi %add3A_1158, %scan3A_1067 : i32
        %get3A_1160 = arith.index_cast %add3A_1159 : i32 to index
        %get3A_1161 = arith.constant 48 : index
        %get3A_1162 = tpu.vector_load %arg6[%get3A_1160, %get3A_1161] {strides = array<i32>} : memref<200x128xf32, #tpu.memory_space<vmem>>, vector<1x16xf32>,
        %get3A_1163 = vector.shape_cast %get3A_1162 : vector<1x16xf32> to vector<16xf32>
        %add3A_1164 = arith.addf %mul3A_1157, %get3A_1163 : vector<16xf32>
        %swap3A_1165 = arith.constant 0 : i32
        %swap3A_1166 = arith.constant 0 : i32
        %swap3A_1167 = tpu.memref_slice %arg8[%scan3A_812, %swap3A_1165, %swap3A_1166] : memref<10x40x128xf32, #tpu.memory_space<vmem>> -> memref<1x40x128xf32, #tpu.memory_space<vmem>>
        %swap3A_1168 = tpu.memref_squeeze %swap3A_1167 : memref<1x40x128xf32, #tpu.memory_space<vmem>> -> memref<40x128xf32, #tpu.memory_space<vmem>>
        %swap3A_1169 = arith.index_cast %scan3A_1067 : i32 to index
        %swap3A_1170 = arith.constant 48 : index
        %swap3A_1171 = tpu.vector_load %swap3A_1168[%swap3A_1169, %swap3A_1170] {strides = array<i32>} : memref<40x128xf32, #tpu.memory_space<vmem>>, vector<1x16xf32>,
        %swap3A_1172 = vector.shape_cast %swap3A_1171 : vector<1x16xf32> to vector<16xf32>
        %swap3A_1173 = vector.shape_cast %add3A_1164 : vector<16xf32> to vector<1x16xf32>
        tpu.vector_store %swap3A_1168[%swap3A_1169, %swap3A_1170], %swap3A_1173 {strides = array<i32>} : memref<40x128xf32, #tpu.memory_space<vmem>>, vector<1x16xf32>,
        %get3A_1174 = arith.constant 0 : i32
        %get3A_1175 = arith.constant 0 : i32
        %get3A_1176 = tpu.memref_slice %arg8[%scan3A_812, %get3A_1174, %get3A_1175] : memref<10x40x128xf32, #tpu.memory_space<vmem>> -> memref<1x40x128xf32, #tpu.memory_space<vmem>>
        %get3A_1177 = tpu.memref_squeeze %get3A_1176 : memref<1x40x128xf32, #tpu.memory_space<vmem>> -> memref<40x128xf32, #tpu.memory_space<vmem>>
        %get3A_1178 = arith.index_cast %scan3A_1067 : i32 to index
        %get3A_1179 = arith.constant 64 : index
        %get3A_1180 = tpu.vector_load %get3A_1177[%get3A_1178, %get3A_1179] {strides = array<i32>} : memref<40x128xf32, #tpu.memory_space<vmem>>, vector<1x16xf32>,
        %get3A_1181 = vector.shape_cast %get3A_1180 : vector<1x16xf32> to vector<16xf32>
        %mul3A_1182 = arith.constant 11.3137083 : f32
        %mul3A_1183 = vector.broadcast %mul3A_1182 : f32 to vector<16xf32>
        %mul3A_1184 = arith.mulf %get3A_1181, %mul3A_1183 : vector<16xf32>
        %add3A_1185 = arith.constant 40 : i32
        %add3A_1186 = arith.addi %add3A_1185, %scan3A_1067 : i32
        %get3A_1187 = arith.index_cast %add3A_1186 : i32 to index
        %get3A_1188 = arith.constant 64 : index
        %get3A_1189 = tpu.vector_load %arg6[%get3A_1187, %get3A_1188] {strides = array<i32>} : memref<200x128xf32, #tpu.memory_space<vmem>>, vector<1x16xf32>,
        %get3A_1190 = vector.shape_cast %get3A_1189 : vector<1x16xf32> to vector<16xf32>
        %add3A_1191 = arith.addf %mul3A_1184, %get3A_1190 : vector<16xf32>
        %swap3A_1192 = arith.constant 0 : i32
        %swap3A_1193 = arith.constant 0 : i32
        %swap3A_1194 = tpu.memref_slice %arg8[%scan3A_812, %swap3A_1192, %swap3A_1193] : memref<10x40x128xf32, #tpu.memory_space<vmem>> -> memref<1x40x128xf32, #tpu.memory_space<vmem>>
        %swap3A_1195 = tpu.memref_squeeze %swap3A_1194 : memref<1x40x128xf32, #tpu.memory_space<vmem>> -> memref<40x128xf32, #tpu.memory_space<vmem>>
        %swap3A_1196 = arith.index_cast %scan3A_1067 : i32 to index
        %swap3A_1197 = arith.constant 64 : index
        %swap3A_1198 = tpu.vector_load %swap3A_1195[%swap3A_1196, %swap3A_1197] {strides = array<i32>} : memref<40x128xf32, #tpu.memory_space<vmem>>, vector<1x16xf32>,
        %swap3A_1199 = vector.shape_cast %swap3A_1198 : vector<1x16xf32> to vector<16xf32>
        %swap3A_1200 = vector.shape_cast %add3A_1191 : vector<16xf32> to vector<1x16xf32>
        tpu.vector_store %swap3A_1195[%swap3A_1196, %swap3A_1197], %swap3A_1200 {strides = array<i32>} : memref<40x128xf32, #tpu.memory_space<vmem>>, vector<1x16xf32>,
        %get3A_1201 = arith.constant 0 : i32
        %get3A_1202 = arith.constant 0 : i32
        %get3A_1203 = tpu.memref_slice %arg8[%scan3A_812, %get3A_1201, %get3A_1202] : memref<10x40x128xf32, #tpu.memory_space<vmem>> -> memref<1x40x128xf32, #tpu.memory_space<vmem>>
        %get3A_1204 = tpu.memref_squeeze %get3A_1203 : memref<1x40x128xf32, #tpu.memory_space<vmem>> -> memref<40x128xf32, #tpu.memory_space<vmem>>
        %get3A_1205 = arith.index_cast %scan3A_1067 : i32 to index
        %get3A_1206 = arith.constant 80 : index
        %get3A_1207 = tpu.vector_load %get3A_1204[%get3A_1205, %get3A_1206] {strides = array<i32>} : memref<40x128xf32, #tpu.memory_space<vmem>>, vector<1x16xf32>,
        %get3A_1208 = vector.shape_cast %get3A_1207 : vector<1x16xf32> to vector<16xf32>
        %mul3A_1209 = arith.constant 11.3137083 : f32
        %mul3A_1210 = vector.broadcast %mul3A_1209 : f32 to vector<16xf32>
        %mul3A_1211 = arith.mulf %get3A_1208, %mul3A_1210 : vector<16xf32>
        %add3A_1212 = arith.constant 40 : i32
        %add3A_1213 = arith.addi %add3A_1212, %scan3A_1067 : i32
        %get3A_1214 = arith.index_cast %add3A_1213 : i32 to index
        %get3A_1215 = arith.constant 80 : index
        %get3A_1216 = tpu.vector_load %arg6[%get3A_1214, %get3A_1215] {strides = array<i32>} : memref<200x128xf32, #tpu.memory_space<vmem>>, vector<1x16xf32>,
        %get3A_1217 = vector.shape_cast %get3A_1216 : vector<1x16xf32> to vector<16xf32>
        %add3A_1218 = arith.addf %mul3A_1211, %get3A_1217 : vector<16xf32>
        %swap3A_1219 = arith.constant 0 : i32
        %swap3A_1220 = arith.constant 0 : i32
        %swap3A_1221 = tpu.memref_slice %arg8[%scan3A_812, %swap3A_1219, %swap3A_1220] : memref<10x40x128xf32, #tpu.memory_space<vmem>> -> memref<1x40x128xf32, #tpu.memory_space<vmem>>
        %swap3A_1222 = tpu.memref_squeeze %swap3A_1221 : memref<1x40x128xf32, #tpu.memory_space<vmem>> -> memref<40x128xf32, #tpu.memory_space<vmem>>
        %swap3A_1223 = arith.index_cast %scan3A_1067 : i32 to index
        %swap3A_1224 = arith.constant 80 : index
        %swap3A_1225 = tpu.vector_load %swap3A_1222[%swap3A_1223, %swap3A_1224] {strides = array<i32>} : memref<40x128xf32, #tpu.memory_space<vmem>>, vector<1x16xf32>,
        %swap3A_1226 = vector.shape_cast %swap3A_1225 : vector<1x16xf32> to vector<16xf32>
        %swap3A_1227 = vector.shape_cast %add3A_1218 : vector<16xf32> to vector<1x16xf32>
        tpu.vector_store %swap3A_1222[%swap3A_1223, %swap3A_1224], %swap3A_1227 {strides = array<i32>} : memref<40x128xf32, #tpu.memory_space<vmem>>, vector<1x16xf32>,
        %get3A_1228 = arith.constant 0 : i32
        %get3A_1229 = arith.constant 0 : i32
        %get3A_1230 = tpu.memref_slice %arg8[%scan3A_812, %get3A_1228, %get3A_1229] : memref<10x40x128xf32, #tpu.memory_space<vmem>> -> memref<1x40x128xf32, #tpu.memory_space<vmem>>
        %get3A_1231 = tpu.memref_squeeze %get3A_1230 : memref<1x40x128xf32, #tpu.memory_space<vmem>> -> memref<40x128xf32, #tpu.memory_space<vmem>>
        %get3A_1232 = arith.index_cast %scan3A_1067 : i32 to index
        %get3A_1233 = arith.constant 96 : index
        %get3A_1234 = tpu.vector_load %get3A_1231[%get3A_1232, %get3A_1233] {strides = array<i32>} : memref<40x128xf32, #tpu.memory_space<vmem>>, vector<1x16xf32>,
        %get3A_1235 = vector.shape_cast %get3A_1234 : vector<1x16xf32> to vector<16xf32>
        %mul3A_1236 = arith.constant 11.3137083 : f32
        %mul3A_1237 = vector.broadcast %mul3A_1236 : f32 to vector<16xf32>
        %mul3A_1238 = arith.mulf %get3A_1235, %mul3A_1237 : vector<16xf32>
        %add3A_1239 = arith.constant 40 : i32
        %add3A_1240 = arith.addi %add3A_1239, %scan3A_1067 : i32
        %get3A_1241 = arith.index_cast %add3A_1240 : i32 to index
        %get3A_1242 = arith.constant 96 : index
        %get3A_1243 = tpu.vector_load %arg6[%get3A_1241, %get3A_1242] {strides = array<i32>} : memref<200x128xf32, #tpu.memory_space<vmem>>, vector<1x16xf32>,
        %get3A_1244 = vector.shape_cast %get3A_1243 : vector<1x16xf32> to vector<16xf32>
        %add3A_1245 = arith.addf %mul3A_1238, %get3A_1244 : vector<16xf32>
        %swap3A_1246 = arith.constant 0 : i32
        %swap3A_1247 = arith.constant 0 : i32
        %swap3A_1248 = tpu.memref_slice %arg8[%scan3A_812, %swap3A_1246, %swap3A_1247] : memref<10x40x128xf32, #tpu.memory_space<vmem>> -> memref<1x40x128xf32, #tpu.memory_space<vmem>>
        %swap3A_1249 = tpu.memref_squeeze %swap3A_1248 : memref<1x40x128xf32, #tpu.memory_space<vmem>> -> memref<40x128xf32, #tpu.memory_space<vmem>>
        %swap3A_1250 = arith.index_cast %scan3A_1067 : i32 to index
        %swap3A_1251 = arith.constant 96 : index
        %swap3A_1252 = tpu.vector_load %swap3A_1249[%swap3A_1250, %swap3A_1251] {strides = array<i32>} : memref<40x128xf32, #tpu.memory_space<vmem>>, vector<1x16xf32>,
        %swap3A_1253 = vector.shape_cast %swap3A_1252 : vector<1x16xf32> to vector<16xf32>
        %swap3A_1254 = vector.shape_cast %add3A_1245 : vector<16xf32> to vector<1x16xf32>
        tpu.vector_store %swap3A_1249[%swap3A_1250, %swap3A_1251], %swap3A_1254 {strides = array<i32>} : memref<40x128xf32, #tpu.memory_space<vmem>>, vector<1x16xf32>,
        %get3A_1255 = arith.constant 0 : i32
        %get3A_1256 = arith.constant 0 : i32
        %get3A_1257 = tpu.memref_slice %arg8[%scan3A_812, %get3A_1255, %get3A_1256] : memref<10x40x128xf32, #tpu.memory_space<vmem>> -> memref<1x40x128xf32, #tpu.memory_space<vmem>>
        %get3A_1258 = tpu.memref_squeeze %get3A_1257 : memref<1x40x128xf32, #tpu.memory_space<vmem>> -> memref<40x128xf32, #tpu.memory_space<vmem>>
        %get3A_1259 = arith.index_cast %scan3A_1067 : i32 to index
        %get3A_1260 = arith.constant 112 : index
        %get3A_1261 = tpu.vector_load %get3A_1258[%get3A_1259, %get3A_1260] {strides = array<i32>} : memref<40x128xf32, #tpu.memory_space<vmem>>, vector<1x16xf32>,
        %get3A_1262 = vector.shape_cast %get3A_1261 : vector<1x16xf32> to vector<16xf32>
        %mul3A_1263 = arith.constant 11.3137083 : f32
        %mul3A_1264 = vector.broadcast %mul3A_1263 : f32 to vector<16xf32>
        %mul3A_1265 = arith.mulf %get3A_1262, %mul3A_1264 : vector<16xf32>
        %add3A_1266 = arith.constant 40 : i32
        %add3A_1267 = arith.addi %add3A_1266, %scan3A_1067 : i32
        %get3A_1268 = arith.index_cast %add3A_1267 : i32 to index
        %get3A_1269 = arith.constant 112 : index
        %get3A_1270 = tpu.vector_load %arg6[%get3A_1268, %get3A_1269] {strides = array<i32>} : memref<200x128xf32, #tpu.memory_space<vmem>>, vector<1x16xf32>,
        %get3A_1271 = vector.shape_cast %get3A_1270 : vector<1x16xf32> to vector<16xf32>
        %add3A_1272 = arith.addf %mul3A_1265, %get3A_1271 : vector<16xf32>
        %swap3A_1273 = arith.constant 0 : i32
        %swap3A_1274 = arith.constant 0 : i32
        %swap3A_1275 = tpu.memref_slice %arg8[%scan3A_812, %swap3A_1273, %swap3A_1274] : memref<10x40x128xf32, #tpu.memory_space<vmem>> -> memref<1x40x128xf32, #tpu.memory_space<vmem>>
        %swap3A_1276 = tpu.memref_squeeze %swap3A_1275 : memref<1x40x128xf32, #tpu.memory_space<vmem>> -> memref<40x128xf32, #tpu.memory_space<vmem>>
        %swap3A_1277 = arith.index_cast %scan3A_1067 : i32 to index
        %swap3A_1278 = arith.constant 112 : index
        %swap3A_1279 = tpu.vector_load %swap3A_1276[%swap3A_1277, %swap3A_1278] {strides = array<i32>} : memref<40x128xf32, #tpu.memory_space<vmem>>, vector<1x16xf32>,
        %swap3A_1280 = vector.shape_cast %swap3A_1279 : vector<1x16xf32> to vector<16xf32>
        %swap3A_1281 = vector.shape_cast %add3A_1272 : vector<16xf32> to vector<1x16xf32>
        tpu.vector_store %swap3A_1276[%swap3A_1277, %swap3A_1278], %swap3A_1281 {strides = array<i32>} : memref<40x128xf32, #tpu.memory_space<vmem>>, vector<1x16xf32>,
      }
      %scan3A_817 = arith.constant 40 : i32
      %add3A_818 = arith.constant 7 : i32
      %add3A_819 = arith.addi %mul3A_248, %add3A_818 : i32
      %jit3A_820 = arith.constant 5 : i32
      %div3A_821 = arith.divsi %mul3A_248, %jit3A_820 : i32
      %sign3A_822 = arith.constant 0 : i32
      %sign3A_823 = arith.cmpi sgt, %mul3A_248, %sign3A_822 : i32
      %sign3A_824 = arith.extui %sign3A_823 : i1 to i32
      %sign3A_825 = arith.constant 0 : i32
      %sign3A_826 = arith.cmpi slt, %mul3A_248, %sign3A_825 : i32
      %sign3A_827 = arith.extui %sign3A_826 : i1 to i32
      %sign3A_828 = arith.subi %sign3A_824, %sign3A_827 : i32
      %sign3A_829 = arith.constant 0 : i32
      %sign3A_830 = arith.cmpi sgt, %jit3A_820, %sign3A_829 : i32
      %sign3A_831 = arith.extui %sign3A_830 : i1 to i32
      %sign3A_832 = arith.constant 0 : i32
      %sign3A_833 = arith.cmpi slt, %jit3A_820, %sign3A_832 : i32
      %sign3A_834 = arith.extui %sign3A_833 : i1 to i32
      %sign3A_835 = arith.subi %sign3A_831, %sign3A_834 : i32
      %ne3A_836 = arith.cmpi ne, %sign3A_828, %sign3A_835 : i32
      %rem3A_837 = arith.remsi %mul3A_248, %jit3A_820 : i32
      %ne3A_838 = arith.constant 0 : i32
      %ne3A_839 = arith.cmpi ne, %rem3A_837, %ne3A_838 : i32
      %and3A_840 = arith.andi %ne3A_836, %ne3A_839 : i1
      %sub3A_841 = arith.constant 1 : i32
      %sub3A_842 = arith.subi %div3A_821, %sub3A_841 : i32
      %select_n3A_843 = arith.select %and3A_840, %sub3A_842, %div3A_821 : i32
      %add3A_844 = arith.constant 1 : i32
      %add3A_845 = arith.addi %select_n3A_843, %add3A_844 : i32
      %jit3A_846 = arith.constant 5 : i32
      %div3A_847 = arith.divsi %mul3A_248, %jit3A_846 : i32
      %sign3A_848 = arith.constant 0 : i32
      %sign3A_849 = arith.cmpi sgt, %mul3A_248, %sign3A_848 : i32
      %sign3A_850 = arith.extui %sign3A_849 : i1 to i32
      %sign3A_851 = arith.constant 0 : i32
      %sign3A_852 = arith.cmpi slt, %mul3A_248, %sign3A_851 : i32
      %sign3A_853 = arith.extui %sign3A_852 : i1 to i32
      %sign3A_854 = arith.subi %sign3A_850, %sign3A_853 : i32
      %sign3A_855 = arith.constant 0 : i32
      %sign3A_856 = arith.cmpi sgt, %jit3A_846, %sign3A_855 : i32
      %sign3A_857 = arith.extui %sign3A_856 : i1 to i32
      %sign3A_858 = arith.constant 0 : i32
      %sign3A_859 = arith.cmpi slt, %jit3A_846, %sign3A_858 : i32
      %sign3A_860 = arith.extui %sign3A_859 : i1 to i32
      %sign3A_861 = arith.subi %sign3A_857, %sign3A_860 : i32
      %ne3A_862 = arith.cmpi ne, %sign3A_854, %sign3A_861 : i32
      %rem3A_863 = arith.remsi %mul3A_248, %jit3A_846 : i32
      %ne3A_864 = arith.constant 0 : i32
      %ne3A_865 = arith.cmpi ne, %rem3A_863, %ne3A_864 : i32
      %and3A_866 = arith.andi %ne3A_862, %ne3A_865 : i1
      %sub3A_867 = arith.constant 1 : i32
      %sub3A_868 = arith.subi %div3A_847, %sub3A_867 : i32
      %select_n3A_869 = arith.select %and3A_866, %sub3A_868, %div3A_847 : i32
      %add3A_870 = arith.constant 1 : i32
      %add3A_871 = arith.addi %select_n3A_869, %add3A_870 : i32
      %ge3A_872 = arith.constant 1 : i32
      %ge3A_873 = arith.cmpi sge, %add3A_819, %ge3A_872 : i32
      %convert_element_type3A_874 = arith.extui %ge3A_873 : i1 to i32
      %cond3A_875 = arith.constant 0 : i32
      %cond3A_876 = arith.cmpi ne, %convert_element_type3A_874, %cond3A_875 : i32
      scf.if %cond3A_876 {
        %add3A_1067 = arith.addi %mul3A_2, %add3A_871 : i32
        %dma_start3A_1068 = arith.constant 6 : i32
        %dma_start3A_1069 = arith.constant 0 : i32
        %dma_start3A_1070 = arith.constant 0 : i32
        %dma_start3A_1071 = tpu.memref_slice %arg8[%dma_start3A_1068, %dma_start3A_1069, %dma_start3A_1070] : memref<10x40x128xf32, #tpu.memory_space<vmem>> -> memref<1x40x128xf32, #tpu.memory_space<vmem>>
        %dma_start3A_1072 = tpu.memref_squeeze %dma_start3A_1071 : memref<1x40x128xf32, #tpu.memory_space<vmem>> -> memref<40x128xf32, #tpu.memory_space<vmem>>
        %dma_start3A_1073 = arith.constant 40 : i32
        %dma_start3A_1074 = arith.constant 0 : i32
        %dma_start3A_1075 = tpu.memref_slice %arg5[%add3A_1067, %dma_start3A_1073, %dma_start3A_1074] : memref<4096x200x128xf32, #tpu.memory_space<hbm>> -> memref<1x40x128xf32, #tpu.memory_space<hbm>>
        %dma_start3A_1076 = tpu.memref_squeeze %dma_start3A_1075 : memref<1x40x128xf32, #tpu.memory_space<hbm>> -> memref<40x128xf32, #tpu.memory_space<hbm>>
        %dma_start3A_1077 = arith.constant 40 : i32
        %dma_start3A_1078 = arith.constant 0 : i32
        %dma_start3A_1079 = tpu.memref_slice %arg5[%add3A_1067, %dma_start3A_1077, %dma_start3A_1078] : memref<4096x200x128xf32, #tpu.memory_space<hbm>> -> memref<1x40x128xf32, #tpu.memory_space<hbm>>
        %dma_start3A_1080 = tpu.memref_squeeze %dma_start3A_1079 : memref<1x40x128xf32, #tpu.memory_space<hbm>> -> memref<40x128xf32, #tpu.memory_space<hbm>>
        %dma_start3A_1081 = arith.constant 0 : i32
        %dma_start3A_1082 = arith.constant 0 : i32
        %dma_start3A_1083 = tpu.memref_slice %arg8[%dma_start3A_1068, %dma_start3A_1081, %dma_start3A_1082] : memref<10x40x128xf32, #tpu.memory_space<vmem>> -> memref<1x40x128xf32, #tpu.memory_space<vmem>>
        %dma_start3A_1084 = tpu.memref_squeeze %dma_start3A_1083 : memref<1x40x128xf32, #tpu.memory_space<vmem>> -> memref<40x128xf32, #tpu.memory_space<vmem>>
        tpu.enqueue_dma source(%dma_start3A_1084 : memref<40x128xf32, #tpu.memory_space<vmem>>) target(%dma_start3A_1080 : memref<40x128xf32, #tpu.memory_space<hbm>>) target_semaphore(%arg25 : memref<!tpu.dma_semaphore, #tpu.memory_space<semaphore_mem>>)
      } else {
      }
      %add3A_877 = arith.constant 5 : i32
      %add3A_878 = arith.addi %add3A_819, %add3A_877 : i32
      %lt3A_879 = arith.constant 640 : i32
      %lt3A_880 = arith.cmpi slt, %add3A_878, %lt3A_879 : i32
      %convert_element_type3A_881 = arith.extui %lt3A_880 : i1 to i32
      %cond3A_882 = arith.constant 0 : i32
      %cond3A_883 = arith.cmpi ne, %convert_element_type3A_881, %cond3A_882 : i32
      scf.if %cond3A_883 {
        %ge3A_1067 = arith.constant 5 : i32
        %ge3A_1068 = arith.cmpi sge, %add3A_819, %ge3A_1067 : i32
        %convert_element_type3A_1069 = arith.extui %ge3A_1068 : i1 to i32
        %cond3A_1070 = arith.constant 0 : i32
        %cond3A_1071 = arith.cmpi ne, %convert_element_type3A_1069, %cond3A_1070 : i32
        scf.if %cond3A_1071 {
          %dma_wait3A_1085 = arith.constant 2 : i32
          %dma_wait3A_1086 = arith.constant 0 : i32
          %dma_wait3A_1087 = arith.constant 0 : i32
          %dma_wait3A_1088 = tpu.memref_slice %arg8[%dma_wait3A_1085, %dma_wait3A_1086, %dma_wait3A_1087] : memref<10x40x128xf32, #tpu.memory_space<vmem>> -> memref<1x40x128xf32, #tpu.memory_space<vmem>>
          %dma_wait3A_1089 = tpu.memref_squeeze %dma_wait3A_1088 : memref<1x40x128xf32, #tpu.memory_space<vmem>> -> memref<40x128xf32, #tpu.memory_space<vmem>>
          %dma_wait3A_1090 = arith.constant 0 : i32
          %dma_wait3A_1091 = arith.constant 0 : i32
          %dma_wait3A_1092 = tpu.memref_slice %arg5[%mul3A_2, %dma_wait3A_1090, %dma_wait3A_1091] : memref<4096x200x128xf32, #tpu.memory_space<hbm>> -> memref<1x40x128xf32, #tpu.memory_space<hbm>>
          %dma_wait3A_1093 = tpu.memref_squeeze %dma_wait3A_1092 : memref<1x40x128xf32, #tpu.memory_space<hbm>> -> memref<40x128xf32, #tpu.memory_space<hbm>>
          %dma_wait3A_1094 = arith.constant 0 : i32
          %dma_wait3A_1095 = arith.constant 0 : i32
          %dma_wait3A_1096 = tpu.memref_slice %arg5[%mul3A_2, %dma_wait3A_1094, %dma_wait3A_1095] : memref<4096x200x128xf32, #tpu.memory_space<hbm>> -> memref<1x40x128xf32, #tpu.memory_space<hbm>>
          %dma_wait3A_1097 = tpu.memref_squeeze %dma_wait3A_1096 : memref<1x40x128xf32, #tpu.memory_space<hbm>> -> memref<40x128xf32, #tpu.memory_space<hbm>>
          %dma_wait3A_1098 = arith.constant 0 : i32
          %dma_wait3A_1099 = arith.constant 0 : i32
          %dma_wait3A_1100 = tpu.memref_slice %arg8[%dma_wait3A_1085, %dma_wait3A_1098, %dma_wait3A_1099] : memref<10x40x128xf32, #tpu.memory_space<vmem>> -> memref<1x40x128xf32, #tpu.memory_space<vmem>>
          %dma_wait3A_1101 = tpu.memref_squeeze %dma_wait3A_1100 : memref<1x40x128xf32, #tpu.memory_space<vmem>> -> memref<40x128xf32, #tpu.memory_space<vmem>>
          tpu.wait_dma2 semaphore(%arg21 : memref<!tpu.dma_semaphore, #tpu.memory_space<semaphore_mem>>) src(%dma_wait3A_1101 : memref<40x128xf32, #tpu.memory_space<vmem>>) dst(%dma_wait3A_1097 : memref<40x128xf32, #tpu.memory_space<hbm>>)
        } else {
        }
        %add3A_1072 = arith.constant 5 : i32
        %add3A_1073 = arith.addi %add3A_819, %add3A_1072 : i32
        %mul3A_1074 = arith.constant 40 : i32
        %mul3A_1075 = arith.muli %add3A_1073, %mul3A_1074 : i32
        %dma_start3A_1076 = arith.constant 2 : i32
        %dma_start3A_1077 = arith.constant 0 : i32
        %dma_start3A_1078 = arith.constant 0 : i32
        %dma_start3A_1079 = tpu.memref_slice %arg8[%dma_start3A_1076, %dma_start3A_1077, %dma_start3A_1078] : memref<10x40x128xf32, #tpu.memory_space<vmem>> -> memref<1x40x128xf32, #tpu.memory_space<vmem>>
        %dma_start3A_1080 = tpu.memref_squeeze %dma_start3A_1079 : memref<1x40x128xf32, #tpu.memory_space<vmem>> -> memref<40x128xf32, #tpu.memory_space<vmem>>
        %dma_start3A_1081 = tpu.memref_slice %arg7[%mul3A_1075] : memref<25600xi32, #tpu.memory_space<vmem>> -> memref<40xi32, #tpu.memory_space<vmem>>
        %dma_start3A_1082 = arith.constant 0 : i32
        %dma_start3A_1083 = arith.constant 0 : i32
        %dma_start3A_1084 = tpu.memref_slice %arg4[%dma_start3A_1082, %dma_start3A_1083] : memref<100000x128xf32, #tpu.memory_space<hbm>> -> memref<100000x128xf32, #tpu.memory_space<hbm>>
        tpu.enqueue_indirect_dma source(%dma_start3A_1084 : memref<100000x128xf32, #tpu.memory_space<hbm>>) target(%dma_start3A_1080 : memref<40x128xf32, #tpu.memory_space<vmem>>) offsets(%dma_start3A_1081 : memref<40xi32, #tpu.memory_space<vmem>>) semaphore(%arg11 : memref<!tpu.dma_semaphore, #tpu.memory_space<semaphore_mem>>)
      } else {
      }
      %mul3A_884 = arith.constant 40 : i32
      %mul3A_885 = arith.muli %add3A_819, %mul3A_884 : i32
      %dma_wait3A_886 = arith.constant 7 : i32
      %dma_wait3A_887 = arith.constant 0 : i32
      %dma_wait3A_888 = arith.constant 0 : i32
      %dma_wait3A_889 = tpu.memref_slice %arg8[%dma_wait3A_886, %dma_wait3A_887, %dma_wait3A_888] : memref<10x40x128xf32, #tpu.memory_space<vmem>> -> memref<1x40x128xf32, #tpu.memory_space<vmem>>
      %dma_wait3A_890 = tpu.memref_squeeze %dma_wait3A_889 : memref<1x40x128xf32, #tpu.memory_space<vmem>> -> memref<40x128xf32, #tpu.memory_space<vmem>>
      %dma_wait3A_891 = tpu.memref_slice %arg7[%mul3A_885] : memref<25600xi32, #tpu.memory_space<vmem>> -> memref<40xi32, #tpu.memory_space<vmem>>
      %dma_wait3A_892 = arith.constant 0 : i32
      %dma_wait3A_893 = arith.constant 0 : i32
      %dma_wait3A_894 = tpu.memref_slice %arg4[%dma_wait3A_892, %dma_wait3A_893] : memref<100000x128xf32, #tpu.memory_space<hbm>> -> memref<100000x128xf32, #tpu.memory_space<hbm>>
      tpu.wait_indirect_dma semaphore(%arg16 : memref<!tpu.dma_semaphore, #tpu.memory_space<semaphore_mem>>) src(%dma_wait3A_894 : memref<100000x128xf32, #tpu.memory_space<hbm>>) dst(%dma_wait3A_890 : memref<40x128xf32, #tpu.memory_space<vmem>>)
      %scan3A_895 = arith.constant 7 : i32
      %scan3A_896 = arith.constant 0 : i32
      %scan3A_897 = arith.constant 40 : i32
      %scan3A_898 = arith.addi %scan3A_896, %scan3A_897 : i32
      %scan3A_899 = arith.constant 1 : i32
      scf.for %scan3A_1067 = %scan3A_896 to %scan3A_898 step %scan3A_899  : i32 {
        %get3A = arith.constant 0 : i32
        %get3A_1068 = arith.constant 0 : i32
        %get3A_1069 = tpu.memref_slice %arg8[%scan3A_895, %get3A, %get3A_1068] : memref<10x40x128xf32, #tpu.memory_space<vmem>> -> memref<1x40x128xf32, #tpu.memory_space<vmem>>
        %get3A_1070 = tpu.memref_squeeze %get3A_1069 : memref<1x40x128xf32, #tpu.memory_space<vmem>> -> memref<40x128xf32, #tpu.memory_space<vmem>>
        %get3A_1071 = arith.index_cast %scan3A_1067 : i32 to index
        %get3A_1072 = arith.constant 0 : index
        %get3A_1073 = tpu.vector_load %get3A_1070[%get3A_1071, %get3A_1072] {strides = array<i32>} : memref<40x128xf32, #tpu.memory_space<vmem>>, vector<1x16xf32>,
        %get3A_1074 = vector.shape_cast %get3A_1073 : vector<1x16xf32> to vector<16xf32>
        %mul3A_1075 = arith.constant 11.3137083 : f32
        %mul3A_1076 = vector.broadcast %mul3A_1075 : f32 to vector<16xf32>
        %mul3A_1077 = arith.mulf %get3A_1074, %mul3A_1076 : vector<16xf32>
        %add3A_1078 = arith.constant 80 : i32
        %add3A_1079 = arith.addi %add3A_1078, %scan3A_1067 : i32
        %get3A_1080 = arith.index_cast %add3A_1079 : i32 to index
        %get3A_1081 = arith.constant 0 : index
        %get3A_1082 = tpu.vector_load %arg6[%get3A_1080, %get3A_1081] {strides = array<i32>} : memref<200x128xf32, #tpu.memory_space<vmem>>, vector<1x16xf32>,
        %get3A_1083 = vector.shape_cast %get3A_1082 : vector<1x16xf32> to vector<16xf32>
        %add3A_1084 = arith.addf %mul3A_1077, %get3A_1083 : vector<16xf32>
        %swap3A = arith.constant 0 : i32
        %swap3A_1085 = arith.constant 0 : i32
        %swap3A_1086 = tpu.memref_slice %arg8[%scan3A_895, %swap3A, %swap3A_1085] : memref<10x40x128xf32, #tpu.memory_space<vmem>> -> memref<1x40x128xf32, #tpu.memory_space<vmem>>
        %swap3A_1087 = tpu.memref_squeeze %swap3A_1086 : memref<1x40x128xf32, #tpu.memory_space<vmem>> -> memref<40x128xf32, #tpu.memory_space<vmem>>
        %swap3A_1088 = arith.index_cast %scan3A_1067 : i32 to index
        %swap3A_1089 = arith.constant 0 : index
        %swap3A_1090 = tpu.vector_load %swap3A_1087[%swap3A_1088, %swap3A_1089] {strides = array<i32>} : memref<40x128xf32, #tpu.memory_space<vmem>>, vector<1x16xf32>,
        %swap3A_1091 = vector.shape_cast %swap3A_1090 : vector<1x16xf32> to vector<16xf32>
        %swap3A_1092 = vector.shape_cast %add3A_1084 : vector<16xf32> to vector<1x16xf32>
        tpu.vector_store %swap3A_1087[%swap3A_1088, %swap3A_1089], %swap3A_1092 {strides = array<i32>} : memref<40x128xf32, #tpu.memory_space<vmem>>, vector<1x16xf32>,
        %get3A_1093 = arith.constant 0 : i32
        %get3A_1094 = arith.constant 0 : i32
        %get3A_1095 = tpu.memref_slice %arg8[%scan3A_895, %get3A_1093, %get3A_1094] : memref<10x40x128xf32, #tpu.memory_space<vmem>> -> memref<1x40x128xf32, #tpu.memory_space<vmem>>
        %get3A_1096 = tpu.memref_squeeze %get3A_1095 : memref<1x40x128xf32, #tpu.memory_space<vmem>> -> memref<40x128xf32, #tpu.memory_space<vmem>>
        %get3A_1097 = arith.index_cast %scan3A_1067 : i32 to index
        %get3A_1098 = arith.constant 16 : index
        %get3A_1099 = tpu.vector_load %get3A_1096[%get3A_1097, %get3A_1098] {strides = array<i32>} : memref<40x128xf32, #tpu.memory_space<vmem>>, vector<1x16xf32>,
        %get3A_1100 = vector.shape_cast %get3A_1099 : vector<1x16xf32> to vector<16xf32>
        %mul3A_1101 = arith.constant 11.3137083 : f32
        %mul3A_1102 = vector.broadcast %mul3A_1101 : f32 to vector<16xf32>
        %mul3A_1103 = arith.mulf %get3A_1100, %mul3A_1102 : vector<16xf32>
        %add3A_1104 = arith.constant 80 : i32
        %add3A_1105 = arith.addi %add3A_1104, %scan3A_1067 : i32
        %get3A_1106 = arith.index_cast %add3A_1105 : i32 to index
        %get3A_1107 = arith.constant 16 : index
        %get3A_1108 = tpu.vector_load %arg6[%get3A_1106, %get3A_1107] {strides = array<i32>} : memref<200x128xf32, #tpu.memory_space<vmem>>, vector<1x16xf32>,
        %get3A_1109 = vector.shape_cast %get3A_1108 : vector<1x16xf32> to vector<16xf32>
        %add3A_1110 = arith.addf %mul3A_1103, %get3A_1109 : vector<16xf32>
        %swap3A_1111 = arith.constant 0 : i32
        %swap3A_1112 = arith.constant 0 : i32
        %swap3A_1113 = tpu.memref_slice %arg8[%scan3A_895, %swap3A_1111, %swap3A_1112] : memref<10x40x128xf32, #tpu.memory_space<vmem>> -> memref<1x40x128xf32, #tpu.memory_space<vmem>>
        %swap3A_1114 = tpu.memref_squeeze %swap3A_1113 : memref<1x40x128xf32, #tpu.memory_space<vmem>> -> memref<40x128xf32, #tpu.memory_space<vmem>>
        %swap3A_1115 = arith.index_cast %scan3A_1067 : i32 to index
        %swap3A_1116 = arith.constant 16 : index
        %swap3A_1117 = tpu.vector_load %swap3A_1114[%swap3A_1115, %swap3A_1116] {strides = array<i32>} : memref<40x128xf32, #tpu.memory_space<vmem>>, vector<1x16xf32>,
        %swap3A_1118 = vector.shape_cast %swap3A_1117 : vector<1x16xf32> to vector<16xf32>
        %swap3A_1119 = vector.shape_cast %add3A_1110 : vector<16xf32> to vector<1x16xf32>
        tpu.vector_store %swap3A_1114[%swap3A_1115, %swap3A_1116], %swap3A_1119 {strides = array<i32>} : memref<40x128xf32, #tpu.memory_space<vmem>>, vector<1x16xf32>,
        %get3A_1120 = arith.constant 0 : i32
        %get3A_1121 = arith.constant 0 : i32
        %get3A_1122 = tpu.memref_slice %arg8[%scan3A_895, %get3A_1120, %get3A_1121] : memref<10x40x128xf32, #tpu.memory_space<vmem>> -> memref<1x40x128xf32, #tpu.memory_space<vmem>>
        %get3A_1123 = tpu.memref_squeeze %get3A_1122 : memref<1x40x128xf32, #tpu.memory_space<vmem>> -> memref<40x128xf32, #tpu.memory_space<vmem>>
        %get3A_1124 = arith.index_cast %scan3A_1067 : i32 to index
        %get3A_1125 = arith.constant 32 : index
        %get3A_1126 = tpu.vector_load %get3A_1123[%get3A_1124, %get3A_1125] {strides = array<i32>} : memref<40x128xf32, #tpu.memory_space<vmem>>, vector<1x16xf32>,
        %get3A_1127 = vector.shape_cast %get3A_1126 : vector<1x16xf32> to vector<16xf32>
        %mul3A_1128 = arith.constant 11.3137083 : f32
        %mul3A_1129 = vector.broadcast %mul3A_1128 : f32 to vector<16xf32>
        %mul3A_1130 = arith.mulf %get3A_1127, %mul3A_1129 : vector<16xf32>
        %add3A_1131 = arith.constant 80 : i32
        %add3A_1132 = arith.addi %add3A_1131, %scan3A_1067 : i32
        %get3A_1133 = arith.index_cast %add3A_1132 : i32 to index
        %get3A_1134 = arith.constant 32 : index
        %get3A_1135 = tpu.vector_load %arg6[%get3A_1133, %get3A_1134] {strides = array<i32>} : memref<200x128xf32, #tpu.memory_space<vmem>>, vector<1x16xf32>,
        %get3A_1136 = vector.shape_cast %get3A_1135 : vector<1x16xf32> to vector<16xf32>
        %add3A_1137 = arith.addf %mul3A_1130, %get3A_1136 : vector<16xf32>
        %swap3A_1138 = arith.constant 0 : i32
        %swap3A_1139 = arith.constant 0 : i32
        %swap3A_1140 = tpu.memref_slice %arg8[%scan3A_895, %swap3A_1138, %swap3A_1139] : memref<10x40x128xf32, #tpu.memory_space<vmem>> -> memref<1x40x128xf32, #tpu.memory_space<vmem>>
        %swap3A_1141 = tpu.memref_squeeze %swap3A_1140 : memref<1x40x128xf32, #tpu.memory_space<vmem>> -> memref<40x128xf32, #tpu.memory_space<vmem>>
        %swap3A_1142 = arith.index_cast %scan3A_1067 : i32 to index
        %swap3A_1143 = arith.constant 32 : index
        %swap3A_1144 = tpu.vector_load %swap3A_1141[%swap3A_1142, %swap3A_1143] {strides = array<i32>} : memref<40x128xf32, #tpu.memory_space<vmem>>, vector<1x16xf32>,
        %swap3A_1145 = vector.shape_cast %swap3A_1144 : vector<1x16xf32> to vector<16xf32>
        %swap3A_1146 = vector.shape_cast %add3A_1137 : vector<16xf32> to vector<1x16xf32>
        tpu.vector_store %swap3A_1141[%swap3A_1142, %swap3A_1143], %swap3A_1146 {strides = array<i32>} : memref<40x128xf32, #tpu.memory_space<vmem>>, vector<1x16xf32>,
        %get3A_1147 = arith.constant 0 : i32
        %get3A_1148 = arith.constant 0 : i32
        %get3A_1149 = tpu.memref_slice %arg8[%scan3A_895, %get3A_1147, %get3A_1148] : memref<10x40x128xf32, #tpu.memory_space<vmem>> -> memref<1x40x128xf32, #tpu.memory_space<vmem>>
        %get3A_1150 = tpu.memref_squeeze %get3A_1149 : memref<1x40x128xf32, #tpu.memory_space<vmem>> -> memref<40x128xf32, #tpu.memory_space<vmem>>
        %get3A_1151 = arith.index_cast %scan3A_1067 : i32 to index
        %get3A_1152 = arith.constant 48 : index
        %get3A_1153 = tpu.vector_load %get3A_1150[%get3A_1151, %get3A_1152] {strides = array<i32>} : memref<40x128xf32, #tpu.memory_space<vmem>>, vector<1x16xf32>,
        %get3A_1154 = vector.shape_cast %get3A_1153 : vector<1x16xf32> to vector<16xf32>
        %mul3A_1155 = arith.constant 11.3137083 : f32
        %mul3A_1156 = vector.broadcast %mul3A_1155 : f32 to vector<16xf32>
        %mul3A_1157 = arith.mulf %get3A_1154, %mul3A_1156 : vector<16xf32>
        %add3A_1158 = arith.constant 80 : i32
        %add3A_1159 = arith.addi %add3A_1158, %scan3A_1067 : i32
        %get3A_1160 = arith.index_cast %add3A_1159 : i32 to index
        %get3A_1161 = arith.constant 48 : index
        %get3A_1162 = tpu.vector_load %arg6[%get3A_1160, %get3A_1161] {strides = array<i32>} : memref<200x128xf32, #tpu.memory_space<vmem>>, vector<1x16xf32>,
        %get3A_1163 = vector.shape_cast %get3A_1162 : vector<1x16xf32> to vector<16xf32>
        %add3A_1164 = arith.addf %mul3A_1157, %get3A_1163 : vector<16xf32>
        %swap3A_1165 = arith.constant 0 : i32
        %swap3A_1166 = arith.constant 0 : i32
        %swap3A_1167 = tpu.memref_slice %arg8[%scan3A_895, %swap3A_1165, %swap3A_1166] : memref<10x40x128xf32, #tpu.memory_space<vmem>> -> memref<1x40x128xf32, #tpu.memory_space<vmem>>
        %swap3A_1168 = tpu.memref_squeeze %swap3A_1167 : memref<1x40x128xf32, #tpu.memory_space<vmem>> -> memref<40x128xf32, #tpu.memory_space<vmem>>
        %swap3A_1169 = arith.index_cast %scan3A_1067 : i32 to index
        %swap3A_1170 = arith.constant 48 : index
        %swap3A_1171 = tpu.vector_load %swap3A_1168[%swap3A_1169, %swap3A_1170] {strides = array<i32>} : memref<40x128xf32, #tpu.memory_space<vmem>>, vector<1x16xf32>,
        %swap3A_1172 = vector.shape_cast %swap3A_1171 : vector<1x16xf32> to vector<16xf32>
        %swap3A_1173 = vector.shape_cast %add3A_1164 : vector<16xf32> to vector<1x16xf32>
        tpu.vector_store %swap3A_1168[%swap3A_1169, %swap3A_1170], %swap3A_1173 {strides = array<i32>} : memref<40x128xf32, #tpu.memory_space<vmem>>, vector<1x16xf32>,
        %get3A_1174 = arith.constant 0 : i32
        %get3A_1175 = arith.constant 0 : i32
        %get3A_1176 = tpu.memref_slice %arg8[%scan3A_895, %get3A_1174, %get3A_1175] : memref<10x40x128xf32, #tpu.memory_space<vmem>> -> memref<1x40x128xf32, #tpu.memory_space<vmem>>
        %get3A_1177 = tpu.memref_squeeze %get3A_1176 : memref<1x40x128xf32, #tpu.memory_space<vmem>> -> memref<40x128xf32, #tpu.memory_space<vmem>>
        %get3A_1178 = arith.index_cast %scan3A_1067 : i32 to index
        %get3A_1179 = arith.constant 64 : index
        %get3A_1180 = tpu.vector_load %get3A_1177[%get3A_1178, %get3A_1179] {strides = array<i32>} : memref<40x128xf32, #tpu.memory_space<vmem>>, vector<1x16xf32>,
        %get3A_1181 = vector.shape_cast %get3A_1180 : vector<1x16xf32> to vector<16xf32>
        %mul3A_1182 = arith.constant 11.3137083 : f32
        %mul3A_1183 = vector.broadcast %mul3A_1182 : f32 to vector<16xf32>
        %mul3A_1184 = arith.mulf %get3A_1181, %mul3A_1183 : vector<16xf32>
        %add3A_1185 = arith.constant 80 : i32
        %add3A_1186 = arith.addi %add3A_1185, %scan3A_1067 : i32
        %get3A_1187 = arith.index_cast %add3A_1186 : i32 to index
        %get3A_1188 = arith.constant 64 : index
        %get3A_1189 = tpu.vector_load %arg6[%get3A_1187, %get3A_1188] {strides = array<i32>} : memref<200x128xf32, #tpu.memory_space<vmem>>, vector<1x16xf32>,
        %get3A_1190 = vector.shape_cast %get3A_1189 : vector<1x16xf32> to vector<16xf32>
        %add3A_1191 = arith.addf %mul3A_1184, %get3A_1190 : vector<16xf32>
        %swap3A_1192 = arith.constant 0 : i32
        %swap3A_1193 = arith.constant 0 : i32
        %swap3A_1194 = tpu.memref_slice %arg8[%scan3A_895, %swap3A_1192, %swap3A_1193] : memref<10x40x128xf32, #tpu.memory_space<vmem>> -> memref<1x40x128xf32, #tpu.memory_space<vmem>>
        %swap3A_1195 = tpu.memref_squeeze %swap3A_1194 : memref<1x40x128xf32, #tpu.memory_space<vmem>> -> memref<40x128xf32, #tpu.memory_space<vmem>>
        %swap3A_1196 = arith.index_cast %scan3A_1067 : i32 to index
        %swap3A_1197 = arith.constant 64 : index
        %swap3A_1198 = tpu.vector_load %swap3A_1195[%swap3A_1196, %swap3A_1197] {strides = array<i32>} : memref<40x128xf32, #tpu.memory_space<vmem>>, vector<1x16xf32>,
        %swap3A_1199 = vector.shape_cast %swap3A_1198 : vector<1x16xf32> to vector<16xf32>
        %swap3A_1200 = vector.shape_cast %add3A_1191 : vector<16xf32> to vector<1x16xf32>
        tpu.vector_store %swap3A_1195[%swap3A_1196, %swap3A_1197], %swap3A_1200 {strides = array<i32>} : memref<40x128xf32, #tpu.memory_space<vmem>>, vector<1x16xf32>,
        %get3A_1201 = arith.constant 0 : i32
        %get3A_1202 = arith.constant 0 : i32
        %get3A_1203 = tpu.memref_slice %arg8[%scan3A_895, %get3A_1201, %get3A_1202] : memref<10x40x128xf32, #tpu.memory_space<vmem>> -> memref<1x40x128xf32, #tpu.memory_space<vmem>>
        %get3A_1204 = tpu.memref_squeeze %get3A_1203 : memref<1x40x128xf32, #tpu.memory_space<vmem>> -> memref<40x128xf32, #tpu.memory_space<vmem>>
        %get3A_1205 = arith.index_cast %scan3A_1067 : i32 to index
        %get3A_1206 = arith.constant 80 : index
        %get3A_1207 = tpu.vector_load %get3A_1204[%get3A_1205, %get3A_1206] {strides = array<i32>} : memref<40x128xf32, #tpu.memory_space<vmem>>, vector<1x16xf32>,
        %get3A_1208 = vector.shape_cast %get3A_1207 : vector<1x16xf32> to vector<16xf32>
        %mul3A_1209 = arith.constant 11.3137083 : f32
        %mul3A_1210 = vector.broadcast %mul3A_1209 : f32 to vector<16xf32>
        %mul3A_1211 = arith.mulf %get3A_1208, %mul3A_1210 : vector<16xf32>
        %add3A_1212 = arith.constant 80 : i32
        %add3A_1213 = arith.addi %add3A_1212, %scan3A_1067 : i32
        %get3A_1214 = arith.index_cast %add3A_1213 : i32 to index
        %get3A_1215 = arith.constant 80 : index
        %get3A_1216 = tpu.vector_load %arg6[%get3A_1214, %get3A_1215] {strides = array<i32>} : memref<200x128xf32, #tpu.memory_space<vmem>>, vector<1x16xf32>,
        %get3A_1217 = vector.shape_cast %get3A_1216 : vector<1x16xf32> to vector<16xf32>
        %add3A_1218 = arith.addf %mul3A_1211, %get3A_1217 : vector<16xf32>
        %swap3A_1219 = arith.constant 0 : i32
        %swap3A_1220 = arith.constant 0 : i32
        %swap3A_1221 = tpu.memref_slice %arg8[%scan3A_895, %swap3A_1219, %swap3A_1220] : memref<10x40x128xf32, #tpu.memory_space<vmem>> -> memref<1x40x128xf32, #tpu.memory_space<vmem>>
        %swap3A_1222 = tpu.memref_squeeze %swap3A_1221 : memref<1x40x128xf32, #tpu.memory_space<vmem>> -> memref<40x128xf32, #tpu.memory_space<vmem>>
        %swap3A_1223 = arith.index_cast %scan3A_1067 : i32 to index
        %swap3A_1224 = arith.constant 80 : index
        %swap3A_1225 = tpu.vector_load %swap3A_1222[%swap3A_1223, %swap3A_1224] {strides = array<i32>} : memref<40x128xf32, #tpu.memory_space<vmem>>, vector<1x16xf32>,
        %swap3A_1226 = vector.shape_cast %swap3A_1225 : vector<1x16xf32> to vector<16xf32>
        %swap3A_1227 = vector.shape_cast %add3A_1218 : vector<16xf32> to vector<1x16xf32>
        tpu.vector_store %swap3A_1222[%swap3A_1223, %swap3A_1224], %swap3A_1227 {strides = array<i32>} : memref<40x128xf32, #tpu.memory_space<vmem>>, vector<1x16xf32>,
        %get3A_1228 = arith.constant 0 : i32
        %get3A_1229 = arith.constant 0 : i32
        %get3A_1230 = tpu.memref_slice %arg8[%scan3A_895, %get3A_1228, %get3A_1229] : memref<10x40x128xf32, #tpu.memory_space<vmem>> -> memref<1x40x128xf32, #tpu.memory_space<vmem>>
        %get3A_1231 = tpu.memref_squeeze %get3A_1230 : memref<1x40x128xf32, #tpu.memory_space<vmem>> -> memref<40x128xf32, #tpu.memory_space<vmem>>
        %get3A_1232 = arith.index_cast %scan3A_1067 : i32 to index
        %get3A_1233 = arith.constant 96 : index
        %get3A_1234 = tpu.vector_load %get3A_1231[%get3A_1232, %get3A_1233] {strides = array<i32>} : memref<40x128xf32, #tpu.memory_space<vmem>>, vector<1x16xf32>,
        %get3A_1235 = vector.shape_cast %get3A_1234 : vector<1x16xf32> to vector<16xf32>
        %mul3A_1236 = arith.constant 11.3137083 : f32
        %mul3A_1237 = vector.broadcast %mul3A_1236 : f32 to vector<16xf32>
        %mul3A_1238 = arith.mulf %get3A_1235, %mul3A_1237 : vector<16xf32>
        %add3A_1239 = arith.constant 80 : i32
        %add3A_1240 = arith.addi %add3A_1239, %scan3A_1067 : i32
        %get3A_1241 = arith.index_cast %add3A_1240 : i32 to index
        %get3A_1242 = arith.constant 96 : index
        %get3A_1243 = tpu.vector_load %arg6[%get3A_1241, %get3A_1242] {strides = array<i32>} : memref<200x128xf32, #tpu.memory_space<vmem>>, vector<1x16xf32>,
        %get3A_1244 = vector.shape_cast %get3A_1243 : vector<1x16xf32> to vector<16xf32>
        %add3A_1245 = arith.addf %mul3A_1238, %get3A_1244 : vector<16xf32>
        %swap3A_1246 = arith.constant 0 : i32
        %swap3A_1247 = arith.constant 0 : i32
        %swap3A_1248 = tpu.memref_slice %arg8[%scan3A_895, %swap3A_1246, %swap3A_1247] : memref<10x40x128xf32, #tpu.memory_space<vmem>> -> memref<1x40x128xf32, #tpu.memory_space<vmem>>
        %swap3A_1249 = tpu.memref_squeeze %swap3A_1248 : memref<1x40x128xf32, #tpu.memory_space<vmem>> -> memref<40x128xf32, #tpu.memory_space<vmem>>
        %swap3A_1250 = arith.index_cast %scan3A_1067 : i32 to index
        %swap3A_1251 = arith.constant 96 : index
        %swap3A_1252 = tpu.vector_load %swap3A_1249[%swap3A_1250, %swap3A_1251] {strides = array<i32>} : memref<40x128xf32, #tpu.memory_space<vmem>>, vector<1x16xf32>,
        %swap3A_1253 = vector.shape_cast %swap3A_1252 : vector<1x16xf32> to vector<16xf32>
        %swap3A_1254 = vector.shape_cast %add3A_1245 : vector<16xf32> to vector<1x16xf32>
        tpu.vector_store %swap3A_1249[%swap3A_1250, %swap3A_1251], %swap3A_1254 {strides = array<i32>} : memref<40x128xf32, #tpu.memory_space<vmem>>, vector<1x16xf32>,
        %get3A_1255 = arith.constant 0 : i32
        %get3A_1256 = arith.constant 0 : i32
        %get3A_1257 = tpu.memref_slice %arg8[%scan3A_895, %get3A_1255, %get3A_1256] : memref<10x40x128xf32, #tpu.memory_space<vmem>> -> memref<1x40x128xf32, #tpu.memory_space<vmem>>
        %get3A_1258 = tpu.memref_squeeze %get3A_1257 : memref<1x40x128xf32, #tpu.memory_space<vmem>> -> memref<40x128xf32, #tpu.memory_space<vmem>>
        %get3A_1259 = arith.index_cast %scan3A_1067 : i32 to index
        %get3A_1260 = arith.constant 112 : index
        %get3A_1261 = tpu.vector_load %get3A_1258[%get3A_1259, %get3A_1260] {strides = array<i32>} : memref<40x128xf32, #tpu.memory_space<vmem>>, vector<1x16xf32>,
        %get3A_1262 = vector.shape_cast %get3A_1261 : vector<1x16xf32> to vector<16xf32>
        %mul3A_1263 = arith.constant 11.3137083 : f32
        %mul3A_1264 = vector.broadcast %mul3A_1263 : f32 to vector<16xf32>
        %mul3A_1265 = arith.mulf %get3A_1262, %mul3A_1264 : vector<16xf32>
        %add3A_1266 = arith.constant 80 : i32
        %add3A_1267 = arith.addi %add3A_1266, %scan3A_1067 : i32
        %get3A_1268 = arith.index_cast %add3A_1267 : i32 to index
        %get3A_1269 = arith.constant 112 : index
        %get3A_1270 = tpu.vector_load %arg6[%get3A_1268, %get3A_1269] {strides = array<i32>} : memref<200x128xf32, #tpu.memory_space<vmem>>, vector<1x16xf32>,
        %get3A_1271 = vector.shape_cast %get3A_1270 : vector<1x16xf32> to vector<16xf32>
        %add3A_1272 = arith.addf %mul3A_1265, %get3A_1271 : vector<16xf32>
        %swap3A_1273 = arith.constant 0 : i32
        %swap3A_1274 = arith.constant 0 : i32
        %swap3A_1275 = tpu.memref_slice %arg8[%scan3A_895, %swap3A_1273, %swap3A_1274] : memref<10x40x128xf32, #tpu.memory_space<vmem>> -> memref<1x40x128xf32, #tpu.memory_space<vmem>>
        %swap3A_1276 = tpu.memref_squeeze %swap3A_1275 : memref<1x40x128xf32, #tpu.memory_space<vmem>> -> memref<40x128xf32, #tpu.memory_space<vmem>>
        %swap3A_1277 = arith.index_cast %scan3A_1067 : i32 to index
        %swap3A_1278 = arith.constant 112 : index
        %swap3A_1279 = tpu.vector_load %swap3A_1276[%swap3A_1277, %swap3A_1278] {strides = array<i32>} : memref<40x128xf32, #tpu.memory_space<vmem>>, vector<1x16xf32>,
        %swap3A_1280 = vector.shape_cast %swap3A_1279 : vector<1x16xf32> to vector<16xf32>
        %swap3A_1281 = vector.shape_cast %add3A_1272 : vector<16xf32> to vector<1x16xf32>
        tpu.vector_store %swap3A_1276[%swap3A_1277, %swap3A_1278], %swap3A_1281 {strides = array<i32>} : memref<40x128xf32, #tpu.memory_space<vmem>>, vector<1x16xf32>,
      }
      %scan3A_900 = arith.constant 40 : i32
      %add3A_901 = arith.constant 8 : i32
      %add3A_902 = arith.addi %mul3A_248, %add3A_901 : i32
      %jit3A_903 = arith.constant 5 : i32
      %div3A_904 = arith.divsi %mul3A_248, %jit3A_903 : i32
      %sign3A_905 = arith.constant 0 : i32
      %sign3A_906 = arith.cmpi sgt, %mul3A_248, %sign3A_905 : i32
      %sign3A_907 = arith.extui %sign3A_906 : i1 to i32
      %sign3A_908 = arith.constant 0 : i32
      %sign3A_909 = arith.cmpi slt, %mul3A_248, %sign3A_908 : i32
      %sign3A_910 = arith.extui %sign3A_909 : i1 to i32
      %sign3A_911 = arith.subi %sign3A_907, %sign3A_910 : i32
      %sign3A_912 = arith.constant 0 : i32
      %sign3A_913 = arith.cmpi sgt, %jit3A_903, %sign3A_912 : i32
      %sign3A_914 = arith.extui %sign3A_913 : i1 to i32
      %sign3A_915 = arith.constant 0 : i32
      %sign3A_916 = arith.cmpi slt, %jit3A_903, %sign3A_915 : i32
      %sign3A_917 = arith.extui %sign3A_916 : i1 to i32
      %sign3A_918 = arith.subi %sign3A_914, %sign3A_917 : i32
      %ne3A_919 = arith.cmpi ne, %sign3A_911, %sign3A_918 : i32
      %rem3A_920 = arith.remsi %mul3A_248, %jit3A_903 : i32
      %ne3A_921 = arith.constant 0 : i32
      %ne3A_922 = arith.cmpi ne, %rem3A_920, %ne3A_921 : i32
      %and3A_923 = arith.andi %ne3A_919, %ne3A_922 : i1
      %sub3A_924 = arith.constant 1 : i32
      %sub3A_925 = arith.subi %div3A_904, %sub3A_924 : i32
      %select_n3A_926 = arith.select %and3A_923, %sub3A_925, %div3A_904 : i32
      %add3A_927 = arith.constant 1 : i32
      %add3A_928 = arith.addi %select_n3A_926, %add3A_927 : i32
      %jit3A_929 = arith.constant 5 : i32
      %div3A_930 = arith.divsi %mul3A_248, %jit3A_929 : i32
      %sign3A_931 = arith.constant 0 : i32
      %sign3A_932 = arith.cmpi sgt, %mul3A_248, %sign3A_931 : i32
      %sign3A_933 = arith.extui %sign3A_932 : i1 to i32
      %sign3A_934 = arith.constant 0 : i32
      %sign3A_935 = arith.cmpi slt, %mul3A_248, %sign3A_934 : i32
      %sign3A_936 = arith.extui %sign3A_935 : i1 to i32
      %sign3A_937 = arith.subi %sign3A_933, %sign3A_936 : i32
      %sign3A_938 = arith.constant 0 : i32
      %sign3A_939 = arith.cmpi sgt, %jit3A_929, %sign3A_938 : i32
      %sign3A_940 = arith.extui %sign3A_939 : i1 to i32
      %sign3A_941 = arith.constant 0 : i32
      %sign3A_942 = arith.cmpi slt, %jit3A_929, %sign3A_941 : i32
      %sign3A_943 = arith.extui %sign3A_942 : i1 to i32
      %sign3A_944 = arith.subi %sign3A_940, %sign3A_943 : i32
      %ne3A_945 = arith.cmpi ne, %sign3A_937, %sign3A_944 : i32
      %rem3A_946 = arith.remsi %mul3A_248, %jit3A_929 : i32
      %ne3A_947 = arith.constant 0 : i32
      %ne3A_948 = arith.cmpi ne, %rem3A_946, %ne3A_947 : i32
      %and3A_949 = arith.andi %ne3A_945, %ne3A_948 : i1
      %sub3A_950 = arith.constant 1 : i32
      %sub3A_951 = arith.subi %div3A_930, %sub3A_950 : i32
      %select_n3A_952 = arith.select %and3A_949, %sub3A_951, %div3A_930 : i32
      %add3A_953 = arith.constant 1 : i32
      %add3A_954 = arith.addi %select_n3A_952, %add3A_953 : i32
      %ge3A_955 = arith.constant 1 : i32
      %ge3A_956 = arith.cmpi sge, %add3A_902, %ge3A_955 : i32
      %convert_element_type3A_957 = arith.extui %ge3A_956 : i1 to i32
      %cond3A_958 = arith.constant 0 : i32
      %cond3A_959 = arith.cmpi ne, %convert_element_type3A_957, %cond3A_958 : i32
      scf.if %cond3A_959 {
        %add3A_1067 = arith.addi %mul3A_2, %add3A_954 : i32
        %dma_start3A_1068 = arith.constant 7 : i32
        %dma_start3A_1069 = arith.constant 0 : i32
        %dma_start3A_1070 = arith.constant 0 : i32
        %dma_start3A_1071 = tpu.memref_slice %arg8[%dma_start3A_1068, %dma_start3A_1069, %dma_start3A_1070] : memref<10x40x128xf32, #tpu.memory_space<vmem>> -> memref<1x40x128xf32, #tpu.memory_space<vmem>>
        %dma_start3A_1072 = tpu.memref_squeeze %dma_start3A_1071 : memref<1x40x128xf32, #tpu.memory_space<vmem>> -> memref<40x128xf32, #tpu.memory_space<vmem>>
        %dma_start3A_1073 = arith.constant 80 : i32
        %dma_start3A_1074 = arith.constant 0 : i32
        %dma_start3A_1075 = tpu.memref_slice %arg5[%add3A_1067, %dma_start3A_1073, %dma_start3A_1074] : memref<4096x200x128xf32, #tpu.memory_space<hbm>> -> memref<1x40x128xf32, #tpu.memory_space<hbm>>
        %dma_start3A_1076 = tpu.memref_squeeze %dma_start3A_1075 : memref<1x40x128xf32, #tpu.memory_space<hbm>> -> memref<40x128xf32, #tpu.memory_space<hbm>>
        %dma_start3A_1077 = arith.constant 80 : i32
        %dma_start3A_1078 = arith.constant 0 : i32
        %dma_start3A_1079 = tpu.memref_slice %arg5[%add3A_1067, %dma_start3A_1077, %dma_start3A_1078] : memref<4096x200x128xf32, #tpu.memory_space<hbm>> -> memref<1x40x128xf32, #tpu.memory_space<hbm>>
        %dma_start3A_1080 = tpu.memref_squeeze %dma_start3A_1079 : memref<1x40x128xf32, #tpu.memory_space<hbm>> -> memref<40x128xf32, #tpu.memory_space<hbm>>
        %dma_start3A_1081 = arith.constant 0 : i32
        %dma_start3A_1082 = arith.constant 0 : i32
        %dma_start3A_1083 = tpu.memref_slice %arg8[%dma_start3A_1068, %dma_start3A_1081, %dma_start3A_1082] : memref<10x40x128xf32, #tpu.memory_space<vmem>> -> memref<1x40x128xf32, #tpu.memory_space<vmem>>
        %dma_start3A_1084 = tpu.memref_squeeze %dma_start3A_1083 : memref<1x40x128xf32, #tpu.memory_space<vmem>> -> memref<40x128xf32, #tpu.memory_space<vmem>>
        tpu.enqueue_dma source(%dma_start3A_1084 : memref<40x128xf32, #tpu.memory_space<vmem>>) target(%dma_start3A_1080 : memref<40x128xf32, #tpu.memory_space<hbm>>) target_semaphore(%arg26 : memref<!tpu.dma_semaphore, #tpu.memory_space<semaphore_mem>>)
      } else {
      }
      %add3A_960 = arith.constant 5 : i32
      %add3A_961 = arith.addi %add3A_902, %add3A_960 : i32
      %lt3A_962 = arith.constant 640 : i32
      %lt3A_963 = arith.cmpi slt, %add3A_961, %lt3A_962 : i32
      %convert_element_type3A_964 = arith.extui %lt3A_963 : i1 to i32
      %cond3A_965 = arith.constant 0 : i32
      %cond3A_966 = arith.cmpi ne, %convert_element_type3A_964, %cond3A_965 : i32
      scf.if %cond3A_966 {
        %ge3A_1067 = arith.constant 5 : i32
        %ge3A_1068 = arith.cmpi sge, %add3A_902, %ge3A_1067 : i32
        %convert_element_type3A_1069 = arith.extui %ge3A_1068 : i1 to i32
        %cond3A_1070 = arith.constant 0 : i32
        %cond3A_1071 = arith.cmpi ne, %convert_element_type3A_1069, %cond3A_1070 : i32
        scf.if %cond3A_1071 {
          %dma_wait3A_1085 = arith.constant 3 : i32
          %dma_wait3A_1086 = arith.constant 0 : i32
          %dma_wait3A_1087 = arith.constant 0 : i32
          %dma_wait3A_1088 = tpu.memref_slice %arg8[%dma_wait3A_1085, %dma_wait3A_1086, %dma_wait3A_1087] : memref<10x40x128xf32, #tpu.memory_space<vmem>> -> memref<1x40x128xf32, #tpu.memory_space<vmem>>
          %dma_wait3A_1089 = tpu.memref_squeeze %dma_wait3A_1088 : memref<1x40x128xf32, #tpu.memory_space<vmem>> -> memref<40x128xf32, #tpu.memory_space<vmem>>
          %dma_wait3A_1090 = arith.constant 0 : i32
          %dma_wait3A_1091 = arith.constant 0 : i32
          %dma_wait3A_1092 = tpu.memref_slice %arg5[%mul3A_2, %dma_wait3A_1090, %dma_wait3A_1091] : memref<4096x200x128xf32, #tpu.memory_space<hbm>> -> memref<1x40x128xf32, #tpu.memory_space<hbm>>
          %dma_wait3A_1093 = tpu.memref_squeeze %dma_wait3A_1092 : memref<1x40x128xf32, #tpu.memory_space<hbm>> -> memref<40x128xf32, #tpu.memory_space<hbm>>
          %dma_wait3A_1094 = arith.constant 0 : i32
          %dma_wait3A_1095 = arith.constant 0 : i32
          %dma_wait3A_1096 = tpu.memref_slice %arg5[%mul3A_2, %dma_wait3A_1094, %dma_wait3A_1095] : memref<4096x200x128xf32, #tpu.memory_space<hbm>> -> memref<1x40x128xf32, #tpu.memory_space<hbm>>
          %dma_wait3A_1097 = tpu.memref_squeeze %dma_wait3A_1096 : memref<1x40x128xf32, #tpu.memory_space<hbm>> -> memref<40x128xf32, #tpu.memory_space<hbm>>
          %dma_wait3A_1098 = arith.constant 0 : i32
          %dma_wait3A_1099 = arith.constant 0 : i32
          %dma_wait3A_1100 = tpu.memref_slice %arg8[%dma_wait3A_1085, %dma_wait3A_1098, %dma_wait3A_1099] : memref<10x40x128xf32, #tpu.memory_space<vmem>> -> memref<1x40x128xf32, #tpu.memory_space<vmem>>
          %dma_wait3A_1101 = tpu.memref_squeeze %dma_wait3A_1100 : memref<1x40x128xf32, #tpu.memory_space<vmem>> -> memref<40x128xf32, #tpu.memory_space<vmem>>
          tpu.wait_dma2 semaphore(%arg22 : memref<!tpu.dma_semaphore, #tpu.memory_space<semaphore_mem>>) src(%dma_wait3A_1101 : memref<40x128xf32, #tpu.memory_space<vmem>>) dst(%dma_wait3A_1097 : memref<40x128xf32, #tpu.memory_space<hbm>>)
        } else {
        }
        %add3A_1072 = arith.constant 5 : i32
        %add3A_1073 = arith.addi %add3A_902, %add3A_1072 : i32
        %mul3A_1074 = arith.constant 40 : i32
        %mul3A_1075 = arith.muli %add3A_1073, %mul3A_1074 : i32
        %dma_start3A_1076 = arith.constant 3 : i32
        %dma_start3A_1077 = arith.constant 0 : i32
        %dma_start3A_1078 = arith.constant 0 : i32
        %dma_start3A_1079 = tpu.memref_slice %arg8[%dma_start3A_1076, %dma_start3A_1077, %dma_start3A_1078] : memref<10x40x128xf32, #tpu.memory_space<vmem>> -> memref<1x40x128xf32, #tpu.memory_space<vmem>>
        %dma_start3A_1080 = tpu.memref_squeeze %dma_start3A_1079 : memref<1x40x128xf32, #tpu.memory_space<vmem>> -> memref<40x128xf32, #tpu.memory_space<vmem>>
        %dma_start3A_1081 = tpu.memref_slice %arg7[%mul3A_1075] : memref<25600xi32, #tpu.memory_space<vmem>> -> memref<40xi32, #tpu.memory_space<vmem>>
        %dma_start3A_1082 = arith.constant 0 : i32
        %dma_start3A_1083 = arith.constant 0 : i32
        %dma_start3A_1084 = tpu.memref_slice %arg4[%dma_start3A_1082, %dma_start3A_1083] : memref<100000x128xf32, #tpu.memory_space<hbm>> -> memref<100000x128xf32, #tpu.memory_space<hbm>>
        tpu.enqueue_indirect_dma source(%dma_start3A_1084 : memref<100000x128xf32, #tpu.memory_space<hbm>>) target(%dma_start3A_1080 : memref<40x128xf32, #tpu.memory_space<vmem>>) offsets(%dma_start3A_1081 : memref<40xi32, #tpu.memory_space<vmem>>) semaphore(%arg12 : memref<!tpu.dma_semaphore, #tpu.memory_space<semaphore_mem>>)
      } else {
      }
      %mul3A_967 = arith.constant 40 : i32
      %mul3A_968 = arith.muli %add3A_902, %mul3A_967 : i32
      %dma_wait3A_969 = arith.constant 8 : i32
      %dma_wait3A_970 = arith.constant 0 : i32
      %dma_wait3A_971 = arith.constant 0 : i32
      %dma_wait3A_972 = tpu.memref_slice %arg8[%dma_wait3A_969, %dma_wait3A_970, %dma_wait3A_971] : memref<10x40x128xf32, #tpu.memory_space<vmem>> -> memref<1x40x128xf32, #tpu.memory_space<vmem>>
      %dma_wait3A_973 = tpu.memref_squeeze %dma_wait3A_972 : memref<1x40x128xf32, #tpu.memory_space<vmem>> -> memref<40x128xf32, #tpu.memory_space<vmem>>
      %dma_wait3A_974 = tpu.memref_slice %arg7[%mul3A_968] : memref<25600xi32, #tpu.memory_space<vmem>> -> memref<40xi32, #tpu.memory_space<vmem>>
      %dma_wait3A_975 = arith.constant 0 : i32
      %dma_wait3A_976 = arith.constant 0 : i32
      %dma_wait3A_977 = tpu.memref_slice %arg4[%dma_wait3A_975, %dma_wait3A_976] : memref<100000x128xf32, #tpu.memory_space<hbm>> -> memref<100000x128xf32, #tpu.memory_space<hbm>>
      tpu.wait_indirect_dma semaphore(%arg17 : memref<!tpu.dma_semaphore, #tpu.memory_space<semaphore_mem>>) src(%dma_wait3A_977 : memref<100000x128xf32, #tpu.memory_space<hbm>>) dst(%dma_wait3A_973 : memref<40x128xf32, #tpu.memory_space<vmem>>)
      %scan3A_978 = arith.constant 8 : i32
      %scan3A_979 = arith.constant 0 : i32
      %scan3A_980 = arith.constant 40 : i32
      %scan3A_981 = arith.addi %scan3A_979, %scan3A_980 : i32
      %scan3A_982 = arith.constant 1 : i32
      scf.for %scan3A_1067 = %scan3A_979 to %scan3A_981 step %scan3A_982  : i32 {
        %get3A = arith.constant 0 : i32
        %get3A_1068 = arith.constant 0 : i32
        %get3A_1069 = tpu.memref_slice %arg8[%scan3A_978, %get3A, %get3A_1068] : memref<10x40x128xf32, #tpu.memory_space<vmem>> -> memref<1x40x128xf32, #tpu.memory_space<vmem>>
        %get3A_1070 = tpu.memref_squeeze %get3A_1069 : memref<1x40x128xf32, #tpu.memory_space<vmem>> -> memref<40x128xf32, #tpu.memory_space<vmem>>
        %get3A_1071 = arith.index_cast %scan3A_1067 : i32 to index
        %get3A_1072 = arith.constant 0 : index
        %get3A_1073 = tpu.vector_load %get3A_1070[%get3A_1071, %get3A_1072] {strides = array<i32>} : memref<40x128xf32, #tpu.memory_space<vmem>>, vector<1x16xf32>,
        %get3A_1074 = vector.shape_cast %get3A_1073 : vector<1x16xf32> to vector<16xf32>
        %mul3A_1075 = arith.constant 11.3137083 : f32
        %mul3A_1076 = vector.broadcast %mul3A_1075 : f32 to vector<16xf32>
        %mul3A_1077 = arith.mulf %get3A_1074, %mul3A_1076 : vector<16xf32>
        %add3A_1078 = arith.constant 120 : i32
        %add3A_1079 = arith.addi %add3A_1078, %scan3A_1067 : i32
        %get3A_1080 = arith.index_cast %add3A_1079 : i32 to index
        %get3A_1081 = arith.constant 0 : index
        %get3A_1082 = tpu.vector_load %arg6[%get3A_1080, %get3A_1081] {strides = array<i32>} : memref<200x128xf32, #tpu.memory_space<vmem>>, vector<1x16xf32>,
        %get3A_1083 = vector.shape_cast %get3A_1082 : vector<1x16xf32> to vector<16xf32>
        %add3A_1084 = arith.addf %mul3A_1077, %get3A_1083 : vector<16xf32>
        %swap3A = arith.constant 0 : i32
        %swap3A_1085 = arith.constant 0 : i32
        %swap3A_1086 = tpu.memref_slice %arg8[%scan3A_978, %swap3A, %swap3A_1085] : memref<10x40x128xf32, #tpu.memory_space<vmem>> -> memref<1x40x128xf32, #tpu.memory_space<vmem>>
        %swap3A_1087 = tpu.memref_squeeze %swap3A_1086 : memref<1x40x128xf32, #tpu.memory_space<vmem>> -> memref<40x128xf32, #tpu.memory_space<vmem>>
        %swap3A_1088 = arith.index_cast %scan3A_1067 : i32 to index
        %swap3A_1089 = arith.constant 0 : index
        %swap3A_1090 = tpu.vector_load %swap3A_1087[%swap3A_1088, %swap3A_1089] {strides = array<i32>} : memref<40x128xf32, #tpu.memory_space<vmem>>, vector<1x16xf32>,
        %swap3A_1091 = vector.shape_cast %swap3A_1090 : vector<1x16xf32> to vector<16xf32>
        %swap3A_1092 = vector.shape_cast %add3A_1084 : vector<16xf32> to vector<1x16xf32>
        tpu.vector_store %swap3A_1087[%swap3A_1088, %swap3A_1089], %swap3A_1092 {strides = array<i32>} : memref<40x128xf32, #tpu.memory_space<vmem>>, vector<1x16xf32>,
        %get3A_1093 = arith.constant 0 : i32
        %get3A_1094 = arith.constant 0 : i32
        %get3A_1095 = tpu.memref_slice %arg8[%scan3A_978, %get3A_1093, %get3A_1094] : memref<10x40x128xf32, #tpu.memory_space<vmem>> -> memref<1x40x128xf32, #tpu.memory_space<vmem>>
        %get3A_1096 = tpu.memref_squeeze %get3A_1095 : memref<1x40x128xf32, #tpu.memory_space<vmem>> -> memref<40x128xf32, #tpu.memory_space<vmem>>
        %get3A_1097 = arith.index_cast %scan3A_1067 : i32 to index
        %get3A_1098 = arith.constant 16 : index
        %get3A_1099 = tpu.vector_load %get3A_1096[%get3A_1097, %get3A_1098] {strides = array<i32>} : memref<40x128xf32, #tpu.memory_space<vmem>>, vector<1x16xf32>,
        %get3A_1100 = vector.shape_cast %get3A_1099 : vector<1x16xf32> to vector<16xf32>
        %mul3A_1101 = arith.constant 11.3137083 : f32
        %mul3A_1102 = vector.broadcast %mul3A_1101 : f32 to vector<16xf32>
        %mul3A_1103 = arith.mulf %get3A_1100, %mul3A_1102 : vector<16xf32>
        %add3A_1104 = arith.constant 120 : i32
        %add3A_1105 = arith.addi %add3A_1104, %scan3A_1067 : i32
        %get3A_1106 = arith.index_cast %add3A_1105 : i32 to index
        %get3A_1107 = arith.constant 16 : index
        %get3A_1108 = tpu.vector_load %arg6[%get3A_1106, %get3A_1107] {strides = array<i32>} : memref<200x128xf32, #tpu.memory_space<vmem>>, vector<1x16xf32>,
        %get3A_1109 = vector.shape_cast %get3A_1108 : vector<1x16xf32> to vector<16xf32>
        %add3A_1110 = arith.addf %mul3A_1103, %get3A_1109 : vector<16xf32>
        %swap3A_1111 = arith.constant 0 : i32
        %swap3A_1112 = arith.constant 0 : i32
        %swap3A_1113 = tpu.memref_slice %arg8[%scan3A_978, %swap3A_1111, %swap3A_1112] : memref<10x40x128xf32, #tpu.memory_space<vmem>> -> memref<1x40x128xf32, #tpu.memory_space<vmem>>
        %swap3A_1114 = tpu.memref_squeeze %swap3A_1113 : memref<1x40x128xf32, #tpu.memory_space<vmem>> -> memref<40x128xf32, #tpu.memory_space<vmem>>
        %swap3A_1115 = arith.index_cast %scan3A_1067 : i32 to index
        %swap3A_1116 = arith.constant 16 : index
        %swap3A_1117 = tpu.vector_load %swap3A_1114[%swap3A_1115, %swap3A_1116] {strides = array<i32>} : memref<40x128xf32, #tpu.memory_space<vmem>>, vector<1x16xf32>,
        %swap3A_1118 = vector.shape_cast %swap3A_1117 : vector<1x16xf32> to vector<16xf32>
        %swap3A_1119 = vector.shape_cast %add3A_1110 : vector<16xf32> to vector<1x16xf32>
        tpu.vector_store %swap3A_1114[%swap3A_1115, %swap3A_1116], %swap3A_1119 {strides = array<i32>} : memref<40x128xf32, #tpu.memory_space<vmem>>, vector<1x16xf32>,
        %get3A_1120 = arith.constant 0 : i32
        %get3A_1121 = arith.constant 0 : i32
        %get3A_1122 = tpu.memref_slice %arg8[%scan3A_978, %get3A_1120, %get3A_1121] : memref<10x40x128xf32, #tpu.memory_space<vmem>> -> memref<1x40x128xf32, #tpu.memory_space<vmem>>
        %get3A_1123 = tpu.memref_squeeze %get3A_1122 : memref<1x40x128xf32, #tpu.memory_space<vmem>> -> memref<40x128xf32, #tpu.memory_space<vmem>>
        %get3A_1124 = arith.index_cast %scan3A_1067 : i32 to index
        %get3A_1125 = arith.constant 32 : index
        %get3A_1126 = tpu.vector_load %get3A_1123[%get3A_1124, %get3A_1125] {strides = array<i32>} : memref<40x128xf32, #tpu.memory_space<vmem>>, vector<1x16xf32>,
        %get3A_1127 = vector.shape_cast %get3A_1126 : vector<1x16xf32> to vector<16xf32>
        %mul3A_1128 = arith.constant 11.3137083 : f32
        %mul3A_1129 = vector.broadcast %mul3A_1128 : f32 to vector<16xf32>
        %mul3A_1130 = arith.mulf %get3A_1127, %mul3A_1129 : vector<16xf32>
        %add3A_1131 = arith.constant 120 : i32
        %add3A_1132 = arith.addi %add3A_1131, %scan3A_1067 : i32
        %get3A_1133 = arith.index_cast %add3A_1132 : i32 to index
        %get3A_1134 = arith.constant 32 : index
        %get3A_1135 = tpu.vector_load %arg6[%get3A_1133, %get3A_1134] {strides = array<i32>} : memref<200x128xf32, #tpu.memory_space<vmem>>, vector<1x16xf32>,
        %get3A_1136 = vector.shape_cast %get3A_1135 : vector<1x16xf32> to vector<16xf32>
        %add3A_1137 = arith.addf %mul3A_1130, %get3A_1136 : vector<16xf32>
        %swap3A_1138 = arith.constant 0 : i32
        %swap3A_1139 = arith.constant 0 : i32
        %swap3A_1140 = tpu.memref_slice %arg8[%scan3A_978, %swap3A_1138, %swap3A_1139] : memref<10x40x128xf32, #tpu.memory_space<vmem>> -> memref<1x40x128xf32, #tpu.memory_space<vmem>>
        %swap3A_1141 = tpu.memref_squeeze %swap3A_1140 : memref<1x40x128xf32, #tpu.memory_space<vmem>> -> memref<40x128xf32, #tpu.memory_space<vmem>>
        %swap3A_1142 = arith.index_cast %scan3A_1067 : i32 to index
        %swap3A_1143 = arith.constant 32 : index
        %swap3A_1144 = tpu.vector_load %swap3A_1141[%swap3A_1142, %swap3A_1143] {strides = array<i32>} : memref<40x128xf32, #tpu.memory_space<vmem>>, vector<1x16xf32>,
        %swap3A_1145 = vector.shape_cast %swap3A_1144 : vector<1x16xf32> to vector<16xf32>
        %swap3A_1146 = vector.shape_cast %add3A_1137 : vector<16xf32> to vector<1x16xf32>
        tpu.vector_store %swap3A_1141[%swap3A_1142, %swap3A_1143], %swap3A_1146 {strides = array<i32>} : memref<40x128xf32, #tpu.memory_space<vmem>>, vector<1x16xf32>,
        %get3A_1147 = arith.constant 0 : i32
        %get3A_1148 = arith.constant 0 : i32
        %get3A_1149 = tpu.memref_slice %arg8[%scan3A_978, %get3A_1147, %get3A_1148] : memref<10x40x128xf32, #tpu.memory_space<vmem>> -> memref<1x40x128xf32, #tpu.memory_space<vmem>>
        %get3A_1150 = tpu.memref_squeeze %get3A_1149 : memref<1x40x128xf32, #tpu.memory_space<vmem>> -> memref<40x128xf32, #tpu.memory_space<vmem>>
        %get3A_1151 = arith.index_cast %scan3A_1067 : i32 to index
        %get3A_1152 = arith.constant 48 : index
        %get3A_1153 = tpu.vector_load %get3A_1150[%get3A_1151, %get3A_1152] {strides = array<i32>} : memref<40x128xf32, #tpu.memory_space<vmem>>, vector<1x16xf32>,
        %get3A_1154 = vector.shape_cast %get3A_1153 : vector<1x16xf32> to vector<16xf32>
        %mul3A_1155 = arith.constant 11.3137083 : f32
        %mul3A_1156 = vector.broadcast %mul3A_1155 : f32 to vector<16xf32>
        %mul3A_1157 = arith.mulf %get3A_1154, %mul3A_1156 : vector<16xf32>
        %add3A_1158 = arith.constant 120 : i32
        %add3A_1159 = arith.addi %add3A_1158, %scan3A_1067 : i32
        %get3A_1160 = arith.index_cast %add3A_1159 : i32 to index
        %get3A_1161 = arith.constant 48 : index
        %get3A_1162 = tpu.vector_load %arg6[%get3A_1160, %get3A_1161] {strides = array<i32>} : memref<200x128xf32, #tpu.memory_space<vmem>>, vector<1x16xf32>,
        %get3A_1163 = vector.shape_cast %get3A_1162 : vector<1x16xf32> to vector<16xf32>
        %add3A_1164 = arith.addf %mul3A_1157, %get3A_1163 : vector<16xf32>
        %swap3A_1165 = arith.constant 0 : i32
        %swap3A_1166 = arith.constant 0 : i32
        %swap3A_1167 = tpu.memref_slice %arg8[%scan3A_978, %swap3A_1165, %swap3A_1166] : memref<10x40x128xf32, #tpu.memory_space<vmem>> -> memref<1x40x128xf32, #tpu.memory_space<vmem>>
        %swap3A_1168 = tpu.memref_squeeze %swap3A_1167 : memref<1x40x128xf32, #tpu.memory_space<vmem>> -> memref<40x128xf32, #tpu.memory_space<vmem>>
        %swap3A_1169 = arith.index_cast %scan3A_1067 : i32 to index
        %swap3A_1170 = arith.constant 48 : index
        %swap3A_1171 = tpu.vector_load %swap3A_1168[%swap3A_1169, %swap3A_1170] {strides = array<i32>} : memref<40x128xf32, #tpu.memory_space<vmem>>, vector<1x16xf32>,
        %swap3A_1172 = vector.shape_cast %swap3A_1171 : vector<1x16xf32> to vector<16xf32>
        %swap3A_1173 = vector.shape_cast %add3A_1164 : vector<16xf32> to vector<1x16xf32>
        tpu.vector_store %swap3A_1168[%swap3A_1169, %swap3A_1170], %swap3A_1173 {strides = array<i32>} : memref<40x128xf32, #tpu.memory_space<vmem>>, vector<1x16xf32>,
        %get3A_1174 = arith.constant 0 : i32
        %get3A_1175 = arith.constant 0 : i32
        %get3A_1176 = tpu.memref_slice %arg8[%scan3A_978, %get3A_1174, %get3A_1175] : memref<10x40x128xf32, #tpu.memory_space<vmem>> -> memref<1x40x128xf32, #tpu.memory_space<vmem>>
        %get3A_1177 = tpu.memref_squeeze %get3A_1176 : memref<1x40x128xf32, #tpu.memory_space<vmem>> -> memref<40x128xf32, #tpu.memory_space<vmem>>
        %get3A_1178 = arith.index_cast %scan3A_1067 : i32 to index
        %get3A_1179 = arith.constant 64 : index
        %get3A_1180 = tpu.vector_load %get3A_1177[%get3A_1178, %get3A_1179] {strides = array<i32>} : memref<40x128xf32, #tpu.memory_space<vmem>>, vector<1x16xf32>,
        %get3A_1181 = vector.shape_cast %get3A_1180 : vector<1x16xf32> to vector<16xf32>
        %mul3A_1182 = arith.constant 11.3137083 : f32
        %mul3A_1183 = vector.broadcast %mul3A_1182 : f32 to vector<16xf32>
        %mul3A_1184 = arith.mulf %get3A_1181, %mul3A_1183 : vector<16xf32>
        %add3A_1185 = arith.constant 120 : i32
        %add3A_1186 = arith.addi %add3A_1185, %scan3A_1067 : i32
        %get3A_1187 = arith.index_cast %add3A_1186 : i32 to index
        %get3A_1188 = arith.constant 64 : index
        %get3A_1189 = tpu.vector_load %arg6[%get3A_1187, %get3A_1188] {strides = array<i32>} : memref<200x128xf32, #tpu.memory_space<vmem>>, vector<1x16xf32>,
        %get3A_1190 = vector.shape_cast %get3A_1189 : vector<1x16xf32> to vector<16xf32>
        %add3A_1191 = arith.addf %mul3A_1184, %get3A_1190 : vector<16xf32>
        %swap3A_1192 = arith.constant 0 : i32
        %swap3A_1193 = arith.constant 0 : i32
        %swap3A_1194 = tpu.memref_slice %arg8[%scan3A_978, %swap3A_1192, %swap3A_1193] : memref<10x40x128xf32, #tpu.memory_space<vmem>> -> memref<1x40x128xf32, #tpu.memory_space<vmem>>
        %swap3A_1195 = tpu.memref_squeeze %swap3A_1194 : memref<1x40x128xf32, #tpu.memory_space<vmem>> -> memref<40x128xf32, #tpu.memory_space<vmem>>
        %swap3A_1196 = arith.index_cast %scan3A_1067 : i32 to index
        %swap3A_1197 = arith.constant 64 : index
        %swap3A_1198 = tpu.vector_load %swap3A_1195[%swap3A_1196, %swap3A_1197] {strides = array<i32>} : memref<40x128xf32, #tpu.memory_space<vmem>>, vector<1x16xf32>,
        %swap3A_1199 = vector.shape_cast %swap3A_1198 : vector<1x16xf32> to vector<16xf32>
        %swap3A_1200 = vector.shape_cast %add3A_1191 : vector<16xf32> to vector<1x16xf32>
        tpu.vector_store %swap3A_1195[%swap3A_1196, %swap3A_1197], %swap3A_1200 {strides = array<i32>} : memref<40x128xf32, #tpu.memory_space<vmem>>, vector<1x16xf32>,
        %get3A_1201 = arith.constant 0 : i32
        %get3A_1202 = arith.constant 0 : i32
        %get3A_1203 = tpu.memref_slice %arg8[%scan3A_978, %get3A_1201, %get3A_1202] : memref<10x40x128xf32, #tpu.memory_space<vmem>> -> memref<1x40x128xf32, #tpu.memory_space<vmem>>
        %get3A_1204 = tpu.memref_squeeze %get3A_1203 : memref<1x40x128xf32, #tpu.memory_space<vmem>> -> memref<40x128xf32, #tpu.memory_space<vmem>>
        %get3A_1205 = arith.index_cast %scan3A_1067 : i32 to index
        %get3A_1206 = arith.constant 80 : index
        %get3A_1207 = tpu.vector_load %get3A_1204[%get3A_1205, %get3A_1206] {strides = array<i32>} : memref<40x128xf32, #tpu.memory_space<vmem>>, vector<1x16xf32>,
        %get3A_1208 = vector.shape_cast %get3A_1207 : vector<1x16xf32> to vector<16xf32>
        %mul3A_1209 = arith.constant 11.3137083 : f32
        %mul3A_1210 = vector.broadcast %mul3A_1209 : f32 to vector<16xf32>
        %mul3A_1211 = arith.mulf %get3A_1208, %mul3A_1210 : vector<16xf32>
        %add3A_1212 = arith.constant 120 : i32
        %add3A_1213 = arith.addi %add3A_1212, %scan3A_1067 : i32
        %get3A_1214 = arith.index_cast %add3A_1213 : i32 to index
        %get3A_1215 = arith.constant 80 : index
        %get3A_1216 = tpu.vector_load %arg6[%get3A_1214, %get3A_1215] {strides = array<i32>} : memref<200x128xf32, #tpu.memory_space<vmem>>, vector<1x16xf32>,
        %get3A_1217 = vector.shape_cast %get3A_1216 : vector<1x16xf32> to vector<16xf32>
        %add3A_1218 = arith.addf %mul3A_1211, %get3A_1217 : vector<16xf32>
        %swap3A_1219 = arith.constant 0 : i32
        %swap3A_1220 = arith.constant 0 : i32
        %swap3A_1221 = tpu.memref_slice %arg8[%scan3A_978, %swap3A_1219, %swap3A_1220] : memref<10x40x128xf32, #tpu.memory_space<vmem>> -> memref<1x40x128xf32, #tpu.memory_space<vmem>>
        %swap3A_1222 = tpu.memref_squeeze %swap3A_1221 : memref<1x40x128xf32, #tpu.memory_space<vmem>> -> memref<40x128xf32, #tpu.memory_space<vmem>>
        %swap3A_1223 = arith.index_cast %scan3A_1067 : i32 to index
        %swap3A_1224 = arith.constant 80 : index
        %swap3A_1225 = tpu.vector_load %swap3A_1222[%swap3A_1223, %swap3A_1224] {strides = array<i32>} : memref<40x128xf32, #tpu.memory_space<vmem>>, vector<1x16xf32>,
        %swap3A_1226 = vector.shape_cast %swap3A_1225 : vector<1x16xf32> to vector<16xf32>
        %swap3A_1227 = vector.shape_cast %add3A_1218 : vector<16xf32> to vector<1x16xf32>
        tpu.vector_store %swap3A_1222[%swap3A_1223, %swap3A_1224], %swap3A_1227 {strides = array<i32>} : memref<40x128xf32, #tpu.memory_space<vmem>>, vector<1x16xf32>,
        %get3A_1228 = arith.constant 0 : i32
        %get3A_1229 = arith.constant 0 : i32
        %get3A_1230 = tpu.memref_slice %arg8[%scan3A_978, %get3A_1228, %get3A_1229] : memref<10x40x128xf32, #tpu.memory_space<vmem>> -> memref<1x40x128xf32, #tpu.memory_space<vmem>>
        %get3A_1231 = tpu.memref_squeeze %get3A_1230 : memref<1x40x128xf32, #tpu.memory_space<vmem>> -> memref<40x128xf32, #tpu.memory_space<vmem>>
        %get3A_1232 = arith.index_cast %scan3A_1067 : i32 to index
        %get3A_1233 = arith.constant 96 : index
        %get3A_1234 = tpu.vector_load %get3A_1231[%get3A_1232, %get3A_1233] {strides = array<i32>} : memref<40x128xf32, #tpu.memory_space<vmem>>, vector<1x16xf32>,
        %get3A_1235 = vector.shape_cast %get3A_1234 : vector<1x16xf32> to vector<16xf32>
        %mul3A_1236 = arith.constant 11.3137083 : f32
        %mul3A_1237 = vector.broadcast %mul3A_1236 : f32 to vector<16xf32>
        %mul3A_1238 = arith.mulf %get3A_1235, %mul3A_1237 : vector<16xf32>
        %add3A_1239 = arith.constant 120 : i32
        %add3A_1240 = arith.addi %add3A_1239, %scan3A_1067 : i32
        %get3A_1241 = arith.index_cast %add3A_1240 : i32 to index
        %get3A_1242 = arith.constant 96 : index
        %get3A_1243 = tpu.vector_load %arg6[%get3A_1241, %get3A_1242] {strides = array<i32>} : memref<200x128xf32, #tpu.memory_space<vmem>>, vector<1x16xf32>,
        %get3A_1244 = vector.shape_cast %get3A_1243 : vector<1x16xf32> to vector<16xf32>
        %add3A_1245 = arith.addf %mul3A_1238, %get3A_1244 : vector<16xf32>
        %swap3A_1246 = arith.constant 0 : i32
        %swap3A_1247 = arith.constant 0 : i32
        %swap3A_1248 = tpu.memref_slice %arg8[%scan3A_978, %swap3A_1246, %swap3A_1247] : memref<10x40x128xf32, #tpu.memory_space<vmem>> -> memref<1x40x128xf32, #tpu.memory_space<vmem>>
        %swap3A_1249 = tpu.memref_squeeze %swap3A_1248 : memref<1x40x128xf32, #tpu.memory_space<vmem>> -> memref<40x128xf32, #tpu.memory_space<vmem>>
        %swap3A_1250 = arith.index_cast %scan3A_1067 : i32 to index
        %swap3A_1251 = arith.constant 96 : index
        %swap3A_1252 = tpu.vector_load %swap3A_1249[%swap3A_1250, %swap3A_1251] {strides = array<i32>} : memref<40x128xf32, #tpu.memory_space<vmem>>, vector<1x16xf32>,
        %swap3A_1253 = vector.shape_cast %swap3A_1252 : vector<1x16xf32> to vector<16xf32>
        %swap3A_1254 = vector.shape_cast %add3A_1245 : vector<16xf32> to vector<1x16xf32>
        tpu.vector_store %swap3A_1249[%swap3A_1250, %swap3A_1251], %swap3A_1254 {strides = array<i32>} : memref<40x128xf32, #tpu.memory_space<vmem>>, vector<1x16xf32>,
        %get3A_1255 = arith.constant 0 : i32
        %get3A_1256 = arith.constant 0 : i32
        %get3A_1257 = tpu.memref_slice %arg8[%scan3A_978, %get3A_1255, %get3A_1256] : memref<10x40x128xf32, #tpu.memory_space<vmem>> -> memref<1x40x128xf32, #tpu.memory_space<vmem>>
        %get3A_1258 = tpu.memref_squeeze %get3A_1257 : memref<1x40x128xf32, #tpu.memory_space<vmem>> -> memref<40x128xf32, #tpu.memory_space<vmem>>
        %get3A_1259 = arith.index_cast %scan3A_1067 : i32 to index
        %get3A_1260 = arith.constant 112 : index
        %get3A_1261 = tpu.vector_load %get3A_1258[%get3A_1259, %get3A_1260] {strides = array<i32>} : memref<40x128xf32, #tpu.memory_space<vmem>>, vector<1x16xf32>,
        %get3A_1262 = vector.shape_cast %get3A_1261 : vector<1x16xf32> to vector<16xf32>
        %mul3A_1263 = arith.constant 11.3137083 : f32
        %mul3A_1264 = vector.broadcast %mul3A_1263 : f32 to vector<16xf32>
        %mul3A_1265 = arith.mulf %get3A_1262, %mul3A_1264 : vector<16xf32>
        %add3A_1266 = arith.constant 120 : i32
        %add3A_1267 = arith.addi %add3A_1266, %scan3A_1067 : i32
        %get3A_1268 = arith.index_cast %add3A_1267 : i32 to index
        %get3A_1269 = arith.constant 112 : index
        %get3A_1270 = tpu.vector_load %arg6[%get3A_1268, %get3A_1269] {strides = array<i32>} : memref<200x128xf32, #tpu.memory_space<vmem>>, vector<1x16xf32>,
        %get3A_1271 = vector.shape_cast %get3A_1270 : vector<1x16xf32> to vector<16xf32>
        %add3A_1272 = arith.addf %mul3A_1265, %get3A_1271 : vector<16xf32>
        %swap3A_1273 = arith.constant 0 : i32
        %swap3A_1274 = arith.constant 0 : i32
        %swap3A_1275 = tpu.memref_slice %arg8[%scan3A_978, %swap3A_1273, %swap3A_1274] : memref<10x40x128xf32, #tpu.memory_space<vmem>> -> memref<1x40x128xf32, #tpu.memory_space<vmem>>
        %swap3A_1276 = tpu.memref_squeeze %swap3A_1275 : memref<1x40x128xf32, #tpu.memory_space<vmem>> -> memref<40x128xf32, #tpu.memory_space<vmem>>
        %swap3A_1277 = arith.index_cast %scan3A_1067 : i32 to index
        %swap3A_1278 = arith.constant 112 : index
        %swap3A_1279 = tpu.vector_load %swap3A_1276[%swap3A_1277, %swap3A_1278] {strides = array<i32>} : memref<40x128xf32, #tpu.memory_space<vmem>>, vector<1x16xf32>,
        %swap3A_1280 = vector.shape_cast %swap3A_1279 : vector<1x16xf32> to vector<16xf32>
        %swap3A_1281 = vector.shape_cast %add3A_1272 : vector<16xf32> to vector<1x16xf32>
        tpu.vector_store %swap3A_1276[%swap3A_1277, %swap3A_1278], %swap3A_1281 {strides = array<i32>} : memref<40x128xf32, #tpu.memory_space<vmem>>, vector<1x16xf32>,
      }
      %scan3A_983 = arith.constant 40 : i32
      %add3A_984 = arith.constant 9 : i32
      %add3A_985 = arith.addi %mul3A_248, %add3A_984 : i32
      %jit3A_986 = arith.constant 5 : i32
      %div3A_987 = arith.divsi %mul3A_248, %jit3A_986 : i32
      %sign3A_988 = arith.constant 0 : i32
      %sign3A_989 = arith.cmpi sgt, %mul3A_248, %sign3A_988 : i32
      %sign3A_990 = arith.extui %sign3A_989 : i1 to i32
      %sign3A_991 = arith.constant 0 : i32
      %sign3A_992 = arith.cmpi slt, %mul3A_248, %sign3A_991 : i32
      %sign3A_993 = arith.extui %sign3A_992 : i1 to i32
      %sign3A_994 = arith.subi %sign3A_990, %sign3A_993 : i32
      %sign3A_995 = arith.constant 0 : i32
      %sign3A_996 = arith.cmpi sgt, %jit3A_986, %sign3A_995 : i32
      %sign3A_997 = arith.extui %sign3A_996 : i1 to i32
      %sign3A_998 = arith.constant 0 : i32
      %sign3A_999 = arith.cmpi slt, %jit3A_986, %sign3A_998 : i32
      %sign3A_1000 = arith.extui %sign3A_999 : i1 to i32
      %sign3A_1001 = arith.subi %sign3A_997, %sign3A_1000 : i32
      %ne3A_1002 = arith.cmpi ne, %sign3A_994, %sign3A_1001 : i32
      %rem3A_1003 = arith.remsi %mul3A_248, %jit3A_986 : i32
      %ne3A_1004 = arith.constant 0 : i32
      %ne3A_1005 = arith.cmpi ne, %rem3A_1003, %ne3A_1004 : i32
      %and3A_1006 = arith.andi %ne3A_1002, %ne3A_1005 : i1
      %sub3A_1007 = arith.constant 1 : i32
      %sub3A_1008 = arith.subi %div3A_987, %sub3A_1007 : i32
      %select_n3A_1009 = arith.select %and3A_1006, %sub3A_1008, %div3A_987 : i32
      %add3A_1010 = arith.constant 1 : i32
      %add3A_1011 = arith.addi %select_n3A_1009, %add3A_1010 : i32
      %jit3A_1012 = arith.constant 5 : i32
      %div3A_1013 = arith.divsi %mul3A_248, %jit3A_1012 : i32
      %sign3A_1014 = arith.constant 0 : i32
      %sign3A_1015 = arith.cmpi sgt, %mul3A_248, %sign3A_1014 : i32
      %sign3A_1016 = arith.extui %sign3A_1015 : i1 to i32
      %sign3A_1017 = arith.constant 0 : i32
      %sign3A_1018 = arith.cmpi slt, %mul3A_248, %sign3A_1017 : i32
      %sign3A_1019 = arith.extui %sign3A_1018 : i1 to i32
      %sign3A_1020 = arith.subi %sign3A_1016, %sign3A_1019 : i32
      %sign3A_1021 = arith.constant 0 : i32
      %sign3A_1022 = arith.cmpi sgt, %jit3A_1012, %sign3A_1021 : i32
      %sign3A_1023 = arith.extui %sign3A_1022 : i1 to i32
      %sign3A_1024 = arith.constant 0 : i32
      %sign3A_1025 = arith.cmpi slt, %jit3A_1012, %sign3A_1024 : i32
      %sign3A_1026 = arith.extui %sign3A_1025 : i1 to i32
      %sign3A_1027 = arith.subi %sign3A_1023, %sign3A_1026 : i32
      %ne3A_1028 = arith.cmpi ne, %sign3A_1020, %sign3A_1027 : i32
      %rem3A_1029 = arith.remsi %mul3A_248, %jit3A_1012 : i32
      %ne3A_1030 = arith.constant 0 : i32
      %ne3A_1031 = arith.cmpi ne, %rem3A_1029, %ne3A_1030 : i32
      %and3A_1032 = arith.andi %ne3A_1028, %ne3A_1031 : i1
      %sub3A_1033 = arith.constant 1 : i32
      %sub3A_1034 = arith.subi %div3A_1013, %sub3A_1033 : i32
      %select_n3A_1035 = arith.select %and3A_1032, %sub3A_1034, %div3A_1013 : i32
      %add3A_1036 = arith.constant 1 : i32
      %add3A_1037 = arith.addi %select_n3A_1035, %add3A_1036 : i32
      %ge3A_1038 = arith.constant 1 : i32
      %ge3A_1039 = arith.cmpi sge, %add3A_985, %ge3A_1038 : i32
      %convert_element_type3A_1040 = arith.extui %ge3A_1039 : i1 to i32
      %cond3A_1041 = arith.constant 0 : i32
      %cond3A_1042 = arith.cmpi ne, %convert_element_type3A_1040, %cond3A_1041 : i32
      scf.if %cond3A_1042 {
        %add3A_1067 = arith.addi %mul3A_2, %add3A_1037 : i32
        %dma_start3A_1068 = arith.constant 8 : i32
        %dma_start3A_1069 = arith.constant 0 : i32
        %dma_start3A_1070 = arith.constant 0 : i32
        %dma_start3A_1071 = tpu.memref_slice %arg8[%dma_start3A_1068, %dma_start3A_1069, %dma_start3A_1070] : memref<10x40x128xf32, #tpu.memory_space<vmem>> -> memref<1x40x128xf32, #tpu.memory_space<vmem>>
        %dma_start3A_1072 = tpu.memref_squeeze %dma_start3A_1071 : memref<1x40x128xf32, #tpu.memory_space<vmem>> -> memref<40x128xf32, #tpu.memory_space<vmem>>
        %dma_start3A_1073 = arith.constant 120 : i32
        %dma_start3A_1074 = arith.constant 0 : i32
        %dma_start3A_1075 = tpu.memref_slice %arg5[%add3A_1067, %dma_start3A_1073, %dma_start3A_1074] : memref<4096x200x128xf32, #tpu.memory_space<hbm>> -> memref<1x40x128xf32, #tpu.memory_space<hbm>>
        %dma_start3A_1076 = tpu.memref_squeeze %dma_start3A_1075 : memref<1x40x128xf32, #tpu.memory_space<hbm>> -> memref<40x128xf32, #tpu.memory_space<hbm>>
        %dma_start3A_1077 = arith.constant 120 : i32
        %dma_start3A_1078 = arith.constant 0 : i32
        %dma_start3A_1079 = tpu.memref_slice %arg5[%add3A_1067, %dma_start3A_1077, %dma_start3A_1078] : memref<4096x200x128xf32, #tpu.memory_space<hbm>> -> memref<1x40x128xf32, #tpu.memory_space<hbm>>
        %dma_start3A_1080 = tpu.memref_squeeze %dma_start3A_1079 : memref<1x40x128xf32, #tpu.memory_space<hbm>> -> memref<40x128xf32, #tpu.memory_space<hbm>>
        %dma_start3A_1081 = arith.constant 0 : i32
        %dma_start3A_1082 = arith.constant 0 : i32
        %dma_start3A_1083 = tpu.memref_slice %arg8[%dma_start3A_1068, %dma_start3A_1081, %dma_start3A_1082] : memref<10x40x128xf32, #tpu.memory_space<vmem>> -> memref<1x40x128xf32, #tpu.memory_space<vmem>>
        %dma_start3A_1084 = tpu.memref_squeeze %dma_start3A_1083 : memref<1x40x128xf32, #tpu.memory_space<vmem>> -> memref<40x128xf32, #tpu.memory_space<vmem>>
        tpu.enqueue_dma source(%dma_start3A_1084 : memref<40x128xf32, #tpu.memory_space<vmem>>) target(%dma_start3A_1080 : memref<40x128xf32, #tpu.memory_space<hbm>>) target_semaphore(%arg27 : memref<!tpu.dma_semaphore, #tpu.memory_space<semaphore_mem>>)
      } else {
      }
      %add3A_1043 = arith.constant 5 : i32
      %add3A_1044 = arith.addi %add3A_985, %add3A_1043 : i32
      %lt3A_1045 = arith.constant 640 : i32
      %lt3A_1046 = arith.cmpi slt, %add3A_1044, %lt3A_1045 : i32
      %convert_element_type3A_1047 = arith.extui %lt3A_1046 : i1 to i32
      %cond3A_1048 = arith.constant 0 : i32
      %cond3A_1049 = arith.cmpi ne, %convert_element_type3A_1047, %cond3A_1048 : i32
      scf.if %cond3A_1049 {
        %ge3A_1067 = arith.constant 5 : i32
        %ge3A_1068 = arith.cmpi sge, %add3A_985, %ge3A_1067 : i32
        %convert_element_type3A_1069 = arith.extui %ge3A_1068 : i1 to i32
        %cond3A_1070 = arith.constant 0 : i32
        %cond3A_1071 = arith.cmpi ne, %convert_element_type3A_1069, %cond3A_1070 : i32
        scf.if %cond3A_1071 {
          %dma_wait3A_1085 = arith.constant 4 : i32
          %dma_wait3A_1086 = arith.constant 0 : i32
          %dma_wait3A_1087 = arith.constant 0 : i32
          %dma_wait3A_1088 = tpu.memref_slice %arg8[%dma_wait3A_1085, %dma_wait3A_1086, %dma_wait3A_1087] : memref<10x40x128xf32, #tpu.memory_space<vmem>> -> memref<1x40x128xf32, #tpu.memory_space<vmem>>
          %dma_wait3A_1089 = tpu.memref_squeeze %dma_wait3A_1088 : memref<1x40x128xf32, #tpu.memory_space<vmem>> -> memref<40x128xf32, #tpu.memory_space<vmem>>
          %dma_wait3A_1090 = arith.constant 0 : i32
          %dma_wait3A_1091 = arith.constant 0 : i32
          %dma_wait3A_1092 = tpu.memref_slice %arg5[%mul3A_2, %dma_wait3A_1090, %dma_wait3A_1091] : memref<4096x200x128xf32, #tpu.memory_space<hbm>> -> memref<1x40x128xf32, #tpu.memory_space<hbm>>
          %dma_wait3A_1093 = tpu.memref_squeeze %dma_wait3A_1092 : memref<1x40x128xf32, #tpu.memory_space<hbm>> -> memref<40x128xf32, #tpu.memory_space<hbm>>
          %dma_wait3A_1094 = arith.constant 0 : i32
          %dma_wait3A_1095 = arith.constant 0 : i32
          %dma_wait3A_1096 = tpu.memref_slice %arg5[%mul3A_2, %dma_wait3A_1094, %dma_wait3A_1095] : memref<4096x200x128xf32, #tpu.memory_space<hbm>> -> memref<1x40x128xf32, #tpu.memory_space<hbm>>
          %dma_wait3A_1097 = tpu.memref_squeeze %dma_wait3A_1096 : memref<1x40x128xf32, #tpu.memory_space<hbm>> -> memref<40x128xf32, #tpu.memory_space<hbm>>
          %dma_wait3A_1098 = arith.constant 0 : i32
          %dma_wait3A_1099 = arith.constant 0 : i32
          %dma_wait3A_1100 = tpu.memref_slice %arg8[%dma_wait3A_1085, %dma_wait3A_1098, %dma_wait3A_1099] : memref<10x40x128xf32, #tpu.memory_space<vmem>> -> memref<1x40x128xf32, #tpu.memory_space<vmem>>
          %dma_wait3A_1101 = tpu.memref_squeeze %dma_wait3A_1100 : memref<1x40x128xf32, #tpu.memory_space<vmem>> -> memref<40x128xf32, #tpu.memory_space<vmem>>
          tpu.wait_dma2 semaphore(%arg23 : memref<!tpu.dma_semaphore, #tpu.memory_space<semaphore_mem>>) src(%dma_wait3A_1101 : memref<40x128xf32, #tpu.memory_space<vmem>>) dst(%dma_wait3A_1097 : memref<40x128xf32, #tpu.memory_space<hbm>>)
        } else {
        }
        %add3A_1072 = arith.constant 5 : i32
        %add3A_1073 = arith.addi %add3A_985, %add3A_1072 : i32
        %mul3A_1074 = arith.constant 40 : i32
        %mul3A_1075 = arith.muli %add3A_1073, %mul3A_1074 : i32
        %dma_start3A_1076 = arith.constant 4 : i32
        %dma_start3A_1077 = arith.constant 0 : i32
        %dma_start3A_1078 = arith.constant 0 : i32
        %dma_start3A_1079 = tpu.memref_slice %arg8[%dma_start3A_1076, %dma_start3A_1077, %dma_start3A_1078] : memref<10x40x128xf32, #tpu.memory_space<vmem>> -> memref<1x40x128xf32, #tpu.memory_space<vmem>>
        %dma_start3A_1080 = tpu.memref_squeeze %dma_start3A_1079 : memref<1x40x128xf32, #tpu.memory_space<vmem>> -> memref<40x128xf32, #tpu.memory_space<vmem>>
        %dma_start3A_1081 = tpu.memref_slice %arg7[%mul3A_1075] : memref<25600xi32, #tpu.memory_space<vmem>> -> memref<40xi32, #tpu.memory_space<vmem>>
        %dma_start3A_1082 = arith.constant 0 : i32
        %dma_start3A_1083 = arith.constant 0 : i32
        %dma_start3A_1084 = tpu.memref_slice %arg4[%dma_start3A_1082, %dma_start3A_1083] : memref<100000x128xf32, #tpu.memory_space<hbm>> -> memref<100000x128xf32, #tpu.memory_space<hbm>>
        tpu.enqueue_indirect_dma source(%dma_start3A_1084 : memref<100000x128xf32, #tpu.memory_space<hbm>>) target(%dma_start3A_1080 : memref<40x128xf32, #tpu.memory_space<vmem>>) offsets(%dma_start3A_1081 : memref<40xi32, #tpu.memory_space<vmem>>) semaphore(%arg13 : memref<!tpu.dma_semaphore, #tpu.memory_space<semaphore_mem>>)
      } else {
      }
      %mul3A_1050 = arith.constant 40 : i32
      %mul3A_1051 = arith.muli %add3A_985, %mul3A_1050 : i32
      %dma_wait3A_1052 = arith.constant 9 : i32
      %dma_wait3A_1053 = arith.constant 0 : i32
      %dma_wait3A_1054 = arith.constant 0 : i32
      %dma_wait3A_1055 = tpu.memref_slice %arg8[%dma_wait3A_1052, %dma_wait3A_1053, %dma_wait3A_1054] : memref<10x40x128xf32, #tpu.memory_space<vmem>> -> memref<1x40x128xf32, #tpu.memory_space<vmem>>
      %dma_wait3A_1056 = tpu.memref_squeeze %dma_wait3A_1055 : memref<1x40x128xf32, #tpu.memory_space<vmem>> -> memref<40x128xf32, #tpu.memory_space<vmem>>
      %dma_wait3A_1057 = tpu.memref_slice %arg7[%mul3A_1051] : memref<25600xi32, #tpu.memory_space<vmem>> -> memref<40xi32, #tpu.memory_space<vmem>>
      %dma_wait3A_1058 = arith.constant 0 : i32
      %dma_wait3A_1059 = arith.constant 0 : i32
      %dma_wait3A_1060 = tpu.memref_slice %arg4[%dma_wait3A_1058, %dma_wait3A_1059] : memref<100000x128xf32, #tpu.memory_space<hbm>> -> memref<100000x128xf32, #tpu.memory_space<hbm>>
      tpu.wait_indirect_dma semaphore(%arg18 : memref<!tpu.dma_semaphore, #tpu.memory_space<semaphore_mem>>) src(%dma_wait3A_1060 : memref<100000x128xf32, #tpu.memory_space<hbm>>) dst(%dma_wait3A_1056 : memref<40x128xf32, #tpu.memory_space<vmem>>)
      %scan3A_1061 = arith.constant 9 : i32
      %scan3A_1062 = arith.constant 0 : i32
      %scan3A_1063 = arith.constant 40 : i32
      %scan3A_1064 = arith.addi %scan3A_1062, %scan3A_1063 : i32
      %scan3A_1065 = arith.constant 1 : i32
      scf.for %scan3A_1067 = %scan3A_1062 to %scan3A_1064 step %scan3A_1065  : i32 {
        %get3A = arith.constant 0 : i32
        %get3A_1068 = arith.constant 0 : i32
        %get3A_1069 = tpu.memref_slice %arg8[%scan3A_1061, %get3A, %get3A_1068] : memref<10x40x128xf32, #tpu.memory_space<vmem>> -> memref<1x40x128xf32, #tpu.memory_space<vmem>>
        %get3A_1070 = tpu.memref_squeeze %get3A_1069 : memref<1x40x128xf32, #tpu.memory_space<vmem>> -> memref<40x128xf32, #tpu.memory_space<vmem>>
        %get3A_1071 = arith.index_cast %scan3A_1067 : i32 to index
        %get3A_1072 = arith.constant 0 : index
        %get3A_1073 = tpu.vector_load %get3A_1070[%get3A_1071, %get3A_1072] {strides = array<i32>} : memref<40x128xf32, #tpu.memory_space<vmem>>, vector<1x16xf32>,
        %get3A_1074 = vector.shape_cast %get3A_1073 : vector<1x16xf32> to vector<16xf32>
        %mul3A_1075 = arith.constant 11.3137083 : f32
        %mul3A_1076 = vector.broadcast %mul3A_1075 : f32 to vector<16xf32>
        %mul3A_1077 = arith.mulf %get3A_1074, %mul3A_1076 : vector<16xf32>
        %add3A_1078 = arith.constant 160 : i32
        %add3A_1079 = arith.addi %add3A_1078, %scan3A_1067 : i32
        %get3A_1080 = arith.index_cast %add3A_1079 : i32 to index
        %get3A_1081 = arith.constant 0 : index
        %get3A_1082 = tpu.vector_load %arg6[%get3A_1080, %get3A_1081] {strides = array<i32>} : memref<200x128xf32, #tpu.memory_space<vmem>>, vector<1x16xf32>,
        %get3A_1083 = vector.shape_cast %get3A_1082 : vector<1x16xf32> to vector<16xf32>
        %add3A_1084 = arith.addf %mul3A_1077, %get3A_1083 : vector<16xf32>
        %swap3A = arith.constant 0 : i32
        %swap3A_1085 = arith.constant 0 : i32
        %swap3A_1086 = tpu.memref_slice %arg8[%scan3A_1061, %swap3A, %swap3A_1085] : memref<10x40x128xf32, #tpu.memory_space<vmem>> -> memref<1x40x128xf32, #tpu.memory_space<vmem>>
        %swap3A_1087 = tpu.memref_squeeze %swap3A_1086 : memref<1x40x128xf32, #tpu.memory_space<vmem>> -> memref<40x128xf32, #tpu.memory_space<vmem>>
        %swap3A_1088 = arith.index_cast %scan3A_1067 : i32 to index
        %swap3A_1089 = arith.constant 0 : index
        %swap3A_1090 = tpu.vector_load %swap3A_1087[%swap3A_1088, %swap3A_1089] {strides = array<i32>} : memref<40x128xf32, #tpu.memory_space<vmem>>, vector<1x16xf32>,
        %swap3A_1091 = vector.shape_cast %swap3A_1090 : vector<1x16xf32> to vector<16xf32>
        %swap3A_1092 = vector.shape_cast %add3A_1084 : vector<16xf32> to vector<1x16xf32>
        tpu.vector_store %swap3A_1087[%swap3A_1088, %swap3A_1089], %swap3A_1092 {strides = array<i32>} : memref<40x128xf32, #tpu.memory_space<vmem>>, vector<1x16xf32>,
        %get3A_1093 = arith.constant 0 : i32
        %get3A_1094 = arith.constant 0 : i32
        %get3A_1095 = tpu.memref_slice %arg8[%scan3A_1061, %get3A_1093, %get3A_1094] : memref<10x40x128xf32, #tpu.memory_space<vmem>> -> memref<1x40x128xf32, #tpu.memory_space<vmem>>
        %get3A_1096 = tpu.memref_squeeze %get3A_1095 : memref<1x40x128xf32, #tpu.memory_space<vmem>> -> memref<40x128xf32, #tpu.memory_space<vmem>>
        %get3A_1097 = arith.index_cast %scan3A_1067 : i32 to index
        %get3A_1098 = arith.constant 16 : index
        %get3A_1099 = tpu.vector_load %get3A_1096[%get3A_1097, %get3A_1098] {strides = array<i32>} : memref<40x128xf32, #tpu.memory_space<vmem>>, vector<1x16xf32>,
        %get3A_1100 = vector.shape_cast %get3A_1099 : vector<1x16xf32> to vector<16xf32>
        %mul3A_1101 = arith.constant 11.3137083 : f32
        %mul3A_1102 = vector.broadcast %mul3A_1101 : f32 to vector<16xf32>
        %mul3A_1103 = arith.mulf %get3A_1100, %mul3A_1102 : vector<16xf32>
        %add3A_1104 = arith.constant 160 : i32
        %add3A_1105 = arith.addi %add3A_1104, %scan3A_1067 : i32
        %get3A_1106 = arith.index_cast %add3A_1105 : i32 to index
        %get3A_1107 = arith.constant 16 : index
        %get3A_1108 = tpu.vector_load %arg6[%get3A_1106, %get3A_1107] {strides = array<i32>} : memref<200x128xf32, #tpu.memory_space<vmem>>, vector<1x16xf32>,
        %get3A_1109 = vector.shape_cast %get3A_1108 : vector<1x16xf32> to vector<16xf32>
        %add3A_1110 = arith.addf %mul3A_1103, %get3A_1109 : vector<16xf32>
        %swap3A_1111 = arith.constant 0 : i32
        %swap3A_1112 = arith.constant 0 : i32
        %swap3A_1113 = tpu.memref_slice %arg8[%scan3A_1061, %swap3A_1111, %swap3A_1112] : memref<10x40x128xf32, #tpu.memory_space<vmem>> -> memref<1x40x128xf32, #tpu.memory_space<vmem>>
        %swap3A_1114 = tpu.memref_squeeze %swap3A_1113 : memref<1x40x128xf32, #tpu.memory_space<vmem>> -> memref<40x128xf32, #tpu.memory_space<vmem>>
        %swap3A_1115 = arith.index_cast %scan3A_1067 : i32 to index
        %swap3A_1116 = arith.constant 16 : index
        %swap3A_1117 = tpu.vector_load %swap3A_1114[%swap3A_1115, %swap3A_1116] {strides = array<i32>} : memref<40x128xf32, #tpu.memory_space<vmem>>, vector<1x16xf32>,
        %swap3A_1118 = vector.shape_cast %swap3A_1117 : vector<1x16xf32> to vector<16xf32>
        %swap3A_1119 = vector.shape_cast %add3A_1110 : vector<16xf32> to vector<1x16xf32>
        tpu.vector_store %swap3A_1114[%swap3A_1115, %swap3A_1116], %swap3A_1119 {strides = array<i32>} : memref<40x128xf32, #tpu.memory_space<vmem>>, vector<1x16xf32>,
        %get3A_1120 = arith.constant 0 : i32
        %get3A_1121 = arith.constant 0 : i32
        %get3A_1122 = tpu.memref_slice %arg8[%scan3A_1061, %get3A_1120, %get3A_1121] : memref<10x40x128xf32, #tpu.memory_space<vmem>> -> memref<1x40x128xf32, #tpu.memory_space<vmem>>
        %get3A_1123 = tpu.memref_squeeze %get3A_1122 : memref<1x40x128xf32, #tpu.memory_space<vmem>> -> memref<40x128xf32, #tpu.memory_space<vmem>>
        %get3A_1124 = arith.index_cast %scan3A_1067 : i32 to index
        %get3A_1125 = arith.constant 32 : index
        %get3A_1126 = tpu.vector_load %get3A_1123[%get3A_1124, %get3A_1125] {strides = array<i32>} : memref<40x128xf32, #tpu.memory_space<vmem>>, vector<1x16xf32>,
        %get3A_1127 = vector.shape_cast %get3A_1126 : vector<1x16xf32> to vector<16xf32>
        %mul3A_1128 = arith.constant 11.3137083 : f32
        %mul3A_1129 = vector.broadcast %mul3A_1128 : f32 to vector<16xf32>
        %mul3A_1130 = arith.mulf %get3A_1127, %mul3A_1129 : vector<16xf32>
        %add3A_1131 = arith.constant 160 : i32
        %add3A_1132 = arith.addi %add3A_1131, %scan3A_1067 : i32
        %get3A_1133 = arith.index_cast %add3A_1132 : i32 to index
        %get3A_1134 = arith.constant 32 : index
        %get3A_1135 = tpu.vector_load %arg6[%get3A_1133, %get3A_1134] {strides = array<i32>} : memref<200x128xf32, #tpu.memory_space<vmem>>, vector<1x16xf32>,
        %get3A_1136 = vector.shape_cast %get3A_1135 : vector<1x16xf32> to vector<16xf32>
        %add3A_1137 = arith.addf %mul3A_1130, %get3A_1136 : vector<16xf32>
        %swap3A_1138 = arith.constant 0 : i32
        %swap3A_1139 = arith.constant 0 : i32
        %swap3A_1140 = tpu.memref_slice %arg8[%scan3A_1061, %swap3A_1138, %swap3A_1139] : memref<10x40x128xf32, #tpu.memory_space<vmem>> -> memref<1x40x128xf32, #tpu.memory_space<vmem>>
        %swap3A_1141 = tpu.memref_squeeze %swap3A_1140 : memref<1x40x128xf32, #tpu.memory_space<vmem>> -> memref<40x128xf32, #tpu.memory_space<vmem>>
        %swap3A_1142 = arith.index_cast %scan3A_1067 : i32 to index
        %swap3A_1143 = arith.constant 32 : index
        %swap3A_1144 = tpu.vector_load %swap3A_1141[%swap3A_1142, %swap3A_1143] {strides = array<i32>} : memref<40x128xf32, #tpu.memory_space<vmem>>, vector<1x16xf32>,
        %swap3A_1145 = vector.shape_cast %swap3A_1144 : vector<1x16xf32> to vector<16xf32>
        %swap3A_1146 = vector.shape_cast %add3A_1137 : vector<16xf32> to vector<1x16xf32>
        tpu.vector_store %swap3A_1141[%swap3A_1142, %swap3A_1143], %swap3A_1146 {strides = array<i32>} : memref<40x128xf32, #tpu.memory_space<vmem>>, vector<1x16xf32>,
        %get3A_1147 = arith.constant 0 : i32
        %get3A_1148 = arith.constant 0 : i32
        %get3A_1149 = tpu.memref_slice %arg8[%scan3A_1061, %get3A_1147, %get3A_1148] : memref<10x40x128xf32, #tpu.memory_space<vmem>> -> memref<1x40x128xf32, #tpu.memory_space<vmem>>
        %get3A_1150 = tpu.memref_squeeze %get3A_1149 : memref<1x40x128xf32, #tpu.memory_space<vmem>> -> memref<40x128xf32, #tpu.memory_space<vmem>>
        %get3A_1151 = arith.index_cast %scan3A_1067 : i32 to index
        %get3A_1152 = arith.constant 48 : index
        %get3A_1153 = tpu.vector_load %get3A_1150[%get3A_1151, %get3A_1152] {strides = array<i32>} : memref<40x128xf32, #tpu.memory_space<vmem>>, vector<1x16xf32>,
        %get3A_1154 = vector.shape_cast %get3A_1153 : vector<1x16xf32> to vector<16xf32>
        %mul3A_1155 = arith.constant 11.3137083 : f32
        %mul3A_1156 = vector.broadcast %mul3A_1155 : f32 to vector<16xf32>
        %mul3A_1157 = arith.mulf %get3A_1154, %mul3A_1156 : vector<16xf32>
        %add3A_1158 = arith.constant 160 : i32
        %add3A_1159 = arith.addi %add3A_1158, %scan3A_1067 : i32
        %get3A_1160 = arith.index_cast %add3A_1159 : i32 to index
        %get3A_1161 = arith.constant 48 : index
        %get3A_1162 = tpu.vector_load %arg6[%get3A_1160, %get3A_1161] {strides = array<i32>} : memref<200x128xf32, #tpu.memory_space<vmem>>, vector<1x16xf32>,
        %get3A_1163 = vector.shape_cast %get3A_1162 : vector<1x16xf32> to vector<16xf32>
        %add3A_1164 = arith.addf %mul3A_1157, %get3A_1163 : vector<16xf32>
        %swap3A_1165 = arith.constant 0 : i32
        %swap3A_1166 = arith.constant 0 : i32
        %swap3A_1167 = tpu.memref_slice %arg8[%scan3A_1061, %swap3A_1165, %swap3A_1166] : memref<10x40x128xf32, #tpu.memory_space<vmem>> -> memref<1x40x128xf32, #tpu.memory_space<vmem>>
        %swap3A_1168 = tpu.memref_squeeze %swap3A_1167 : memref<1x40x128xf32, #tpu.memory_space<vmem>> -> memref<40x128xf32, #tpu.memory_space<vmem>>
        %swap3A_1169 = arith.index_cast %scan3A_1067 : i32 to index
        %swap3A_1170 = arith.constant 48 : index
        %swap3A_1171 = tpu.vector_load %swap3A_1168[%swap3A_1169, %swap3A_1170] {strides = array<i32>} : memref<40x128xf32, #tpu.memory_space<vmem>>, vector<1x16xf32>,
        %swap3A_1172 = vector.shape_cast %swap3A_1171 : vector<1x16xf32> to vector<16xf32>
        %swap3A_1173 = vector.shape_cast %add3A_1164 : vector<16xf32> to vector<1x16xf32>
        tpu.vector_store %swap3A_1168[%swap3A_1169, %swap3A_1170], %swap3A_1173 {strides = array<i32>} : memref<40x128xf32, #tpu.memory_space<vmem>>, vector<1x16xf32>,
        %get3A_1174 = arith.constant 0 : i32
        %get3A_1175 = arith.constant 0 : i32
        %get3A_1176 = tpu.memref_slice %arg8[%scan3A_1061, %get3A_1174, %get3A_1175] : memref<10x40x128xf32, #tpu.memory_space<vmem>> -> memref<1x40x128xf32, #tpu.memory_space<vmem>>
        %get3A_1177 = tpu.memref_squeeze %get3A_1176 : memref<1x40x128xf32, #tpu.memory_space<vmem>> -> memref<40x128xf32, #tpu.memory_space<vmem>>
        %get3A_1178 = arith.index_cast %scan3A_1067 : i32 to index
        %get3A_1179 = arith.constant 64 : index
        %get3A_1180 = tpu.vector_load %get3A_1177[%get3A_1178, %get3A_1179] {strides = array<i32>} : memref<40x128xf32, #tpu.memory_space<vmem>>, vector<1x16xf32>,
        %get3A_1181 = vector.shape_cast %get3A_1180 : vector<1x16xf32> to vector<16xf32>
        %mul3A_1182 = arith.constant 11.3137083 : f32
        %mul3A_1183 = vector.broadcast %mul3A_1182 : f32 to vector<16xf32>
        %mul3A_1184 = arith.mulf %get3A_1181, %mul3A_1183 : vector<16xf32>
        %add3A_1185 = arith.constant 160 : i32
        %add3A_1186 = arith.addi %add3A_1185, %scan3A_1067 : i32
        %get3A_1187 = arith.index_cast %add3A_1186 : i32 to index
        %get3A_1188 = arith.constant 64 : index
        %get3A_1189 = tpu.vector_load %arg6[%get3A_1187, %get3A_1188] {strides = array<i32>} : memref<200x128xf32, #tpu.memory_space<vmem>>, vector<1x16xf32>,
        %get3A_1190 = vector.shape_cast %get3A_1189 : vector<1x16xf32> to vector<16xf32>
        %add3A_1191 = arith.addf %mul3A_1184, %get3A_1190 : vector<16xf32>
        %swap3A_1192 = arith.constant 0 : i32
        %swap3A_1193 = arith.constant 0 : i32
        %swap3A_1194 = tpu.memref_slice %arg8[%scan3A_1061, %swap3A_1192, %swap3A_1193] : memref<10x40x128xf32, #tpu.memory_space<vmem>> -> memref<1x40x128xf32, #tpu.memory_space<vmem>>
        %swap3A_1195 = tpu.memref_squeeze %swap3A_1194 : memref<1x40x128xf32, #tpu.memory_space<vmem>> -> memref<40x128xf32, #tpu.memory_space<vmem>>
        %swap3A_1196 = arith.index_cast %scan3A_1067 : i32 to index
        %swap3A_1197 = arith.constant 64 : index
        %swap3A_1198 = tpu.vector_load %swap3A_1195[%swap3A_1196, %swap3A_1197] {strides = array<i32>} : memref<40x128xf32, #tpu.memory_space<vmem>>, vector<1x16xf32>,
        %swap3A_1199 = vector.shape_cast %swap3A_1198 : vector<1x16xf32> to vector<16xf32>
        %swap3A_1200 = vector.shape_cast %add3A_1191 : vector<16xf32> to vector<1x16xf32>
        tpu.vector_store %swap3A_1195[%swap3A_1196, %swap3A_1197], %swap3A_1200 {strides = array<i32>} : memref<40x128xf32, #tpu.memory_space<vmem>>, vector<1x16xf32>,
        %get3A_1201 = arith.constant 0 : i32
        %get3A_1202 = arith.constant 0 : i32
        %get3A_1203 = tpu.memref_slice %arg8[%scan3A_1061, %get3A_1201, %get3A_1202] : memref<10x40x128xf32, #tpu.memory_space<vmem>> -> memref<1x40x128xf32, #tpu.memory_space<vmem>>
        %get3A_1204 = tpu.memref_squeeze %get3A_1203 : memref<1x40x128xf32, #tpu.memory_space<vmem>> -> memref<40x128xf32, #tpu.memory_space<vmem>>
        %get3A_1205 = arith.index_cast %scan3A_1067 : i32 to index
        %get3A_1206 = arith.constant 80 : index
        %get3A_1207 = tpu.vector_load %get3A_1204[%get3A_1205, %get3A_1206] {strides = array<i32>} : memref<40x128xf32, #tpu.memory_space<vmem>>, vector<1x16xf32>,
        %get3A_1208 = vector.shape_cast %get3A_1207 : vector<1x16xf32> to vector<16xf32>
        %mul3A_1209 = arith.constant 11.3137083 : f32
        %mul3A_1210 = vector.broadcast %mul3A_1209 : f32 to vector<16xf32>
        %mul3A_1211 = arith.mulf %get3A_1208, %mul3A_1210 : vector<16xf32>
        %add3A_1212 = arith.constant 160 : i32
        %add3A_1213 = arith.addi %add3A_1212, %scan3A_1067 : i32
        %get3A_1214 = arith.index_cast %add3A_1213 : i32 to index
        %get3A_1215 = arith.constant 80 : index
        %get3A_1216 = tpu.vector_load %arg6[%get3A_1214, %get3A_1215] {strides = array<i32>} : memref<200x128xf32, #tpu.memory_space<vmem>>, vector<1x16xf32>,
        %get3A_1217 = vector.shape_cast %get3A_1216 : vector<1x16xf32> to vector<16xf32>
        %add3A_1218 = arith.addf %mul3A_1211, %get3A_1217 : vector<16xf32>
        %swap3A_1219 = arith.constant 0 : i32
        %swap3A_1220 = arith.constant 0 : i32
        %swap3A_1221 = tpu.memref_slice %arg8[%scan3A_1061, %swap3A_1219, %swap3A_1220] : memref<10x40x128xf32, #tpu.memory_space<vmem>> -> memref<1x40x128xf32, #tpu.memory_space<vmem>>
        %swap3A_1222 = tpu.memref_squeeze %swap3A_1221 : memref<1x40x128xf32, #tpu.memory_space<vmem>> -> memref<40x128xf32, #tpu.memory_space<vmem>>
        %swap3A_1223 = arith.index_cast %scan3A_1067 : i32 to index
        %swap3A_1224 = arith.constant 80 : index
        %swap3A_1225 = tpu.vector_load %swap3A_1222[%swap3A_1223, %swap3A_1224] {strides = array<i32>} : memref<40x128xf32, #tpu.memory_space<vmem>>, vector<1x16xf32>,
        %swap3A_1226 = vector.shape_cast %swap3A_1225 : vector<1x16xf32> to vector<16xf32>
        %swap3A_1227 = vector.shape_cast %add3A_1218 : vector<16xf32> to vector<1x16xf32>
        tpu.vector_store %swap3A_1222[%swap3A_1223, %swap3A_1224], %swap3A_1227 {strides = array<i32>} : memref<40x128xf32, #tpu.memory_space<vmem>>, vector<1x16xf32>,
        %get3A_1228 = arith.constant 0 : i32
        %get3A_1229 = arith.constant 0 : i32
        %get3A_1230 = tpu.memref_slice %arg8[%scan3A_1061, %get3A_1228, %get3A_1229] : memref<10x40x128xf32, #tpu.memory_space<vmem>> -> memref<1x40x128xf32, #tpu.memory_space<vmem>>
        %get3A_1231 = tpu.memref_squeeze %get3A_1230 : memref<1x40x128xf32, #tpu.memory_space<vmem>> -> memref<40x128xf32, #tpu.memory_space<vmem>>
        %get3A_1232 = arith.index_cast %scan3A_1067 : i32 to index
        %get3A_1233 = arith.constant 96 : index
        %get3A_1234 = tpu.vector_load %get3A_1231[%get3A_1232, %get3A_1233] {strides = array<i32>} : memref<40x128xf32, #tpu.memory_space<vmem>>, vector<1x16xf32>,
        %get3A_1235 = vector.shape_cast %get3A_1234 : vector<1x16xf32> to vector<16xf32>
        %mul3A_1236 = arith.constant 11.3137083 : f32
        %mul3A_1237 = vector.broadcast %mul3A_1236 : f32 to vector<16xf32>
        %mul3A_1238 = arith.mulf %get3A_1235, %mul3A_1237 : vector<16xf32>
        %add3A_1239 = arith.constant 160 : i32
        %add3A_1240 = arith.addi %add3A_1239, %scan3A_1067 : i32
        %get3A_1241 = arith.index_cast %add3A_1240 : i32 to index
        %get3A_1242 = arith.constant 96 : index
        %get3A_1243 = tpu.vector_load %arg6[%get3A_1241, %get3A_1242] {strides = array<i32>} : memref<200x128xf32, #tpu.memory_space<vmem>>, vector<1x16xf32>,
        %get3A_1244 = vector.shape_cast %get3A_1243 : vector<1x16xf32> to vector<16xf32>
        %add3A_1245 = arith.addf %mul3A_1238, %get3A_1244 : vector<16xf32>
        %swap3A_1246 = arith.constant 0 : i32
        %swap3A_1247 = arith.constant 0 : i32
        %swap3A_1248 = tpu.memref_slice %arg8[%scan3A_1061, %swap3A_1246, %swap3A_1247] : memref<10x40x128xf32, #tpu.memory_space<vmem>> -> memref<1x40x128xf32, #tpu.memory_space<vmem>>
        %swap3A_1249 = tpu.memref_squeeze %swap3A_1248 : memref<1x40x128xf32, #tpu.memory_space<vmem>> -> memref<40x128xf32, #tpu.memory_space<vmem>>
        %swap3A_1250 = arith.index_cast %scan3A_1067 : i32 to index
        %swap3A_1251 = arith.constant 96 : index
        %swap3A_1252 = tpu.vector_load %swap3A_1249[%swap3A_1250, %swap3A_1251] {strides = array<i32>} : memref<40x128xf32, #tpu.memory_space<vmem>>, vector<1x16xf32>,
        %swap3A_1253 = vector.shape_cast %swap3A_1252 : vector<1x16xf32> to vector<16xf32>
        %swap3A_1254 = vector.shape_cast %add3A_1245 : vector<16xf32> to vector<1x16xf32>
        tpu.vector_store %swap3A_1249[%swap3A_1250, %swap3A_1251], %swap3A_1254 {strides = array<i32>} : memref<40x128xf32, #tpu.memory_space<vmem>>, vector<1x16xf32>,
        %get3A_1255 = arith.constant 0 : i32
        %get3A_1256 = arith.constant 0 : i32
        %get3A_1257 = tpu.memref_slice %arg8[%scan3A_1061, %get3A_1255, %get3A_1256] : memref<10x40x128xf32, #tpu.memory_space<vmem>> -> memref<1x40x128xf32, #tpu.memory_space<vmem>>
        %get3A_1258 = tpu.memref_squeeze %get3A_1257 : memref<1x40x128xf32, #tpu.memory_space<vmem>> -> memref<40x128xf32, #tpu.memory_space<vmem>>
        %get3A_1259 = arith.index_cast %scan3A_1067 : i32 to index
        %get3A_1260 = arith.constant 112 : index
        %get3A_1261 = tpu.vector_load %get3A_1258[%get3A_1259, %get3A_1260] {strides = array<i32>} : memref<40x128xf32, #tpu.memory_space<vmem>>, vector<1x16xf32>,
        %get3A_1262 = vector.shape_cast %get3A_1261 : vector<1x16xf32> to vector<16xf32>
        %mul3A_1263 = arith.constant 11.3137083 : f32
        %mul3A_1264 = vector.broadcast %mul3A_1263 : f32 to vector<16xf32>
        %mul3A_1265 = arith.mulf %get3A_1262, %mul3A_1264 : vector<16xf32>
        %add3A_1266 = arith.constant 160 : i32
        %add3A_1267 = arith.addi %add3A_1266, %scan3A_1067 : i32
        %get3A_1268 = arith.index_cast %add3A_1267 : i32 to index
        %get3A_1269 = arith.constant 112 : index
        %get3A_1270 = tpu.vector_load %arg6[%get3A_1268, %get3A_1269] {strides = array<i32>} : memref<200x128xf32, #tpu.memory_space<vmem>>, vector<1x16xf32>,
        %get3A_1271 = vector.shape_cast %get3A_1270 : vector<1x16xf32> to vector<16xf32>
        %add3A_1272 = arith.addf %mul3A_1265, %get3A_1271 : vector<16xf32>
        %swap3A_1273 = arith.constant 0 : i32
        %swap3A_1274 = arith.constant 0 : i32
        %swap3A_1275 = tpu.memref_slice %arg8[%scan3A_1061, %swap3A_1273, %swap3A_1274] : memref<10x40x128xf32, #tpu.memory_space<vmem>> -> memref<1x40x128xf32, #tpu.memory_space<vmem>>
        %swap3A_1276 = tpu.memref_squeeze %swap3A_1275 : memref<1x40x128xf32, #tpu.memory_space<vmem>> -> memref<40x128xf32, #tpu.memory_space<vmem>>
        %swap3A_1277 = arith.index_cast %scan3A_1067 : i32 to index
        %swap3A_1278 = arith.constant 112 : index
        %swap3A_1279 = tpu.vector_load %swap3A_1276[%swap3A_1277, %swap3A_1278] {strides = array<i32>} : memref<40x128xf32, #tpu.memory_space<vmem>>, vector<1x16xf32>,
        %swap3A_1280 = vector.shape_cast %swap3A_1279 : vector<1x16xf32> to vector<16xf32>
        %swap3A_1281 = vector.shape_cast %add3A_1272 : vector<16xf32> to vector<1x16xf32>
        tpu.vector_store %swap3A_1276[%swap3A_1277, %swap3A_1278], %swap3A_1281 {strides = array<i32>} : memref<40x128xf32, #tpu.memory_space<vmem>>, vector<1x16xf32>,
      }
      %scan3A_1066 = arith.constant 40 : i32
    }
    %scan3A_57 = arith.constant 64 : i32
    %add3A_58 = arith.constant 127 : i32
    %add3A_59 = arith.addi %mul3A_2, %add3A_58 : i32
    %dma_start3A_60 = arith.constant 9 : i32
    %dma_start3A_61 = arith.constant 0 : i32
    %dma_start3A_62 = arith.constant 0 : i32
    %dma_start3A_63 = tpu.memref_slice %arg8[%dma_start3A_60, %dma_start3A_61, %dma_start3A_62] : memref<10x40x128xf32, #tpu.memory_space<vmem>> -> memref<1x40x128xf32, #tpu.memory_space<vmem>>
    %dma_start3A_64 = tpu.memref_squeeze %dma_start3A_63 : memref<1x40x128xf32, #tpu.memory_space<vmem>> -> memref<40x128xf32, #tpu.memory_space<vmem>>
    %dma_start3A_65 = arith.constant 160 : i32
    %dma_start3A_66 = arith.constant 0 : i32
    %dma_start3A_67 = tpu.memref_slice %arg5[%add3A_59, %dma_start3A_65, %dma_start3A_66] : memref<4096x200x128xf32, #tpu.memory_space<hbm>> -> memref<1x40x128xf32, #tpu.memory_space<hbm>>
    %dma_start3A_68 = tpu.memref_squeeze %dma_start3A_67 : memref<1x40x128xf32, #tpu.memory_space<hbm>> -> memref<40x128xf32, #tpu.memory_space<hbm>>
    %dma_start3A_69 = arith.constant 160 : i32
    %dma_start3A_70 = arith.constant 0 : i32
    %dma_start3A_71 = tpu.memref_slice %arg5[%add3A_59, %dma_start3A_69, %dma_start3A_70] : memref<4096x200x128xf32, #tpu.memory_space<hbm>> -> memref<1x40x128xf32, #tpu.memory_space<hbm>>
    %dma_start3A_72 = tpu.memref_squeeze %dma_start3A_71 : memref<1x40x128xf32, #tpu.memory_space<hbm>> -> memref<40x128xf32, #tpu.memory_space<hbm>>
    %dma_start3A_73 = arith.constant 0 : i32
    %dma_start3A_74 = arith.constant 0 : i32
    %dma_start3A_75 = tpu.memref_slice %arg8[%dma_start3A_60, %dma_start3A_73, %dma_start3A_74] : memref<10x40x128xf32, #tpu.memory_space<vmem>> -> memref<1x40x128xf32, #tpu.memory_space<vmem>>
    %dma_start3A_76 = tpu.memref_squeeze %dma_start3A_75 : memref<1x40x128xf32, #tpu.memory_space<vmem>> -> memref<40x128xf32, #tpu.memory_space<vmem>>
    tpu.enqueue_dma source(%dma_start3A_76 : memref<40x128xf32, #tpu.memory_space<vmem>>) target(%dma_start3A_72 : memref<40x128xf32, #tpu.memory_space<hbm>>) target_semaphore(%arg28 : memref<!tpu.dma_semaphore, #tpu.memory_space<semaphore_mem>>)
    %dma_wait3A = arith.constant 0 : i32
    %dma_wait3A_77 = arith.constant 0 : i32
    %dma_wait3A_78 = arith.constant 0 : i32
    %dma_wait3A_79 = tpu.memref_slice %arg8[%dma_wait3A, %dma_wait3A_77, %dma_wait3A_78] : memref<10x40x128xf32, #tpu.memory_space<vmem>> -> memref<1x40x128xf32, #tpu.memory_space<vmem>>
    %dma_wait3A_80 = tpu.memref_squeeze %dma_wait3A_79 : memref<1x40x128xf32, #tpu.memory_space<vmem>> -> memref<40x128xf32, #tpu.memory_space<vmem>>
    %dma_wait3A_81 = arith.constant 0 : i32
    %dma_wait3A_82 = arith.constant 0 : i32
    %dma_wait3A_83 = tpu.memref_slice %arg5[%mul3A_2, %dma_wait3A_81, %dma_wait3A_82] : memref<4096x200x128xf32, #tpu.memory_space<hbm>> -> memref<1x40x128xf32, #tpu.memory_space<hbm>>
    %dma_wait3A_84 = tpu.memref_squeeze %dma_wait3A_83 : memref<1x40x128xf32, #tpu.memory_space<hbm>> -> memref<40x128xf32, #tpu.memory_space<hbm>>
    %dma_wait3A_85 = arith.constant 0 : i32
    %dma_wait3A_86 = arith.constant 0 : i32
    %dma_wait3A_87 = tpu.memref_slice %arg5[%mul3A_2, %dma_wait3A_85, %dma_wait3A_86] : memref<4096x200x128xf32, #tpu.memory_space<hbm>> -> memref<1x40x128xf32, #tpu.memory_space<hbm>>
    %dma_wait3A_88 = tpu.memref_squeeze %dma_wait3A_87 : memref<1x40x128xf32, #tpu.memory_space<hbm>> -> memref<40x128xf32, #tpu.memory_space<hbm>>
    %dma_wait3A_89 = arith.constant 0 : i32
    %dma_wait3A_90 = arith.constant 0 : i32
    %dma_wait3A_91 = tpu.memref_slice %arg8[%dma_wait3A, %dma_wait3A_89, %dma_wait3A_90] : memref<10x40x128xf32, #tpu.memory_space<vmem>> -> memref<1x40x128xf32, #tpu.memory_space<vmem>>
    %dma_wait3A_92 = tpu.memref_squeeze %dma_wait3A_91 : memref<1x40x128xf32, #tpu.memory_space<vmem>> -> memref<40x128xf32, #tpu.memory_space<vmem>>
    tpu.wait_dma2 semaphore(%arg19 : memref<!tpu.dma_semaphore, #tpu.memory_space<semaphore_mem>>) src(%dma_wait3A_92 : memref<40x128xf32, #tpu.memory_space<vmem>>) dst(%dma_wait3A_88 : memref<40x128xf32, #tpu.memory_space<hbm>>)
    %dma_wait3A_93 = arith.constant 1 : i32
    %dma_wait3A_94 = arith.constant 0 : i32
    %dma_wait3A_95 = arith.constant 0 : i32
    %dma_wait3A_96 = tpu.memref_slice %arg8[%dma_wait3A_93, %dma_wait3A_94, %dma_wait3A_95] : memref<10x40x128xf32, #tpu.memory_space<vmem>> -> memref<1x40x128xf32, #tpu.memory_space<vmem>>
    %dma_wait3A_97 = tpu.memref_squeeze %dma_wait3A_96 : memref<1x40x128xf32, #tpu.memory_space<vmem>> -> memref<40x128xf32, #tpu.memory_space<vmem>>
    %dma_wait3A_98 = arith.constant 0 : i32
    %dma_wait3A_99 = arith.constant 0 : i32
    %dma_wait3A_100 = tpu.memref_slice %arg5[%mul3A_2, %dma_wait3A_98, %dma_wait3A_99] : memref<4096x200x128xf32, #tpu.memory_space<hbm>> -> memref<1x40x128xf32, #tpu.memory_space<hbm>>
    %dma_wait3A_101 = tpu.memref_squeeze %dma_wait3A_100 : memref<1x40x128xf32, #tpu.memory_space<hbm>> -> memref<40x128xf32, #tpu.memory_space<hbm>>
    %dma_wait3A_102 = arith.constant 0 : i32
    %dma_wait3A_103 = arith.constant 0 : i32
    %dma_wait3A_104 = tpu.memref_slice %arg5[%mul3A_2, %dma_wait3A_102, %dma_wait3A_103] : memref<4096x200x128xf32, #tpu.memory_space<hbm>> -> memref<1x40x128xf32, #tpu.memory_space<hbm>>
    %dma_wait3A_105 = tpu.memref_squeeze %dma_wait3A_104 : memref<1x40x128xf32, #tpu.memory_space<hbm>> -> memref<40x128xf32, #tpu.memory_space<hbm>>
    %dma_wait3A_106 = arith.constant 0 : i32
    %dma_wait3A_107 = arith.constant 0 : i32
    %dma_wait3A_108 = tpu.memref_slice %arg8[%dma_wait3A_93, %dma_wait3A_106, %dma_wait3A_107] : memref<10x40x128xf32, #tpu.memory_space<vmem>> -> memref<1x40x128xf32, #tpu.memory_space<vmem>>
    %dma_wait3A_109 = tpu.memref_squeeze %dma_wait3A_108 : memref<1x40x128xf32, #tpu.memory_space<vmem>> -> memref<40x128xf32, #tpu.memory_space<vmem>>
    tpu.wait_dma2 semaphore(%arg20 : memref<!tpu.dma_semaphore, #tpu.memory_space<semaphore_mem>>) src(%dma_wait3A_109 : memref<40x128xf32, #tpu.memory_space<vmem>>) dst(%dma_wait3A_105 : memref<40x128xf32, #tpu.memory_space<hbm>>)
    %dma_wait3A_110 = arith.constant 2 : i32
    %dma_wait3A_111 = arith.constant 0 : i32
    %dma_wait3A_112 = arith.constant 0 : i32
    %dma_wait3A_113 = tpu.memref_slice %arg8[%dma_wait3A_110, %dma_wait3A_111, %dma_wait3A_112] : memref<10x40x128xf32, #tpu.memory_space<vmem>> -> memref<1x40x128xf32, #tpu.memory_space<vmem>>
    %dma_wait3A_114 = tpu.memref_squeeze %dma_wait3A_113 : memref<1x40x128xf32, #tpu.memory_space<vmem>> -> memref<40x128xf32, #tpu.memory_space<vmem>>
    %dma_wait3A_115 = arith.constant 0 : i32
    %dma_wait3A_116 = arith.constant 0 : i32
    %dma_wait3A_117 = tpu.memref_slice %arg5[%mul3A_2, %dma_wait3A_115, %dma_wait3A_116] : memref<4096x200x128xf32, #tpu.memory_space<hbm>> -> memref<1x40x128xf32, #tpu.memory_space<hbm>>
    %dma_wait3A_118 = tpu.memref_squeeze %dma_wait3A_117 : memref<1x40x128xf32, #tpu.memory_space<hbm>> -> memref<40x128xf32, #tpu.memory_space<hbm>>
    %dma_wait3A_119 = arith.constant 0 : i32
    %dma_wait3A_120 = arith.constant 0 : i32
    %dma_wait3A_121 = tpu.memref_slice %arg5[%mul3A_2, %dma_wait3A_119, %dma_wait3A_120] : memref<4096x200x128xf32, #tpu.memory_space<hbm>> -> memref<1x40x128xf32, #tpu.memory_space<hbm>>
    %dma_wait3A_122 = tpu.memref_squeeze %dma_wait3A_121 : memref<1x40x128xf32, #tpu.memory_space<hbm>> -> memref<40x128xf32, #tpu.memory_space<hbm>>
    %dma_wait3A_123 = arith.constant 0 : i32
    %dma_wait3A_124 = arith.constant 0 : i32
    %dma_wait3A_125 = tpu.memref_slice %arg8[%dma_wait3A_110, %dma_wait3A_123, %dma_wait3A_124] : memref<10x40x128xf32, #tpu.memory_space<vmem>> -> memref<1x40x128xf32, #tpu.memory_space<vmem>>
    %dma_wait3A_126 = tpu.memref_squeeze %dma_wait3A_125 : memref<1x40x128xf32, #tpu.memory_space<vmem>> -> memref<40x128xf32, #tpu.memory_space<vmem>>
    tpu.wait_dma2 semaphore(%arg21 : memref<!tpu.dma_semaphore, #tpu.memory_space<semaphore_mem>>) src(%dma_wait3A_126 : memref<40x128xf32, #tpu.memory_space<vmem>>) dst(%dma_wait3A_122 : memref<40x128xf32, #tpu.memory_space<hbm>>)
    %dma_wait3A_127 = arith.constant 3 : i32
    %dma_wait3A_128 = arith.constant 0 : i32
    %dma_wait3A_129 = arith.constant 0 : i32
    %dma_wait3A_130 = tpu.memref_slice %arg8[%dma_wait3A_127, %dma_wait3A_128, %dma_wait3A_129] : memref<10x40x128xf32, #tpu.memory_space<vmem>> -> memref<1x40x128xf32, #tpu.memory_space<vmem>>
    %dma_wait3A_131 = tpu.memref_squeeze %dma_wait3A_130 : memref<1x40x128xf32, #tpu.memory_space<vmem>> -> memref<40x128xf32, #tpu.memory_space<vmem>>
    %dma_wait3A_132 = arith.constant 0 : i32
    %dma_wait3A_133 = arith.constant 0 : i32
    %dma_wait3A_134 = tpu.memref_slice %arg5[%mul3A_2, %dma_wait3A_132, %dma_wait3A_133] : memref<4096x200x128xf32, #tpu.memory_space<hbm>> -> memref<1x40x128xf32, #tpu.memory_space<hbm>>
    %dma_wait3A_135 = tpu.memref_squeeze %dma_wait3A_134 : memref<1x40x128xf32, #tpu.memory_space<hbm>> -> memref<40x128xf32, #tpu.memory_space<hbm>>
    %dma_wait3A_136 = arith.constant 0 : i32
    %dma_wait3A_137 = arith.constant 0 : i32
    %dma_wait3A_138 = tpu.memref_slice %arg5[%mul3A_2, %dma_wait3A_136, %dma_wait3A_137] : memref<4096x200x128xf32, #tpu.memory_space<hbm>> -> memref<1x40x128xf32, #tpu.memory_space<hbm>>
    %dma_wait3A_139 = tpu.memref_squeeze %dma_wait3A_138 : memref<1x40x128xf32, #tpu.memory_space<hbm>> -> memref<40x128xf32, #tpu.memory_space<hbm>>
    %dma_wait3A_140 = arith.constant 0 : i32
    %dma_wait3A_141 = arith.constant 0 : i32
    %dma_wait3A_142 = tpu.memref_slice %arg8[%dma_wait3A_127, %dma_wait3A_140, %dma_wait3A_141] : memref<10x40x128xf32, #tpu.memory_space<vmem>> -> memref<1x40x128xf32, #tpu.memory_space<vmem>>
    %dma_wait3A_143 = tpu.memref_squeeze %dma_wait3A_142 : memref<1x40x128xf32, #tpu.memory_space<vmem>> -> memref<40x128xf32, #tpu.memory_space<vmem>>
    tpu.wait_dma2 semaphore(%arg22 : memref<!tpu.dma_semaphore, #tpu.memory_space<semaphore_mem>>) src(%dma_wait3A_143 : memref<40x128xf32, #tpu.memory_space<vmem>>) dst(%dma_wait3A_139 : memref<40x128xf32, #tpu.memory_space<hbm>>)
    %dma_wait3A_144 = arith.constant 4 : i32
    %dma_wait3A_145 = arith.constant 0 : i32
    %dma_wait3A_146 = arith.constant 0 : i32
    %dma_wait3A_147 = tpu.memref_slice %arg8[%dma_wait3A_144, %dma_wait3A_145, %dma_wait3A_146] : memref<10x40x128xf32, #tpu.memory_space<vmem>> -> memref<1x40x128xf32, #tpu.memory_space<vmem>>
    %dma_wait3A_148 = tpu.memref_squeeze %dma_wait3A_147 : memref<1x40x128xf32, #tpu.memory_space<vmem>> -> memref<40x128xf32, #tpu.memory_space<vmem>>
    %dma_wait3A_149 = arith.constant 0 : i32
    %dma_wait3A_150 = arith.constant 0 : i32
    %dma_wait3A_151 = tpu.memref_slice %arg5[%mul3A_2, %dma_wait3A_149, %dma_wait3A_150] : memref<4096x200x128xf32, #tpu.memory_space<hbm>> -> memref<1x40x128xf32, #tpu.memory_space<hbm>>
    %dma_wait3A_152 = tpu.memref_squeeze %dma_wait3A_151 : memref<1x40x128xf32, #tpu.memory_space<hbm>> -> memref<40x128xf32, #tpu.memory_space<hbm>>
    %dma_wait3A_153 = arith.constant 0 : i32
    %dma_wait3A_154 = arith.constant 0 : i32
    %dma_wait3A_155 = tpu.memref_slice %arg5[%mul3A_2, %dma_wait3A_153, %dma_wait3A_154] : memref<4096x200x128xf32, #tpu.memory_space<hbm>> -> memref<1x40x128xf32, #tpu.memory_space<hbm>>
    %dma_wait3A_156 = tpu.memref_squeeze %dma_wait3A_155 : memref<1x40x128xf32, #tpu.memory_space<hbm>> -> memref<40x128xf32, #tpu.memory_space<hbm>>
    %dma_wait3A_157 = arith.constant 0 : i32
    %dma_wait3A_158 = arith.constant 0 : i32
    %dma_wait3A_159 = tpu.memref_slice %arg8[%dma_wait3A_144, %dma_wait3A_157, %dma_wait3A_158] : memref<10x40x128xf32, #tpu.memory_space<vmem>> -> memref<1x40x128xf32, #tpu.memory_space<vmem>>
    %dma_wait3A_160 = tpu.memref_squeeze %dma_wait3A_159 : memref<1x40x128xf32, #tpu.memory_space<vmem>> -> memref<40x128xf32, #tpu.memory_space<vmem>>
    tpu.wait_dma2 semaphore(%arg23 : memref<!tpu.dma_semaphore, #tpu.memory_space<semaphore_mem>>) src(%dma_wait3A_160 : memref<40x128xf32, #tpu.memory_space<vmem>>) dst(%dma_wait3A_156 : memref<40x128xf32, #tpu.memory_space<hbm>>)
    %dma_wait3A_161 = arith.constant 5 : i32
    %dma_wait3A_162 = arith.constant 0 : i32
    %dma_wait3A_163 = arith.constant 0 : i32
    %dma_wait3A_164 = tpu.memref_slice %arg8[%dma_wait3A_161, %dma_wait3A_162, %dma_wait3A_163] : memref<10x40x128xf32, #tpu.memory_space<vmem>> -> memref<1x40x128xf32, #tpu.memory_space<vmem>>
    %dma_wait3A_165 = tpu.memref_squeeze %dma_wait3A_164 : memref<1x40x128xf32, #tpu.memory_space<vmem>> -> memref<40x128xf32, #tpu.memory_space<vmem>>
    %dma_wait3A_166 = arith.constant 0 : i32
    %dma_wait3A_167 = arith.constant 0 : i32
    %dma_wait3A_168 = tpu.memref_slice %arg5[%mul3A_2, %dma_wait3A_166, %dma_wait3A_167] : memref<4096x200x128xf32, #tpu.memory_space<hbm>> -> memref<1x40x128xf32, #tpu.memory_space<hbm>>
    %dma_wait3A_169 = tpu.memref_squeeze %dma_wait3A_168 : memref<1x40x128xf32, #tpu.memory_space<hbm>> -> memref<40x128xf32, #tpu.memory_space<hbm>>
    %dma_wait3A_170 = arith.constant 0 : i32
    %dma_wait3A_171 = arith.constant 0 : i32
    %dma_wait3A_172 = tpu.memref_slice %arg5[%mul3A_2, %dma_wait3A_170, %dma_wait3A_171] : memref<4096x200x128xf32, #tpu.memory_space<hbm>> -> memref<1x40x128xf32, #tpu.memory_space<hbm>>
    %dma_wait3A_173 = tpu.memref_squeeze %dma_wait3A_172 : memref<1x40x128xf32, #tpu.memory_space<hbm>> -> memref<40x128xf32, #tpu.memory_space<hbm>>
    %dma_wait3A_174 = arith.constant 0 : i32
    %dma_wait3A_175 = arith.constant 0 : i32
    %dma_wait3A_176 = tpu.memref_slice %arg8[%dma_wait3A_161, %dma_wait3A_174, %dma_wait3A_175] : memref<10x40x128xf32, #tpu.memory_space<vmem>> -> memref<1x40x128xf32, #tpu.memory_space<vmem>>
    %dma_wait3A_177 = tpu.memref_squeeze %dma_wait3A_176 : memref<1x40x128xf32, #tpu.memory_space<vmem>> -> memref<40x128xf32, #tpu.memory_space<vmem>>
    tpu.wait_dma2 semaphore(%arg24 : memref<!tpu.dma_semaphore, #tpu.memory_space<semaphore_mem>>) src(%dma_wait3A_177 : memref<40x128xf32, #tpu.memory_space<vmem>>) dst(%dma_wait3A_173 : memref<40x128xf32, #tpu.memory_space<hbm>>)
    %dma_wait3A_178 = arith.constant 6 : i32
    %dma_wait3A_179 = arith.constant 0 : i32
    %dma_wait3A_180 = arith.constant 0 : i32
    %dma_wait3A_181 = tpu.memref_slice %arg8[%dma_wait3A_178, %dma_wait3A_179, %dma_wait3A_180] : memref<10x40x128xf32, #tpu.memory_space<vmem>> -> memref<1x40x128xf32, #tpu.memory_space<vmem>>
    %dma_wait3A_182 = tpu.memref_squeeze %dma_wait3A_181 : memref<1x40x128xf32, #tpu.memory_space<vmem>> -> memref<40x128xf32, #tpu.memory_space<vmem>>
    %dma_wait3A_183 = arith.constant 0 : i32
    %dma_wait3A_184 = arith.constant 0 : i32
    %dma_wait3A_185 = tpu.memref_slice %arg5[%mul3A_2, %dma_wait3A_183, %dma_wait3A_184] : memref<4096x200x128xf32, #tpu.memory_space<hbm>> -> memref<1x40x128xf32, #tpu.memory_space<hbm>>
    %dma_wait3A_186 = tpu.memref_squeeze %dma_wait3A_185 : memref<1x40x128xf32, #tpu.memory_space<hbm>> -> memref<40x128xf32, #tpu.memory_space<hbm>>
    %dma_wait3A_187 = arith.constant 0 : i32
    %dma_wait3A_188 = arith.constant 0 : i32
    %dma_wait3A_189 = tpu.memref_slice %arg5[%mul3A_2, %dma_wait3A_187, %dma_wait3A_188] : memref<4096x200x128xf32, #tpu.memory_space<hbm>> -> memref<1x40x128xf32, #tpu.memory_space<hbm>>
    %dma_wait3A_190 = tpu.memref_squeeze %dma_wait3A_189 : memref<1x40x128xf32, #tpu.memory_space<hbm>> -> memref<40x128xf32, #tpu.memory_space<hbm>>
    %dma_wait3A_191 = arith.constant 0 : i32
    %dma_wait3A_192 = arith.constant 0 : i32
    %dma_wait3A_193 = tpu.memref_slice %arg8[%dma_wait3A_178, %dma_wait3A_191, %dma_wait3A_192] : memref<10x40x128xf32, #tpu.memory_space<vmem>> -> memref<1x40x128xf32, #tpu.memory_space<vmem>>
    %dma_wait3A_194 = tpu.memref_squeeze %dma_wait3A_193 : memref<1x40x128xf32, #tpu.memory_space<vmem>> -> memref<40x128xf32, #tpu.memory_space<vmem>>
    tpu.wait_dma2 semaphore(%arg25 : memref<!tpu.dma_semaphore, #tpu.memory_space<semaphore_mem>>) src(%dma_wait3A_194 : memref<40x128xf32, #tpu.memory_space<vmem>>) dst(%dma_wait3A_190 : memref<40x128xf32, #tpu.memory_space<hbm>>)
    %dma_wait3A_195 = arith.constant 7 : i32
    %dma_wait3A_196 = arith.constant 0 : i32
    %dma_wait3A_197 = arith.constant 0 : i32
    %dma_wait3A_198 = tpu.memref_slice %arg8[%dma_wait3A_195, %dma_wait3A_196, %dma_wait3A_197] : memref<10x40x128xf32, #tpu.memory_space<vmem>> -> memref<1x40x128xf32, #tpu.memory_space<vmem>>
    %dma_wait3A_199 = tpu.memref_squeeze %dma_wait3A_198 : memref<1x40x128xf32, #tpu.memory_space<vmem>> -> memref<40x128xf32, #tpu.memory_space<vmem>>
    %dma_wait3A_200 = arith.constant 0 : i32
    %dma_wait3A_201 = arith.constant 0 : i32
    %dma_wait3A_202 = tpu.memref_slice %arg5[%mul3A_2, %dma_wait3A_200, %dma_wait3A_201] : memref<4096x200x128xf32, #tpu.memory_space<hbm>> -> memref<1x40x128xf32, #tpu.memory_space<hbm>>
    %dma_wait3A_203 = tpu.memref_squeeze %dma_wait3A_202 : memref<1x40x128xf32, #tpu.memory_space<hbm>> -> memref<40x128xf32, #tpu.memory_space<hbm>>
    %dma_wait3A_204 = arith.constant 0 : i32
    %dma_wait3A_205 = arith.constant 0 : i32
    %dma_wait3A_206 = tpu.memref_slice %arg5[%mul3A_2, %dma_wait3A_204, %dma_wait3A_205] : memref<4096x200x128xf32, #tpu.memory_space<hbm>> -> memref<1x40x128xf32, #tpu.memory_space<hbm>>
    %dma_wait3A_207 = tpu.memref_squeeze %dma_wait3A_206 : memref<1x40x128xf32, #tpu.memory_space<hbm>> -> memref<40x128xf32, #tpu.memory_space<hbm>>
    %dma_wait3A_208 = arith.constant 0 : i32
    %dma_wait3A_209 = arith.constant 0 : i32
    %dma_wait3A_210 = tpu.memref_slice %arg8[%dma_wait3A_195, %dma_wait3A_208, %dma_wait3A_209] : memref<10x40x128xf32, #tpu.memory_space<vmem>> -> memref<1x40x128xf32, #tpu.memory_space<vmem>>
    %dma_wait3A_211 = tpu.memref_squeeze %dma_wait3A_210 : memref<1x40x128xf32, #tpu.memory_space<vmem>> -> memref<40x128xf32, #tpu.memory_space<vmem>>
    tpu.wait_dma2 semaphore(%arg26 : memref<!tpu.dma_semaphore, #tpu.memory_space<semaphore_mem>>) src(%dma_wait3A_211 : memref<40x128xf32, #tpu.memory_space<vmem>>) dst(%dma_wait3A_207 : memref<40x128xf32, #tpu.memory_space<hbm>>)
    %dma_wait3A_212 = arith.constant 8 : i32
    %dma_wait3A_213 = arith.constant 0 : i32
    %dma_wait3A_214 = arith.constant 0 : i32
    %dma_wait3A_215 = tpu.memref_slice %arg8[%dma_wait3A_212, %dma_wait3A_213, %dma_wait3A_214] : memref<10x40x128xf32, #tpu.memory_space<vmem>> -> memref<1x40x128xf32, #tpu.memory_space<vmem>>
    %dma_wait3A_216 = tpu.memref_squeeze %dma_wait3A_215 : memref<1x40x128xf32, #tpu.memory_space<vmem>> -> memref<40x128xf32, #tpu.memory_space<vmem>>
    %dma_wait3A_217 = arith.constant 0 : i32
    %dma_wait3A_218 = arith.constant 0 : i32
    %dma_wait3A_219 = tpu.memref_slice %arg5[%mul3A_2, %dma_wait3A_217, %dma_wait3A_218] : memref<4096x200x128xf32, #tpu.memory_space<hbm>> -> memref<1x40x128xf32, #tpu.memory_space<hbm>>
    %dma_wait3A_220 = tpu.memref_squeeze %dma_wait3A_219 : memref<1x40x128xf32, #tpu.memory_space<hbm>> -> memref<40x128xf32, #tpu.memory_space<hbm>>
    %dma_wait3A_221 = arith.constant 0 : i32
    %dma_wait3A_222 = arith.constant 0 : i32
    %dma_wait3A_223 = tpu.memref_slice %arg5[%mul3A_2, %dma_wait3A_221, %dma_wait3A_222] : memref<4096x200x128xf32, #tpu.memory_space<hbm>> -> memref<1x40x128xf32, #tpu.memory_space<hbm>>
    %dma_wait3A_224 = tpu.memref_squeeze %dma_wait3A_223 : memref<1x40x128xf32, #tpu.memory_space<hbm>> -> memref<40x128xf32, #tpu.memory_space<hbm>>
    %dma_wait3A_225 = arith.constant 0 : i32
    %dma_wait3A_226 = arith.constant 0 : i32
    %dma_wait3A_227 = tpu.memref_slice %arg8[%dma_wait3A_212, %dma_wait3A_225, %dma_wait3A_226] : memref<10x40x128xf32, #tpu.memory_space<vmem>> -> memref<1x40x128xf32, #tpu.memory_space<vmem>>
    %dma_wait3A_228 = tpu.memref_squeeze %dma_wait3A_227 : memref<1x40x128xf32, #tpu.memory_space<vmem>> -> memref<40x128xf32, #tpu.memory_space<vmem>>
    tpu.wait_dma2 semaphore(%arg27 : memref<!tpu.dma_semaphore, #tpu.memory_space<semaphore_mem>>) src(%dma_wait3A_228 : memref<40x128xf32, #tpu.memory_space<vmem>>) dst(%dma_wait3A_224 : memref<40x128xf32, #tpu.memory_space<hbm>>)
    %dma_wait3A_229 = arith.constant 9 : i32
    %dma_wait3A_230 = arith.constant 0 : i32
    %dma_wait3A_231 = arith.constant 0 : i32
    %dma_wait3A_232 = tpu.memref_slice %arg8[%dma_wait3A_229, %dma_wait3A_230, %dma_wait3A_231] : memref<10x40x128xf32, #tpu.memory_space<vmem>> -> memref<1x40x128xf32, #tpu.memory_space<vmem>>
    %dma_wait3A_233 = tpu.memref_squeeze %dma_wait3A_232 : memref<1x40x128xf32, #tpu.memory_space<vmem>> -> memref<40x128xf32, #tpu.memory_space<vmem>>
    %dma_wait3A_234 = arith.constant 0 : i32
    %dma_wait3A_235 = arith.constant 0 : i32
    %dma_wait3A_236 = tpu.memref_slice %arg5[%mul3A_2, %dma_wait3A_234, %dma_wait3A_235] : memref<4096x200x128xf32, #tpu.memory_space<hbm>> -> memref<1x40x128xf32, #tpu.memory_space<hbm>>
    %dma_wait3A_237 = tpu.memref_squeeze %dma_wait3A_236 : memref<1x40x128xf32, #tpu.memory_space<hbm>> -> memref<40x128xf32, #tpu.memory_space<hbm>>
    %dma_wait3A_238 = arith.constant 0 : i32
    %dma_wait3A_239 = arith.constant 0 : i32
    %dma_wait3A_240 = tpu.memref_slice %arg5[%mul3A_2, %dma_wait3A_238, %dma_wait3A_239] : memref<4096x200x128xf32, #tpu.memory_space<hbm>> -> memref<1x40x128xf32, #tpu.memory_space<hbm>>
    %dma_wait3A_241 = tpu.memref_squeeze %dma_wait3A_240 : memref<1x40x128xf32, #tpu.memory_space<hbm>> -> memref<40x128xf32, #tpu.memory_space<hbm>>
    %dma_wait3A_242 = arith.constant 0 : i32
    %dma_wait3A_243 = arith.constant 0 : i32
    %dma_wait3A_244 = tpu.memref_slice %arg8[%dma_wait3A_229, %dma_wait3A_242, %dma_wait3A_243] : memref<10x40x128xf32, #tpu.memory_space<vmem>> -> memref<1x40x128xf32, #tpu.memory_space<vmem>>
    %dma_wait3A_245 = tpu.memref_squeeze %dma_wait3A_244 : memref<1x40x128xf32, #tpu.memory_space<vmem>> -> memref<40x128xf32, #tpu.memory_space<vmem>>
    tpu.wait_dma2 semaphore(%arg28 : memref<!tpu.dma_semaphore, #tpu.memory_space<semaphore_mem>>) src(%dma_wait3A_245 : memref<40x128xf32, #tpu.memory_space<vmem>>) dst(%dma_wait3A_241 : memref<40x128xf32, #tpu.memory_space<hbm>>)
    return
  }
}

</mosaic_0001>

<sc_bundles>
// kernel: kernel.3.cloned.1.call-start
scs
__scs_entry_jumppad:
0x0: {  	(pc) =	sbr.rel $0x88, $3  }
0x1: {  	(tag) =	ssettag $0x0;
	lr =	simm.s32 $0x1  }
0x2: {  	[smem:$0x3F9E] =	sst lr;
	_ =	strace $0xD0000000  }
0x3: {  	_ = 	snop  }
0x4: {  	_ = 	snop  }
0x5: {  	_ = 	snop  }
0x6: {  	_ = 	snop  }
0x7: {  	_ = 	snop  }
__scs_overlays_trampoline_lowered:
0x8: {  	[smem:$0x3FAD] =	sst s0  }
0x9: {  	[smem:$0x3FAE] =	sst s1  }
0xa: {  	[smem:$0x3FAF] =	sst s2  }
0xb: {  	[smem:$0x3FB0] =	sst s3  }
0xc: {  	[smem:$0x3FB1] =	sst s4  }
0xd: {  	[smem:$0x3FB2] =	sst s5  }
0xe: {  	[smem:$0x3FB3] =	sst s6  }
0xf: {  	[smem:$0x3FB4] =	sst s7  }
0x10: {  	[smem:$0x3FB5] =	sst s8  }
0x11: {  	[smem:$0x3FB6] =	sst s9;
	s0 =	simm.s32 @!p0 $0x0  }
0x12: {  	s1 =	sld [smem:$0x3F9C];
	s0 =	simm.s32 @p0 $0x1  }
0x13: {  	[smem:$0x3FB7] =	sst s0;
	s0 =	simm.s32 @!p1 $0x0  }
0x14: {  	s2 =	sld [smem:$0x3F9B];
	s0 =	simm.s32 @p1 $0x1  }
0x15: {  	[smem:$0x3FB8] =	sst s0;
	s0 =	simm.s32 @!p2 $0x0  }
0x16: {  	s3 =	sld [smem:$0x3FDB];
	s0 =	simm.s32 @p2 $0x1  }
0x17: {  	s4 =	simm.s32 $0x1BF5;
	[smem:$0x3FBA] =	sst s0  }
0x18: {  	s0 =	sld [smem:$0x3F9D];
	_ =	swait.ge [sflag:s4], $0x0  }
0x19: {  	s7 =	sld [smem:$0x3F9E]  }
0x1a: {  	s8 =	sadd.s32 $0xFFFFE003, lr  }
0x1b: {  	s9 =	sadd.s32 $0xFFFFFEF7, lr;
	s5 =	simm.s32 $0xFFFFFFFF;
	p2 =	slt.u32 s8, $0xFFFFF086  }
0x1c: {  	p1 =	slt.u32 s9, $0xF7A;
	s5 =	simm.s32 @!p2 $0x0  }
0x1d: {  	s5 =	simm.s32 @p1 $0x1;
	p0 =	seq.s32 s7, s2  }
0x1e: {  	s7 =	smul.u32 @!p0 $0xF7A, s2;
	p2 =	seq.s32 @!p0 s5, $0x0  }
0x1f: {  	s9 =	smul.u32 $0xF7A, s1;
	s8 =	simm.s32 @!p0 $0x1BF5;
	p2 =	por !p2, p0  }
0x20: {  	[sflag:s8] =	ssyncset.s32 @!p0 $0xFFFFF086;
	s6 =	sadd.s32 @!p0 s3, s7;
	s7 =	simm.s32 @!p0 $0x108  }
0x21: {  	s3 =	sadd.s32 s3, s9;
	s6 =	sadd.s32 @!p0 $0x88, s6;
	s7 =	simm.s32 @p2 $0x1082  }
0x22: {  	[simem:s7], [sflag:s8] =	dma.local @!p0 [hbm:s6], $0xF7A  }
0x23: {  	s9 =	sor.u32 $0xD0000000, s2;
	s6 =	simm.s32 $0x108;
	_ =	swait.ge @!p0 [sflag:s8], $0x0  }
0x24: {  	s3 =	sadd.s32 $0x88, s3;
	s6 =	simm.s32 @!p1 $0x1082;
	[sflag:s4] =	ssyncset.s32 $0xFFFFF086  }
0x25: {  	[simem:s6], [sflag:s4] =	dma.local [hbm:s3], $0xF7A  }
0x26: {  	[smem:$0x3F9E] =	sst s1;
	(tag) =	ssettag s2;
	_ =	strace s9  }
0x27: {  	s1 =	sld [smem:$0x3FAE]  }
0x28: {  	s2 =	sld [smem:$0x3FAF]  }
0x29: {  	s4 =	sld [smem:$0x3FB1]  }
0x2a: {  	p0 =	seq.s32 s5, $0x0;
	s5 =	sld [smem:$0x3FB2]  }
0x2b: {  	s6 =	sld [smem:$0x3FB3]  }
0x2c: {  	s7 =	sld [smem:$0x3FB4]  }
0x2d: {  	s3 =	simm.s32 $0x108;
	s8 =	sld [smem:$0x3FB5]  }
0x2e: {  	s3 =	simm.s32 @!p0 $0x1082;
	s9 =	sld [smem:$0x3FB6]  }
0x2f: {  	lr =	sadd.s32 s0, s3;
	s0 =	sld [smem:$0x3FAD]  }
0x30: {  	s3 =	sld [smem:$0x3FB0]  }
0x31: {  	[smem:$0x3FB9] =	sst s10  }
0x32: {  	s10 =	sld [smem:$0x3FB7];
	_ =	sdelay $0x3  }
0x33: {  	p0 =	seq.s32 s10, $0x1;
	s10 =	sld [smem:$0x3FB9];
	_ =	sdelay $0x3  }
0x34: {  	[smem:$0x3FB9] =	sst s10  }
0x35: {  	s10 =	sld [smem:$0x3FB8];
	_ =	sdelay $0x3  }
0x36: {  	p1 =	seq.s32 s10, $0x1;
	s10 =	sld [smem:$0x3FB9];
	_ =	sdelay $0x3  }
0x37: {  	[smem:$0x3FB9] =	sst s10  }
0x38: {  	s10 =	sld [smem:$0x3FBA]  }
0x39: {  	_ = 	snop;
	(pc) =	sbr.ind lr, $3  }
0x3a: {  	_ = 	snop  }
0x3b: {  	_ = 	snop  }
0x3c: {  	p2 =	seq.s32 s10, $0x1;
	s10 =	sld [smem:$0x3FB9]  }
0x3d: {  	_ =	shalt  }
0x3e: {  	_ =	shalt  }
0x3f: {  	_ =	shalt  }
0x40: {  	_ =	shalt  }
0x41: {  	_ =	shalt  }
0x42: {  	_ =	shalt  }
0x43: {  	_ =	shalt  }
0x44: {  	_ =	shalt  }
0x45: {  	_ =	shalt  }
0x46: {  	_ =	shalt  }
0x47: {  	_ =	shalt  }
0x48: {  	_ =	shalt  }
0x49: {  	_ =	shalt  }
0x4a: {  	_ =	shalt  }
0x4b: {  	_ =	shalt  }
0x4c: {  	_ =	shalt  }
0x4d: {  	_ =	shalt  }
0x4e: {  	_ =	shalt  }
0x4f: {  	_ =	shalt  }
0x50: {  	_ =	shalt  }
0x51: {  	_ =	shalt  }
0x52: {  	_ =	shalt  }
0x53: {  	_ =	shalt  }
0x54: {  	_ =	shalt  }
0x55: {  	_ =	shalt  }
0x56: {  	_ =	shalt  }
0x57: {  	_ =	shalt  }
0x58: {  	_ =	shalt  }
0x59: {  	_ =	shalt  }
0x5a: {  	_ =	shalt  }
0x5b: {  	_ =	shalt  }
0x5c: {  	_ =	shalt  }
0x5d: {  	_ =	shalt  }
0x5e: {  	_ =	shalt  }
0x5f: {  	_ =	shalt  }
0x60: {  	_ =	shalt  }
0x61: {  	_ =	shalt  }
0x62: {  	_ =	shalt  }
0x63: {  	_ =	shalt  }
0x64: {  	_ =	shalt  }
0x65: {  	_ =	shalt  }
0x66: {  	_ =	shalt  }
0x67: {  	_ =	shalt  }
0x68: {  	_ =	shalt  }
0x69: {  	_ =	shalt  }
0x6a: {  	_ =	shalt  }
0x6b: {  	_ =	shalt  }
0x6c: {  	_ =	shalt  }
0x6d: {  	_ =	shalt  }
0x6e: {  	_ =	shalt  }
0x6f: {  	_ =	shalt  }
0x70: {  	_ =	shalt  }
0x71: {  	_ =	shalt  }
0x72: {  	_ =	shalt  }
0x73: {  	_ =	shalt  }
0x74: {  	_ =	shalt  }
0x75: {  	_ =	shalt  }
0x76: {  	_ =	shalt  }
0x77: {  	_ =	shalt  }
0x78: {  	_ =	shalt  }
0x79: {  	_ =	shalt  }
0x7a: {  	_ =	shalt  }
0x7b: {  	_ =	shalt  }
0x7c: {  	_ =	shalt  }
0x7d: {  	_ =	shalt  }
0x7e: {  	_ =	shalt  }
0x7f: {  	_ =	shalt  }
0x80: {  	_ =	shalt  }
0x81: {  	_ =	shalt  }
0x82: {  	_ =	shalt  }
0x83: {  	_ =	shalt  }
0x84: {  	_ =	shalt  }
0x85: {  	_ =	shalt  }
0x86: {  	_ =	shalt  }
0x87: {  	_ =	shalt  }
.Lfunc_end0:
.L_simem_size_0:
called_computation_lowered:
.L_overlay_start_0:
0x88: {  	s2 =	sld [smem:$0x3FD9]  }
0x89: {  	s3 =	sld [smem:$0x3FFE];
	_ =	sdelay $0x1  }
0x8a: {  	s1 =	srdreg.scid  }
0x8b: {  	s0 =	sand.u32 $0x1, s1  }
0x8c: {  	s17 =	sshll.u32 s0, $0xA;
	s2 =	sadd.s32 s3, s2  }
0x8d: {  	s2 =	sadd.s32 s2, s17  }
0x8e: {  	[smem:$0x3FC5] =	sst s2  }
0x8f: {  	_ = 	snop  }
0x90: {  	s2 =	sld [smem:$0x3FC8]  }
0x91: {  	s18 =	sld [smem:$0x3FC7]  }
0x92: {  	s4 =	sld [smem:$0x3FD0];
	(tm) =	ssettm $0x1  }
0x93: {  	s5 =	sld [smem:$0x3FFB];
	_ =	sdelay $0x3  }
0x94: {  	_ =	strace s5  }
0x95: {  	s5 =	sld [smem:$0x3FFC];
	_ =	sdelay $0x3  }
0x96: {  	_ =	strace s5  }
0x97: {  	s5 =	sld [smem:$0x3FFD];
	_ =	sdelay $0x3  }
0x98: {  	_ =	strace s5  }
0x99: {  	_ =	strace $0x8FFFFFFF  }
0x9a: {  	s19 =	sld [smem:$0x3FDB];
	_ =	sdelay $0x1  }
0x9b: {  	s6 =	simm.s32 $_scs_section_size  }
0x9c: {  	s7 =	simm.s32 $_size__tile_overlayer_lowered;
	s8 =	simm.s32 $_tile_overlayer_lowered  }
0x9d: {  	s22 =	simm.s32 $0x1BFF;
	s21 =	sshll.u32 s8, $0x1;
	s5 =	sadd.s32 s6, s19  }
0x9e: {  	s9 =	simm.s32 $0x0;
	s20 =	sshll.u32 s7, $0x1;
	s7 =	sadd.s32 s21, s5  }
0x9f: {  	[timem:s9], [sflag:s22] =	dma.local [hbm:s7], s20  }
0xa0: {  	_ =	swait.ge [sflag:s22], s20  }
0xa1: {  	s6 =	ssub.s32 $0x0, s20;
	[sflag:s22] =	ssyncset.done $0x0  }
0xa2: {  	[sflag:s22] =	ssyncadd.s32 s6;
	_ =	sdelay $0x1  }
0xa3: {  	s23 =	simm.s32 $0x1B8B  }
0xa4: {  	_ =	swait.ge [sflag:s23], $0x1  }
0xa5: {  	[sflag:s23] =	ssyncset.done $0x0  }
0xa6: {  	s25 =	simm.s32 $0x1B8E;
	s24 =	sld [smem:$0x3FFE];
	[sflag:s23] =	ssyncadd.s32 $0xFFFFFFFF  }
0xa7: {  	s26 =	simm.s32 $execute0_lowered;
	[smem:$0x3FD2] =	sst s25  }
0xa8: {  	s7 =	sshll.u32 s26, $0x1;
	_ =	strace $0x80000046;
	[dreg:$0x1] =	wrdreg $0xFFFFFFFF  }
0xa9: {  	s28 =	simm.s32 $_size_execute0_lowered;
	s5 =	sadd.s32 s5, s7;
	[dreg:$0x0] =	wrdreg $0x0  }
0xaa: {  	s7 =	sshll.u32 s28, $0x1;
	[dreg:$0x2] =	wrdreg s5  }
0xab: {  	[dreg:$0x3] =	wrdreg s7  }
0xac: {  	[dreg:$0x4] =	wrdreg $0xC0  }
0xad: {  	_ =	task [dreg:s9], $0x5FFFF  }
0xae: {  	[dreg:$0x1] =	wrdreg $0xFFFFFFFF  }
0xaf: {  	[dreg:$0x0] =	wrdreg $0x60  }
0xb0: {  	[dreg:$0x2] =	wrdreg s24  }
0xb1: {  	[dreg:$0x3] =	wrdreg s18  }
0xb2: {  	[dreg:$0x4] =	wrdreg s2  }
0xb3: {  	[dreg:$0x5] =	wrdreg s4  }
0xb4: {  	[dreg:$0x6] =	wrdreg $0x9  }
0xb5: {  	_ =	task.clear_ibuf [dreg:s9], $0x7FFFF;
	_ =	strace $0x90000046  }
0xb6: {  	s29 =	simm.s32 $0x9;
	_ =	strace $0x80000048  }
0xb7: {  	_ =	swait.ge [sflag:s29], $0x1  }
0xb8: {  	[sflag:s29] =	ssyncadd.s32 $0xFFFFFFFF  }
0xb9: {  	_ =	strace $0x90000048  }
0xba: {  	_ =	sfence  }
0xbb: {  	s30 =	sld [smem:$0x0];
	_ =	sdelay $0x2  }
0xbc: {  	s31 =	sshll.u32 s1, $0xD;
	s1 =	sshrl.u32 s1, $0x2  }
0xbd: {  	s3 =	sand.u32 $0x4000, s31;
	s1 =	sadd.s32 s1, s30  }
0xbe: {  	s0 =	sor.u32 s3, s0;
	s1 =	sshll.u32 s1, $0x11  }
0xbf: {  	s0 =	sor.u32 s1, s0  }
0xc0: {  	s0 =	sadd.s32 $0x8F2B, s0  }
0xc1: {  	[sflag:s0] =	ssyncadd.remote.s32 $0x1  }
0xc2: {  	_ =	sfence.sel $0xFFFF  }
0xc3: {  	[dreg:$0x0] =	wrdreg $0xFFFFFFFF;
	(pc) =	sbr.abs _section_cstart, $3  }
0xc4: {  	[dreg:$0x1] =	wrdreg $0xFFFFFFFF  }
0xc5: {  	_ =	task.clear_ibuf [dreg:s9], $0x2FFFF;
	_ =	strace $0x9FFFFFFF  }
0xc6: {  	(tm) =	ssettm $0x7FFFFFFF  }
0xc7: {  	_ =	shalt  }
tec
execute0_lowered:
.L_overlay_start_1:
0x0: {  	(tag) =	ssettag $0x1  }
0x1: {  	s0 =	rddreg [dreg:$0x0]  }
0x2: {  	s1 =	srdreg.scid;
	s3 =	rddreg [dreg:$0x2]  }
0x3: {  	s2 =	stileid.u32;
	s4 =	rddreg [dreg:$0x3]  }
0x4: {  	s5 =	simm.s32 $0x0;
	s13 =	simm.s32 $0x28;
	s18 =	simm.s32 $0xF000  }
0x5: {  	s20 =	simm.s32 $0x10400;
	s22 =	simm.s32 $0x11800;
	s28 =	simm.s32 $0x15400  }
0x6: {  	s29 =	simm.s32 $0x3;
	s30 =	simm.s32 $0x16800;
	s31 =	simm.s32 $0x4  }
0x7: {  	s15 =	simm.s32 $0x7;
	s1 =	sand.u32 $0x1, s1;
	s2 =	sshll.u32 s2, $0x1  }
0x8: {  	s17 =	simm.s32 $0x8;
	s19 =	simm.s32 $0x9;
	s2 =	sor.u32 s1, s2  }
0x9: {  	s21 =	simm.s32 $0xA;
	s1 =	ssub.s32 $0x2, s1;
	s6 =	smul.u32 $0xC80, s2  }
0xa: {  	[smem:$0x7FF] =	sst s5;
	s7 =	smul.u32 $0x320000, s2;
	s23 =	sshrl.u32 s1, $0x1  }
0xb: {  	s10 =	simm.s32 $0x0;
	_ =	strace $0x80000047;
	s1 =	ssub.s32 s1, s23  }
0xc: {  	s23 =	simm.s32 $0x12C00;
	s0 =	sadd.s32 s6, s0;
	s7 =	sshrl.u32 s7, $0x3  }
0xd: {  	s6 =	sshll.u32 s2, $0x7;
	s26 =	smax.u32 s1, $0x1;
	s2 =	simm.s32 $0x17C00  }
0xe: {  	s1 =	simm.s32 $0x6;
	s24 =	sadd.s32 s4, s7;
	s0 =	sadd.s32 $0x400, s0  }
0xf: {  	s8 =	sadd.s32 $0xFFFFFFFF, s6;
	[dreg:$0x7] =	wrdreg s26;
	s26 =	simm.s32 $0x2  }
0x10: {  	[dreg:$0x5] =	wrdreg s0;
	s25 =	sadd.s32 $0x63D80, s24;
	s24 =	simm.s32 $0x1  }
0x11: {  	s0 =	simm.s32 $0x5;
	[dreg:$0x6] =	wrdreg s25;
	s25 =	simm.s32 $0x14000  }
.LBB2_1:
0x12: {  	[dreg:$0x8] =	wrdreg s10  }
0x13: {  	s7 =	rddreg [dreg:$0x1];
	s9 =	simm.s32 $0x15  }
0x14: {  	[tilespmem:s5], [sflag:$0x15] =	stream.linear.gather [hbm4b:s7+s5], $0x6400, $0x38;
	[tilespmem:$0x19000] =	vst v63  }
0x15: {  	_ =	swait.ge [sflag:s9], $0x6400  }
0x16: {  	[sflag:s9] =	ssyncset.done $0x0  }
0x17: {  	s16 =	simm.s32 $0x6400;
	s14 =	rddreg [dreg:$0x5];
	[sflag:s9] =	ssyncadd.s32 $0xFFFF9C00  }
0x18: {  	[tilespmem:s16], [sflag:$0x15] =	stream.linear.gather [hbm4b:s14+s5], $0x6400, $0x38;
	[tilespmem:$0x19000] =	vst v63  }
0x19: {  	_ =	swait.ge [sflag:s9], $0x6400  }
0x1a: {  	[sflag:s9] =	ssyncset.done $0x0  }
0x1b: {  	[sflag:s9] =	ssyncadd.s32 $0xFFFF9C00;
	s9 =	simm.s32 $0xC800  }
0x1c: {  	[tilespmem:s9], [sflag:$0x1] =	stream.indirect.gather [hbm4b:s3+s13], $0x80, s16, s13, $0xb8;
	[tilespmem:$0x19000] =	vst v63  }
0x1d: {  	s10 =	simm.s32 $0x6428;
	s11 =	simm.s32 $0xDC00  }
0x1e: {  	[tilespmem:s11], [sflag:$0x2] =	stream.indirect.gather [hbm4b:s3+s13], $0x80, s10, s13, $0xb8;
	[tilespmem:$0x19000] =	vst v63  }
0x1f: {  	s12 =	simm.s32 $0x6450  }
0x20: {  	[tilespmem:s18], [sflag:$0x3] =	stream.indirect.gather [hbm4b:s3+s13], $0x80, s12, s13, $0xb8;
	[tilespmem:$0x19000] =	vst v63  }
0x21: {  	s14 =	simm.s32 $0x6478  }
0x22: {  	[tilespmem:s20], [sflag:$0x4] =	stream.indirect.gather [hbm4b:s3+s13], $0x80, s14, s13, $0xb8;
	[tilespmem:$0x19000] =	vst v63  }
0x23: {  	s16 =	simm.s32 $0x64A0;
	s10 =	simm.s32 $0x0  }
0x24: {  	[tilespmem:s22], [sflag:$0x5] =	stream.indirect.gather [hbm4b:s3+s13], $0x80, s16, s13, $0xb8;
	[tilespmem:$0x19000] =	vst v63  }
.LBB2_2:
0x25: {  	s7 =	sshll.u32 s10, $0x1;
	p0 =	seq.s32 s10, $0x0  }
0x26: {  	s9 =	sadd.s32 @!p0 s7, s8  }
0x27: {  	s9 =	smul.u32 @!p0 $0x6400, s9;
	_ =	sdelay $0x1  }
0x28: {  	s9 =	sadd.s32 @!p0 $0x5000, s9  }
0x29: {  	s9 =	sshrl.u32 @!p0 s9, $0x3  }
0x2a: {  	s11 =	simm.s32 @!p0 $0x0;
	s12 =	simm.s32 @!p0 $0x17C00;
	s9 =	sadd.s32 @!p0 s4, s9  }
0x2b: {  	[hbm4b:s9+s11] =	stream.linear.scatter @!p0 [tilespmem:s12], [sflag:$0x14], $0x1400, $0x38;
	[tilespmem:$0x19000] =	vst v63  }
0x2c: {  	s14 =	smul.u32 $0x640, s10;
	s9 =	simm.s32 @!p0 $0x10  }
0x2d: {  	_ =	swait.ge @!p0 [sflag:s9], $0x1400  }
0x2e: {  	s12 =	sshra.s32 s14, $0x2;
	[sflag:s9] =	ssyncset.done @!p0 $0x0  }
0x2f: {  	s16 =	sadd.s32 $0x64C8, s12;
	[sflag:s9] =	ssyncadd.s32 @!p0 $0xFFFFEC00  }
0x30: {  	[tilespmem:s23], [sflag:$0x6] =	stream.indirect.gather [hbm4b:s3+s13], $0x80, s16, s13, $0xb8;
	[tilespmem:$0x19000] =	vst v63  }
0x31: {  	_ =	swait.ge [sflag:s24], $0x1400  }
0x32: {  	[sflag:s24] =	ssyncset.done $0x0  }
0x33: {  	s9 =	simm.s32 $0x0;
	[sflag:s24] =	ssyncadd.s32 $0xFFFFEC00  }
0x34: {  	v5 =	vld [tilespmem:s9+$0x0]  }
0x35: {  	v4 =	vld [tilespmem:s9+$0x10]  }
0x36: {  	v3 =	vld [tilespmem:s9+$0x20]  }
0x37: {  	v2 =	vld [tilespmem:s9+$0x30]  }
0x38: {  	v1 =	vld [tilespmem:s9+$0x40]  }
0x39: {  	v0 =	vld [tilespmem:s9+$0x50]  }
0x3a: {  	v6 =	vld [tilespmem:s9+$0xC800]  }
0x3b: {  	v11 =	vld [tilespmem:s9+$0xC810]  }
0x3c: {  	v10 =	vld [tilespmem:s9+$0xC820]  }
0x3d: {  	v9 =	vld [tilespmem:s9+$0xC830]  }
0x3e: {  	v8 =	vld [tilespmem:s9+$0xC840]  }
0x3f: {  	v7 =	vld [tilespmem:s9+$0xC850];
	v12 =	vmul.f32 $1.131370830e+01, v6  }
0x40: {  	s11 =	simm.s32 $0x200;
	v11 =	vmul.f32 $1.131370830e+01, v11;
	v6 =	vld [tilespmem:s9+$0xC860]  }
.LBB2_3:
0x41: {  	p1 =	sne.s32 s11, $0x4E00;
	v5 =	vadd.f32 v5, v12;
	v10 =	vmul.f32 $1.131370830e+01, v10;
	v12 =	vld [tilespmem:s9+$0xC870]  }
0x42: {  	v4 =	vadd.f32 v4, v11;
	v9 =	vmul.f32 $1.131370830e+01, v9;
	v11 =	vld [tilespmem:s9+$0x60]  }
0x43: {  	s14 =	sshra.s32 s11, $0x2;
	[tilespmem:s9+$0xC800] =	vst v5;
	v3 =	vadd.f32 v3, v10;
	v8 =	vmul.f32 $1.131370830e+01, v8;
	v10 =	vld [tilespmem:s9+$0x70]  }
0x44: {  	v5 =	vld [tilespmem:s14+$0x0];
	[tilespmem:s9+$0xC810] =	vst v4;
	v2 =	vadd.f32 v2, v9;
	v7 =	vmul.f32 $1.131370830e+01, v7  }
0x45: {  	v4 =	vld [tilespmem:s14+$0x10];
	[tilespmem:s9+$0xC820] =	vst v3;
	v1 =	vadd.f32 v1, v8;
	v6 =	vmul.f32 $1.131370830e+01, v6  }
0x46: {  	v3 =	vld [tilespmem:s14+$0x20];
	[tilespmem:s9+$0xC830] =	vst v2;
	v0 =	vadd.f32 v0, v7;
	v7 =	vmul.f32 $1.131370830e+01, v12  }
0x47: {  	v2 =	vld [tilespmem:s14+$0x30];
	[tilespmem:s9+$0xC840] =	vst v1;
	v6 =	vadd.f32 v11, v6  }
0x48: {  	v1 =	vld [tilespmem:s14+$0x40];
	[tilespmem:s9+$0xC850] =	vst v0;
	v7 =	vadd.f32 v10, v7  }
0x49: {  	v0 =	vld [tilespmem:s14+$0x50];
	[tilespmem:s9+$0xC860] =	vst v6  }
0x4a: {  	v6 =	vld [tilespmem:s14+$0xC800];
	[tilespmem:s9+$0xC870] =	vst v7;
	s9 =	smov.u32 s14  }
0x4b: {  	v11 =	vld [tilespmem:s9+$0xC810]  }
.Ltmp0:
0x4c: {  	v10 =	vld [tilespmem:s9+$0xC820];
	(pc) =	sbr.rel @p1 .LBB2_3-.Ltmp0, $4  }
0x4d: {  	v9 =	vld [tilespmem:s9+$0xC830]  }
0x4e: {  	v8 =	vld [tilespmem:s9+$0xC840]  }
0x4f: {  	v12 =	vmul.f32 $1.131370830e+01, v6;
	v7 =	vld [tilespmem:s9+$0xC850]  }
0x50: {  	s11 =	sadd.s32 $0x200, s11;
	v11 =	vmul.f32 $1.131370830e+01, v11;
	v6 =	vld [tilespmem:s9+$0xC860]  }
0x51: {  	v5 =	vadd.f32 v5, v12;
	v12 =	vld [tilespmem:s9+$0xC870];
	v10 =	vmul.f32 $1.131370830e+01, v10  }
0x52: {  	v13 =	vld [tilespmem:s9+$0x60];
	v4 =	vadd.f32 v4, v11;
	v9 =	vmul.f32 $1.131370830e+01, v9  }
0x53: {  	[tilespmem:s9+$0xC800] =	vst v5;
	v3 =	vadd.f32 v3, v10;
	v5 =	vmul.f32 $1.131370830e+01, v8;
	v8 =	vld [tilespmem:s9+$0x70]  }
0x54: {  	[tilespmem:s9+$0xC810] =	vst v4;
	v2 =	vadd.f32 v2, v9;
	v4 =	vmul.f32 $1.131370830e+01, v7  }
0x55: {  	[tilespmem:s9+$0xC820] =	vst v3;
	v1 =	vadd.f32 v1, v5;
	v3 =	vmul.f32 $1.131370830e+01, v6  }
0x56: {  	[tilespmem:s9+$0xC830] =	vst v2;
	v0 =	vadd.f32 v0, v4;
	v2 =	vmul.f32 $1.131370830e+01, v12  }
0x57: {  	s7 =	sor.u32 s6, s7;
	[tilespmem:s9+$0xC840] =	vst v1;
	v1 =	vadd.f32 v13, v3  }
0x58: {  	s11 =	smul.u32 $0xC80, s7;
	[tilespmem:s9+$0xC850] =	vst v0;
	v0 =	vadd.f32 v8, v2  }
0x59: {  	[tilespmem:s9+$0xC860] =	vst v1  }
0x5a: {  	s14 =	simm.s32 $0xC800;
	s11 =	sadd.s32 s4, s11;
	[tilespmem:s9+$0xC870] =	vst v0;
	s9 =	simm.s32 @!p0 $0x11  }
0x5b: {  	[hbm4b:s11+s5] =	stream.linear.scatter [tilespmem:s14], [sflag:$0xB], $0x1400, $0x38;
	[tilespmem:$0x19000] =	vst v63  }
0x5c: {  	_ =	swait.ge @!p0 [sflag:s9], $0x1400  }
0x5d: {  	[sflag:s9] =	ssyncset.done @!p0 $0x0  }
0x5e: {  	s16 =	sadd.s32 $0x64F0, s12;
	[sflag:s9] =	ssyncadd.s32 @!p0 $0xFFFFEC00  }
0x5f: {  	[tilespmem:s25], [sflag:$0x7] =	stream.indirect.gather [hbm4b:s3+s13], $0x80, s16, s13, $0xb8;
	[tilespmem:$0x19000] =	vst v63  }
0x60: {  	_ =	swait.ge [sflag:s26], $0x1400  }
0x61: {  	[sflag:s26] =	ssyncset.done $0x0  }
0x62: {  	s9 =	simm.s32 $0x0;
	[sflag:s26] =	ssyncadd.s32 $0xFFFFEC00  }
0x63: {  	v5 =	vld [tilespmem:s9+$0x1400]  }
0x64: {  	v4 =	vld [tilespmem:s9+$0x1410]  }
0x65: {  	v3 =	vld [tilespmem:s9+$0x1420]  }
0x66: {  	v2 =	vld [tilespmem:s9+$0x1430]  }
0x67: {  	v1 =	vld [tilespmem:s9+$0x1440]  }
0x68: {  	v0 =	vld [tilespmem:s9+$0x1450]  }
0x69: {  	v6 =	vld [tilespmem:s9+$0xDC00]  }
0x6a: {  	v11 =	vld [tilespmem:s9+$0xDC10]  }
0x6b: {  	v10 =	vld [tilespmem:s9+$0xDC20]  }
0x6c: {  	v9 =	vld [tilespmem:s9+$0xDC30]  }
0x6d: {  	v8 =	vld [tilespmem:s9+$0xDC40]  }
0x6e: {  	v7 =	vld [tilespmem:s9+$0xDC50];
	v12 =	vmul.f32 $1.131370830e+01, v6  }
0x6f: {  	s11 =	simm.s32 $0x200;
	v11 =	vmul.f32 $1.131370830e+01, v11;
	v6 =	vld [tilespmem:s9+$0xDC60]  }
.LBB2_5:
0x70: {  	p1 =	sne.s32 s11, $0x4E00;
	v5 =	vadd.f32 v5, v12;
	v10 =	vmul.f32 $1.131370830e+01, v10;
	v12 =	vld [tilespmem:s9+$0xDC70]  }
0x71: {  	v4 =	vadd.f32 v4, v11;
	v9 =	vmul.f32 $1.131370830e+01, v9;
	v11 =	vld [tilespmem:s9+$0x1460]  }
0x72: {  	s14 =	sshra.s32 s11, $0x2;
	[tilespmem:s9+$0xDC00] =	vst v5;
	v3 =	vadd.f32 v3, v10;
	v8 =	vmul.f32 $1.131370830e+01, v8;
	v10 =	vld [tilespmem:s9+$0x1470]  }
0x73: {  	v5 =	vld [tilespmem:s14+$0x1400];
	[tilespmem:s9+$0xDC10] =	vst v4;
	v2 =	vadd.f32 v2, v9;
	v7 =	vmul.f32 $1.131370830e+01, v7  }
0x74: {  	v4 =	vld [tilespmem:s14+$0x1410];
	[tilespmem:s9+$0xDC20] =	vst v3;
	v1 =	vadd.f32 v1, v8;
	v6 =	vmul.f32 $1.131370830e+01, v6  }
0x75: {  	v3 =	vld [tilespmem:s14+$0x1420];
	[tilespmem:s9+$0xDC30] =	vst v2;
	v0 =	vadd.f32 v0, v7;
	v7 =	vmul.f32 $1.131370830e+01, v12  }
0x76: {  	v2 =	vld [tilespmem:s14+$0x1430];
	[tilespmem:s9+$0xDC40] =	vst v1;
	v6 =	vadd.f32 v11, v6  }
0x77: {  	v1 =	vld [tilespmem:s14+$0x1440];
	[tilespmem:s9+$0xDC50] =	vst v0;
	v7 =	vadd.f32 v10, v7  }
0x78: {  	v0 =	vld [tilespmem:s14+$0x1450];
	[tilespmem:s9+$0xDC60] =	vst v6  }
0x79: {  	v6 =	vld [tilespmem:s14+$0xDC00];
	[tilespmem:s9+$0xDC70] =	vst v7;
	s9 =	smov.u32 s14  }
0x7a: {  	v11 =	vld [tilespmem:s9+$0xDC10]  }
.Ltmp1:
0x7b: {  	v10 =	vld [tilespmem:s9+$0xDC20];
	(pc) =	sbr.rel @p1 .LBB2_5-.Ltmp1, $4  }
0x7c: {  	v9 =	vld [tilespmem:s9+$0xDC30]  }
0x7d: {  	v8 =	vld [tilespmem:s9+$0xDC40]  }
0x7e: {  	v12 =	vmul.f32 $1.131370830e+01, v6;
	v7 =	vld [tilespmem:s9+$0xDC50]  }
0x7f: {  	s11 =	sadd.s32 $0x200, s11;
	v11 =	vmul.f32 $1.131370830e+01, v11;
	v6 =	vld [tilespmem:s9+$0xDC60]  }
0x80: {  	v5 =	vadd.f32 v5, v12;
	v12 =	vld [tilespmem:s9+$0xDC70];
	v10 =	vmul.f32 $1.131370830e+01, v10  }
0x81: {  	v13 =	vld [tilespmem:s9+$0x1460];
	v4 =	vadd.f32 v4, v11;
	v9 =	vmul.f32 $1.131370830e+01, v9  }
0x82: {  	[tilespmem:s9+$0xDC00] =	vst v5;
	v3 =	vadd.f32 v3, v10;
	v5 =	vmul.f32 $1.131370830e+01, v8;
	v8 =	vld [tilespmem:s9+$0x1470]  }
0x83: {  	[tilespmem:s9+$0xDC10] =	vst v4;
	v2 =	vadd.f32 v2, v9;
	v4 =	vmul.f32 $1.131370830e+01, v7  }
0x84: {  	[tilespmem:s9+$0xDC20] =	vst v3;
	v1 =	vadd.f32 v1, v5;
	v3 =	vmul.f32 $1.131370830e+01, v6  }
0x85: {  	s11 =	smul.u32 $0x6400, s7;
	[tilespmem:s9+$0xDC30] =	vst v2;
	v0 =	vadd.f32 v0, v4;
	v2 =	vmul.f32 $1.131370830e+01, v12  }
0x86: {  	[tilespmem:s9+$0xDC40] =	vst v1;
	v1 =	vadd.f32 v13, v3  }
0x87: {  	s11 =	sshrl.u32 s11, $0x3;
	[tilespmem:s9+$0xDC50] =	vst v0;
	v0 =	vadd.f32 v8, v2  }
0x88: {  	s11 =	sadd.s32 s4, s11;
	[tilespmem:s9+$0xDC60] =	vst v1  }
0x89: {  	s14 =	simm.s32 $0xDC00;
	s16 =	sadd.s32 $0x280, s11;
	[tilespmem:s9+$0xDC70] =	vst v0;
	s9 =	simm.s32 @!p0 $0x12  }
0x8a: {  	[hbm4b:s16+s5] =	stream.linear.scatter [tilespmem:s14], [sflag:$0xC], $0x1400, $0x38;
	[tilespmem:$0x19000] =	vst v63  }
0x8b: {  	_ =	swait.ge @!p0 [sflag:s9], $0x1400  }
0x8c: {  	[sflag:s9] =	ssyncset.done @!p0 $0x0  }
0x8d: {  	s16 =	sadd.s32 $0x6518, s12;
	[sflag:s9] =	ssyncadd.s32 @!p0 $0xFFFFEC00  }
0x8e: {  	[tilespmem:s28], [sflag:$0x8] =	stream.indirect.gather [hbm4b:s3+s13], $0x80, s16, s13, $0xb8;
	[tilespmem:$0x19000] =	vst v63  }
0x8f: {  	_ =	swait.ge [sflag:s29], $0x1400  }
0x90: {  	[sflag:s29] =	ssyncset.done $0x0  }
0x91: {  	s9 =	simm.s32 $0x0;
	[sflag:s29] =	ssyncadd.s32 $0xFFFFEC00  }
0x92: {  	v5 =	vld [tilespmem:s9+$0x2800]  }
0x93: {  	v4 =	vld [tilespmem:s9+$0x2810]  }
0x94: {  	v3 =	vld [tilespmem:s9+$0x2820]  }
0x95: {  	v2 =	vld [tilespmem:s9+$0x2830]  }
0x96: {  	v1 =	vld [tilespmem:s9+$0x2840]  }
0x97: {  	v0 =	vld [tilespmem:s9+$0x2850]  }
0x98: {  	v6 =	vld [tilespmem:s9+$0xF000]  }
0x99: {  	v11 =	vld [tilespmem:s9+$0xF010]  }
0x9a: {  	v10 =	vld [tilespmem:s9+$0xF020]  }
0x9b: {  	v9 =	vld [tilespmem:s9+$0xF030]  }
0x9c: {  	v8 =	vld [tilespmem:s9+$0xF040]  }
0x9d: {  	v7 =	vld [tilespmem:s9+$0xF050];
	v12 =	vmul.f32 $1.131370830e+01, v6  }
0x9e: {  	s14 =	simm.s32 $0x200;
	v11 =	vmul.f32 $1.131370830e+01, v11;
	v6 =	vld [tilespmem:s9+$0xF060]  }
.LBB2_7:
0x9f: {  	p1 =	sne.s32 s14, $0x4E00;
	v5 =	vadd.f32 v5, v12;
	v10 =	vmul.f32 $1.131370830e+01, v10;
	v12 =	vld [tilespmem:s9+$0xF070]  }
0xa0: {  	v4 =	vadd.f32 v4, v11;
	v9 =	vmul.f32 $1.131370830e+01, v9;
	v11 =	vld [tilespmem:s9+$0x2860]  }
0xa1: {  	s16 =	sshra.s32 s14, $0x2;
	[tilespmem:s9+$0xF000] =	vst v5;
	v3 =	vadd.f32 v3, v10;
	v8 =	vmul.f32 $1.131370830e+01, v8;
	v10 =	vld [tilespmem:s9+$0x2870]  }
0xa2: {  	v5 =	vld [tilespmem:s16+$0x2800];
	[tilespmem:s9+$0xF010] =	vst v4;
	v2 =	vadd.f32 v2, v9;
	v7 =	vmul.f32 $1.131370830e+01, v7  }
0xa3: {  	v4 =	vld [tilespmem:s16+$0x2810];
	[tilespmem:s9+$0xF020] =	vst v3;
	v1 =	vadd.f32 v1, v8;
	v6 =	vmul.f32 $1.131370830e+01, v6  }
0xa4: {  	v3 =	vld [tilespmem:s16+$0x2820];
	[tilespmem:s9+$0xF030] =	vst v2;
	v0 =	vadd.f32 v0, v7;
	v7 =	vmul.f32 $1.131370830e+01, v12  }
0xa5: {  	v2 =	vld [tilespmem:s16+$0x2830];
	[tilespmem:s9+$0xF040] =	vst v1;
	v6 =	vadd.f32 v11, v6  }
0xa6: {  	v1 =	vld [tilespmem:s16+$0x2840];
	[tilespmem:s9+$0xF050] =	vst v0;
	v7 =	vadd.f32 v10, v7  }
0xa7: {  	v0 =	vld [tilespmem:s16+$0x2850];
	[tilespmem:s9+$0xF060] =	vst v6  }
0xa8: {  	v6 =	vld [tilespmem:s16+$0xF000];
	[tilespmem:s9+$0xF070] =	vst v7;
	s9 =	smov.u32 s16  }
0xa9: {  	v11 =	vld [tilespmem:s9+$0xF010]  }
.Ltmp2:
0xaa: {  	v10 =	vld [tilespmem:s9+$0xF020];
	(pc) =	sbr.rel @p1 .LBB2_7-.Ltmp2, $4  }
0xab: {  	v9 =	vld [tilespmem:s9+$0xF030]  }
0xac: {  	v8 =	vld [tilespmem:s9+$0xF040]  }
0xad: {  	v12 =	vmul.f32 $1.131370830e+01, v6;
	v7 =	vld [tilespmem:s9+$0xF050]  }
0xae: {  	s14 =	sadd.s32 $0x200, s14;
	v11 =	vmul.f32 $1.131370830e+01, v11;
	v6 =	vld [tilespmem:s9+$0xF060]  }
0xaf: {  	v5 =	vadd.f32 v5, v12;
	v12 =	vld [tilespmem:s9+$0xF070];
	v10 =	vmul.f32 $1.131370830e+01, v10  }
0xb0: {  	v13 =	vld [tilespmem:s9+$0x2860];
	v4 =	vadd.f32 v4, v11;
	v9 =	vmul.f32 $1.131370830e+01, v9  }
0xb1: {  	[tilespmem:s9+$0xF000] =	vst v5;
	v3 =	vadd.f32 v3, v10;
	v5 =	vmul.f32 $1.131370830e+01, v8;
	v8 =	vld [tilespmem:s9+$0x2870]  }
0xb2: {  	[tilespmem:s9+$0xF010] =	vst v4;
	v2 =	vadd.f32 v2, v9;
	v4 =	vmul.f32 $1.131370830e+01, v7  }
0xb3: {  	[tilespmem:s9+$0xF020] =	vst v3;
	v1 =	vadd.f32 v1, v5;
	v3 =	vmul.f32 $1.131370830e+01, v6  }
0xb4: {  	[tilespmem:s9+$0xF030] =	vst v2;
	v0 =	vadd.f32 v0, v4;
	v2 =	vmul.f32 $1.131370830e+01, v12  }
0xb5: {  	[tilespmem:s9+$0xF040] =	vst v1;
	v1 =	vadd.f32 v13, v3  }
0xb6: {  	[tilespmem:s9+$0xF050] =	vst v0;
	v0 =	vadd.f32 v8, v2  }
0xb7: {  	[tilespmem:s9+$0xF060] =	vst v1  }
0xb8: {  	s14 =	sadd.s32 $0x500, s11;
	[tilespmem:s9+$0xF070] =	vst v0;
	s9 =	simm.s32 @!p0 $0x13  }
0xb9: {  	[hbm4b:s14+s5] =	stream.linear.scatter [tilespmem:s18], [sflag:$0xD], $0x1400, $0x38;
	[tilespmem:$0x19000] =	vst v63  }
0xba: {  	_ =	swait.ge @!p0 [sflag:s9], $0x1400  }
0xbb: {  	[sflag:s9] =	ssyncset.done @!p0 $0x0  }
0xbc: {  	s16 =	sadd.s32 $0x6540, s12;
	[sflag:s9] =	ssyncadd.s32 @!p0 $0xFFFFEC00  }
0xbd: {  	[tilespmem:s30], [sflag:$0x9] =	stream.indirect.gather [hbm4b:s3+s13], $0x80, s16, s13, $0xb8;
	[tilespmem:$0x19000] =	vst v63  }
0xbe: {  	_ =	swait.ge [sflag:s31], $0x1400  }
0xbf: {  	[sflag:s31] =	ssyncset.done $0x0  }
0xc0: {  	s9 =	simm.s32 $0x0;
	[sflag:s31] =	ssyncadd.s32 $0xFFFFEC00  }
0xc1: {  	v5 =	vld [tilespmem:s9+$0x3C00]  }
0xc2: {  	v4 =	vld [tilespmem:s9+$0x3C10]  }
0xc3: {  	v3 =	vld [tilespmem:s9+$0x3C20]  }
0xc4: {  	v2 =	vld [tilespmem:s9+$0x3C30]  }
0xc5: {  	v1 =	vld [tilespmem:s9+$0x3C40]  }
0xc6: {  	v0 =	vld [tilespmem:s9+$0x3C50]  }
0xc7: {  	v6 =	vld [tilespmem:s9+$0x10400]  }
0xc8: {  	v11 =	vld [tilespmem:s9+$0x10410]  }
0xc9: {  	v10 =	vld [tilespmem:s9+$0x10420]  }
0xca: {  	v9 =	vld [tilespmem:s9+$0x10430]  }
0xcb: {  	v8 =	vld [tilespmem:s9+$0x10440]  }
0xcc: {  	v7 =	vld [tilespmem:s9+$0x10450];
	v12 =	vmul.f32 $1.131370830e+01, v6  }
0xcd: {  	s14 =	simm.s32 $0x200;
	v11 =	vmul.f32 $1.131370830e+01, v11;
	v6 =	vld [tilespmem:s9+$0x10460]  }
.LBB2_9:
0xce: {  	p1 =	sne.s32 s14, $0x4E00;
	v5 =	vadd.f32 v5, v12;
	v10 =	vmul.f32 $1.131370830e+01, v10;
	v12 =	vld [tilespmem:s9+$0x10470]  }
0xcf: {  	v4 =	vadd.f32 v4, v11;
	v9 =	vmul.f32 $1.131370830e+01, v9;
	v11 =	vld [tilespmem:s9+$0x3C60]  }
0xd0: {  	s16 =	sshra.s32 s14, $0x2;
	[tilespmem:s9+$0x10400] =	vst v5;
	v3 =	vadd.f32 v3, v10;
	v8 =	vmul.f32 $1.131370830e+01, v8;
	v10 =	vld [tilespmem:s9+$0x3C70]  }
0xd1: {  	v5 =	vld [tilespmem:s16+$0x3C00];
	[tilespmem:s9+$0x10410] =	vst v4;
	v2 =	vadd.f32 v2, v9;
	v7 =	vmul.f32 $1.131370830e+01, v7  }
0xd2: {  	v4 =	vld [tilespmem:s16+$0x3C10];
	[tilespmem:s9+$0x10420] =	vst v3;
	v1 =	vadd.f32 v1, v8;
	v6 =	vmul.f32 $1.131370830e+01, v6  }
0xd3: {  	v3 =	vld [tilespmem:s16+$0x3C20];
	[tilespmem:s9+$0x10430] =	vst v2;
	v0 =	vadd.f32 v0, v7;
	v7 =	vmul.f32 $1.131370830e+01, v12  }
0xd4: {  	v2 =	vld [tilespmem:s16+$0x3C30];
	[tilespmem:s9+$0x10440] =	vst v1;
	v6 =	vadd.f32 v11, v6  }
0xd5: {  	v1 =	vld [tilespmem:s16+$0x3C40];
	[tilespmem:s9+$0x10450] =	vst v0;
	v7 =	vadd.f32 v10, v7  }
0xd6: {  	v0 =	vld [tilespmem:s16+$0x3C50];
	[tilespmem:s9+$0x10460] =	vst v6  }
0xd7: {  	v6 =	vld [tilespmem:s16+$0x10400];
	[tilespmem:s9+$0x10470] =	vst v7;
	s9 =	smov.u32 s16  }
0xd8: {  	v11 =	vld [tilespmem:s9+$0x10410]  }
.Ltmp3:
0xd9: {  	v10 =	vld [tilespmem:s9+$0x10420];
	(pc) =	sbr.rel @p1 .LBB2_9-.Ltmp3, $4  }
0xda: {  	v9 =	vld [tilespmem:s9+$0x10430]  }
0xdb: {  	v8 =	vld [tilespmem:s9+$0x10440]  }
0xdc: {  	v12 =	vmul.f32 $1.131370830e+01, v6;
	v7 =	vld [tilespmem:s9+$0x10450]  }
0xdd: {  	s14 =	sadd.s32 $0x200, s14;
	v11 =	vmul.f32 $1.131370830e+01, v11;
	v6 =	vld [tilespmem:s9+$0x10460]  }
0xde: {  	v5 =	vadd.f32 v5, v12;
	v12 =	vld [tilespmem:s9+$0x10470];
	v10 =	vmul.f32 $1.131370830e+01, v10  }
0xdf: {  	v13 =	vld [tilespmem:s9+$0x3C60];
	v4 =	vadd.f32 v4, v11;
	v9 =	vmul.f32 $1.131370830e+01, v9  }
0xe0: {  	[tilespmem:s9+$0x10400] =	vst v5;
	v3 =	vadd.f32 v3, v10;
	v5 =	vmul.f32 $1.131370830e+01, v8;
	v8 =	vld [tilespmem:s9+$0x3C70]  }
0xe1: {  	[tilespmem:s9+$0x10410] =	vst v4;
	v2 =	vadd.f32 v2, v9;
	v4 =	vmul.f32 $1.131370830e+01, v7  }
0xe2: {  	[tilespmem:s9+$0x10420] =	vst v3;
	v1 =	vadd.f32 v1, v5;
	v3 =	vmul.f32 $1.131370830e+01, v6  }
0xe3: {  	[tilespmem:s9+$0x10430] =	vst v2;
	v0 =	vadd.f32 v0, v4;
	v2 =	vmul.f32 $1.131370830e+01, v12  }
0xe4: {  	[tilespmem:s9+$0x10440] =	vst v1;
	v1 =	vadd.f32 v13, v3  }
0xe5: {  	[tilespmem:s9+$0x10450] =	vst v0;
	v0 =	vadd.f32 v8, v2  }
0xe6: {  	[tilespmem:s9+$0x10460] =	vst v1  }
0xe7: {  	s14 =	sadd.s32 $0x780, s11;
	[tilespmem:s9+$0x10470] =	vst v0;
	s9 =	simm.s32 @!p0 $0x14  }
0xe8: {  	[hbm4b:s14+s5] =	stream.linear.scatter [tilespmem:s20], [sflag:$0xE], $0x1400, $0x38;
	[tilespmem:$0x19000] =	vst v63  }
0xe9: {  	_ =	swait.ge @!p0 [sflag:s9], $0x1400  }
0xea: {  	[sflag:s9] =	ssyncset.done @!p0 $0x0  }
0xeb: {  	s16 =	sadd.s32 $0x6568, s12;
	[sflag:s9] =	ssyncadd.s32 @!p0 $0xFFFFEC00  }
0xec: {  	[tilespmem:s2], [sflag:$0xA] =	stream.indirect.gather [hbm4b:s3+s13], $0x80, s16, s13, $0xb8;
	[tilespmem:$0x19000] =	vst v63  }
0xed: {  	_ =	swait.ge [sflag:s0], $0x1400  }
0xee: {  	[sflag:s0] =	ssyncset.done $0x0  }
0xef: {  	s9 =	simm.s32 $0x0;
	[sflag:s0] =	ssyncadd.s32 $0xFFFFEC00  }
0xf0: {  	v5 =	vld [tilespmem:s9+$0x5000]  }
0xf1: {  	v4 =	vld [tilespmem:s9+$0x5010]  }
0xf2: {  	v3 =	vld [tilespmem:s9+$0x5020]  }
0xf3: {  	v2 =	vld [tilespmem:s9+$0x5030]  }
0xf4: {  	v1 =	vld [tilespmem:s9+$0x5040]  }
0xf5: {  	v0 =	vld [tilespmem:s9+$0x5050]  }
0xf6: {  	v6 =	vld [tilespmem:s9+$0x11800]  }
0xf7: {  	v11 =	vld [tilespmem:s9+$0x11810]  }
0xf8: {  	v10 =	vld [tilespmem:s9+$0x11820]  }
0xf9: {  	v9 =	vld [tilespmem:s9+$0x11830]  }
0xfa: {  	v8 =	vld [tilespmem:s9+$0x11840]  }
0xfb: {  	v7 =	vld [tilespmem:s9+$0x11850];
	v12 =	vmul.f32 $1.131370830e+01, v6  }
0xfc: {  	s14 =	simm.s32 $0x200;
	v11 =	vmul.f32 $1.131370830e+01, v11;
	v6 =	vld [tilespmem:s9+$0x11860]  }
.LBB2_11:
0xfd: {  	p0 =	sne.s32 s14, $0x4E00;
	v5 =	vadd.f32 v5, v12;
	v10 =	vmul.f32 $1.131370830e+01, v10;
	v12 =	vld [tilespmem:s9+$0x11870]  }
0xfe: {  	v4 =	vadd.f32 v4, v11;
	v9 =	vmul.f32 $1.131370830e+01, v9;
	v11 =	vld [tilespmem:s9+$0x5060]  }
0xff: {  	s16 =	sshra.s32 s14, $0x2;
	[tilespmem:s9+$0x11800] =	vst v5;
	v3 =	vadd.f32 v3, v10;
	v8 =	vmul.f32 $1.131370830e+01, v8;
	v10 =	vld [tilespmem:s9+$0x5070]  }
0x100: {  	v5 =	vld [tilespmem:s16+$0x5000];
	[tilespmem:s9+$0x11810] =	vst v4;
	v2 =	vadd.f32 v2, v9;
	v7 =	vmul.f32 $1.131370830e+01, v7  }
0x101: {  	v4 =	vld [tilespmem:s16+$0x5010];
	[tilespmem:s9+$0x11820] =	vst v3;
	v1 =	vadd.f32 v1, v8;
	v6 =	vmul.f32 $1.131370830e+01, v6  }
0x102: {  	v3 =	vld [tilespmem:s16+$0x5020];
	[tilespmem:s9+$0x11830] =	vst v2;
	v0 =	vadd.f32 v0, v7;
	v7 =	vmul.f32 $1.131370830e+01, v12  }
0x103: {  	v2 =	vld [tilespmem:s16+$0x5030];
	[tilespmem:s9+$0x11840] =	vst v1;
	v6 =	vadd.f32 v11, v6  }
0x104: {  	v1 =	vld [tilespmem:s16+$0x5040];
	[tilespmem:s9+$0x11850] =	vst v0;
	v7 =	vadd.f32 v10, v7  }
0x105: {  	v0 =	vld [tilespmem:s16+$0x5050];
	[tilespmem:s9+$0x11860] =	vst v6  }
0x106: {  	v6 =	vld [tilespmem:s16+$0x11800];
	[tilespmem:s9+$0x11870] =	vst v7;
	s9 =	smov.u32 s16  }
0x107: {  	v11 =	vld [tilespmem:s9+$0x11810]  }
.Ltmp4:
0x108: {  	v10 =	vld [tilespmem:s9+$0x11820];
	(pc) =	sbr.rel @p0 .LBB2_11-.Ltmp4, $4  }
0x109: {  	v9 =	vld [tilespmem:s9+$0x11830]  }
0x10a: {  	v8 =	vld [tilespmem:s9+$0x11840]  }
0x10b: {  	v12 =	vmul.f32 $1.131370830e+01, v6;
	v7 =	vld [tilespmem:s9+$0x11850]  }
0x10c: {  	s14 =	sadd.s32 $0x200, s14;
	v11 =	vmul.f32 $1.131370830e+01, v11;
	v6 =	vld [tilespmem:s9+$0x11860]  }
0x10d: {  	v5 =	vadd.f32 v5, v12;
	v12 =	vld [tilespmem:s9+$0x11870];
	v10 =	vmul.f32 $1.131370830e+01, v10  }
0x10e: {  	v13 =	vld [tilespmem:s9+$0x5060];
	v4 =	vadd.f32 v4, v11;
	v9 =	vmul.f32 $1.131370830e+01, v9  }
0x10f: {  	[tilespmem:s9+$0x11800] =	vst v5;
	v3 =	vadd.f32 v3, v10;
	v5 =	vmul.f32 $1.131370830e+01, v8;
	v8 =	vld [tilespmem:s9+$0x5070]  }
0x110: {  	[tilespmem:s9+$0x11810] =	vst v4;
	v2 =	vadd.f32 v2, v9;
	v4 =	vmul.f32 $1.131370830e+01, v7  }
0x111: {  	[tilespmem:s9+$0x11820] =	vst v3;
	v1 =	vadd.f32 v1, v5;
	v3 =	vmul.f32 $1.131370830e+01, v6  }
0x112: {  	[tilespmem:s9+$0x11830] =	vst v2;
	v0 =	vadd.f32 v0, v4;
	v2 =	vmul.f32 $1.131370830e+01, v12  }
0x113: {  	[tilespmem:s9+$0x11840] =	vst v1;
	v1 =	vadd.f32 v13, v3  }
0x114: {  	[tilespmem:s9+$0x11850] =	vst v0;
	v0 =	vadd.f32 v8, v2  }
0x115: {  	p0 =	seq.s32 s10, $0x3F;
	[tilespmem:s9+$0x11860] =	vst v1  }
0x116: {  	s16 =	sadd.s32 $0xA00, s11;
	[tilespmem:s9+$0x11870] =	vst v0;
	s9 =	simm.s32 @!p0 $0xB  }
0x117: {  	[hbm4b:s16+s5] =	stream.linear.scatter [tilespmem:s22], [sflag:$0xF], $0x1400, $0x38;
	[tilespmem:$0x19000] =	vst v63  }
0x118: {  	_ =	swait.ge @!p0 [sflag:s9], $0x1400  }
0x119: {  	s11 =	simm.s32 @!p0 $0x28;
	[sflag:s9] =	ssyncset.done @!p0 $0x0  }
0x11a: {  	s14 =	simm.s32 @!p0 $0xC800;
	[sflag:s9] =	ssyncadd.s32 @!p0 $0xFFFFEC00;
	s9 =	sadd.s32 @!p0 $0x6590, s12  }
0x11b: {  	[tilespmem:s14], [sflag:$0x1] =	stream.indirect.gather @!p0 [hbm4b:s3+s11], $0x80, s9, s11, $0xb8;
	[tilespmem:$0x19000] =	vst v63  }
0x11c: {  	_ =	swait.ge [sflag:s1], $0x1400  }
0x11d: {  	[sflag:s1] =	ssyncset.done $0x0  }
0x11e: {  	s9 =	simm.s32 $0x0;
	[sflag:s1] =	ssyncadd.s32 $0xFFFFEC00  }
0x11f: {  	v5 =	vld [tilespmem:s9+$0x0]  }
0x120: {  	v4 =	vld [tilespmem:s9+$0x10]  }
0x121: {  	v3 =	vld [tilespmem:s9+$0x20]  }
0x122: {  	v2 =	vld [tilespmem:s9+$0x30]  }
0x123: {  	v1 =	vld [tilespmem:s9+$0x40]  }
0x124: {  	v0 =	vld [tilespmem:s9+$0x50]  }
0x125: {  	v6 =	vld [tilespmem:s9+$0x12C00]  }
0x126: {  	v11 =	vld [tilespmem:s9+$0x12C10]  }
0x127: {  	v10 =	vld [tilespmem:s9+$0x12C20]  }
0x128: {  	v9 =	vld [tilespmem:s9+$0x12C30]  }
0x129: {  	v8 =	vld [tilespmem:s9+$0x12C40]  }
0x12a: {  	v7 =	vld [tilespmem:s9+$0x12C50];
	v12 =	vmul.f32 $1.131370830e+01, v6  }
0x12b: {  	s11 =	simm.s32 $0x200;
	v11 =	vmul.f32 $1.131370830e+01, v11;
	v6 =	vld [tilespmem:s9+$0x12C60]  }
.LBB2_13:
0x12c: {  	p1 =	sne.s32 s11, $0x4E00;
	v5 =	vadd.f32 v5, v12;
	v10 =	vmul.f32 $1.131370830e+01, v10;
	v12 =	vld [tilespmem:s9+$0x12C70]  }
0x12d: {  	v4 =	vadd.f32 v4, v11;
	v9 =	vmul.f32 $1.131370830e+01, v9;
	v11 =	vld [tilespmem:s9+$0x60]  }
0x12e: {  	s14 =	sshra.s32 s11, $0x2;
	[tilespmem:s9+$0x12C00] =	vst v5;
	v3 =	vadd.f32 v3, v10;
	v8 =	vmul.f32 $1.131370830e+01, v8;
	v10 =	vld [tilespmem:s9+$0x70]  }
0x12f: {  	v5 =	vld [tilespmem:s14+$0x0];
	[tilespmem:s9+$0x12C10] =	vst v4;
	v2 =	vadd.f32 v2, v9;
	v7 =	vmul.f32 $1.131370830e+01, v7  }
0x130: {  	v4 =	vld [tilespmem:s14+$0x10];
	[tilespmem:s9+$0x12C20] =	vst v3;
	v1 =	vadd.f32 v1, v8;
	v6 =	vmul.f32 $1.131370830e+01, v6  }
0x131: {  	v3 =	vld [tilespmem:s14+$0x20];
	[tilespmem:s9+$0x12C30] =	vst v2;
	v0 =	vadd.f32 v0, v7;
	v7 =	vmul.f32 $1.131370830e+01, v12  }
0x132: {  	v2 =	vld [tilespmem:s14+$0x30];
	[tilespmem:s9+$0x12C40] =	vst v1;
	v6 =	vadd.f32 v11, v6  }
0x133: {  	v1 =	vld [tilespmem:s14+$0x40];
	[tilespmem:s9+$0x12C50] =	vst v0;
	v7 =	vadd.f32 v10, v7  }
0x134: {  	v0 =	vld [tilespmem:s14+$0x50];
	[tilespmem:s9+$0x12C60] =	vst v6  }
0x135: {  	v6 =	vld [tilespmem:s14+$0x12C00];
	[tilespmem:s9+$0x12C70] =	vst v7;
	s9 =	smov.u32 s14  }
0x136: {  	v11 =	vld [tilespmem:s9+$0x12C10]  }
.Ltmp5:
0x137: {  	v10 =	vld [tilespmem:s9+$0x12C20];
	(pc) =	sbr.rel @p1 .LBB2_13-.Ltmp5, $4  }
0x138: {  	v9 =	vld [tilespmem:s9+$0x12C30]  }
0x139: {  	v8 =	vld [tilespmem:s9+$0x12C40]  }
0x13a: {  	v12 =	vmul.f32 $1.131370830e+01, v6;
	v7 =	vld [tilespmem:s9+$0x12C50]  }
0x13b: {  	s11 =	sadd.s32 $0x200, s11;
	v11 =	vmul.f32 $1.131370830e+01, v11;
	v6 =	vld [tilespmem:s9+$0x12C60]  }
0x13c: {  	v5 =	vadd.f32 v5, v12;
	v12 =	vld [tilespmem:s9+$0x12C70];
	v10 =	vmul.f32 $1.131370830e+01, v10  }
0x13d: {  	v13 =	vld [tilespmem:s9+$0x60];
	v4 =	vadd.f32 v4, v11;
	v9 =	vmul.f32 $1.131370830e+01, v9  }
0x13e: {  	[tilespmem:s9+$0x12C00] =	vst v5;
	v3 =	vadd.f32 v3, v10;
	v5 =	vmul.f32 $1.131370830e+01, v8;
	v8 =	vld [tilespmem:s9+$0x70]  }
0x13f: {  	[tilespmem:s9+$0x12C10] =	vst v4;
	v2 =	vadd.f32 v2, v9;
	v4 =	vmul.f32 $1.131370830e+01, v7  }
0x140: {  	[tilespmem:s9+$0x12C20] =	vst v3;
	v1 =	vadd.f32 v1, v5;
	v3 =	vmul.f32 $1.131370830e+01, v6  }
0x141: {  	[tilespmem:s9+$0x12C30] =	vst v2;
	v0 =	vadd.f32 v0, v4;
	v2 =	vmul.f32 $1.131370830e+01, v12  }
0x142: {  	s7 =	sor.u32 $0x1, s7;
	[tilespmem:s9+$0x12C40] =	vst v1;
	v1 =	vadd.f32 v13, v3  }
0x143: {  	s11 =	smul.u32 $0xC80, s7;
	[tilespmem:s9+$0x12C50] =	vst v0;
	v0 =	vadd.f32 v8, v2  }
0x144: {  	[tilespmem:s9+$0x12C60] =	vst v1  }
0x145: {  	s16 =	sadd.s32 s4, s11;
	[tilespmem:s9+$0x12C70] =	vst v0;
	s9 =	simm.s32 @!p0 $0xC  }
0x146: {  	[hbm4b:s16+s5] =	stream.linear.scatter [tilespmem:s23], [sflag:$0x10], $0x1400, $0x38;
	[tilespmem:$0x19000] =	vst v63  }
0x147: {  	_ =	swait.ge @!p0 [sflag:s9], $0x1400  }
0x148: {  	s14 =	simm.s32 @!p0 $0xDC00;
	[sflag:s9] =	ssyncset.done @!p0 $0x0  }
0x149: {  	s11 =	simm.s32 @!p0 $0x28;
	[sflag:s9] =	ssyncadd.s32 @!p0 $0xFFFFEC00;
	s9 =	sadd.s32 @!p0 $0x65B8, s12  }
0x14a: {  	[tilespmem:s14], [sflag:$0x2] =	stream.indirect.gather @!p0 [hbm4b:s3+s11], $0x80, s9, s11, $0xb8;
	[tilespmem:$0x19000] =	vst v63  }
0x14b: {  	_ =	swait.ge [sflag:s15], $0x1400  }
0x14c: {  	[sflag:s15] =	ssyncset.done $0x0  }
0x14d: {  	s9 =	simm.s32 $0x0;
	[sflag:s15] =	ssyncadd.s32 $0xFFFFEC00  }
0x14e: {  	v5 =	vld [tilespmem:s9+$0x1400]  }
0x14f: {  	v4 =	vld [tilespmem:s9+$0x1410]  }
0x150: {  	v3 =	vld [tilespmem:s9+$0x1420]  }
0x151: {  	v2 =	vld [tilespmem:s9+$0x1430]  }
0x152: {  	v1 =	vld [tilespmem:s9+$0x1440]  }
0x153: {  	v0 =	vld [tilespmem:s9+$0x1450]  }
0x154: {  	v6 =	vld [tilespmem:s9+$0x14000]  }
0x155: {  	v11 =	vld [tilespmem:s9+$0x14010]  }
0x156: {  	v10 =	vld [tilespmem:s9+$0x14020]  }
0x157: {  	v9 =	vld [tilespmem:s9+$0x14030]  }
0x158: {  	v8 =	vld [tilespmem:s9+$0x14040]  }
0x159: {  	v7 =	vld [tilespmem:s9+$0x14050];
	v12 =	vmul.f32 $1.131370830e+01, v6  }
0x15a: {  	s11 =	simm.s32 $0x200;
	v11 =	vmul.f32 $1.131370830e+01, v11;
	v6 =	vld [tilespmem:s9+$0x14060]  }
.LBB2_15:
0x15b: {  	p1 =	sne.s32 s11, $0x4E00;
	v5 =	vadd.f32 v5, v12;
	v10 =	vmul.f32 $1.131370830e+01, v10;
	v12 =	vld [tilespmem:s9+$0x14070]  }
0x15c: {  	v4 =	vadd.f32 v4, v11;
	v9 =	vmul.f32 $1.131370830e+01, v9;
	v11 =	vld [tilespmem:s9+$0x1460]  }
0x15d: {  	s14 =	sshra.s32 s11, $0x2;
	[tilespmem:s9+$0x14000] =	vst v5;
	v3 =	vadd.f32 v3, v10;
	v8 =	vmul.f32 $1.131370830e+01, v8;
	v10 =	vld [tilespmem:s9+$0x1470]  }
0x15e: {  	v5 =	vld [tilespmem:s14+$0x1400];
	[tilespmem:s9+$0x14010] =	vst v4;
	v2 =	vadd.f32 v2, v9;
	v7 =	vmul.f32 $1.131370830e+01, v7  }
0x15f: {  	v4 =	vld [tilespmem:s14+$0x1410];
	[tilespmem:s9+$0x14020] =	vst v3;
	v1 =	vadd.f32 v1, v8;
	v6 =	vmul.f32 $1.131370830e+01, v6  }
0x160: {  	v3 =	vld [tilespmem:s14+$0x1420];
	[tilespmem:s9+$0x14030] =	vst v2;
	v0 =	vadd.f32 v0, v7;
	v7 =	vmul.f32 $1.131370830e+01, v12  }
0x161: {  	v2 =	vld [tilespmem:s14+$0x1430];
	[tilespmem:s9+$0x14040] =	vst v1;
	v6 =	vadd.f32 v11, v6  }
0x162: {  	v1 =	vld [tilespmem:s14+$0x1440];
	[tilespmem:s9+$0x14050] =	vst v0;
	v7 =	vadd.f32 v10, v7  }
0x163: {  	v0 =	vld [tilespmem:s14+$0x1450];
	[tilespmem:s9+$0x14060] =	vst v6  }
0x164: {  	v6 =	vld [tilespmem:s14+$0x14000];
	[tilespmem:s9+$0x14070] =	vst v7;
	s9 =	smov.u32 s14  }
0x165: {  	v11 =	vld [tilespmem:s9+$0x14010]  }
.Ltmp6:
0x166: {  	v10 =	vld [tilespmem:s9+$0x14020];
	(pc) =	sbr.rel @p1 .LBB2_15-.Ltmp6, $4  }
0x167: {  	v9 =	vld [tilespmem:s9+$0x14030]  }
0x168: {  	v8 =	vld [tilespmem:s9+$0x14040]  }
0x169: {  	v12 =	vmul.f32 $1.131370830e+01, v6;
	v7 =	vld [tilespmem:s9+$0x14050]  }
0x16a: {  	s11 =	sadd.s32 $0x200, s11;
	v11 =	vmul.f32 $1.131370830e+01, v11;
	v6 =	vld [tilespmem:s9+$0x14060]  }
0x16b: {  	v5 =	vadd.f32 v5, v12;
	v12 =	vld [tilespmem:s9+$0x14070];
	v10 =	vmul.f32 $1.131370830e+01, v10  }
0x16c: {  	v13 =	vld [tilespmem:s9+$0x1460];
	v4 =	vadd.f32 v4, v11;
	v9 =	vmul.f32 $1.131370830e+01, v9  }
0x16d: {  	[tilespmem:s9+$0x14000] =	vst v5;
	v3 =	vadd.f32 v3, v10;
	v5 =	vmul.f32 $1.131370830e+01, v8;
	v8 =	vld [tilespmem:s9+$0x1470]  }
0x16e: {  	[tilespmem:s9+$0x14010] =	vst v4;
	v2 =	vadd.f32 v2, v9;
	v4 =	vmul.f32 $1.131370830e+01, v7  }
0x16f: {  	[tilespmem:s9+$0x14020] =	vst v3;
	v1 =	vadd.f32 v1, v5;
	v3 =	vmul.f32 $1.131370830e+01, v6  }
0x170: {  	s7 =	smul.u32 $0x6400, s7;
	[tilespmem:s9+$0x14030] =	vst v2;
	v0 =	vadd.f32 v0, v4;
	v2 =	vmul.f32 $1.131370830e+01, v12  }
0x171: {  	[tilespmem:s9+$0x14040] =	vst v1;
	v1 =	vadd.f32 v13, v3  }
0x172: {  	s7 =	sshrl.u32 s7, $0x3;
	[tilespmem:s9+$0x14050] =	vst v0;
	v0 =	vadd.f32 v8, v2  }
0x173: {  	s7 =	sadd.s32 s4, s7;
	[tilespmem:s9+$0x14060] =	vst v1  }
0x174: {  	s16 =	sadd.s32 $0x280, s7;
	[tilespmem:s9+$0x14070] =	vst v0;
	s9 =	simm.s32 @!p0 $0xD  }
0x175: {  	[hbm4b:s16+s5] =	stream.linear.scatter [tilespmem:s25], [sflag:$0x11], $0x1400, $0x38;
	[tilespmem:$0x19000] =	vst v63  }
0x176: {  	_ =	swait.ge @!p0 [sflag:s9], $0x1400  }
0x177: {  	s11 =	simm.s32 @!p0 $0x28;
	[sflag:s9] =	ssyncset.done @!p0 $0x0  }
0x178: {  	s14 =	simm.s32 @!p0 $0xF000;
	[sflag:s9] =	ssyncadd.s32 @!p0 $0xFFFFEC00;
	s9 =	sadd.s32 @!p0 $0x65E0, s12  }
0x179: {  	[tilespmem:s14], [sflag:$0x3] =	stream.indirect.gather @!p0 [hbm4b:s3+s11], $0x80, s9, s11, $0xb8;
	[tilespmem:$0x19000] =	vst v63  }
0x17a: {  	_ =	swait.ge [sflag:s17], $0x1400  }
0x17b: {  	[sflag:s17] =	ssyncset.done $0x0  }
0x17c: {  	s9 =	simm.s32 $0x0;
	[sflag:s17] =	ssyncadd.s32 $0xFFFFEC00  }
0x17d: {  	v5 =	vld [tilespmem:s9+$0x2800]  }
0x17e: {  	v4 =	vld [tilespmem:s9+$0x2810]  }
0x17f: {  	v3 =	vld [tilespmem:s9+$0x2820]  }
0x180: {  	v2 =	vld [tilespmem:s9+$0x2830]  }
0x181: {  	v1 =	vld [tilespmem:s9+$0x2840]  }
0x182: {  	v0 =	vld [tilespmem:s9+$0x2850]  }
0x183: {  	v6 =	vld [tilespmem:s9+$0x15400]  }
0x184: {  	v11 =	vld [tilespmem:s9+$0x15410]  }
0x185: {  	v10 =	vld [tilespmem:s9+$0x15420]  }
0x186: {  	v9 =	vld [tilespmem:s9+$0x15430]  }
0x187: {  	v8 =	vld [tilespmem:s9+$0x15440]  }
0x188: {  	v7 =	vld [tilespmem:s9+$0x15450];
	v12 =	vmul.f32 $1.131370830e+01, v6  }
0x189: {  	s11 =	simm.s32 $0x200;
	v11 =	vmul.f32 $1.131370830e+01, v11;
	v6 =	vld [tilespmem:s9+$0x15460]  }
.LBB2_17:
0x18a: {  	p1 =	sne.s32 s11, $0x4E00;
	v5 =	vadd.f32 v5, v12;
	v10 =	vmul.f32 $1.131370830e+01, v10;
	v12 =	vld [tilespmem:s9+$0x15470]  }
0x18b: {  	v4 =	vadd.f32 v4, v11;
	v9 =	vmul.f32 $1.131370830e+01, v9;
	v11 =	vld [tilespmem:s9+$0x2860]  }
0x18c: {  	s14 =	sshra.s32 s11, $0x2;
	[tilespmem:s9+$0x15400] =	vst v5;
	v3 =	vadd.f32 v3, v10;
	v8 =	vmul.f32 $1.131370830e+01, v8;
	v10 =	vld [tilespmem:s9+$0x2870]  }
0x18d: {  	v5 =	vld [tilespmem:s14+$0x2800];
	[tilespmem:s9+$0x15410] =	vst v4;
	v2 =	vadd.f32 v2, v9;
	v7 =	vmul.f32 $1.131370830e+01, v7  }
0x18e: {  	v4 =	vld [tilespmem:s14+$0x2810];
	[tilespmem:s9+$0x15420] =	vst v3;
	v1 =	vadd.f32 v1, v8;
	v6 =	vmul.f32 $1.131370830e+01, v6  }
0x18f: {  	v3 =	vld [tilespmem:s14+$0x2820];
	[tilespmem:s9+$0x15430] =	vst v2;
	v0 =	vadd.f32 v0, v7;
	v7 =	vmul.f32 $1.131370830e+01, v12  }
0x190: {  	v2 =	vld [tilespmem:s14+$0x2830];
	[tilespmem:s9+$0x15440] =	vst v1;
	v6 =	vadd.f32 v11, v6  }
0x191: {  	v1 =	vld [tilespmem:s14+$0x2840];
	[tilespmem:s9+$0x15450] =	vst v0;
	v7 =	vadd.f32 v10, v7  }
0x192: {  	v0 =	vld [tilespmem:s14+$0x2850];
	[tilespmem:s9+$0x15460] =	vst v6  }
0x193: {  	v6 =	vld [tilespmem:s14+$0x15400];
	[tilespmem:s9+$0x15470] =	vst v7;
	s9 =	smov.u32 s14  }
0x194: {  	v11 =	vld [tilespmem:s9+$0x15410]  }
.Ltmp7:
0x195: {  	v10 =	vld [tilespmem:s9+$0x15420];
	(pc) =	sbr.rel @p1 .LBB2_17-.Ltmp7, $4  }
0x196: {  	v9 =	vld [tilespmem:s9+$0x15430]  }
0x197: {  	v8 =	vld [tilespmem:s9+$0x15440]  }
0x198: {  	v12 =	vmul.f32 $1.131370830e+01, v6;
	v7 =	vld [tilespmem:s9+$0x15450]  }
0x199: {  	s11 =	sadd.s32 $0x200, s11;
	v11 =	vmul.f32 $1.131370830e+01, v11;
	v6 =	vld [tilespmem:s9+$0x15460]  }
0x19a: {  	v5 =	vadd.f32 v5, v12;
	v12 =	vld [tilespmem:s9+$0x15470];
	v10 =	vmul.f32 $1.131370830e+01, v10  }
0x19b: {  	v13 =	vld [tilespmem:s9+$0x2860];
	v4 =	vadd.f32 v4, v11;
	v9 =	vmul.f32 $1.131370830e+01, v9  }
0x19c: {  	[tilespmem:s9+$0x15400] =	vst v5;
	v3 =	vadd.f32 v3, v10;
	v5 =	vmul.f32 $1.131370830e+01, v8;
	v8 =	vld [tilespmem:s9+$0x2870]  }
0x19d: {  	[tilespmem:s9+$0x15410] =	vst v4;
	v2 =	vadd.f32 v2, v9;
	v4 =	vmul.f32 $1.131370830e+01, v7  }
0x19e: {  	[tilespmem:s9+$0x15420] =	vst v3;
	v1 =	vadd.f32 v1, v5;
	v3 =	vmul.f32 $1.131370830e+01, v6  }
0x19f: {  	[tilespmem:s9+$0x15430] =	vst v2;
	v0 =	vadd.f32 v0, v4;
	v2 =	vmul.f32 $1.131370830e+01, v12  }
0x1a0: {  	[tilespmem:s9+$0x15440] =	vst v1;
	v1 =	vadd.f32 v13, v3  }
0x1a1: {  	[tilespmem:s9+$0x15450] =	vst v0;
	v0 =	vadd.f32 v8, v2  }
0x1a2: {  	[tilespmem:s9+$0x15460] =	vst v1  }
0x1a3: {  	s16 =	sadd.s32 $0x500, s7;
	[tilespmem:s9+$0x15470] =	vst v0;
	s9 =	simm.s32 @!p0 $0xE  }
0x1a4: {  	[hbm4b:s16+s5] =	stream.linear.scatter [tilespmem:s28], [sflag:$0x12], $0x1400, $0x38;
	[tilespmem:$0x19000] =	vst v63  }
0x1a5: {  	_ =	swait.ge @!p0 [sflag:s9], $0x1400  }
0x1a6: {  	s11 =	simm.s32 @!p0 $0x28;
	[sflag:s9] =	ssyncset.done @!p0 $0x0  }
0x1a7: {  	s14 =	simm.s32 @!p0 $0x10400;
	[sflag:s9] =	ssyncadd.s32 @!p0 $0xFFFFEC00;
	s9 =	sadd.s32 @!p0 $0x6608, s12  }
0x1a8: {  	[tilespmem:s14], [sflag:$0x4] =	stream.indirect.gather @!p0 [hbm4b:s3+s11], $0x80, s9, s11, $0xb8;
	[tilespmem:$0x19000] =	vst v63  }
0x1a9: {  	_ =	swait.ge [sflag:s19], $0x1400  }
0x1aa: {  	[sflag:s19] =	ssyncset.done $0x0  }
0x1ab: {  	s9 =	simm.s32 $0x0;
	[sflag:s19] =	ssyncadd.s32 $0xFFFFEC00  }
0x1ac: {  	v5 =	vld [tilespmem:s9+$0x3C00]  }
0x1ad: {  	v4 =	vld [tilespmem:s9+$0x3C10]  }
0x1ae: {  	v3 =	vld [tilespmem:s9+$0x3C20]  }
0x1af: {  	v2 =	vld [tilespmem:s9+$0x3C30]  }
0x1b0: {  	v1 =	vld [tilespmem:s9+$0x3C40]  }
0x1b1: {  	v0 =	vld [tilespmem:s9+$0x3C50]  }
0x1b2: {  	v6 =	vld [tilespmem:s9+$0x16800]  }
0x1b3: {  	v11 =	vld [tilespmem:s9+$0x16810]  }
0x1b4: {  	v10 =	vld [tilespmem:s9+$0x16820]  }
0x1b5: {  	v9 =	vld [tilespmem:s9+$0x16830]  }
0x1b6: {  	v8 =	vld [tilespmem:s9+$0x16840]  }
0x1b7: {  	v7 =	vld [tilespmem:s9+$0x16850];
	v12 =	vmul.f32 $1.131370830e+01, v6  }
0x1b8: {  	s11 =	simm.s32 $0x200;
	v11 =	vmul.f32 $1.131370830e+01, v11;
	v6 =	vld [tilespmem:s9+$0x16860]  }
.LBB2_19:
0x1b9: {  	p1 =	sne.s32 s11, $0x4E00;
	v5 =	vadd.f32 v5, v12;
	v10 =	vmul.f32 $1.131370830e+01, v10;
	v12 =	vld [tilespmem:s9+$0x16870]  }
0x1ba: {  	v4 =	vadd.f32 v4, v11;
	v9 =	vmul.f32 $1.131370830e+01, v9;
	v11 =	vld [tilespmem:s9+$0x3C60]  }
0x1bb: {  	s14 =	sshra.s32 s11, $0x2;
	[tilespmem:s9+$0x16800] =	vst v5;
	v3 =	vadd.f32 v3, v10;
	v8 =	vmul.f32 $1.131370830e+01, v8;
	v10 =	vld [tilespmem:s9+$0x3C70]  }
0x1bc: {  	v5 =	vld [tilespmem:s14+$0x3C00];
	[tilespmem:s9+$0x16810] =	vst v4;
	v2 =	vadd.f32 v2, v9;
	v7 =	vmul.f32 $1.131370830e+01, v7  }
0x1bd: {  	v4 =	vld [tilespmem:s14+$0x3C10];
	[tilespmem:s9+$0x16820] =	vst v3;
	v1 =	vadd.f32 v1, v8;
	v6 =	vmul.f32 $1.131370830e+01, v6  }
0x1be: {  	v3 =	vld [tilespmem:s14+$0x3C20];
	[tilespmem:s9+$0x16830] =	vst v2;
	v0 =	vadd.f32 v0, v7;
	v7 =	vmul.f32 $1.131370830e+01, v12  }
0x1bf: {  	v2 =	vld [tilespmem:s14+$0x3C30];
	[tilespmem:s9+$0x16840] =	vst v1;
	v6 =	vadd.f32 v11, v6  }
0x1c0: {  	v1 =	vld [tilespmem:s14+$0x3C40];
	[tilespmem:s9+$0x16850] =	vst v0;
	v7 =	vadd.f32 v10, v7  }
0x1c1: {  	v0 =	vld [tilespmem:s14+$0x3C50];
	[tilespmem:s9+$0x16860] =	vst v6  }
0x1c2: {  	v6 =	vld [tilespmem:s14+$0x16800];
	[tilespmem:s9+$0x16870] =	vst v7;
	s9 =	smov.u32 s14  }
0x1c3: {  	v11 =	vld [tilespmem:s9+$0x16810]  }
.Ltmp8:
0x1c4: {  	v10 =	vld [tilespmem:s9+$0x16820];
	(pc) =	sbr.rel @p1 .LBB2_19-.Ltmp8, $4  }
0x1c5: {  	v9 =	vld [tilespmem:s9+$0x16830]  }
0x1c6: {  	v8 =	vld [tilespmem:s9+$0x16840]  }
0x1c7: {  	v12 =	vmul.f32 $1.131370830e+01, v6;
	v7 =	vld [tilespmem:s9+$0x16850]  }
0x1c8: {  	s11 =	sadd.s32 $0x200, s11;
	v11 =	vmul.f32 $1.131370830e+01, v11;
	v6 =	vld [tilespmem:s9+$0x16860]  }
0x1c9: {  	v5 =	vadd.f32 v5, v12;
	v12 =	vld [tilespmem:s9+$0x16870];
	v10 =	vmul.f32 $1.131370830e+01, v10  }
0x1ca: {  	v13 =	vld [tilespmem:s9+$0x3C60];
	v4 =	vadd.f32 v4, v11;
	v9 =	vmul.f32 $1.131370830e+01, v9  }
0x1cb: {  	[tilespmem:s9+$0x16800] =	vst v5;
	v3 =	vadd.f32 v3, v10;
	v5 =	vmul.f32 $1.131370830e+01, v8;
	v8 =	vld [tilespmem:s9+$0x3C70]  }
0x1cc: {  	[tilespmem:s9+$0x16810] =	vst v4;
	v2 =	vadd.f32 v2, v9;
	v4 =	vmul.f32 $1.131370830e+01, v7  }
0x1cd: {  	[tilespmem:s9+$0x16820] =	vst v3;
	v1 =	vadd.f32 v1, v5;
	v3 =	vmul.f32 $1.131370830e+01, v6  }
0x1ce: {  	[tilespmem:s9+$0x16830] =	vst v2;
	v0 =	vadd.f32 v0, v4;
	v2 =	vmul.f32 $1.131370830e+01, v12  }
0x1cf: {  	[tilespmem:s9+$0x16840] =	vst v1;
	v1 =	vadd.f32 v13, v3  }
0x1d0: {  	[tilespmem:s9+$0x16850] =	vst v0;
	v0 =	vadd.f32 v8, v2  }
0x1d1: {  	[tilespmem:s9+$0x16860] =	vst v1  }
0x1d2: {  	s7 =	sadd.s32 $0x780, s7;
	[tilespmem:s9+$0x16870] =	vst v0  }
0x1d3: {  	[hbm4b:s7+s5] =	stream.linear.scatter [tilespmem:s30], [sflag:$0x13], $0x1400, $0x38;
	[tilespmem:$0x19000] =	vst v63  }
0x1d4: {  	s7 =	simm.s32 @!p0 $0xF  }
0x1d5: {  	_ =	swait.ge @!p0 [sflag:s7], $0x1400  }
0x1d6: {  	s11 =	simm.s32 @!p0 $0x11800;
	[sflag:s7] =	ssyncset.done @!p0 $0x0  }
0x1d7: {  	s9 =	simm.s32 @!p0 $0x28;
	[sflag:s7] =	ssyncadd.s32 @!p0 $0xFFFFEC00;
	s7 =	sadd.s32 @!p0 $0x6630, s12  }
0x1d8: {  	[tilespmem:s11], [sflag:$0x5] =	stream.indirect.gather @!p0 [hbm4b:s3+s9], $0x80, s7, s9, $0xb8;
	[tilespmem:$0x19000] =	vst v63  }
0x1d9: {  	_ =	swait.ge [sflag:s21], $0x1400  }
0x1da: {  	[sflag:s21] =	ssyncset.done $0x0  }
0x1db: {  	s7 =	simm.s32 $0x0;
	[sflag:s21] =	ssyncadd.s32 $0xFFFFEC00  }
0x1dc: {  	v5 =	vld [tilespmem:s7+$0x5000]  }
0x1dd: {  	v4 =	vld [tilespmem:s7+$0x5010]  }
0x1de: {  	v3 =	vld [tilespmem:s7+$0x5020]  }
0x1df: {  	v2 =	vld [tilespmem:s7+$0x5030]  }
0x1e0: {  	v1 =	vld [tilespmem:s7+$0x5040]  }
0x1e1: {  	v0 =	vld [tilespmem:s7+$0x5050]  }
0x1e2: {  	v6 =	vld [tilespmem:s7+$0x17C00]  }
0x1e3: {  	v11 =	vld [tilespmem:s7+$0x17C10]  }
0x1e4: {  	v10 =	vld [tilespmem:s7+$0x17C20]  }
0x1e5: {  	v9 =	vld [tilespmem:s7+$0x17C30]  }
0x1e6: {  	v8 =	vld [tilespmem:s7+$0x17C40]  }
0x1e7: {  	v7 =	vld [tilespmem:s7+$0x17C50];
	v12 =	vmul.f32 $1.131370830e+01, v6  }
0x1e8: {  	s9 =	simm.s32 $0x200;
	v11 =	vmul.f32 $1.131370830e+01, v11;
	v6 =	vld [tilespmem:s7+$0x17C60]  }
.LBB2_21:
0x1e9: {  	p0 =	sne.s32 s9, $0x4E00;
	v5 =	vadd.f32 v5, v12;
	v10 =	vmul.f32 $1.131370830e+01, v10;
	v12 =	vld [tilespmem:s7+$0x17C70]  }
0x1ea: {  	v4 =	vadd.f32 v4, v11;
	v9 =	vmul.f32 $1.131370830e+01, v9;
	v11 =	vld [tilespmem:s7+$0x5060]  }
0x1eb: {  	s11 =	sshra.s32 s9, $0x2;
	[tilespmem:s7+$0x17C00] =	vst v5;
	v3 =	vadd.f32 v3, v10;
	v8 =	vmul.f32 $1.131370830e+01, v8;
	v10 =	vld [tilespmem:s7+$0x5070]  }
0x1ec: {  	v5 =	vld [tilespmem:s11+$0x5000];
	[tilespmem:s7+$0x17C10] =	vst v4;
	v2 =	vadd.f32 v2, v9;
	v7 =	vmul.f32 $1.131370830e+01, v7  }
0x1ed: {  	v4 =	vld [tilespmem:s11+$0x5010];
	[tilespmem:s7+$0x17C20] =	vst v3;
	v1 =	vadd.f32 v1, v8;
	v6 =	vmul.f32 $1.131370830e+01, v6  }
0x1ee: {  	v3 =	vld [tilespmem:s11+$0x5020];
	[tilespmem:s7+$0x17C30] =	vst v2;
	v0 =	vadd.f32 v0, v7;
	v7 =	vmul.f32 $1.131370830e+01, v12  }
0x1ef: {  	v2 =	vld [tilespmem:s11+$0x5030];
	[tilespmem:s7+$0x17C40] =	vst v1;
	v6 =	vadd.f32 v11, v6  }
0x1f0: {  	v1 =	vld [tilespmem:s11+$0x5040];
	[tilespmem:s7+$0x17C50] =	vst v0;
	v7 =	vadd.f32 v10, v7  }
0x1f1: {  	v0 =	vld [tilespmem:s11+$0x5050];
	[tilespmem:s7+$0x17C60] =	vst v6  }
0x1f2: {  	v6 =	vld [tilespmem:s11+$0x17C00];
	[tilespmem:s7+$0x17C70] =	vst v7;
	s7 =	smov.u32 s11  }
0x1f3: {  	v11 =	vld [tilespmem:s7+$0x17C10]  }
.Ltmp9:
0x1f4: {  	v10 =	vld [tilespmem:s7+$0x17C20];
	(pc) =	sbr.rel @p0 .LBB2_21-.Ltmp9, $4  }
0x1f5: {  	v9 =	vld [tilespmem:s7+$0x17C30]  }
0x1f6: {  	v8 =	vld [tilespmem:s7+$0x17C40]  }
0x1f7: {  	v12 =	vmul.f32 $1.131370830e+01, v6;
	v7 =	vld [tilespmem:s7+$0x17C50]  }
0x1f8: {  	s9 =	sadd.s32 $0x200, s9;
	v11 =	vmul.f32 $1.131370830e+01, v11;
	v6 =	vld [tilespmem:s7+$0x17C60]  }
0x1f9: {  	v5 =	vadd.f32 v5, v12;
	v56 =	vld [tilespmem:s7+$0x17C70];
	v10 =	vmul.f32 $1.131370830e+01, v10  }
0x1fa: {  	v13 =	vld [tilespmem:s7+$0x5060];
	v4 =	vadd.f32 v4, v11;
	v9 =	vmul.f32 $1.131370830e+01, v9  }
0x1fb: {  	v58 =	vld [tilespmem:s7+$0x5070];
	[tilespmem:s7+$0x17C00] =	vst v5;
	v3 =	vadd.f32 v3, v10;
	v57 =	vmul.f32 $1.131370830e+01, v8  }
0x1fc: {  	s10 =	sadd.s32 $0x1, s10;
	[tilespmem:s7+$0x17C10] =	vst v4;
	v2 =	vadd.f32 v2, v9;
	v59 =	vmul.f32 $1.131370830e+01, v7  }
0x1fd: {  	p0 =	sne.s32 s10, $0x40;
	[tilespmem:s7+$0x17C20] =	vst v3;
	v1 =	vadd.f32 v1, v57;
	v60 =	vmul.f32 $1.131370830e+01, v6  }
.Ltmp10:
0x1fe: {  	[tilespmem:s7+$0x17C30] =	vst v2;
	v0 =	vadd.f32 v0, v59;
	v61 =	vmul.f32 $1.131370830e+01, v56;
	(pc) =	sbr.rel @p0 .LBB2_2-.Ltmp10, $4  }
0x1ff: {  	[tilespmem:s7+$0x17C40] =	vst v1;
	v62 =	vadd.f32 v13, v60  }
0x200: {  	[tilespmem:s7+$0x17C50] =	vst v0;
	v63 =	vadd.f32 v58, v61  }
0x201: {  	[tilespmem:s7+$0x17C60] =	vst v62  }
0x202: {  	[tilespmem:s7+$0x17C70] =	vst v63  }
0x203: {  	s7 =	rddreg [dreg:$0x6];
	s11 =	simm.s32 $0xB  }
0x204: {  	[hbm4b:s7+s5] =	stream.linear.scatter [tilespmem:s2], [sflag:$0x14], $0x1400, $0x38;
	[tilespmem:$0x19000] =	vst v63  }
0x205: {  	_ =	swait.ge [sflag:s11], $0x1400  }
0x206: {  	[sflag:s11] =	ssyncset.done $0x0  }
0x207: {  	s12 =	simm.s32 $0xC;
	[sflag:s11] =	ssyncadd.s32 $0xFFFFEC00  }
0x208: {  	_ =	swait.ge [sflag:s12], $0x1400  }
0x209: {  	[sflag:s12] =	ssyncset.done $0x0  }
0x20a: {  	s14 =	simm.s32 $0xD;
	[sflag:s12] =	ssyncadd.s32 $0xFFFFEC00  }
0x20b: {  	_ =	swait.ge [sflag:s14], $0x1400  }
0x20c: {  	[sflag:s14] =	ssyncset.done $0x0  }
0x20d: {  	s16 =	simm.s32 $0xE;
	[sflag:s14] =	ssyncadd.s32 $0xFFFFEC00  }
0x20e: {  	_ =	swait.ge [sflag:s16], $0x1400  }
0x20f: {  	[sflag:s16] =	ssyncset.done $0x0  }
0x210: {  	s9 =	simm.s32 $0xF;
	[sflag:s16] =	ssyncadd.s32 $0xFFFFEC00  }
0x211: {  	_ =	swait.ge [sflag:s9], $0x1400  }
0x212: {  	[sflag:s9] =	ssyncset.done $0x0  }
0x213: {  	s10 =	simm.s32 $0x10;
	[sflag:s9] =	ssyncadd.s32 $0xFFFFEC00  }
0x214: {  	_ =	swait.ge [sflag:s10], $0x1400  }
0x215: {  	[sflag:s10] =	ssyncset.done $0x0  }
0x216: {  	s11 =	simm.s32 $0x11;
	[sflag:s10] =	ssyncadd.s32 $0xFFFFEC00  }
0x217: {  	_ =	swait.ge [sflag:s11], $0x1400  }
0x218: {  	[sflag:s11] =	ssyncset.done $0x0  }
0x219: {  	s12 =	simm.s32 $0x12;
	[sflag:s11] =	ssyncadd.s32 $0xFFFFEC00  }
0x21a: {  	_ =	swait.ge [sflag:s12], $0x1400  }
0x21b: {  	[sflag:s12] =	ssyncset.done $0x0  }
0x21c: {  	s14 =	simm.s32 $0x13;
	[sflag:s12] =	ssyncadd.s32 $0xFFFFEC00  }
0x21d: {  	_ =	swait.ge [sflag:s14], $0x1400  }
0x21e: {  	[sflag:s14] =	ssyncset.done $0x0  }
0x21f: {  	s9 =	simm.s32 $0x14;
	[sflag:s14] =	ssyncadd.s32 $0xFFFFEC00  }
0x220: {  	_ =	swait.ge [sflag:s9], $0x1400  }
0x221: {  	s10 =	rddreg [dreg:$0x8]  }
0x222: {  	s16 =	rddreg [dreg:$0x7];
	s10 =	sadd.s32 $0x1, s10  }
0x223: {  	p0 =	sne.s32 s10, s16  }
.Ltmp11:
0x224: {  	_ = 	snop;
	(pc) =	sbr.rel @p0 .LBB2_1-.Ltmp11, $3  }
0x225: {  	_ =	sdelay $0x1  }
0x226: {  	[sflag:s9] =	ssyncset.done $0x0  }
0x227: {  	[sflag:s9] =	ssyncadd.s32 $0xFFFFEC00  }
0x228: {  	_ =	sfence.sel $0x180000  }
0x229: {  	[bflag:$0x0] =	sbarrier.arrive $0xFFFF  }
0x22a: {  	_ =	strace $0x90000047  }
0x22b: {  	s0 =	stileid.u32;
	[bflag:$0x2] =	sbarrier.arrive $0xFFFF  }
0x22c: {  	p0 =	sne.s32 s0, $0x0;
	s0 =	rddreg [dreg:$0x4]  }
0x22d: {  	s0 =	sadd.s32 @!p0 $0x100000, s0  }
0x22e: {  	[sflag:s0] =	ssyncadd.tile.s32 @!p0 $0x1;
	_ =	shalt  }
.Lfunc_end2:
_tile_overlayer_lowered:
.L_overlay_start_2:
0x22f: {  	(tag) =	ssettag $0x2  }
0x230: {  	s0 =	rddreg [dreg:$0x0];
	s2 =	stileid.u32  }
0x231: {  	s1 =	rddreg [dreg:$0x1];
	p0 =	sne.s32 s2, $0x0  }
0x232: {  	s3 =	rddreg [dreg:$0x2];
	[bflag:$0x3] =	sbarrier.arrive $0xFFFF;
	s2 =	simm.s32 @!p0 $0x1C15  }
0x233: {  	[timem:s3], [sflag:s2] =	dma.local @!p0 [hbm:s0], s1  }
0x234: {  	s0 =	simm.s32 @!p0 $0x15  }
0x235: {  	_ =	swait.ge @!p0 [sflag:s0], s1  }
0x236: {  	s1 =	ssub.s32 @!p0 $0x0, s1;
	[sflag:s0] =	ssyncset.done @!p0 $0x0  }
0x237: {  	[sflag:s0] =	ssyncadd.s32 @!p0 s1  }
0x238: {  	[bflag:$0x3] =	sbarrier.arrive $0xFFFF  }
0x239: {  	_ =	shalt  }

</sc_bundles>
